<compile_context>
chip_gen: v7x
topology: tpu7x:2x2x1
jax: 0.10.2.dev20260603
libtpu: 0.0.44.dev20260713+nightly
codegen_flags: <defaults>
</compile_context>

<pallas_src>
import jax
import jax.numpy as jnp
from jax import lax
from jax.experimental import pallas as pl
from jax.experimental.pallas import tpu as pltpu
from jax.experimental.pallas import tpu_sc as plsc

N = 50000
D = 256
B = 64
CHUNK = 80
GROUP = 8
NGROUPS = CHUNK // GROUP
NCOL = D // 16
NCORES = 2
NSUBCORES = 16


def _lower_bound(batch_ref, t):

    def step(_, c):
        lo, hi = c
        mid = (lo + hi) // 2
        idx = jnp.full((16,), mid, jnp.int32)
        val = jnp.min(plsc.load_gather(batch_ref, [idx]))
        go_right = val < t
        live = lo < hi
        new_lo = jnp.where(live & go_right, mid + 1, lo)
        new_hi = jnp.where(live & ~go_right, mid, hi)
        return (new_lo, new_hi)

    lo, _ = lax.fori_loop(0, 16, step, (jnp.int32(0), jnp.int32(N)))
    return lo


def _tree_sum(vals):
    while len(vals) > 1:
        vals = [vals[i] + vals[i + 1] for i in range(0, len(vals) - 1, 2)] + (
            [vals[-1]] if len(vals) % 2 else [])
    return vals[0]


def _tree_max(vals):
    while len(vals) > 1:
        vals = [jnp.maximum(vals[i], vals[i + 1])
                for i in range(0, len(vals) - 1, 2)] + (
            [vals[-1]] if len(vals) % 2 else [])
    return vals[0]


def _accum_group(chunk_v, buf_row0, r0, lo, hi, acc, masked):
    zerov = jnp.zeros((16,), jnp.float32)
    ninfv = jnp.full((16,), -jnp.inf, jnp.float32)
    if masked:
        vvs = [jnp.full((16,), ((r0 + u) >= lo) & ((r0 + u) < hi))
               for u in range(GROUP)]
    new = list(acc)
    for c in range(NCOL):
        xv = [chunk_v[buf_row0 + r0 + u, pl.ds(c * 16, 16)]
              for u in range(GROUP)]
        if masked:
            xs = [jnp.where(vvs[u], xv[u], zerov) for u in range(GROUP)]
            xm = [jnp.where(vvs[u], xv[u], ninfv) for u in range(GROUP)]
        else:
            xs = xv
            xm = xv
        new[c] = new[c] + _tree_sum(xs)
        new[NCOL + c] = jnp.maximum(new[NCOL + c], _tree_max(xm))
    return tuple(new)


def _process_graph(x_hbm, chunk_v, row_v, mean_hbm, amax_hbm, sem, g, s, e):
    gout = pl.multiple_of(g * D, 8)

    @pl.when(s >= e)
    def _():
        zerov = jnp.zeros((16,), jnp.float32)
        for c in range(NCOL):
            row_v[pl.ds(c * 16, 16)] = zerov
            row_v[pl.ds(D + c * 16, 16)] = zerov
        pltpu.sync_copy(row_v.at[pl.ds(0, D)], mean_hbm.at[pl.ds(gout, D)])
        pltpu.sync_copy(row_v.at[pl.ds(D, D)], amax_hbm.at[pl.ds(gout, D)])

    @pl.when(s < e)
    def _():
        kh = s // CHUNK
        kt = (e + CHUNK - 1) // CHUNK
        zerov = jnp.zeros((16,), jnp.float32)
        ninfv = jnp.full((16,), -jnp.inf, jnp.float32)
        acc0 = tuple([zerov] * NCOL + [ninfv] * NCOL)

        pltpu.async_copy(
            x_hbm.at[pl.ds(pl.multiple_of(kh * CHUNK, 8), CHUNK)],
            chunk_v.at[pl.ds(0, CHUNK)], sem)

        def chunk_body(k, acc):
            par = (k - kh) & 1
            buf_row0 = pl.multiple_of(par * CHUNK, 8)
            pltpu.make_async_copy(
                x_hbm.at[pl.ds(0, CHUNK)],
                chunk_v.at[pl.ds(buf_row0, CHUNK)], sem).wait()

            @pl.when(k + 1 < kt)
            def _():
                nbuf = pl.multiple_of(((k + 1 - kh) & 1) * CHUNK, 8)
                pltpu.async_copy(
                    x_hbm.at[pl.ds(pl.multiple_of((k + 1) * CHUNK, 8), CHUNK)],
                    chunk_v.at[pl.ds(nbuf, CHUNK)], sem)

            base = k * CHUNK
            lo = jnp.maximum(s, base) - base
            hi = jnp.minimum(e, base + CHUNK) - base

            def group_body(grp, a):
                r0 = grp * GROUP
                inside = (r0 >= lo) & ((r0 + GROUP) <= hi)

                def fast(aa):
                    return _accum_group(chunk_v, buf_row0, r0, lo, hi, aa,
                                        masked=False)

                def slow(aa):
                    return _accum_group(chunk_v, buf_row0, r0, lo, hi, aa,
                                        masked=True)

                return lax.cond(inside, fast, slow, a)

            return lax.fori_loop(0, NGROUPS, group_body, acc)

        acc = lax.fori_loop(kh, kt, chunk_body, acc0)

        cntv = jnp.full((16,), (e - s).astype(jnp.float32))
        inv = 1.0 / cntv
        for c in range(NCOL):
            row_v[pl.ds(c * 16, 16)] = acc[c] * inv
            row_v[pl.ds(D + c * 16, 16)] = acc[NCOL + c]
        pltpu.sync_copy(row_v.at[pl.ds(0, D)], mean_hbm.at[pl.ds(gout, D)])
        pltpu.sync_copy(row_v.at[pl.ds(D, D)], amax_hbm.at[pl.ds(gout, D)])


def _seg_reduce_body(x_hbm, batch_hbm, mean_hbm, amax_hbm, batch_v, chunk_v,
                     row_v, sem):
    wid = lax.axis_index("s") * NCORES + lax.axis_index("c")
    g0 = 2 * wid
    pltpu.sync_copy(batch_hbm, batch_v)
    s0 = _lower_bound(batch_v, g0)
    s1 = _lower_bound(batch_v, g0 + 1)
    s2 = _lower_bound(batch_v, g0 + 2)

    def graph_body(i, carry):
        g = g0 + i
        s = jnp.where(i == 0, s0, s1)
        e = jnp.where(i == 0, s1, s2)
        _process_graph(x_hbm, chunk_v, row_v, mean_hbm, amax_hbm, sem, g, s, e)
        return carry

    lax.fori_loop(0, 2, graph_body, jnp.int32(0))


_SC_KERNEL_KWARGS = dict(
    out_type=(jax.ShapeDtypeStruct((B * D,), jnp.float32),
              jax.ShapeDtypeStruct((B * D,), jnp.float32)),
    mesh=plsc.VectorSubcoreMesh(core_axis_name="c", subcore_axis_name="s"),
    scratch_types=[
        pltpu.VMEM((N,), jnp.int32),
        pltpu.VMEM((2 * CHUNK, D), jnp.float32),
        pltpu.VMEM((2 * D,), jnp.float32),
        pltpu.SemaphoreType.DMA,
    ],
    compiler_params=pltpu.CompilerParams(needs_layout_passes=False),
)

_seg_reduce = pl.kernel(_seg_reduce_body, **_SC_KERNEL_KWARGS)


def _mlp_body(u_ref, mean_ref, amax_ref, w1_ref, b1_ref, w2_ref, b2_ref,
              w3_ref, b3_ref, o_ref):
    mean2 = mean_ref[...].reshape(B, D)
    amax2 = amax_ref[...].reshape(B, D)
    h = jnp.concatenate([u_ref[...], mean2, amax2], axis=1)
    h = jnp.dot(h, w1_ref[...], preferred_element_type=jnp.float32,
                precision=lax.Precision.HIGHEST) + b1_ref[...]
    h = jnp.maximum(h, 0.0)
    h = jnp.dot(h, w2_ref[...], preferred_element_type=jnp.float32,
                precision=lax.Precision.HIGHEST) + b2_ref[...]
    h = jnp.maximum(h, 0.0)
    o_ref[...] = jnp.dot(h, w3_ref[...], preferred_element_type=jnp.float32,
                         precision=lax.Precision.HIGHEST) + b3_ref[...]


def kernel(x, edge_index, edge_attr, u, batch, W1, b1, W2, b2, W3, b3):
    del edge_index, edge_attr
    batch32 = batch.astype(jnp.int32)
    mean_flat, amax_flat = _seg_reduce(x, batch32)
    out = pl.pallas_call(
        _mlp_body,
        out_shape=jax.ShapeDtypeStruct((B, W3.shape[1]), jnp.float32),
    )(u, mean_flat, amax_flat, W1, b1.reshape(1, -1), W2, b2.reshape(1, -1),
      W3, b3.reshape(1, -1))
    return out

# --- scband reference (transcript-rebuilt; emitter-appended) ---
"""Pipeline reference for scband-global-model-58042188038842 (READ-ONLY COPY).

The authoritative reference and input builder live on the scoring server;
editing this copy changes nothing except your own understanding.
"""

import jax, jax.numpy as jnp
import numpy as np


def setup_inputs(seed: int = 0) -> dict:
    key = jax.random.key(seed)
    ks = jax.random.split(key, 12)
    N = 50000
    E = 1600000
    D = 256          # node_in_channels
    DG = 128         # global_in_channels
    GO = 128         # global_out_channels
    MF = 256         # message_feats
    B = 64           # number of graphs
    x = jax.random.normal(ks[0], (N, D), dtype=jnp.float32)
    edge_index = jax.random.randint(ks[1], (2, E), 0, N, dtype=jnp.int64)
    edge_attr = jax.random.normal(ks[2], (E, 16), dtype=jnp.float32)
    u = jax.random.normal(ks[3], (B, DG), dtype=jnp.float32)
    batch = jnp.sort(jax.random.randint(ks[4], (N,), 0, B, dtype=jnp.int64))
    d_in = 2 * D + DG
    W1 = jax.random.normal(ks[5], (d_in, MF), dtype=jnp.float32) / np.sqrt(d_in)
    b1 = jnp.zeros((MF,), dtype=jnp.float32)
    W2 = jax.random.normal(ks[6], (MF, MF), dtype=jnp.float32) / np.sqrt(MF)
    b2 = jnp.zeros((MF,), dtype=jnp.float32)
    W3 = jax.random.normal(ks[7], (MF, GO), dtype=jnp.float32) / np.sqrt(MF)
    b3 = jnp.zeros((GO,), dtype=jnp.float32)
    return {"x": x, "edge_index": edge_index, "edge_attr": edge_attr, "u": u,
            "batch": batch, "W1": W1, "b1": b1, "W2": W2, "b2": b2, "W3": W3, "b3": b3}


def reference(x, edge_index, edge_attr, u, batch, W1, b1, W2, b2, W3, b3):
    B = u.shape[0]
    # scatter mean of node features by graph id
    sums = jax.ops.segment_sum(x, batch, num_segments=B)
    counts = jax.ops.segment_sum(jnp.ones((x.shape[0],), dtype=x.dtype), batch, num_segments=B)
    mean = sums / jnp.clip(counts, 1.0, None)[:, None]
    # scatter amax of node features by graph id
    amax = jax.ops.segment_max(x, batch, num_segments=B)
    amax = jnp.where(jnp.isfinite(amax), amax, 0.0)
    out = jnp.concatenate([u, mean, amax], axis=1).astype(jnp.float32)
    # global MLP (dropout in eval mode -> identity)
    h = jax.nn.relu(out @ W1 + b1)
    h = jax.nn.relu(h @ W2 + b2)
    return h @ W3 + b3

if __name__ == "__main__":
    import jax
    _d = setup_inputs()
    print(jax.jit(kernel)(*tuple(_d.values())))

</pallas_src>

<mosaic_0001>
#map = affine_map<(d0, d1) -> (0, 0)>
#map1 = affine_map<(d0, d1) -> (0)>
module attributes {stable_mosaic.version = 14 : i64} {
  func.func @_seg_reduce_body(%arg0: i32, %arg1: i32, %arg2: memref<50000x256xf32, #tpu.memory_space<hbm>>, %arg3: memref<50000xi32, #tpu.memory_space<hbm>>, %arg4: memref<16384xf32, #tpu.memory_space<hbm>>, %arg5: memref<16384xf32, #tpu.memory_space<hbm>>, %arg6: memref<50000xi32, #tpu.memory_space<vmem>>, %arg7: memref<160x256xf32, #tpu.memory_space<vmem>>, %arg8: memref<512xf32, #tpu.memory_space<vmem>>, %arg9: memref<!tpu.dma_semaphore, #tpu.memory_space<semaphore_mem>>) attributes {dimension_semantics = [#tpu.dimension_semantics<core_parallel>, #tpu.dimension_semantics<subcore_parallel>], iteration_bounds = array<i64: 2, 16>, scalar_prefetch = 0 : i64, scratch_operands = 4 : i64, tpu.core_type = #tpu.core_type<sc_vector_subcore>, window_params = [{transform_indices = #map}, {transform_indices = #map1}, {transform_indices = #map1}, {transform_indices = #map1}]} {
    %mul3A = arith.constant 2 : i32
    %mul3A_0 = arith.muli %arg1, %mul3A : i32
    %add3A = arith.addi %mul3A_0, %arg0 : i32
    %mul3A_1 = arith.constant 2 : i32
    %mul3A_2 = arith.muli %mul3A_1, %add3A : i32
    "tpu.region"() ({
      %run_scoped3A = tpu.sem_alloc : memref<!tpu.dma_semaphore, #tpu.memory_space<semaphore_mem>>
      tpu.enqueue_dma source(%arg3 : memref<50000xi32, #tpu.memory_space<hbm>>) target(%arg6 : memref<50000xi32, #tpu.memory_space<vmem>>) target_semaphore(%run_scoped3A : memref<!tpu.dma_semaphore, #tpu.memory_space<semaphore_mem>>)
      tpu.wait_dma2 semaphore(%run_scoped3A : memref<!tpu.dma_semaphore, #tpu.memory_space<semaphore_mem>>) src(%arg3 : memref<50000xi32, #tpu.memory_space<hbm>>) dst(%arg6 : memref<50000xi32, #tpu.memory_space<vmem>>)
      tpu.yield
    }) : () -> ()
    %scan3A = arith.constant 0 : i32
    %scan3A_3 = arith.constant 50000 : i32
    %scan3A_4 = arith.constant 0 : i32
    %scan3A_5 = arith.constant 16 : i32
    %scan3A_6 = arith.addi %scan3A_4, %scan3A_5 : i32
    %scan3A_7 = arith.constant 1 : i32
    %scan3A_8:2 = scf.for %scan3A_36 = %scan3A_4 to %scan3A_6 step %scan3A_7 iter_args(%scan3A_37 = %scan3A, %scan3A_38 = %scan3A_3) -> (i32, i32)  : i32 {
      %add3A_39 = arith.addi %scan3A_37, %scan3A_38 : i32
      %jit3A = arith.constant 2 : i32
      %div3A = arith.divsi %add3A_39, %jit3A : i32
      %sign3A = arith.constant 0 : i32
      %sign3A_40 = arith.cmpi sgt, %add3A_39, %sign3A : i32
      %sign3A_41 = arith.extui %sign3A_40 : i1 to i32
      %sign3A_42 = arith.constant 0 : i32
      %sign3A_43 = arith.cmpi slt, %add3A_39, %sign3A_42 : i32
      %sign3A_44 = arith.extui %sign3A_43 : i1 to i32
      %sign3A_45 = arith.subi %sign3A_41, %sign3A_44 : i32
      %sign3A_46 = arith.constant 0 : i32
      %sign3A_47 = arith.cmpi sgt, %jit3A, %sign3A_46 : i32
      %sign3A_48 = arith.extui %sign3A_47 : i1 to i32
      %sign3A_49 = arith.constant 0 : i32
      %sign3A_50 = arith.cmpi slt, %jit3A, %sign3A_49 : i32
      %sign3A_51 = arith.extui %sign3A_50 : i1 to i32
      %sign3A_52 = arith.subi %sign3A_48, %sign3A_51 : i32
      %ne3A = arith.cmpi ne, %sign3A_45, %sign3A_52 : i32
      %rem3A = arith.remsi %add3A_39, %jit3A : i32
      %ne3A_53 = arith.constant 0 : i32
      %ne3A_54 = arith.cmpi ne, %rem3A, %ne3A_53 : i32
      %and3A = arith.andi %ne3A, %ne3A_54 : i1
      %sub3A = arith.constant 1 : i32
      %sub3A_55 = arith.subi %div3A, %sub3A : i32
      %select_n3A = arith.select %and3A, %sub3A_55, %div3A : i32
      %broadcast_in_dim3A = vector.broadcast %select_n3A : i32 to vector<16xi32>
      %gather3A = tpu.vector_load_idx %arg6[%broadcast_in_dim3A] : memref<50000xi32, #tpu.memory_space<vmem>>[vector<16xi32>], vector<16xi32>,
      %reduce_min3A = arith.constant true
      %reduce_min3A_56 = vector.broadcast %reduce_min3A : i1 to vector<16xi1>
      %reduce_min3A_57 = arith.constant -2147483648 : i32
      %reduce_min3A_58 = vector.broadcast %reduce_min3A_57 : i32 to vector<16xi32>
      %reduce_min3A_59 = arith.xori %gather3A, %reduce_min3A_58 : vector<16xi32>
      %reduce_min3A_60 = tpu.scan <min>, %reduce_min3A_59 masked %reduce_min3A_56 : vector<16xi32>, vector<16xi1> -> vector<16xi32>
      %reduce_min3A_61 = arith.xori %reduce_min3A_60, %reduce_min3A_58 : vector<16xi32>
      %reduce_min3A_62 = vector.extract %reduce_min3A_61[15] : i32 from vector<16xi32>
      %lt3A = arith.cmpi slt, %reduce_min3A_62, %mul3A_2 : i32
      %lt3A_63 = arith.cmpi slt, %scan3A_37, %scan3A_38 : i32
      %and3A_64 = arith.andi %lt3A_63, %lt3A : i1
      %add3A_65 = arith.constant 1 : i32
      %add3A_66 = arith.addi %select_n3A, %add3A_65 : i32
      %select_n3A_67 = arith.select %and3A_64, %add3A_66, %scan3A_37 : i32
      %not3A = arith.constant true
      %not3A_68 = arith.xori %lt3A, %not3A : i1
      %and3A_69 = arith.andi %lt3A_63, %not3A_68 : i1
      %select_n3A_70 = arith.select %and3A_69, %select_n3A, %scan3A_38 : i32
      scf.yield %select_n3A_67, %select_n3A_70 : i32, i32
    }
    %scan3A_9 = arith.constant 16 : i32
    %add3A_10 = arith.constant 1 : i32
    %add3A_11 = arith.addi %mul3A_2, %add3A_10 : i32
    %scan3A_12 = arith.constant 0 : i32
    %scan3A_13 = arith.constant 50000 : i32
    %scan3A_14 = arith.constant 0 : i32
    %scan3A_15 = arith.constant 16 : i32
    %scan3A_16 = arith.addi %scan3A_14, %scan3A_15 : i32
    %scan3A_17 = arith.constant 1 : i32
    %scan3A_18:2 = scf.for %scan3A_36 = %scan3A_14 to %scan3A_16 step %scan3A_17 iter_args(%scan3A_37 = %scan3A_12, %scan3A_38 = %scan3A_13) -> (i32, i32)  : i32 {
      %add3A_39 = arith.addi %scan3A_37, %scan3A_38 : i32
      %jit3A = arith.constant 2 : i32
      %div3A = arith.divsi %add3A_39, %jit3A : i32
      %sign3A = arith.constant 0 : i32
      %sign3A_40 = arith.cmpi sgt, %add3A_39, %sign3A : i32
      %sign3A_41 = arith.extui %sign3A_40 : i1 to i32
      %sign3A_42 = arith.constant 0 : i32
      %sign3A_43 = arith.cmpi slt, %add3A_39, %sign3A_42 : i32
      %sign3A_44 = arith.extui %sign3A_43 : i1 to i32
      %sign3A_45 = arith.subi %sign3A_41, %sign3A_44 : i32
      %sign3A_46 = arith.constant 0 : i32
      %sign3A_47 = arith.cmpi sgt, %jit3A, %sign3A_46 : i32
      %sign3A_48 = arith.extui %sign3A_47 : i1 to i32
      %sign3A_49 = arith.constant 0 : i32
      %sign3A_50 = arith.cmpi slt, %jit3A, %sign3A_49 : i32
      %sign3A_51 = arith.extui %sign3A_50 : i1 to i32
      %sign3A_52 = arith.subi %sign3A_48, %sign3A_51 : i32
      %ne3A = arith.cmpi ne, %sign3A_45, %sign3A_52 : i32
      %rem3A = arith.remsi %add3A_39, %jit3A : i32
      %ne3A_53 = arith.constant 0 : i32
      %ne3A_54 = arith.cmpi ne, %rem3A, %ne3A_53 : i32
      %and3A = arith.andi %ne3A, %ne3A_54 : i1
      %sub3A = arith.constant 1 : i32
      %sub3A_55 = arith.subi %div3A, %sub3A : i32
      %select_n3A = arith.select %and3A, %sub3A_55, %div3A : i32
      %broadcast_in_dim3A = vector.broadcast %select_n3A : i32 to vector<16xi32>
      %gather3A = tpu.vector_load_idx %arg6[%broadcast_in_dim3A] : memref<50000xi32, #tpu.memory_space<vmem>>[vector<16xi32>], vector<16xi32>,
      %reduce_min3A = arith.constant true
      %reduce_min3A_56 = vector.broadcast %reduce_min3A : i1 to vector<16xi1>
      %reduce_min3A_57 = arith.constant -2147483648 : i32
      %reduce_min3A_58 = vector.broadcast %reduce_min3A_57 : i32 to vector<16xi32>
      %reduce_min3A_59 = arith.xori %gather3A, %reduce_min3A_58 : vector<16xi32>
      %reduce_min3A_60 = tpu.scan <min>, %reduce_min3A_59 masked %reduce_min3A_56 : vector<16xi32>, vector<16xi1> -> vector<16xi32>
      %reduce_min3A_61 = arith.xori %reduce_min3A_60, %reduce_min3A_58 : vector<16xi32>
      %reduce_min3A_62 = vector.extract %reduce_min3A_61[15] : i32 from vector<16xi32>
      %lt3A = arith.cmpi slt, %reduce_min3A_62, %add3A_11 : i32
      %lt3A_63 = arith.cmpi slt, %scan3A_37, %scan3A_38 : i32
      %and3A_64 = arith.andi %lt3A_63, %lt3A : i1
      %add3A_65 = arith.constant 1 : i32
      %add3A_66 = arith.addi %select_n3A, %add3A_65 : i32
      %select_n3A_67 = arith.select %and3A_64, %add3A_66, %scan3A_37 : i32
      %not3A = arith.constant true
      %not3A_68 = arith.xori %lt3A, %not3A : i1
      %and3A_69 = arith.andi %lt3A_63, %not3A_68 : i1
      %select_n3A_70 = arith.select %and3A_69, %select_n3A, %scan3A_38 : i32
      scf.yield %select_n3A_67, %select_n3A_70 : i32, i32
    }
    %scan3A_19 = arith.constant 16 : i32
    %add3A_20 = arith.constant 2 : i32
    %add3A_21 = arith.addi %mul3A_2, %add3A_20 : i32
    %scan3A_22 = arith.constant 0 : i32
    %scan3A_23 = arith.constant 50000 : i32
    %scan3A_24 = arith.constant 0 : i32
    %scan3A_25 = arith.constant 16 : i32
    %scan3A_26 = arith.addi %scan3A_24, %scan3A_25 : i32
    %scan3A_27 = arith.constant 1 : i32
    %scan3A_28:2 = scf.for %scan3A_36 = %scan3A_24 to %scan3A_26 step %scan3A_27 iter_args(%scan3A_37 = %scan3A_22, %scan3A_38 = %scan3A_23) -> (i32, i32)  : i32 {
      %add3A_39 = arith.addi %scan3A_37, %scan3A_38 : i32
      %jit3A = arith.constant 2 : i32
      %div3A = arith.divsi %add3A_39, %jit3A : i32
      %sign3A = arith.constant 0 : i32
      %sign3A_40 = arith.cmpi sgt, %add3A_39, %sign3A : i32
      %sign3A_41 = arith.extui %sign3A_40 : i1 to i32
      %sign3A_42 = arith.constant 0 : i32
      %sign3A_43 = arith.cmpi slt, %add3A_39, %sign3A_42 : i32
      %sign3A_44 = arith.extui %sign3A_43 : i1 to i32
      %sign3A_45 = arith.subi %sign3A_41, %sign3A_44 : i32
      %sign3A_46 = arith.constant 0 : i32
      %sign3A_47 = arith.cmpi sgt, %jit3A, %sign3A_46 : i32
      %sign3A_48 = arith.extui %sign3A_47 : i1 to i32
      %sign3A_49 = arith.constant 0 : i32
      %sign3A_50 = arith.cmpi slt, %jit3A, %sign3A_49 : i32
      %sign3A_51 = arith.extui %sign3A_50 : i1 to i32
      %sign3A_52 = arith.subi %sign3A_48, %sign3A_51 : i32
      %ne3A = arith.cmpi ne, %sign3A_45, %sign3A_52 : i32
      %rem3A = arith.remsi %add3A_39, %jit3A : i32
      %ne3A_53 = arith.constant 0 : i32
      %ne3A_54 = arith.cmpi ne, %rem3A, %ne3A_53 : i32
      %and3A = arith.andi %ne3A, %ne3A_54 : i1
      %sub3A = arith.constant 1 : i32
      %sub3A_55 = arith.subi %div3A, %sub3A : i32
      %select_n3A = arith.select %and3A, %sub3A_55, %div3A : i32
      %broadcast_in_dim3A = vector.broadcast %select_n3A : i32 to vector<16xi32>
      %gather3A = tpu.vector_load_idx %arg6[%broadcast_in_dim3A] : memref<50000xi32, #tpu.memory_space<vmem>>[vector<16xi32>], vector<16xi32>,
      %reduce_min3A = arith.constant true
      %reduce_min3A_56 = vector.broadcast %reduce_min3A : i1 to vector<16xi1>
      %reduce_min3A_57 = arith.constant -2147483648 : i32
      %reduce_min3A_58 = vector.broadcast %reduce_min3A_57 : i32 to vector<16xi32>
      %reduce_min3A_59 = arith.xori %gather3A, %reduce_min3A_58 : vector<16xi32>
      %reduce_min3A_60 = tpu.scan <min>, %reduce_min3A_59 masked %reduce_min3A_56 : vector<16xi32>, vector<16xi1> -> vector<16xi32>
      %reduce_min3A_61 = arith.xori %reduce_min3A_60, %reduce_min3A_58 : vector<16xi32>
      %reduce_min3A_62 = vector.extract %reduce_min3A_61[15] : i32 from vector<16xi32>
      %lt3A = arith.cmpi slt, %reduce_min3A_62, %add3A_21 : i32
      %lt3A_63 = arith.cmpi slt, %scan3A_37, %scan3A_38 : i32
      %and3A_64 = arith.andi %lt3A_63, %lt3A : i1
      %add3A_65 = arith.constant 1 : i32
      %add3A_66 = arith.addi %select_n3A, %add3A_65 : i32
      %select_n3A_67 = arith.select %and3A_64, %add3A_66, %scan3A_37 : i32
      %not3A = arith.constant true
      %not3A_68 = arith.xori %lt3A, %not3A : i1
      %and3A_69 = arith.andi %lt3A_63, %not3A_68 : i1
      %select_n3A_70 = arith.select %and3A_69, %select_n3A, %scan3A_38 : i32
      scf.yield %select_n3A_67, %select_n3A_70 : i32, i32
    }
    %scan3A_29 = arith.constant 16 : i32
    %scan3A_30 = arith.constant 0 : i32
    %scan3A_31 = arith.constant 0 : i32
    %scan3A_32 = arith.constant 2 : i32
    %scan3A_33 = arith.addi %scan3A_31, %scan3A_32 : i32
    %scan3A_34 = arith.constant 1 : i32
    scf.for %scan3A_36 = %scan3A_31 to %scan3A_33 step %scan3A_34  : i32 {
      %add3A_37 = arith.addi %mul3A_2, %scan3A_36 : i32
      %eq3A = arith.constant 0 : i32
      %eq3A_38 = arith.cmpi eq, %scan3A_36, %eq3A : i32
      %select_n3A = arith.select %eq3A_38, %scan3A_8#0, %scan3A_18#0 : i32
      %eq3A_39 = arith.constant 0 : i32
      %eq3A_40 = arith.cmpi eq, %scan3A_36, %eq3A_39 : i32
      %select_n3A_41 = arith.select %eq3A_40, %scan3A_18#0, %scan3A_28#0 : i32
      %mul3A_42 = arith.constant 256 : i32
      %mul3A_43 = arith.muli %add3A_37, %mul3A_42 : i32
      %multiple_of3A = tpu.assume_multiple %mul3A_43, 8 : i32
      %ge3A = arith.cmpi sge, %select_n3A, %select_n3A_41 : i32
      %convert_element_type3A = arith.extui %ge3A : i1 to i32
      %cond3A = arith.constant 0 : i32
      %cond3A_44 = arith.cmpi ne, %convert_element_type3A, %cond3A : i32
      scf.if %cond3A_44 {
        %broadcast_in_dim3A = arith.constant 0.000000e+00 : f32
        %broadcast_in_dim3A_48 = vector.broadcast %broadcast_in_dim3A : f32 to vector<16xf32>
        %swap3A = arith.constant 0 : index
        %swap3A_49 = tpu.vector_load %arg8[%swap3A] {strides = array<i32>} : memref<512xf32, #tpu.memory_space<vmem>>, vector<16xf32>,
        tpu.vector_store %arg8[%swap3A], %broadcast_in_dim3A_48 {strides = array<i32>} : memref<512xf32, #tpu.memory_space<vmem>>, vector<16xf32>,
        %swap3A_50 = arith.constant 256 : index
        %swap3A_51 = tpu.vector_load %arg8[%swap3A_50] {strides = array<i32>} : memref<512xf32, #tpu.memory_space<vmem>>, vector<16xf32>,
        tpu.vector_store %arg8[%swap3A_50], %broadcast_in_dim3A_48 {strides = array<i32>} : memref<512xf32, #tpu.memory_space<vmem>>, vector<16xf32>,
        %swap3A_52 = arith.constant 16 : index
        %swap3A_53 = tpu.vector_load %arg8[%swap3A_52] {strides = array<i32>} : memref<512xf32, #tpu.memory_space<vmem>>, vector<16xf32>,
        tpu.vector_store %arg8[%swap3A_52], %broadcast_in_dim3A_48 {strides = array<i32>} : memref<512xf32, #tpu.memory_space<vmem>>, vector<16xf32>,
        %swap3A_54 = arith.constant 272 : index
        %swap3A_55 = tpu.vector_load %arg8[%swap3A_54] {strides = array<i32>} : memref<512xf32, #tpu.memory_space<vmem>>, vector<16xf32>,
        tpu.vector_store %arg8[%swap3A_54], %broadcast_in_dim3A_48 {strides = array<i32>} : memref<512xf32, #tpu.memory_space<vmem>>, vector<16xf32>,
        %swap3A_56 = arith.constant 32 : index
        %swap3A_57 = tpu.vector_load %arg8[%swap3A_56] {strides = array<i32>} : memref<512xf32, #tpu.memory_space<vmem>>, vector<16xf32>,
        tpu.vector_store %arg8[%swap3A_56], %broadcast_in_dim3A_48 {strides = array<i32>} : memref<512xf32, #tpu.memory_space<vmem>>, vector<16xf32>,
        %swap3A_58 = arith.constant 288 : index
        %swap3A_59 = tpu.vector_load %arg8[%swap3A_58] {strides = array<i32>} : memref<512xf32, #tpu.memory_space<vmem>>, vector<16xf32>,
        tpu.vector_store %arg8[%swap3A_58], %broadcast_in_dim3A_48 {strides = array<i32>} : memref<512xf32, #tpu.memory_space<vmem>>, vector<16xf32>,
        %swap3A_60 = arith.constant 48 : index
        %swap3A_61 = tpu.vector_load %arg8[%swap3A_60] {strides = array<i32>} : memref<512xf32, #tpu.memory_space<vmem>>, vector<16xf32>,
        tpu.vector_store %arg8[%swap3A_60], %broadcast_in_dim3A_48 {strides = array<i32>} : memref<512xf32, #tpu.memory_space<vmem>>, vector<16xf32>,
        %swap3A_62 = arith.constant 304 : index
        %swap3A_63 = tpu.vector_load %arg8[%swap3A_62] {strides = array<i32>} : memref<512xf32, #tpu.memory_space<vmem>>, vector<16xf32>,
        tpu.vector_store %arg8[%swap3A_62], %broadcast_in_dim3A_48 {strides = array<i32>} : memref<512xf32, #tpu.memory_space<vmem>>, vector<16xf32>,
        %swap3A_64 = arith.constant 64 : index
        %swap3A_65 = tpu.vector_load %arg8[%swap3A_64] {strides = array<i32>} : memref<512xf32, #tpu.memory_space<vmem>>, vector<16xf32>,
        tpu.vector_store %arg8[%swap3A_64], %broadcast_in_dim3A_48 {strides = array<i32>} : memref<512xf32, #tpu.memory_space<vmem>>, vector<16xf32>,
        %swap3A_66 = arith.constant 320 : index
        %swap3A_67 = tpu.vector_load %arg8[%swap3A_66] {strides = array<i32>} : memref<512xf32, #tpu.memory_space<vmem>>, vector<16xf32>,
        tpu.vector_store %arg8[%swap3A_66], %broadcast_in_dim3A_48 {strides = array<i32>} : memref<512xf32, #tpu.memory_space<vmem>>, vector<16xf32>,
        %swap3A_68 = arith.constant 80 : index
        %swap3A_69 = tpu.vector_load %arg8[%swap3A_68] {strides = array<i32>} : memref<512xf32, #tpu.memory_space<vmem>>, vector<16xf32>,
        tpu.vector_store %arg8[%swap3A_68], %broadcast_in_dim3A_48 {strides = array<i32>} : memref<512xf32, #tpu.memory_space<vmem>>, vector<16xf32>,
        %swap3A_70 = arith.constant 336 : index
        %swap3A_71 = tpu.vector_load %arg8[%swap3A_70] {strides = array<i32>} : memref<512xf32, #tpu.memory_space<vmem>>, vector<16xf32>,
        tpu.vector_store %arg8[%swap3A_70], %broadcast_in_dim3A_48 {strides = array<i32>} : memref<512xf32, #tpu.memory_space<vmem>>, vector<16xf32>,
        %swap3A_72 = arith.constant 96 : index
        %swap3A_73 = tpu.vector_load %arg8[%swap3A_72] {strides = array<i32>} : memref<512xf32, #tpu.memory_space<vmem>>, vector<16xf32>,
        tpu.vector_store %arg8[%swap3A_72], %broadcast_in_dim3A_48 {strides = array<i32>} : memref<512xf32, #tpu.memory_space<vmem>>, vector<16xf32>,
        %swap3A_74 = arith.constant 352 : index
        %swap3A_75 = tpu.vector_load %arg8[%swap3A_74] {strides = array<i32>} : memref<512xf32, #tpu.memory_space<vmem>>, vector<16xf32>,
        tpu.vector_store %arg8[%swap3A_74], %broadcast_in_dim3A_48 {strides = array<i32>} : memref<512xf32, #tpu.memory_space<vmem>>, vector<16xf32>,
        %swap3A_76 = arith.constant 112 : index
        %swap3A_77 = tpu.vector_load %arg8[%swap3A_76] {strides = array<i32>} : memref<512xf32, #tpu.memory_space<vmem>>, vector<16xf32>,
        tpu.vector_store %arg8[%swap3A_76], %broadcast_in_dim3A_48 {strides = array<i32>} : memref<512xf32, #tpu.memory_space<vmem>>, vector<16xf32>,
        %swap3A_78 = arith.constant 368 : index
        %swap3A_79 = tpu.vector_load %arg8[%swap3A_78] {strides = array<i32>} : memref<512xf32, #tpu.memory_space<vmem>>, vector<16xf32>,
        tpu.vector_store %arg8[%swap3A_78], %broadcast_in_dim3A_48 {strides = array<i32>} : memref<512xf32, #tpu.memory_space<vmem>>, vector<16xf32>,
        %swap3A_80 = arith.constant 128 : index
        %swap3A_81 = tpu.vector_load %arg8[%swap3A_80] {strides = array<i32>} : memref<512xf32, #tpu.memory_space<vmem>>, vector<16xf32>,
        tpu.vector_store %arg8[%swap3A_80], %broadcast_in_dim3A_48 {strides = array<i32>} : memref<512xf32, #tpu.memory_space<vmem>>, vector<16xf32>,
        %swap3A_82 = arith.constant 384 : index
        %swap3A_83 = tpu.vector_load %arg8[%swap3A_82] {strides = array<i32>} : memref<512xf32, #tpu.memory_space<vmem>>, vector<16xf32>,
        tpu.vector_store %arg8[%swap3A_82], %broadcast_in_dim3A_48 {strides = array<i32>} : memref<512xf32, #tpu.memory_space<vmem>>, vector<16xf32>,
        %swap3A_84 = arith.constant 144 : index
        %swap3A_85 = tpu.vector_load %arg8[%swap3A_84] {strides = array<i32>} : memref<512xf32, #tpu.memory_space<vmem>>, vector<16xf32>,
        tpu.vector_store %arg8[%swap3A_84], %broadcast_in_dim3A_48 {strides = array<i32>} : memref<512xf32, #tpu.memory_space<vmem>>, vector<16xf32>,
        %swap3A_86 = arith.constant 400 : index
        %swap3A_87 = tpu.vector_load %arg8[%swap3A_86] {strides = array<i32>} : memref<512xf32, #tpu.memory_space<vmem>>, vector<16xf32>,
        tpu.vector_store %arg8[%swap3A_86], %broadcast_in_dim3A_48 {strides = array<i32>} : memref<512xf32, #tpu.memory_space<vmem>>, vector<16xf32>,
        %swap3A_88 = arith.constant 160 : index
        %swap3A_89 = tpu.vector_load %arg8[%swap3A_88] {strides = array<i32>} : memref<512xf32, #tpu.memory_space<vmem>>, vector<16xf32>,
        tpu.vector_store %arg8[%swap3A_88], %broadcast_in_dim3A_48 {strides = array<i32>} : memref<512xf32, #tpu.memory_space<vmem>>, vector<16xf32>,
        %swap3A_90 = arith.constant 416 : index
        %swap3A_91 = tpu.vector_load %arg8[%swap3A_90] {strides = array<i32>} : memref<512xf32, #tpu.memory_space<vmem>>, vector<16xf32>,
        tpu.vector_store %arg8[%swap3A_90], %broadcast_in_dim3A_48 {strides = array<i32>} : memref<512xf32, #tpu.memory_space<vmem>>, vector<16xf32>,
        %swap3A_92 = arith.constant 176 : index
        %swap3A_93 = tpu.vector_load %arg8[%swap3A_92] {strides = array<i32>} : memref<512xf32, #tpu.memory_space<vmem>>, vector<16xf32>,
        tpu.vector_store %arg8[%swap3A_92], %broadcast_in_dim3A_48 {strides = array<i32>} : memref<512xf32, #tpu.memory_space<vmem>>, vector<16xf32>,
        %swap3A_94 = arith.constant 432 : index
        %swap3A_95 = tpu.vector_load %arg8[%swap3A_94] {strides = array<i32>} : memref<512xf32, #tpu.memory_space<vmem>>, vector<16xf32>,
        tpu.vector_store %arg8[%swap3A_94], %broadcast_in_dim3A_48 {strides = array<i32>} : memref<512xf32, #tpu.memory_space<vmem>>, vector<16xf32>,
        %swap3A_96 = arith.constant 192 : index
        %swap3A_97 = tpu.vector_load %arg8[%swap3A_96] {strides = array<i32>} : memref<512xf32, #tpu.memory_space<vmem>>, vector<16xf32>,
        tpu.vector_store %arg8[%swap3A_96], %broadcast_in_dim3A_48 {strides = array<i32>} : memref<512xf32, #tpu.memory_space<vmem>>, vector<16xf32>,
        %swap3A_98 = arith.constant 448 : index
        %swap3A_99 = tpu.vector_load %arg8[%swap3A_98] {strides = array<i32>} : memref<512xf32, #tpu.memory_space<vmem>>, vector<16xf32>,
        tpu.vector_store %arg8[%swap3A_98], %broadcast_in_dim3A_48 {strides = array<i32>} : memref<512xf32, #tpu.memory_space<vmem>>, vector<16xf32>,
        %swap3A_100 = arith.constant 208 : index
        %swap3A_101 = tpu.vector_load %arg8[%swap3A_100] {strides = array<i32>} : memref<512xf32, #tpu.memory_space<vmem>>, vector<16xf32>,
        tpu.vector_store %arg8[%swap3A_100], %broadcast_in_dim3A_48 {strides = array<i32>} : memref<512xf32, #tpu.memory_space<vmem>>, vector<16xf32>,
        %swap3A_102 = arith.constant 464 : index
        %swap3A_103 = tpu.vector_load %arg8[%swap3A_102] {strides = array<i32>} : memref<512xf32, #tpu.memory_space<vmem>>, vector<16xf32>,
        tpu.vector_store %arg8[%swap3A_102], %broadcast_in_dim3A_48 {strides = array<i32>} : memref<512xf32, #tpu.memory_space<vmem>>, vector<16xf32>,
        %swap3A_104 = arith.constant 224 : index
        %swap3A_105 = tpu.vector_load %arg8[%swap3A_104] {strides = array<i32>} : memref<512xf32, #tpu.memory_space<vmem>>, vector<16xf32>,
        tpu.vector_store %arg8[%swap3A_104], %broadcast_in_dim3A_48 {strides = array<i32>} : memref<512xf32, #tpu.memory_space<vmem>>, vector<16xf32>,
        %swap3A_106 = arith.constant 480 : index
        %swap3A_107 = tpu.vector_load %arg8[%swap3A_106] {strides = array<i32>} : memref<512xf32, #tpu.memory_space<vmem>>, vector<16xf32>,
        tpu.vector_store %arg8[%swap3A_106], %broadcast_in_dim3A_48 {strides = array<i32>} : memref<512xf32, #tpu.memory_space<vmem>>, vector<16xf32>,
        %swap3A_108 = arith.constant 240 : index
        %swap3A_109 = tpu.vector_load %arg8[%swap3A_108] {strides = array<i32>} : memref<512xf32, #tpu.memory_space<vmem>>, vector<16xf32>,
        tpu.vector_store %arg8[%swap3A_108], %broadcast_in_dim3A_48 {strides = array<i32>} : memref<512xf32, #tpu.memory_space<vmem>>, vector<16xf32>,
        %swap3A_110 = arith.constant 496 : index
        %swap3A_111 = tpu.vector_load %arg8[%swap3A_110] {strides = array<i32>} : memref<512xf32, #tpu.memory_space<vmem>>, vector<16xf32>,
        tpu.vector_store %arg8[%swap3A_110], %broadcast_in_dim3A_48 {strides = array<i32>} : memref<512xf32, #tpu.memory_space<vmem>>, vector<16xf32>,
        "tpu.region"() ({
          %run_scoped3A = tpu.sem_alloc : memref<!tpu.dma_semaphore, #tpu.memory_space<semaphore_mem>>
          %dma_start3A = arith.constant 0 : i32
          %dma_start3A_112 = tpu.memref_slice %arg8[%dma_start3A] : memref<512xf32, #tpu.memory_space<vmem>> -> memref<256xf32, #tpu.memory_space<vmem>>
          %dma_start3A_113 = tpu.memref_slice %arg4[%multiple_of3A] : memref<16384xf32, #tpu.memory_space<hbm>> -> memref<256xf32, #tpu.memory_space<hbm>>
          %dma_start3A_114 = tpu.memref_slice %arg4[%multiple_of3A] : memref<16384xf32, #tpu.memory_space<hbm>> -> memref<256xf32, #tpu.memory_space<hbm>>
          %dma_start3A_115 = arith.constant 0 : i32
          %dma_start3A_116 = tpu.memref_slice %arg8[%dma_start3A_115] : memref<512xf32, #tpu.memory_space<vmem>> -> memref<256xf32, #tpu.memory_space<vmem>>
          tpu.enqueue_dma source(%dma_start3A_116 : memref<256xf32, #tpu.memory_space<vmem>>) target(%dma_start3A_114 : memref<256xf32, #tpu.memory_space<hbm>>) target_semaphore(%run_scoped3A : memref<!tpu.dma_semaphore, #tpu.memory_space<semaphore_mem>>)
          %dma_wait3A = arith.constant 0 : i32
          %dma_wait3A_117 = tpu.memref_slice %arg8[%dma_wait3A] : memref<512xf32, #tpu.memory_space<vmem>> -> memref<256xf32, #tpu.memory_space<vmem>>
          %dma_wait3A_118 = tpu.memref_slice %arg4[%multiple_of3A] : memref<16384xf32, #tpu.memory_space<hbm>> -> memref<256xf32, #tpu.memory_space<hbm>>
          %dma_wait3A_119 = tpu.memref_slice %arg4[%multiple_of3A] : memref<16384xf32, #tpu.memory_space<hbm>> -> memref<256xf32, #tpu.memory_space<hbm>>
          %dma_wait3A_120 = arith.constant 0 : i32
          %dma_wait3A_121 = tpu.memref_slice %arg8[%dma_wait3A_120] : memref<512xf32, #tpu.memory_space<vmem>> -> memref<256xf32, #tpu.memory_space<vmem>>
          tpu.wait_dma2 semaphore(%run_scoped3A : memref<!tpu.dma_semaphore, #tpu.memory_space<semaphore_mem>>) src(%dma_wait3A_121 : memref<256xf32, #tpu.memory_space<vmem>>) dst(%dma_wait3A_119 : memref<256xf32, #tpu.memory_space<hbm>>)
          tpu.yield
        }) : () -> ()
        "tpu.region"() ({
          %run_scoped3A = tpu.sem_alloc : memref<!tpu.dma_semaphore, #tpu.memory_space<semaphore_mem>>
          %dma_start3A = arith.constant 256 : i32
          %dma_start3A_112 = tpu.memref_slice %arg8[%dma_start3A] : memref<512xf32, #tpu.memory_space<vmem>> -> memref<256xf32, #tpu.memory_space<vmem>>
          %dma_start3A_113 = tpu.memref_slice %arg5[%multiple_of3A] : memref<16384xf32, #tpu.memory_space<hbm>> -> memref<256xf32, #tpu.memory_space<hbm>>
          %dma_start3A_114 = tpu.memref_slice %arg5[%multiple_of3A] : memref<16384xf32, #tpu.memory_space<hbm>> -> memref<256xf32, #tpu.memory_space<hbm>>
          %dma_start3A_115 = arith.constant 256 : i32
          %dma_start3A_116 = tpu.memref_slice %arg8[%dma_start3A_115] : memref<512xf32, #tpu.memory_space<vmem>> -> memref<256xf32, #tpu.memory_space<vmem>>
          tpu.enqueue_dma source(%dma_start3A_116 : memref<256xf32, #tpu.memory_space<vmem>>) target(%dma_start3A_114 : memref<256xf32, #tpu.memory_space<hbm>>) target_semaphore(%run_scoped3A : memref<!tpu.dma_semaphore, #tpu.memory_space<semaphore_mem>>)
          %dma_wait3A = arith.constant 256 : i32
          %dma_wait3A_117 = tpu.memref_slice %arg8[%dma_wait3A] : memref<512xf32, #tpu.memory_space<vmem>> -> memref<256xf32, #tpu.memory_space<vmem>>
          %dma_wait3A_118 = tpu.memref_slice %arg5[%multiple_of3A] : memref<16384xf32, #tpu.memory_space<hbm>> -> memref<256xf32, #tpu.memory_space<hbm>>
          %dma_wait3A_119 = tpu.memref_slice %arg5[%multiple_of3A] : memref<16384xf32, #tpu.memory_space<hbm>> -> memref<256xf32, #tpu.memory_space<hbm>>
          %dma_wait3A_120 = arith.constant 256 : i32
          %dma_wait3A_121 = tpu.memref_slice %arg8[%dma_wait3A_120] : memref<512xf32, #tpu.memory_space<vmem>> -> memref<256xf32, #tpu.memory_space<vmem>>
          tpu.wait_dma2 semaphore(%run_scoped3A : memref<!tpu.dma_semaphore, #tpu.memory_space<semaphore_mem>>) src(%dma_wait3A_121 : memref<256xf32, #tpu.memory_space<vmem>>) dst(%dma_wait3A_119 : memref<256xf32, #tpu.memory_space<hbm>>)
          tpu.yield
        }) : () -> ()
      } else {
      }
      %lt3A = arith.cmpi slt, %select_n3A, %select_n3A_41 : i32
      %convert_element_type3A_45 = arith.extui %lt3A : i1 to i32
      %cond3A_46 = arith.constant 0 : i32
      %cond3A_47 = arith.cmpi ne, %convert_element_type3A_45, %cond3A_46 : i32
      scf.if %cond3A_47 {
        %jit3A = arith.constant 80 : i32
        %div3A = arith.divsi %select_n3A, %jit3A : i32
        %sign3A = arith.constant 0 : i32
        %sign3A_48 = arith.cmpi sgt, %select_n3A, %sign3A : i32
        %sign3A_49 = arith.extui %sign3A_48 : i1 to i32
        %sign3A_50 = arith.constant 0 : i32
        %sign3A_51 = arith.cmpi slt, %select_n3A, %sign3A_50 : i32
        %sign3A_52 = arith.extui %sign3A_51 : i1 to i32
        %sign3A_53 = arith.subi %sign3A_49, %sign3A_52 : i32
        %sign3A_54 = arith.constant 0 : i32
        %sign3A_55 = arith.cmpi sgt, %jit3A, %sign3A_54 : i32
        %sign3A_56 = arith.extui %sign3A_55 : i1 to i32
        %sign3A_57 = arith.constant 0 : i32
        %sign3A_58 = arith.cmpi slt, %jit3A, %sign3A_57 : i32
        %sign3A_59 = arith.extui %sign3A_58 : i1 to i32
        %sign3A_60 = arith.subi %sign3A_56, %sign3A_59 : i32
        %ne3A = arith.cmpi ne, %sign3A_53, %sign3A_60 : i32
        %rem3A = arith.remsi %select_n3A, %jit3A : i32
        %ne3A_61 = arith.constant 0 : i32
        %ne3A_62 = arith.cmpi ne, %rem3A, %ne3A_61 : i32
        %and3A = arith.andi %ne3A, %ne3A_62 : i1
        %sub3A = arith.constant 1 : i32
        %sub3A_63 = arith.subi %div3A, %sub3A : i32
        %select_n3A_64 = arith.select %and3A, %sub3A_63, %div3A : i32
        %add3A_65 = arith.constant 80 : i32
        %add3A_66 = arith.addi %select_n3A_41, %add3A_65 : i32
        %sub3A_67 = arith.constant 1 : i32
        %sub3A_68 = arith.subi %add3A_66, %sub3A_67 : i32
        %jit3A_69 = arith.constant 80 : i32
        %div3A_70 = arith.divsi %sub3A_68, %jit3A_69 : i32
        %sign3A_71 = arith.constant 0 : i32
        %sign3A_72 = arith.cmpi sgt, %sub3A_68, %sign3A_71 : i32
        %sign3A_73 = arith.extui %sign3A_72 : i1 to i32
        %sign3A_74 = arith.constant 0 : i32
        %sign3A_75 = arith.cmpi slt, %sub3A_68, %sign3A_74 : i32
        %sign3A_76 = arith.extui %sign3A_75 : i1 to i32
        %sign3A_77 = arith.subi %sign3A_73, %sign3A_76 : i32
        %sign3A_78 = arith.constant 0 : i32
        %sign3A_79 = arith.cmpi sgt, %jit3A_69, %sign3A_78 : i32
        %sign3A_80 = arith.extui %sign3A_79 : i1 to i32
        %sign3A_81 = arith.constant 0 : i32
        %sign3A_82 = arith.cmpi slt, %jit3A_69, %sign3A_81 : i32
        %sign3A_83 = arith.extui %sign3A_82 : i1 to i32
        %sign3A_84 = arith.subi %sign3A_80, %sign3A_83 : i32
        %ne3A_85 = arith.cmpi ne, %sign3A_77, %sign3A_84 : i32
        %rem3A_86 = arith.remsi %sub3A_68, %jit3A_69 : i32
        %ne3A_87 = arith.constant 0 : i32
        %ne3A_88 = arith.cmpi ne, %rem3A_86, %ne3A_87 : i32
        %and3A_89 = arith.andi %ne3A_85, %ne3A_88 : i1
        %sub3A_90 = arith.constant 1 : i32
        %sub3A_91 = arith.subi %div3A_70, %sub3A_90 : i32
        %select_n3A_92 = arith.select %and3A_89, %sub3A_91, %div3A_70 : i32
        %broadcast_in_dim3A = arith.constant 0.000000e+00 : f32
        %broadcast_in_dim3A_93 = vector.broadcast %broadcast_in_dim3A : f32 to vector<16xf32>
        %broadcast_in_dim3A_94 = arith.constant 0xFF800000 : f32
        %broadcast_in_dim3A_95 = vector.broadcast %broadcast_in_dim3A_94 : f32 to vector<16xf32>
        %mul3A_96 = arith.constant 80 : i32
        %mul3A_97 = arith.muli %select_n3A_64, %mul3A_96 : i32
        %multiple_of3A_98 = tpu.assume_multiple %mul3A_97, 8 : i32
        %dma_start3A = arith.constant 0 : i32
        %dma_start3A_99 = arith.constant 0 : i32
        %dma_start3A_100 = tpu.memref_slice %arg7[%dma_start3A, %dma_start3A_99] : memref<160x256xf32, #tpu.memory_space<vmem>> -> memref<80x256xf32, #tpu.memory_space<vmem>>
        %dma_start3A_101 = arith.constant 0 : i32
        %dma_start3A_102 = tpu.memref_slice %arg2[%multiple_of3A_98, %dma_start3A_101] : memref<50000x256xf32, #tpu.memory_space<hbm>> -> memref<80x256xf32, #tpu.memory_space<hbm>>
        %dma_start3A_103 = arith.constant 0 : i32
        %dma_start3A_104 = arith.constant 0 : i32
        %dma_start3A_105 = tpu.memref_slice %arg7[%dma_start3A_103, %dma_start3A_104] : memref<160x256xf32, #tpu.memory_space<vmem>> -> memref<80x256xf32, #tpu.memory_space<vmem>>
        %dma_start3A_106 = arith.constant 0 : i32
        %dma_start3A_107 = tpu.memref_slice %arg2[%multiple_of3A_98, %dma_start3A_106] : memref<50000x256xf32, #tpu.memory_space<hbm>> -> memref<80x256xf32, #tpu.memory_space<hbm>>
        tpu.enqueue_dma source(%dma_start3A_107 : memref<80x256xf32, #tpu.memory_space<hbm>>) target(%dma_start3A_105 : memref<80x256xf32, #tpu.memory_space<vmem>>) target_semaphore(%arg9 : memref<!tpu.dma_semaphore, #tpu.memory_space<semaphore_mem>>)
        %while3A = arith.subi %select_n3A_92, %select_n3A_64 : i32
        %while3A_108 = arith.addi %select_n3A_64, %while3A : i32
        %while3A_109 = arith.constant 1 : i32
        %while3A_110 = arith.divsi %while3A, %while3A_109 : i32
        %while3A_111 = arith.muli %while3A_110, %while3A_109 : i32
        %while3A_112 = arith.addi %select_n3A_64, %while3A_111 : i32
        %while3A_113 = arith.constant 1 : i32
        %while3A_114:32 = scf.for %while3A_202 = %select_n3A_64 to %while3A_112 step %while3A_113 iter_args(%while3A_203 = %broadcast_in_dim3A_93, %while3A_204 = %broadcast_in_dim3A_93, %while3A_205 = %broadcast_in_dim3A_93, %while3A_206 = %broadcast_in_dim3A_93, %while3A_207 = %broadcast_in_dim3A_93, %while3A_208 = %broadcast_in_dim3A_93, %while3A_209 = %broadcast_in_dim3A_93, %while3A_210 = %broadcast_in_dim3A_93, %while3A_211 = %broadcast_in_dim3A_93, %while3A_212 = %broadcast_in_dim3A_93, %while3A_213 = %broadcast_in_dim3A_93, %while3A_214 = %broadcast_in_dim3A_93, %while3A_215 = %broadcast_in_dim3A_93, %while3A_216 = %broadcast_in_dim3A_93, %while3A_217 = %broadcast_in_dim3A_93, %while3A_218 = %broadcast_in_dim3A_93, %while3A_219 = %broadcast_in_dim3A_95, %while3A_220 = %broadcast_in_dim3A_95, %while3A_221 = %broadcast_in_dim3A_95, %while3A_222 = %broadcast_in_dim3A_95, %while3A_223 = %broadcast_in_dim3A_95, %while3A_224 = %broadcast_in_dim3A_95, %while3A_225 = %broadcast_in_dim3A_95, %while3A_226 = %broadcast_in_dim3A_95, %while3A_227 = %broadcast_in_dim3A_95, %while3A_228 = %broadcast_in_dim3A_95, %while3A_229 = %broadcast_in_dim3A_95, %while3A_230 = %broadcast_in_dim3A_95, %while3A_231 = %broadcast_in_dim3A_95, %while3A_232 = %broadcast_in_dim3A_95, %while3A_233 = %broadcast_in_dim3A_95, %while3A_234 = %broadcast_in_dim3A_95) -> (vector<16xf32>, vector<16xf32>, vector<16xf32>, vector<16xf32>, vector<16xf32>, vector<16xf32>, vector<16xf32>, vector<16xf32>, vector<16xf32>, vector<16xf32>, vector<16xf32>, vector<16xf32>, vector<16xf32>, vector<16xf32>, vector<16xf32>, vector<16xf32>, vector<16xf32>, vector<16xf32>, vector<16xf32>, vector<16xf32>, vector<16xf32>, vector<16xf32>, vector<16xf32>, vector<16xf32>, vector<16xf32>, vector<16xf32>, vector<16xf32>, vector<16xf32>, vector<16xf32>, vector<16xf32>, vector<16xf32>, vector<16xf32>)  : i32 {
          %sub3A_235 = arith.subi %while3A_202, %select_n3A_64 : i32
          %and3A_236 = arith.constant 1 : i32
          %and3A_237 = arith.andi %sub3A_235, %and3A_236 : i32
          %mul3A_238 = arith.constant 80 : i32
          %mul3A_239 = arith.muli %and3A_237, %mul3A_238 : i32
          %multiple_of3A_240 = tpu.assume_multiple %mul3A_239, 8 : i32
          %dma_wait3A = arith.constant 0 : i32
          %dma_wait3A_241 = tpu.memref_slice %arg7[%multiple_of3A_240, %dma_wait3A] : memref<160x256xf32, #tpu.memory_space<vmem>> -> memref<80x256xf32, #tpu.memory_space<vmem>>
          %dma_wait3A_242 = arith.constant 0 : i32
          %dma_wait3A_243 = arith.constant 0 : i32
          %dma_wait3A_244 = tpu.memref_slice %arg2[%dma_wait3A_242, %dma_wait3A_243] : memref<50000x256xf32, #tpu.memory_space<hbm>> -> memref<80x256xf32, #tpu.memory_space<hbm>>
          %dma_wait3A_245 = arith.constant 0 : i32
          %dma_wait3A_246 = tpu.memref_slice %arg7[%multiple_of3A_240, %dma_wait3A_245] : memref<160x256xf32, #tpu.memory_space<vmem>> -> memref<80x256xf32, #tpu.memory_space<vmem>>
          %dma_wait3A_247 = arith.constant 0 : i32
          %dma_wait3A_248 = arith.constant 0 : i32
          %dma_wait3A_249 = tpu.memref_slice %arg2[%dma_wait3A_247, %dma_wait3A_248] : memref<50000x256xf32, #tpu.memory_space<hbm>> -> memref<80x256xf32, #tpu.memory_space<hbm>>
          tpu.wait_dma2 semaphore(%arg9 : memref<!tpu.dma_semaphore, #tpu.memory_space<semaphore_mem>>) src(%dma_wait3A_249 : memref<80x256xf32, #tpu.memory_space<hbm>>) dst(%dma_wait3A_246 : memref<80x256xf32, #tpu.memory_space<vmem>>)
          %add3A_250 = arith.constant 1 : i32
          %add3A_251 = arith.addi %while3A_202, %add3A_250 : i32
          %lt3A_252 = arith.cmpi slt, %add3A_251, %select_n3A_92 : i32
          %convert_element_type3A_253 = arith.extui %lt3A_252 : i1 to i32
          %cond3A_254 = arith.constant 0 : i32
          %cond3A_255 = arith.cmpi ne, %convert_element_type3A_253, %cond3A_254 : i32
          scf.if %cond3A_255 {
            %add3A_268 = arith.constant 1 : i32
            %add3A_269 = arith.addi %while3A_202, %add3A_268 : i32
            %sub3A_270 = arith.subi %add3A_269, %select_n3A_64 : i32
            %and3A_271 = arith.constant 1 : i32
            %and3A_272 = arith.andi %sub3A_270, %and3A_271 : i32
            %mul3A_273 = arith.constant 80 : i32
            %mul3A_274 = arith.muli %and3A_272, %mul3A_273 : i32
            %multiple_of3A_275 = tpu.assume_multiple %mul3A_274, 8 : i32
            %add3A_276 = arith.constant 1 : i32
            %add3A_277 = arith.addi %while3A_202, %add3A_276 : i32
            %mul3A_278 = arith.constant 80 : i32
            %mul3A_279 = arith.muli %add3A_277, %mul3A_278 : i32
            %multiple_of3A_280 = tpu.assume_multiple %mul3A_279, 8 : i32
            %dma_start3A_281 = arith.constant 0 : i32
            %dma_start3A_282 = tpu.memref_slice %arg7[%multiple_of3A_275, %dma_start3A_281] : memref<160x256xf32, #tpu.memory_space<vmem>> -> memref<80x256xf32, #tpu.memory_space<vmem>>
            %dma_start3A_283 = arith.constant 0 : i32
            %dma_start3A_284 = tpu.memref_slice %arg2[%multiple_of3A_280, %dma_start3A_283] : memref<50000x256xf32, #tpu.memory_space<hbm>> -> memref<80x256xf32, #tpu.memory_space<hbm>>
            %dma_start3A_285 = arith.constant 0 : i32
            %dma_start3A_286 = tpu.memref_slice %arg7[%multiple_of3A_275, %dma_start3A_285] : memref<160x256xf32, #tpu.memory_space<vmem>> -> memref<80x256xf32, #tpu.memory_space<vmem>>
            %dma_start3A_287 = arith.constant 0 : i32
            %dma_start3A_288 = tpu.memref_slice %arg2[%multiple_of3A_280, %dma_start3A_287] : memref<50000x256xf32, #tpu.memory_space<hbm>> -> memref<80x256xf32, #tpu.memory_space<hbm>>
            tpu.enqueue_dma source(%dma_start3A_288 : memref<80x256xf32, #tpu.memory_space<hbm>>) target(%dma_start3A_286 : memref<80x256xf32, #tpu.memory_space<vmem>>) target_semaphore(%arg9 : memref<!tpu.dma_semaphore, #tpu.memory_space<semaphore_mem>>)
          } else {
          }
          %mul3A_256 = arith.constant 80 : i32
          %mul3A_257 = arith.muli %while3A_202, %mul3A_256 : i32
          %max3A = arith.maxsi %select_n3A, %mul3A_257 : i32
          %sub3A_258 = arith.subi %max3A, %mul3A_257 : i32
          %add3A_259 = arith.constant 80 : i32
          %add3A_260 = arith.addi %mul3A_257, %add3A_259 : i32
          %min3A = arith.minsi %select_n3A_41, %add3A_260 : i32
          %sub3A_261 = arith.subi %min3A, %mul3A_257 : i32
          %scan3A_262 = arith.constant 0 : i32
          %scan3A_263 = arith.constant 10 : i32
          %scan3A_264 = arith.addi %scan3A_262, %scan3A_263 : i32
          %scan3A_265 = arith.constant 1 : i32
          %scan3A_266:32 = scf.for %scan3A_268 = %scan3A_262 to %scan3A_264 step %scan3A_265 iter_args(%scan3A_269 = %while3A_203, %scan3A_270 = %while3A_204, %scan3A_271 = %while3A_205, %scan3A_272 = %while3A_206, %scan3A_273 = %while3A_207, %scan3A_274 = %while3A_208, %scan3A_275 = %while3A_209, %scan3A_276 = %while3A_210, %scan3A_277 = %while3A_211, %scan3A_278 = %while3A_212, %scan3A_279 = %while3A_213, %scan3A_280 = %while3A_214, %scan3A_281 = %while3A_215, %scan3A_282 = %while3A_216, %scan3A_283 = %while3A_217, %scan3A_284 = %while3A_218, %scan3A_285 = %while3A_219, %scan3A_286 = %while3A_220, %scan3A_287 = %while3A_221, %scan3A_288 = %while3A_222, %scan3A_289 = %while3A_223, %scan3A_290 = %while3A_224, %scan3A_291 = %while3A_225, %scan3A_292 = %while3A_226, %scan3A_293 = %while3A_227, %scan3A_294 = %while3A_228, %scan3A_295 = %while3A_229, %scan3A_296 = %while3A_230, %scan3A_297 = %while3A_231, %scan3A_298 = %while3A_232, %scan3A_299 = %while3A_233, %scan3A_300 = %while3A_234) -> (vector<16xf32>, vector<16xf32>, vector<16xf32>, vector<16xf32>, vector<16xf32>, vector<16xf32>, vector<16xf32>, vector<16xf32>, vector<16xf32>, vector<16xf32>, vector<16xf32>, vector<16xf32>, vector<16xf32>, vector<16xf32>, vector<16xf32>, vector<16xf32>, vector<16xf32>, vector<16xf32>, vector<16xf32>, vector<16xf32>, vector<16xf32>, vector<16xf32>, vector<16xf32>, vector<16xf32>, vector<16xf32>, vector<16xf32>, vector<16xf32>, vector<16xf32>, vector<16xf32>, vector<16xf32>, vector<16xf32>, vector<16xf32>)  : i32 {
            %mul3A_301 = arith.constant 8 : i32
            %mul3A_302 = arith.muli %scan3A_268, %mul3A_301 : i32
            %ge3A_303 = arith.cmpi sge, %mul3A_302, %sub3A_258 : i32
            %add3A_304 = arith.constant 8 : i32
            %add3A_305 = arith.addi %mul3A_302, %add3A_304 : i32
            %le3A = arith.cmpi sle, %add3A_305, %sub3A_261 : i32
            %and3A_306 = arith.andi %ge3A_303, %le3A : i1
            %convert_element_type3A_307 = arith.extui %and3A_306 : i1 to i32
            %cond3A_308 = arith.constant 0 : i32
            %cond3A_309 = arith.cmpi ne, %convert_element_type3A_307, %cond3A_308 : i32
            %cond3A_310:32 = scf.if %cond3A_309 -> (vector<16xf32>, vector<16xf32>, vector<16xf32>, vector<16xf32>, vector<16xf32>, vector<16xf32>, vector<16xf32>, vector<16xf32>, vector<16xf32>, vector<16xf32>, vector<16xf32>, vector<16xf32>, vector<16xf32>, vector<16xf32>, vector<16xf32>, vector<16xf32>, vector<16xf32>, vector<16xf32>, vector<16xf32>, vector<16xf32>, vector<16xf32>, vector<16xf32>, vector<16xf32>, vector<16xf32>, vector<16xf32>, vector<16xf32>, vector<16xf32>, vector<16xf32>, vector<16xf32>, vector<16xf32>, vector<16xf32>, vector<16xf32>) {
              %broadcast_in_dim3A_311 = arith.constant 0.000000e+00 : f32
              %broadcast_in_dim3A_312 = vector.broadcast %broadcast_in_dim3A_311 : f32 to vector<16xf32>
              %broadcast_in_dim3A_313 = arith.constant 0xFF800000 : f32
              %broadcast_in_dim3A_314 = vector.broadcast %broadcast_in_dim3A_313 : f32 to vector<16xf32>
              %add3A_315 = arith.addi %multiple_of3A_240, %mul3A_302 : i32
              %add3A_316 = arith.constant 0 : i32
              %add3A_317 = arith.addi %add3A_315, %add3A_316 : i32
              %get3A = arith.index_cast %add3A_317 : i32 to index
              %get3A_318 = arith.constant 0 : index
              %get3A_319 = tpu.vector_load %arg7[%get3A, %get3A_318] {strides = array<i32>} : memref<160x256xf32, #tpu.memory_space<vmem>>, vector<16xf32>,
              %add3A_320 = arith.addi %multiple_of3A_240, %mul3A_302 : i32
              %add3A_321 = arith.constant 1 : i32
              %add3A_322 = arith.addi %add3A_320, %add3A_321 : i32
              %get3A_323 = arith.index_cast %add3A_322 : i32 to index
              %get3A_324 = arith.constant 0 : index
              %get3A_325 = tpu.vector_load %arg7[%get3A_323, %get3A_324] {strides = array<i32>} : memref<160x256xf32, #tpu.memory_space<vmem>>, vector<16xf32>,
              %add3A_326 = arith.addi %multiple_of3A_240, %mul3A_302 : i32
              %add3A_327 = arith.constant 2 : i32
              %add3A_328 = arith.addi %add3A_326, %add3A_327 : i32
              %get3A_329 = arith.index_cast %add3A_328 : i32 to index
              %get3A_330 = arith.constant 0 : index
              %get3A_331 = tpu.vector_load %arg7[%get3A_329, %get3A_330] {strides = array<i32>} : memref<160x256xf32, #tpu.memory_space<vmem>>, vector<16xf32>,
              %add3A_332 = arith.addi %multiple_of3A_240, %mul3A_302 : i32
              %add3A_333 = arith.constant 3 : i32
              %add3A_334 = arith.addi %add3A_332, %add3A_333 : i32
              %get3A_335 = arith.index_cast %add3A_334 : i32 to index
              %get3A_336 = arith.constant 0 : index
              %get3A_337 = tpu.vector_load %arg7[%get3A_335, %get3A_336] {strides = array<i32>} : memref<160x256xf32, #tpu.memory_space<vmem>>, vector<16xf32>,
              %add3A_338 = arith.addi %multiple_of3A_240, %mul3A_302 : i32
              %add3A_339 = arith.constant 4 : i32
              %add3A_340 = arith.addi %add3A_338, %add3A_339 : i32
              %get3A_341 = arith.index_cast %add3A_340 : i32 to index
              %get3A_342 = arith.constant 0 : index
              %get3A_343 = tpu.vector_load %arg7[%get3A_341, %get3A_342] {strides = array<i32>} : memref<160x256xf32, #tpu.memory_space<vmem>>, vector<16xf32>,
              %add3A_344 = arith.addi %multiple_of3A_240, %mul3A_302 : i32
              %add3A_345 = arith.constant 5 : i32
              %add3A_346 = arith.addi %add3A_344, %add3A_345 : i32
              %get3A_347 = arith.index_cast %add3A_346 : i32 to index
              %get3A_348 = arith.constant 0 : index
              %get3A_349 = tpu.vector_load %arg7[%get3A_347, %get3A_348] {strides = array<i32>} : memref<160x256xf32, #tpu.memory_space<vmem>>, vector<16xf32>,
              %add3A_350 = arith.addi %multiple_of3A_240, %mul3A_302 : i32
              %add3A_351 = arith.constant 6 : i32
              %add3A_352 = arith.addi %add3A_350, %add3A_351 : i32
              %get3A_353 = arith.index_cast %add3A_352 : i32 to index
              %get3A_354 = arith.constant 0 : index
              %get3A_355 = tpu.vector_load %arg7[%get3A_353, %get3A_354] {strides = array<i32>} : memref<160x256xf32, #tpu.memory_space<vmem>>, vector<16xf32>,
              %add3A_356 = arith.addi %multiple_of3A_240, %mul3A_302 : i32
              %add3A_357 = arith.constant 7 : i32
              %add3A_358 = arith.addi %add3A_356, %add3A_357 : i32
              %get3A_359 = arith.index_cast %add3A_358 : i32 to index
              %get3A_360 = arith.constant 0 : index
              %get3A_361 = tpu.vector_load %arg7[%get3A_359, %get3A_360] {strides = array<i32>} : memref<160x256xf32, #tpu.memory_space<vmem>>, vector<16xf32>,
              %add3A_362 = arith.addf %get3A_319, %get3A_325 : vector<16xf32>
              %add3A_363 = arith.addf %get3A_331, %get3A_337 : vector<16xf32>
              %add3A_364 = arith.addf %get3A_343, %get3A_349 : vector<16xf32>
              %add3A_365 = arith.addf %get3A_355, %get3A_361 : vector<16xf32>
              %add3A_366 = arith.addf %add3A_362, %add3A_363 : vector<16xf32>
              %add3A_367 = arith.addf %add3A_364, %add3A_365 : vector<16xf32>
              %add3A_368 = arith.addf %add3A_366, %add3A_367 : vector<16xf32>
              %add3A_369 = arith.addf %scan3A_269, %add3A_368 : vector<16xf32>
              %max3A_370 = arith.maximumf %get3A_319, %get3A_325 : vector<16xf32>
              %max3A_371 = arith.maximumf %get3A_331, %get3A_337 : vector<16xf32>
              %max3A_372 = arith.maximumf %get3A_343, %get3A_349 : vector<16xf32>
              %max3A_373 = arith.maximumf %get3A_355, %get3A_361 : vector<16xf32>
              %max3A_374 = arith.maximumf %max3A_370, %max3A_371 : vector<16xf32>
              %max3A_375 = arith.maximumf %max3A_372, %max3A_373 : vector<16xf32>
              %max3A_376 = arith.maximumf %max3A_374, %max3A_375 : vector<16xf32>
              %max3A_377 = arith.maximumf %scan3A_285, %max3A_376 : vector<16xf32>
              %add3A_378 = arith.addi %multiple_of3A_240, %mul3A_302 : i32
              %add3A_379 = arith.constant 0 : i32
              %add3A_380 = arith.addi %add3A_378, %add3A_379 : i32
              %get3A_381 = arith.index_cast %add3A_380 : i32 to index
              %get3A_382 = arith.constant 16 : index
              %get3A_383 = tpu.vector_load %arg7[%get3A_381, %get3A_382] {strides = array<i32>} : memref<160x256xf32, #tpu.memory_space<vmem>>, vector<16xf32>,
              %add3A_384 = arith.addi %multiple_of3A_240, %mul3A_302 : i32
              %add3A_385 = arith.constant 1 : i32
              %add3A_386 = arith.addi %add3A_384, %add3A_385 : i32
              %get3A_387 = arith.index_cast %add3A_386 : i32 to index
              %get3A_388 = arith.constant 16 : index
              %get3A_389 = tpu.vector_load %arg7[%get3A_387, %get3A_388] {strides = array<i32>} : memref<160x256xf32, #tpu.memory_space<vmem>>, vector<16xf32>,
              %add3A_390 = arith.addi %multiple_of3A_240, %mul3A_302 : i32
              %add3A_391 = arith.constant 2 : i32
              %add3A_392 = arith.addi %add3A_390, %add3A_391 : i32
              %get3A_393 = arith.index_cast %add3A_392 : i32 to index
              %get3A_394 = arith.constant 16 : index
              %get3A_395 = tpu.vector_load %arg7[%get3A_393, %get3A_394] {strides = array<i32>} : memref<160x256xf32, #tpu.memory_space<vmem>>, vector<16xf32>,
              %add3A_396 = arith.addi %multiple_of3A_240, %mul3A_302 : i32
              %add3A_397 = arith.constant 3 : i32
              %add3A_398 = arith.addi %add3A_396, %add3A_397 : i32
              %get3A_399 = arith.index_cast %add3A_398 : i32 to index
              %get3A_400 = arith.constant 16 : index
              %get3A_401 = tpu.vector_load %arg7[%get3A_399, %get3A_400] {strides = array<i32>} : memref<160x256xf32, #tpu.memory_space<vmem>>, vector<16xf32>,
              %add3A_402 = arith.addi %multiple_of3A_240, %mul3A_302 : i32
              %add3A_403 = arith.constant 4 : i32
              %add3A_404 = arith.addi %add3A_402, %add3A_403 : i32
              %get3A_405 = arith.index_cast %add3A_404 : i32 to index
              %get3A_406 = arith.constant 16 : index
              %get3A_407 = tpu.vector_load %arg7[%get3A_405, %get3A_406] {strides = array<i32>} : memref<160x256xf32, #tpu.memory_space<vmem>>, vector<16xf32>,
              %add3A_408 = arith.addi %multiple_of3A_240, %mul3A_302 : i32
              %add3A_409 = arith.constant 5 : i32
              %add3A_410 = arith.addi %add3A_408, %add3A_409 : i32
              %get3A_411 = arith.index_cast %add3A_410 : i32 to index
              %get3A_412 = arith.constant 16 : index
              %get3A_413 = tpu.vector_load %arg7[%get3A_411, %get3A_412] {strides = array<i32>} : memref<160x256xf32, #tpu.memory_space<vmem>>, vector<16xf32>,
              %add3A_414 = arith.addi %multiple_of3A_240, %mul3A_302 : i32
              %add3A_415 = arith.constant 6 : i32
              %add3A_416 = arith.addi %add3A_414, %add3A_415 : i32
              %get3A_417 = arith.index_cast %add3A_416 : i32 to index
              %get3A_418 = arith.constant 16 : index
              %get3A_419 = tpu.vector_load %arg7[%get3A_417, %get3A_418] {strides = array<i32>} : memref<160x256xf32, #tpu.memory_space<vmem>>, vector<16xf32>,
              %add3A_420 = arith.addi %multiple_of3A_240, %mul3A_302 : i32
              %add3A_421 = arith.constant 7 : i32
              %add3A_422 = arith.addi %add3A_420, %add3A_421 : i32
              %get3A_423 = arith.index_cast %add3A_422 : i32 to index
              %get3A_424 = arith.constant 16 : index
              %get3A_425 = tpu.vector_load %arg7[%get3A_423, %get3A_424] {strides = array<i32>} : memref<160x256xf32, #tpu.memory_space<vmem>>, vector<16xf32>,
              %add3A_426 = arith.addf %get3A_383, %get3A_389 : vector<16xf32>
              %add3A_427 = arith.addf %get3A_395, %get3A_401 : vector<16xf32>
              %add3A_428 = arith.addf %get3A_407, %get3A_413 : vector<16xf32>
              %add3A_429 = arith.addf %get3A_419, %get3A_425 : vector<16xf32>
              %add3A_430 = arith.addf %add3A_426, %add3A_427 : vector<16xf32>
              %add3A_431 = arith.addf %add3A_428, %add3A_429 : vector<16xf32>
              %add3A_432 = arith.addf %add3A_430, %add3A_431 : vector<16xf32>
              %add3A_433 = arith.addf %scan3A_270, %add3A_432 : vector<16xf32>
              %max3A_434 = arith.maximumf %get3A_383, %get3A_389 : vector<16xf32>
              %max3A_435 = arith.maximumf %get3A_395, %get3A_401 : vector<16xf32>
              %max3A_436 = arith.maximumf %get3A_407, %get3A_413 : vector<16xf32>
              %max3A_437 = arith.maximumf %get3A_419, %get3A_425 : vector<16xf32>
              %max3A_438 = arith.maximumf %max3A_434, %max3A_435 : vector<16xf32>
              %max3A_439 = arith.maximumf %max3A_436, %max3A_437 : vector<16xf32>
              %max3A_440 = arith.maximumf %max3A_438, %max3A_439 : vector<16xf32>
              %max3A_441 = arith.maximumf %scan3A_286, %max3A_440 : vector<16xf32>
              %add3A_442 = arith.addi %multiple_of3A_240, %mul3A_302 : i32
              %add3A_443 = arith.constant 0 : i32
              %add3A_444 = arith.addi %add3A_442, %add3A_443 : i32
              %get3A_445 = arith.index_cast %add3A_444 : i32 to index
              %get3A_446 = arith.constant 32 : index
              %get3A_447 = tpu.vector_load %arg7[%get3A_445, %get3A_446] {strides = array<i32>} : memref<160x256xf32, #tpu.memory_space<vmem>>, vector<16xf32>,
              %add3A_448 = arith.addi %multiple_of3A_240, %mul3A_302 : i32
              %add3A_449 = arith.constant 1 : i32
              %add3A_450 = arith.addi %add3A_448, %add3A_449 : i32
              %get3A_451 = arith.index_cast %add3A_450 : i32 to index
              %get3A_452 = arith.constant 32 : index
              %get3A_453 = tpu.vector_load %arg7[%get3A_451, %get3A_452] {strides = array<i32>} : memref<160x256xf32, #tpu.memory_space<vmem>>, vector<16xf32>,
              %add3A_454 = arith.addi %multiple_of3A_240, %mul3A_302 : i32
              %add3A_455 = arith.constant 2 : i32
              %add3A_456 = arith.addi %add3A_454, %add3A_455 : i32
              %get3A_457 = arith.index_cast %add3A_456 : i32 to index
              %get3A_458 = arith.constant 32 : index
              %get3A_459 = tpu.vector_load %arg7[%get3A_457, %get3A_458] {strides = array<i32>} : memref<160x256xf32, #tpu.memory_space<vmem>>, vector<16xf32>,
              %add3A_460 = arith.addi %multiple_of3A_240, %mul3A_302 : i32
              %add3A_461 = arith.constant 3 : i32
              %add3A_462 = arith.addi %add3A_460, %add3A_461 : i32
              %get3A_463 = arith.index_cast %add3A_462 : i32 to index
              %get3A_464 = arith.constant 32 : index
              %get3A_465 = tpu.vector_load %arg7[%get3A_463, %get3A_464] {strides = array<i32>} : memref<160x256xf32, #tpu.memory_space<vmem>>, vector<16xf32>,
              %add3A_466 = arith.addi %multiple_of3A_240, %mul3A_302 : i32
              %add3A_467 = arith.constant 4 : i32
              %add3A_468 = arith.addi %add3A_466, %add3A_467 : i32
              %get3A_469 = arith.index_cast %add3A_468 : i32 to index
              %get3A_470 = arith.constant 32 : index
              %get3A_471 = tpu.vector_load %arg7[%get3A_469, %get3A_470] {strides = array<i32>} : memref<160x256xf32, #tpu.memory_space<vmem>>, vector<16xf32>,
              %add3A_472 = arith.addi %multiple_of3A_240, %mul3A_302 : i32
              %add3A_473 = arith.constant 5 : i32
              %add3A_474 = arith.addi %add3A_472, %add3A_473 : i32
              %get3A_475 = arith.index_cast %add3A_474 : i32 to index
              %get3A_476 = arith.constant 32 : index
              %get3A_477 = tpu.vector_load %arg7[%get3A_475, %get3A_476] {strides = array<i32>} : memref<160x256xf32, #tpu.memory_space<vmem>>, vector<16xf32>,
              %add3A_478 = arith.addi %multiple_of3A_240, %mul3A_302 : i32
              %add3A_479 = arith.constant 6 : i32
              %add3A_480 = arith.addi %add3A_478, %add3A_479 : i32
              %get3A_481 = arith.index_cast %add3A_480 : i32 to index
              %get3A_482 = arith.constant 32 : index
              %get3A_483 = tpu.vector_load %arg7[%get3A_481, %get3A_482] {strides = array<i32>} : memref<160x256xf32, #tpu.memory_space<vmem>>, vector<16xf32>,
              %add3A_484 = arith.addi %multiple_of3A_240, %mul3A_302 : i32
              %add3A_485 = arith.constant 7 : i32
              %add3A_486 = arith.addi %add3A_484, %add3A_485 : i32
              %get3A_487 = arith.index_cast %add3A_486 : i32 to index
              %get3A_488 = arith.constant 32 : index
              %get3A_489 = tpu.vector_load %arg7[%get3A_487, %get3A_488] {strides = array<i32>} : memref<160x256xf32, #tpu.memory_space<vmem>>, vector<16xf32>,
              %add3A_490 = arith.addf %get3A_447, %get3A_453 : vector<16xf32>
              %add3A_491 = arith.addf %get3A_459, %get3A_465 : vector<16xf32>
              %add3A_492 = arith.addf %get3A_471, %get3A_477 : vector<16xf32>
              %add3A_493 = arith.addf %get3A_483, %get3A_489 : vector<16xf32>
              %add3A_494 = arith.addf %add3A_490, %add3A_491 : vector<16xf32>
              %add3A_495 = arith.addf %add3A_492, %add3A_493 : vector<16xf32>
              %add3A_496 = arith.addf %add3A_494, %add3A_495 : vector<16xf32>
              %add3A_497 = arith.addf %scan3A_271, %add3A_496 : vector<16xf32>
              %max3A_498 = arith.maximumf %get3A_447, %get3A_453 : vector<16xf32>
              %max3A_499 = arith.maximumf %get3A_459, %get3A_465 : vector<16xf32>
              %max3A_500 = arith.maximumf %get3A_471, %get3A_477 : vector<16xf32>
              %max3A_501 = arith.maximumf %get3A_483, %get3A_489 : vector<16xf32>
              %max3A_502 = arith.maximumf %max3A_498, %max3A_499 : vector<16xf32>
              %max3A_503 = arith.maximumf %max3A_500, %max3A_501 : vector<16xf32>
              %max3A_504 = arith.maximumf %max3A_502, %max3A_503 : vector<16xf32>
              %max3A_505 = arith.maximumf %scan3A_287, %max3A_504 : vector<16xf32>
              %add3A_506 = arith.addi %multiple_of3A_240, %mul3A_302 : i32
              %add3A_507 = arith.constant 0 : i32
              %add3A_508 = arith.addi %add3A_506, %add3A_507 : i32
              %get3A_509 = arith.index_cast %add3A_508 : i32 to index
              %get3A_510 = arith.constant 48 : index
              %get3A_511 = tpu.vector_load %arg7[%get3A_509, %get3A_510] {strides = array<i32>} : memref<160x256xf32, #tpu.memory_space<vmem>>, vector<16xf32>,
              %add3A_512 = arith.addi %multiple_of3A_240, %mul3A_302 : i32
              %add3A_513 = arith.constant 1 : i32
              %add3A_514 = arith.addi %add3A_512, %add3A_513 : i32
              %get3A_515 = arith.index_cast %add3A_514 : i32 to index
              %get3A_516 = arith.constant 48 : index
              %get3A_517 = tpu.vector_load %arg7[%get3A_515, %get3A_516] {strides = array<i32>} : memref<160x256xf32, #tpu.memory_space<vmem>>, vector<16xf32>,
              %add3A_518 = arith.addi %multiple_of3A_240, %mul3A_302 : i32
              %add3A_519 = arith.constant 2 : i32
              %add3A_520 = arith.addi %add3A_518, %add3A_519 : i32
              %get3A_521 = arith.index_cast %add3A_520 : i32 to index
              %get3A_522 = arith.constant 48 : index
              %get3A_523 = tpu.vector_load %arg7[%get3A_521, %get3A_522] {strides = array<i32>} : memref<160x256xf32, #tpu.memory_space<vmem>>, vector<16xf32>,
              %add3A_524 = arith.addi %multiple_of3A_240, %mul3A_302 : i32
              %add3A_525 = arith.constant 3 : i32
              %add3A_526 = arith.addi %add3A_524, %add3A_525 : i32
              %get3A_527 = arith.index_cast %add3A_526 : i32 to index
              %get3A_528 = arith.constant 48 : index
              %get3A_529 = tpu.vector_load %arg7[%get3A_527, %get3A_528] {strides = array<i32>} : memref<160x256xf32, #tpu.memory_space<vmem>>, vector<16xf32>,
              %add3A_530 = arith.addi %multiple_of3A_240, %mul3A_302 : i32
              %add3A_531 = arith.constant 4 : i32
              %add3A_532 = arith.addi %add3A_530, %add3A_531 : i32
              %get3A_533 = arith.index_cast %add3A_532 : i32 to index
              %get3A_534 = arith.constant 48 : index
              %get3A_535 = tpu.vector_load %arg7[%get3A_533, %get3A_534] {strides = array<i32>} : memref<160x256xf32, #tpu.memory_space<vmem>>, vector<16xf32>,
              %add3A_536 = arith.addi %multiple_of3A_240, %mul3A_302 : i32
              %add3A_537 = arith.constant 5 : i32
              %add3A_538 = arith.addi %add3A_536, %add3A_537 : i32
              %get3A_539 = arith.index_cast %add3A_538 : i32 to index
              %get3A_540 = arith.constant 48 : index
              %get3A_541 = tpu.vector_load %arg7[%get3A_539, %get3A_540] {strides = array<i32>} : memref<160x256xf32, #tpu.memory_space<vmem>>, vector<16xf32>,
              %add3A_542 = arith.addi %multiple_of3A_240, %mul3A_302 : i32
              %add3A_543 = arith.constant 6 : i32
              %add3A_544 = arith.addi %add3A_542, %add3A_543 : i32
              %get3A_545 = arith.index_cast %add3A_544 : i32 to index
              %get3A_546 = arith.constant 48 : index
              %get3A_547 = tpu.vector_load %arg7[%get3A_545, %get3A_546] {strides = array<i32>} : memref<160x256xf32, #tpu.memory_space<vmem>>, vector<16xf32>,
              %add3A_548 = arith.addi %multiple_of3A_240, %mul3A_302 : i32
              %add3A_549 = arith.constant 7 : i32
              %add3A_550 = arith.addi %add3A_548, %add3A_549 : i32
              %get3A_551 = arith.index_cast %add3A_550 : i32 to index
              %get3A_552 = arith.constant 48 : index
              %get3A_553 = tpu.vector_load %arg7[%get3A_551, %get3A_552] {strides = array<i32>} : memref<160x256xf32, #tpu.memory_space<vmem>>, vector<16xf32>,
              %add3A_554 = arith.addf %get3A_511, %get3A_517 : vector<16xf32>
              %add3A_555 = arith.addf %get3A_523, %get3A_529 : vector<16xf32>
              %add3A_556 = arith.addf %get3A_535, %get3A_541 : vector<16xf32>
              %add3A_557 = arith.addf %get3A_547, %get3A_553 : vector<16xf32>
              %add3A_558 = arith.addf %add3A_554, %add3A_555 : vector<16xf32>
              %add3A_559 = arith.addf %add3A_556, %add3A_557 : vector<16xf32>
              %add3A_560 = arith.addf %add3A_558, %add3A_559 : vector<16xf32>
              %add3A_561 = arith.addf %scan3A_272, %add3A_560 : vector<16xf32>
              %max3A_562 = arith.maximumf %get3A_511, %get3A_517 : vector<16xf32>
              %max3A_563 = arith.maximumf %get3A_523, %get3A_529 : vector<16xf32>
              %max3A_564 = arith.maximumf %get3A_535, %get3A_541 : vector<16xf32>
              %max3A_565 = arith.maximumf %get3A_547, %get3A_553 : vector<16xf32>
              %max3A_566 = arith.maximumf %max3A_562, %max3A_563 : vector<16xf32>
              %max3A_567 = arith.maximumf %max3A_564, %max3A_565 : vector<16xf32>
              %max3A_568 = arith.maximumf %max3A_566, %max3A_567 : vector<16xf32>
              %max3A_569 = arith.maximumf %scan3A_288, %max3A_568 : vector<16xf32>
              %add3A_570 = arith.addi %multiple_of3A_240, %mul3A_302 : i32
              %add3A_571 = arith.constant 0 : i32
              %add3A_572 = arith.addi %add3A_570, %add3A_571 : i32
              %get3A_573 = arith.index_cast %add3A_572 : i32 to index
              %get3A_574 = arith.constant 64 : index
              %get3A_575 = tpu.vector_load %arg7[%get3A_573, %get3A_574] {strides = array<i32>} : memref<160x256xf32, #tpu.memory_space<vmem>>, vector<16xf32>,
              %add3A_576 = arith.addi %multiple_of3A_240, %mul3A_302 : i32
              %add3A_577 = arith.constant 1 : i32
              %add3A_578 = arith.addi %add3A_576, %add3A_577 : i32
              %get3A_579 = arith.index_cast %add3A_578 : i32 to index
              %get3A_580 = arith.constant 64 : index
              %get3A_581 = tpu.vector_load %arg7[%get3A_579, %get3A_580] {strides = array<i32>} : memref<160x256xf32, #tpu.memory_space<vmem>>, vector<16xf32>,
              %add3A_582 = arith.addi %multiple_of3A_240, %mul3A_302 : i32
              %add3A_583 = arith.constant 2 : i32
              %add3A_584 = arith.addi %add3A_582, %add3A_583 : i32
              %get3A_585 = arith.index_cast %add3A_584 : i32 to index
              %get3A_586 = arith.constant 64 : index
              %get3A_587 = tpu.vector_load %arg7[%get3A_585, %get3A_586] {strides = array<i32>} : memref<160x256xf32, #tpu.memory_space<vmem>>, vector<16xf32>,
              %add3A_588 = arith.addi %multiple_of3A_240, %mul3A_302 : i32
              %add3A_589 = arith.constant 3 : i32
              %add3A_590 = arith.addi %add3A_588, %add3A_589 : i32
              %get3A_591 = arith.index_cast %add3A_590 : i32 to index
              %get3A_592 = arith.constant 64 : index
              %get3A_593 = tpu.vector_load %arg7[%get3A_591, %get3A_592] {strides = array<i32>} : memref<160x256xf32, #tpu.memory_space<vmem>>, vector<16xf32>,
              %add3A_594 = arith.addi %multiple_of3A_240, %mul3A_302 : i32
              %add3A_595 = arith.constant 4 : i32
              %add3A_596 = arith.addi %add3A_594, %add3A_595 : i32
              %get3A_597 = arith.index_cast %add3A_596 : i32 to index
              %get3A_598 = arith.constant 64 : index
              %get3A_599 = tpu.vector_load %arg7[%get3A_597, %get3A_598] {strides = array<i32>} : memref<160x256xf32, #tpu.memory_space<vmem>>, vector<16xf32>,
              %add3A_600 = arith.addi %multiple_of3A_240, %mul3A_302 : i32
              %add3A_601 = arith.constant 5 : i32
              %add3A_602 = arith.addi %add3A_600, %add3A_601 : i32
              %get3A_603 = arith.index_cast %add3A_602 : i32 to index
              %get3A_604 = arith.constant 64 : index
              %get3A_605 = tpu.vector_load %arg7[%get3A_603, %get3A_604] {strides = array<i32>} : memref<160x256xf32, #tpu.memory_space<vmem>>, vector<16xf32>,
              %add3A_606 = arith.addi %multiple_of3A_240, %mul3A_302 : i32
              %add3A_607 = arith.constant 6 : i32
              %add3A_608 = arith.addi %add3A_606, %add3A_607 : i32
              %get3A_609 = arith.index_cast %add3A_608 : i32 to index
              %get3A_610 = arith.constant 64 : index
              %get3A_611 = tpu.vector_load %arg7[%get3A_609, %get3A_610] {strides = array<i32>} : memref<160x256xf32, #tpu.memory_space<vmem>>, vector<16xf32>,
              %add3A_612 = arith.addi %multiple_of3A_240, %mul3A_302 : i32
              %add3A_613 = arith.constant 7 : i32
              %add3A_614 = arith.addi %add3A_612, %add3A_613 : i32
              %get3A_615 = arith.index_cast %add3A_614 : i32 to index
              %get3A_616 = arith.constant 64 : index
              %get3A_617 = tpu.vector_load %arg7[%get3A_615, %get3A_616] {strides = array<i32>} : memref<160x256xf32, #tpu.memory_space<vmem>>, vector<16xf32>,
              %add3A_618 = arith.addf %get3A_575, %get3A_581 : vector<16xf32>
              %add3A_619 = arith.addf %get3A_587, %get3A_593 : vector<16xf32>
              %add3A_620 = arith.addf %get3A_599, %get3A_605 : vector<16xf32>
              %add3A_621 = arith.addf %get3A_611, %get3A_617 : vector<16xf32>
              %add3A_622 = arith.addf %add3A_618, %add3A_619 : vector<16xf32>
              %add3A_623 = arith.addf %add3A_620, %add3A_621 : vector<16xf32>
              %add3A_624 = arith.addf %add3A_622, %add3A_623 : vector<16xf32>
              %add3A_625 = arith.addf %scan3A_273, %add3A_624 : vector<16xf32>
              %max3A_626 = arith.maximumf %get3A_575, %get3A_581 : vector<16xf32>
              %max3A_627 = arith.maximumf %get3A_587, %get3A_593 : vector<16xf32>
              %max3A_628 = arith.maximumf %get3A_599, %get3A_605 : vector<16xf32>
              %max3A_629 = arith.maximumf %get3A_611, %get3A_617 : vector<16xf32>
              %max3A_630 = arith.maximumf %max3A_626, %max3A_627 : vector<16xf32>
              %max3A_631 = arith.maximumf %max3A_628, %max3A_629 : vector<16xf32>
              %max3A_632 = arith.maximumf %max3A_630, %max3A_631 : vector<16xf32>
              %max3A_633 = arith.maximumf %scan3A_289, %max3A_632 : vector<16xf32>
              %add3A_634 = arith.addi %multiple_of3A_240, %mul3A_302 : i32
              %add3A_635 = arith.constant 0 : i32
              %add3A_636 = arith.addi %add3A_634, %add3A_635 : i32
              %get3A_637 = arith.index_cast %add3A_636 : i32 to index
              %get3A_638 = arith.constant 80 : index
              %get3A_639 = tpu.vector_load %arg7[%get3A_637, %get3A_638] {strides = array<i32>} : memref<160x256xf32, #tpu.memory_space<vmem>>, vector<16xf32>,
              %add3A_640 = arith.addi %multiple_of3A_240, %mul3A_302 : i32
              %add3A_641 = arith.constant 1 : i32
              %add3A_642 = arith.addi %add3A_640, %add3A_641 : i32
              %get3A_643 = arith.index_cast %add3A_642 : i32 to index
              %get3A_644 = arith.constant 80 : index
              %get3A_645 = tpu.vector_load %arg7[%get3A_643, %get3A_644] {strides = array<i32>} : memref<160x256xf32, #tpu.memory_space<vmem>>, vector<16xf32>,
              %add3A_646 = arith.addi %multiple_of3A_240, %mul3A_302 : i32
              %add3A_647 = arith.constant 2 : i32
              %add3A_648 = arith.addi %add3A_646, %add3A_647 : i32
              %get3A_649 = arith.index_cast %add3A_648 : i32 to index
              %get3A_650 = arith.constant 80 : index
              %get3A_651 = tpu.vector_load %arg7[%get3A_649, %get3A_650] {strides = array<i32>} : memref<160x256xf32, #tpu.memory_space<vmem>>, vector<16xf32>,
              %add3A_652 = arith.addi %multiple_of3A_240, %mul3A_302 : i32
              %add3A_653 = arith.constant 3 : i32
              %add3A_654 = arith.addi %add3A_652, %add3A_653 : i32
              %get3A_655 = arith.index_cast %add3A_654 : i32 to index
              %get3A_656 = arith.constant 80 : index
              %get3A_657 = tpu.vector_load %arg7[%get3A_655, %get3A_656] {strides = array<i32>} : memref<160x256xf32, #tpu.memory_space<vmem>>, vector<16xf32>,
              %add3A_658 = arith.addi %multiple_of3A_240, %mul3A_302 : i32
              %add3A_659 = arith.constant 4 : i32
              %add3A_660 = arith.addi %add3A_658, %add3A_659 : i32
              %get3A_661 = arith.index_cast %add3A_660 : i32 to index
              %get3A_662 = arith.constant 80 : index
              %get3A_663 = tpu.vector_load %arg7[%get3A_661, %get3A_662] {strides = array<i32>} : memref<160x256xf32, #tpu.memory_space<vmem>>, vector<16xf32>,
              %add3A_664 = arith.addi %multiple_of3A_240, %mul3A_302 : i32
              %add3A_665 = arith.constant 5 : i32
              %add3A_666 = arith.addi %add3A_664, %add3A_665 : i32
              %get3A_667 = arith.index_cast %add3A_666 : i32 to index
              %get3A_668 = arith.constant 80 : index
              %get3A_669 = tpu.vector_load %arg7[%get3A_667, %get3A_668] {strides = array<i32>} : memref<160x256xf32, #tpu.memory_space<vmem>>, vector<16xf32>,
              %add3A_670 = arith.addi %multiple_of3A_240, %mul3A_302 : i32
              %add3A_671 = arith.constant 6 : i32
              %add3A_672 = arith.addi %add3A_670, %add3A_671 : i32
              %get3A_673 = arith.index_cast %add3A_672 : i32 to index
              %get3A_674 = arith.constant 80 : index
              %get3A_675 = tpu.vector_load %arg7[%get3A_673, %get3A_674] {strides = array<i32>} : memref<160x256xf32, #tpu.memory_space<vmem>>, vector<16xf32>,
              %add3A_676 = arith.addi %multiple_of3A_240, %mul3A_302 : i32
              %add3A_677 = arith.constant 7 : i32
              %add3A_678 = arith.addi %add3A_676, %add3A_677 : i32
              %get3A_679 = arith.index_cast %add3A_678 : i32 to index
              %get3A_680 = arith.constant 80 : index
              %get3A_681 = tpu.vector_load %arg7[%get3A_679, %get3A_680] {strides = array<i32>} : memref<160x256xf32, #tpu.memory_space<vmem>>, vector<16xf32>,
              %add3A_682 = arith.addf %get3A_639, %get3A_645 : vector<16xf32>
              %add3A_683 = arith.addf %get3A_651, %get3A_657 : vector<16xf32>
              %add3A_684 = arith.addf %get3A_663, %get3A_669 : vector<16xf32>
              %add3A_685 = arith.addf %get3A_675, %get3A_681 : vector<16xf32>
              %add3A_686 = arith.addf %add3A_682, %add3A_683 : vector<16xf32>
              %add3A_687 = arith.addf %add3A_684, %add3A_685 : vector<16xf32>
              %add3A_688 = arith.addf %add3A_686, %add3A_687 : vector<16xf32>
              %add3A_689 = arith.addf %scan3A_274, %add3A_688 : vector<16xf32>
              %max3A_690 = arith.maximumf %get3A_639, %get3A_645 : vector<16xf32>
              %max3A_691 = arith.maximumf %get3A_651, %get3A_657 : vector<16xf32>
              %max3A_692 = arith.maximumf %get3A_663, %get3A_669 : vector<16xf32>
              %max3A_693 = arith.maximumf %get3A_675, %get3A_681 : vector<16xf32>
              %max3A_694 = arith.maximumf %max3A_690, %max3A_691 : vector<16xf32>
              %max3A_695 = arith.maximumf %max3A_692, %max3A_693 : vector<16xf32>
              %max3A_696 = arith.maximumf %max3A_694, %max3A_695 : vector<16xf32>
              %max3A_697 = arith.maximumf %scan3A_290, %max3A_696 : vector<16xf32>
              %add3A_698 = arith.addi %multiple_of3A_240, %mul3A_302 : i32
              %add3A_699 = arith.constant 0 : i32
              %add3A_700 = arith.addi %add3A_698, %add3A_699 : i32
              %get3A_701 = arith.index_cast %add3A_700 : i32 to index
              %get3A_702 = arith.constant 96 : index
              %get3A_703 = tpu.vector_load %arg7[%get3A_701, %get3A_702] {strides = array<i32>} : memref<160x256xf32, #tpu.memory_space<vmem>>, vector<16xf32>,
              %add3A_704 = arith.addi %multiple_of3A_240, %mul3A_302 : i32
              %add3A_705 = arith.constant 1 : i32
              %add3A_706 = arith.addi %add3A_704, %add3A_705 : i32
              %get3A_707 = arith.index_cast %add3A_706 : i32 to index
              %get3A_708 = arith.constant 96 : index
              %get3A_709 = tpu.vector_load %arg7[%get3A_707, %get3A_708] {strides = array<i32>} : memref<160x256xf32, #tpu.memory_space<vmem>>, vector<16xf32>,
              %add3A_710 = arith.addi %multiple_of3A_240, %mul3A_302 : i32
              %add3A_711 = arith.constant 2 : i32
              %add3A_712 = arith.addi %add3A_710, %add3A_711 : i32
              %get3A_713 = arith.index_cast %add3A_712 : i32 to index
              %get3A_714 = arith.constant 96 : index
              %get3A_715 = tpu.vector_load %arg7[%get3A_713, %get3A_714] {strides = array<i32>} : memref<160x256xf32, #tpu.memory_space<vmem>>, vector<16xf32>,
              %add3A_716 = arith.addi %multiple_of3A_240, %mul3A_302 : i32
              %add3A_717 = arith.constant 3 : i32
              %add3A_718 = arith.addi %add3A_716, %add3A_717 : i32
              %get3A_719 = arith.index_cast %add3A_718 : i32 to index
              %get3A_720 = arith.constant 96 : index
              %get3A_721 = tpu.vector_load %arg7[%get3A_719, %get3A_720] {strides = array<i32>} : memref<160x256xf32, #tpu.memory_space<vmem>>, vector<16xf32>,
              %add3A_722 = arith.addi %multiple_of3A_240, %mul3A_302 : i32
              %add3A_723 = arith.constant 4 : i32
              %add3A_724 = arith.addi %add3A_722, %add3A_723 : i32
              %get3A_725 = arith.index_cast %add3A_724 : i32 to index
              %get3A_726 = arith.constant 96 : index
              %get3A_727 = tpu.vector_load %arg7[%get3A_725, %get3A_726] {strides = array<i32>} : memref<160x256xf32, #tpu.memory_space<vmem>>, vector<16xf32>,
              %add3A_728 = arith.addi %multiple_of3A_240, %mul3A_302 : i32
              %add3A_729 = arith.constant 5 : i32
              %add3A_730 = arith.addi %add3A_728, %add3A_729 : i32
              %get3A_731 = arith.index_cast %add3A_730 : i32 to index
              %get3A_732 = arith.constant 96 : index
              %get3A_733 = tpu.vector_load %arg7[%get3A_731, %get3A_732] {strides = array<i32>} : memref<160x256xf32, #tpu.memory_space<vmem>>, vector<16xf32>,
              %add3A_734 = arith.addi %multiple_of3A_240, %mul3A_302 : i32
              %add3A_735 = arith.constant 6 : i32
              %add3A_736 = arith.addi %add3A_734, %add3A_735 : i32
              %get3A_737 = arith.index_cast %add3A_736 : i32 to index
              %get3A_738 = arith.constant 96 : index
              %get3A_739 = tpu.vector_load %arg7[%get3A_737, %get3A_738] {strides = array<i32>} : memref<160x256xf32, #tpu.memory_space<vmem>>, vector<16xf32>,
              %add3A_740 = arith.addi %multiple_of3A_240, %mul3A_302 : i32
              %add3A_741 = arith.constant 7 : i32
              %add3A_742 = arith.addi %add3A_740, %add3A_741 : i32
              %get3A_743 = arith.index_cast %add3A_742 : i32 to index
              %get3A_744 = arith.constant 96 : index
              %get3A_745 = tpu.vector_load %arg7[%get3A_743, %get3A_744] {strides = array<i32>} : memref<160x256xf32, #tpu.memory_space<vmem>>, vector<16xf32>,
              %add3A_746 = arith.addf %get3A_703, %get3A_709 : vector<16xf32>
              %add3A_747 = arith.addf %get3A_715, %get3A_721 : vector<16xf32>
              %add3A_748 = arith.addf %get3A_727, %get3A_733 : vector<16xf32>
              %add3A_749 = arith.addf %get3A_739, %get3A_745 : vector<16xf32>
              %add3A_750 = arith.addf %add3A_746, %add3A_747 : vector<16xf32>
              %add3A_751 = arith.addf %add3A_748, %add3A_749 : vector<16xf32>
              %add3A_752 = arith.addf %add3A_750, %add3A_751 : vector<16xf32>
              %add3A_753 = arith.addf %scan3A_275, %add3A_752 : vector<16xf32>
              %max3A_754 = arith.maximumf %get3A_703, %get3A_709 : vector<16xf32>
              %max3A_755 = arith.maximumf %get3A_715, %get3A_721 : vector<16xf32>
              %max3A_756 = arith.maximumf %get3A_727, %get3A_733 : vector<16xf32>
              %max3A_757 = arith.maximumf %get3A_739, %get3A_745 : vector<16xf32>
              %max3A_758 = arith.maximumf %max3A_754, %max3A_755 : vector<16xf32>
              %max3A_759 = arith.maximumf %max3A_756, %max3A_757 : vector<16xf32>
              %max3A_760 = arith.maximumf %max3A_758, %max3A_759 : vector<16xf32>
              %max3A_761 = arith.maximumf %scan3A_291, %max3A_760 : vector<16xf32>
              %add3A_762 = arith.addi %multiple_of3A_240, %mul3A_302 : i32
              %add3A_763 = arith.constant 0 : i32
              %add3A_764 = arith.addi %add3A_762, %add3A_763 : i32
              %get3A_765 = arith.index_cast %add3A_764 : i32 to index
              %get3A_766 = arith.constant 112 : index
              %get3A_767 = tpu.vector_load %arg7[%get3A_765, %get3A_766] {strides = array<i32>} : memref<160x256xf32, #tpu.memory_space<vmem>>, vector<16xf32>,
              %add3A_768 = arith.addi %multiple_of3A_240, %mul3A_302 : i32
              %add3A_769 = arith.constant 1 : i32
              %add3A_770 = arith.addi %add3A_768, %add3A_769 : i32
              %get3A_771 = arith.index_cast %add3A_770 : i32 to index
              %get3A_772 = arith.constant 112 : index
              %get3A_773 = tpu.vector_load %arg7[%get3A_771, %get3A_772] {strides = array<i32>} : memref<160x256xf32, #tpu.memory_space<vmem>>, vector<16xf32>,
              %add3A_774 = arith.addi %multiple_of3A_240, %mul3A_302 : i32
              %add3A_775 = arith.constant 2 : i32
              %add3A_776 = arith.addi %add3A_774, %add3A_775 : i32
              %get3A_777 = arith.index_cast %add3A_776 : i32 to index
              %get3A_778 = arith.constant 112 : index
              %get3A_779 = tpu.vector_load %arg7[%get3A_777, %get3A_778] {strides = array<i32>} : memref<160x256xf32, #tpu.memory_space<vmem>>, vector<16xf32>,
              %add3A_780 = arith.addi %multiple_of3A_240, %mul3A_302 : i32
              %add3A_781 = arith.constant 3 : i32
              %add3A_782 = arith.addi %add3A_780, %add3A_781 : i32
              %get3A_783 = arith.index_cast %add3A_782 : i32 to index
              %get3A_784 = arith.constant 112 : index
              %get3A_785 = tpu.vector_load %arg7[%get3A_783, %get3A_784] {strides = array<i32>} : memref<160x256xf32, #tpu.memory_space<vmem>>, vector<16xf32>,
              %add3A_786 = arith.addi %multiple_of3A_240, %mul3A_302 : i32
              %add3A_787 = arith.constant 4 : i32
              %add3A_788 = arith.addi %add3A_786, %add3A_787 : i32
              %get3A_789 = arith.index_cast %add3A_788 : i32 to index
              %get3A_790 = arith.constant 112 : index
              %get3A_791 = tpu.vector_load %arg7[%get3A_789, %get3A_790] {strides = array<i32>} : memref<160x256xf32, #tpu.memory_space<vmem>>, vector<16xf32>,
              %add3A_792 = arith.addi %multiple_of3A_240, %mul3A_302 : i32
              %add3A_793 = arith.constant 5 : i32
              %add3A_794 = arith.addi %add3A_792, %add3A_793 : i32
              %get3A_795 = arith.index_cast %add3A_794 : i32 to index
              %get3A_796 = arith.constant 112 : index
              %get3A_797 = tpu.vector_load %arg7[%get3A_795, %get3A_796] {strides = array<i32>} : memref<160x256xf32, #tpu.memory_space<vmem>>, vector<16xf32>,
              %add3A_798 = arith.addi %multiple_of3A_240, %mul3A_302 : i32
              %add3A_799 = arith.constant 6 : i32
              %add3A_800 = arith.addi %add3A_798, %add3A_799 : i32
              %get3A_801 = arith.index_cast %add3A_800 : i32 to index
              %get3A_802 = arith.constant 112 : index
              %get3A_803 = tpu.vector_load %arg7[%get3A_801, %get3A_802] {strides = array<i32>} : memref<160x256xf32, #tpu.memory_space<vmem>>, vector<16xf32>,
              %add3A_804 = arith.addi %multiple_of3A_240, %mul3A_302 : i32
              %add3A_805 = arith.constant 7 : i32
              %add3A_806 = arith.addi %add3A_804, %add3A_805 : i32
              %get3A_807 = arith.index_cast %add3A_806 : i32 to index
              %get3A_808 = arith.constant 112 : index
              %get3A_809 = tpu.vector_load %arg7[%get3A_807, %get3A_808] {strides = array<i32>} : memref<160x256xf32, #tpu.memory_space<vmem>>, vector<16xf32>,
              %add3A_810 = arith.addf %get3A_767, %get3A_773 : vector<16xf32>
              %add3A_811 = arith.addf %get3A_779, %get3A_785 : vector<16xf32>
              %add3A_812 = arith.addf %get3A_791, %get3A_797 : vector<16xf32>
              %add3A_813 = arith.addf %get3A_803, %get3A_809 : vector<16xf32>
              %add3A_814 = arith.addf %add3A_810, %add3A_811 : vector<16xf32>
              %add3A_815 = arith.addf %add3A_812, %add3A_813 : vector<16xf32>
              %add3A_816 = arith.addf %add3A_814, %add3A_815 : vector<16xf32>
              %add3A_817 = arith.addf %scan3A_276, %add3A_816 : vector<16xf32>
              %max3A_818 = arith.maximumf %get3A_767, %get3A_773 : vector<16xf32>
              %max3A_819 = arith.maximumf %get3A_779, %get3A_785 : vector<16xf32>
              %max3A_820 = arith.maximumf %get3A_791, %get3A_797 : vector<16xf32>
              %max3A_821 = arith.maximumf %get3A_803, %get3A_809 : vector<16xf32>
              %max3A_822 = arith.maximumf %max3A_818, %max3A_819 : vector<16xf32>
              %max3A_823 = arith.maximumf %max3A_820, %max3A_821 : vector<16xf32>
              %max3A_824 = arith.maximumf %max3A_822, %max3A_823 : vector<16xf32>
              %max3A_825 = arith.maximumf %scan3A_292, %max3A_824 : vector<16xf32>
              %add3A_826 = arith.addi %multiple_of3A_240, %mul3A_302 : i32
              %add3A_827 = arith.constant 0 : i32
              %add3A_828 = arith.addi %add3A_826, %add3A_827 : i32
              %get3A_829 = arith.index_cast %add3A_828 : i32 to index
              %get3A_830 = arith.constant 128 : index
              %get3A_831 = tpu.vector_load %arg7[%get3A_829, %get3A_830] {strides = array<i32>} : memref<160x256xf32, #tpu.memory_space<vmem>>, vector<16xf32>,
              %add3A_832 = arith.addi %multiple_of3A_240, %mul3A_302 : i32
              %add3A_833 = arith.constant 1 : i32
              %add3A_834 = arith.addi %add3A_832, %add3A_833 : i32
              %get3A_835 = arith.index_cast %add3A_834 : i32 to index
              %get3A_836 = arith.constant 128 : index
              %get3A_837 = tpu.vector_load %arg7[%get3A_835, %get3A_836] {strides = array<i32>} : memref<160x256xf32, #tpu.memory_space<vmem>>, vector<16xf32>,
              %add3A_838 = arith.addi %multiple_of3A_240, %mul3A_302 : i32
              %add3A_839 = arith.constant 2 : i32
              %add3A_840 = arith.addi %add3A_838, %add3A_839 : i32
              %get3A_841 = arith.index_cast %add3A_840 : i32 to index
              %get3A_842 = arith.constant 128 : index
              %get3A_843 = tpu.vector_load %arg7[%get3A_841, %get3A_842] {strides = array<i32>} : memref<160x256xf32, #tpu.memory_space<vmem>>, vector<16xf32>,
              %add3A_844 = arith.addi %multiple_of3A_240, %mul3A_302 : i32
              %add3A_845 = arith.constant 3 : i32
              %add3A_846 = arith.addi %add3A_844, %add3A_845 : i32
              %get3A_847 = arith.index_cast %add3A_846 : i32 to index
              %get3A_848 = arith.constant 128 : index
              %get3A_849 = tpu.vector_load %arg7[%get3A_847, %get3A_848] {strides = array<i32>} : memref<160x256xf32, #tpu.memory_space<vmem>>, vector<16xf32>,
              %add3A_850 = arith.addi %multiple_of3A_240, %mul3A_302 : i32
              %add3A_851 = arith.constant 4 : i32
              %add3A_852 = arith.addi %add3A_850, %add3A_851 : i32
              %get3A_853 = arith.index_cast %add3A_852 : i32 to index
              %get3A_854 = arith.constant 128 : index
              %get3A_855 = tpu.vector_load %arg7[%get3A_853, %get3A_854] {strides = array<i32>} : memref<160x256xf32, #tpu.memory_space<vmem>>, vector<16xf32>,
              %add3A_856 = arith.addi %multiple_of3A_240, %mul3A_302 : i32
              %add3A_857 = arith.constant 5 : i32
              %add3A_858 = arith.addi %add3A_856, %add3A_857 : i32
              %get3A_859 = arith.index_cast %add3A_858 : i32 to index
              %get3A_860 = arith.constant 128 : index
              %get3A_861 = tpu.vector_load %arg7[%get3A_859, %get3A_860] {strides = array<i32>} : memref<160x256xf32, #tpu.memory_space<vmem>>, vector<16xf32>,
              %add3A_862 = arith.addi %multiple_of3A_240, %mul3A_302 : i32
              %add3A_863 = arith.constant 6 : i32
              %add3A_864 = arith.addi %add3A_862, %add3A_863 : i32
              %get3A_865 = arith.index_cast %add3A_864 : i32 to index
              %get3A_866 = arith.constant 128 : index
              %get3A_867 = tpu.vector_load %arg7[%get3A_865, %get3A_866] {strides = array<i32>} : memref<160x256xf32, #tpu.memory_space<vmem>>, vector<16xf32>,
              %add3A_868 = arith.addi %multiple_of3A_240, %mul3A_302 : i32
              %add3A_869 = arith.constant 7 : i32
              %add3A_870 = arith.addi %add3A_868, %add3A_869 : i32
              %get3A_871 = arith.index_cast %add3A_870 : i32 to index
              %get3A_872 = arith.constant 128 : index
              %get3A_873 = tpu.vector_load %arg7[%get3A_871, %get3A_872] {strides = array<i32>} : memref<160x256xf32, #tpu.memory_space<vmem>>, vector<16xf32>,
              %add3A_874 = arith.addf %get3A_831, %get3A_837 : vector<16xf32>
              %add3A_875 = arith.addf %get3A_843, %get3A_849 : vector<16xf32>
              %add3A_876 = arith.addf %get3A_855, %get3A_861 : vector<16xf32>
              %add3A_877 = arith.addf %get3A_867, %get3A_873 : vector<16xf32>
              %add3A_878 = arith.addf %add3A_874, %add3A_875 : vector<16xf32>
              %add3A_879 = arith.addf %add3A_876, %add3A_877 : vector<16xf32>
              %add3A_880 = arith.addf %add3A_878, %add3A_879 : vector<16xf32>
              %add3A_881 = arith.addf %scan3A_277, %add3A_880 : vector<16xf32>
              %max3A_882 = arith.maximumf %get3A_831, %get3A_837 : vector<16xf32>
              %max3A_883 = arith.maximumf %get3A_843, %get3A_849 : vector<16xf32>
              %max3A_884 = arith.maximumf %get3A_855, %get3A_861 : vector<16xf32>
              %max3A_885 = arith.maximumf %get3A_867, %get3A_873 : vector<16xf32>
              %max3A_886 = arith.maximumf %max3A_882, %max3A_883 : vector<16xf32>
              %max3A_887 = arith.maximumf %max3A_884, %max3A_885 : vector<16xf32>
              %max3A_888 = arith.maximumf %max3A_886, %max3A_887 : vector<16xf32>
              %max3A_889 = arith.maximumf %scan3A_293, %max3A_888 : vector<16xf32>
              %add3A_890 = arith.addi %multiple_of3A_240, %mul3A_302 : i32
              %add3A_891 = arith.constant 0 : i32
              %add3A_892 = arith.addi %add3A_890, %add3A_891 : i32
              %get3A_893 = arith.index_cast %add3A_892 : i32 to index
              %get3A_894 = arith.constant 144 : index
              %get3A_895 = tpu.vector_load %arg7[%get3A_893, %get3A_894] {strides = array<i32>} : memref<160x256xf32, #tpu.memory_space<vmem>>, vector<16xf32>,
              %add3A_896 = arith.addi %multiple_of3A_240, %mul3A_302 : i32
              %add3A_897 = arith.constant 1 : i32
              %add3A_898 = arith.addi %add3A_896, %add3A_897 : i32
              %get3A_899 = arith.index_cast %add3A_898 : i32 to index
              %get3A_900 = arith.constant 144 : index
              %get3A_901 = tpu.vector_load %arg7[%get3A_899, %get3A_900] {strides = array<i32>} : memref<160x256xf32, #tpu.memory_space<vmem>>, vector<16xf32>,
              %add3A_902 = arith.addi %multiple_of3A_240, %mul3A_302 : i32
              %add3A_903 = arith.constant 2 : i32
              %add3A_904 = arith.addi %add3A_902, %add3A_903 : i32
              %get3A_905 = arith.index_cast %add3A_904 : i32 to index
              %get3A_906 = arith.constant 144 : index
              %get3A_907 = tpu.vector_load %arg7[%get3A_905, %get3A_906] {strides = array<i32>} : memref<160x256xf32, #tpu.memory_space<vmem>>, vector<16xf32>,
              %add3A_908 = arith.addi %multiple_of3A_240, %mul3A_302 : i32
              %add3A_909 = arith.constant 3 : i32
              %add3A_910 = arith.addi %add3A_908, %add3A_909 : i32
              %get3A_911 = arith.index_cast %add3A_910 : i32 to index
              %get3A_912 = arith.constant 144 : index
              %get3A_913 = tpu.vector_load %arg7[%get3A_911, %get3A_912] {strides = array<i32>} : memref<160x256xf32, #tpu.memory_space<vmem>>, vector<16xf32>,
              %add3A_914 = arith.addi %multiple_of3A_240, %mul3A_302 : i32
              %add3A_915 = arith.constant 4 : i32
              %add3A_916 = arith.addi %add3A_914, %add3A_915 : i32
              %get3A_917 = arith.index_cast %add3A_916 : i32 to index
              %get3A_918 = arith.constant 144 : index
              %get3A_919 = tpu.vector_load %arg7[%get3A_917, %get3A_918] {strides = array<i32>} : memref<160x256xf32, #tpu.memory_space<vmem>>, vector<16xf32>,
              %add3A_920 = arith.addi %multiple_of3A_240, %mul3A_302 : i32
              %add3A_921 = arith.constant 5 : i32
              %add3A_922 = arith.addi %add3A_920, %add3A_921 : i32
              %get3A_923 = arith.index_cast %add3A_922 : i32 to index
              %get3A_924 = arith.constant 144 : index
              %get3A_925 = tpu.vector_load %arg7[%get3A_923, %get3A_924] {strides = array<i32>} : memref<160x256xf32, #tpu.memory_space<vmem>>, vector<16xf32>,
              %add3A_926 = arith.addi %multiple_of3A_240, %mul3A_302 : i32
              %add3A_927 = arith.constant 6 : i32
              %add3A_928 = arith.addi %add3A_926, %add3A_927 : i32
              %get3A_929 = arith.index_cast %add3A_928 : i32 to index
              %get3A_930 = arith.constant 144 : index
              %get3A_931 = tpu.vector_load %arg7[%get3A_929, %get3A_930] {strides = array<i32>} : memref<160x256xf32, #tpu.memory_space<vmem>>, vector<16xf32>,
              %add3A_932 = arith.addi %multiple_of3A_240, %mul3A_302 : i32
              %add3A_933 = arith.constant 7 : i32
              %add3A_934 = arith.addi %add3A_932, %add3A_933 : i32
              %get3A_935 = arith.index_cast %add3A_934 : i32 to index
              %get3A_936 = arith.constant 144 : index
              %get3A_937 = tpu.vector_load %arg7[%get3A_935, %get3A_936] {strides = array<i32>} : memref<160x256xf32, #tpu.memory_space<vmem>>, vector<16xf32>,
              %add3A_938 = arith.addf %get3A_895, %get3A_901 : vector<16xf32>
              %add3A_939 = arith.addf %get3A_907, %get3A_913 : vector<16xf32>
              %add3A_940 = arith.addf %get3A_919, %get3A_925 : vector<16xf32>
              %add3A_941 = arith.addf %get3A_931, %get3A_937 : vector<16xf32>
              %add3A_942 = arith.addf %add3A_938, %add3A_939 : vector<16xf32>
              %add3A_943 = arith.addf %add3A_940, %add3A_941 : vector<16xf32>
              %add3A_944 = arith.addf %add3A_942, %add3A_943 : vector<16xf32>
              %add3A_945 = arith.addf %scan3A_278, %add3A_944 : vector<16xf32>
              %max3A_946 = arith.maximumf %get3A_895, %get3A_901 : vector<16xf32>
              %max3A_947 = arith.maximumf %get3A_907, %get3A_913 : vector<16xf32>
              %max3A_948 = arith.maximumf %get3A_919, %get3A_925 : vector<16xf32>
              %max3A_949 = arith.maximumf %get3A_931, %get3A_937 : vector<16xf32>
              %max3A_950 = arith.maximumf %max3A_946, %max3A_947 : vector<16xf32>
              %max3A_951 = arith.maximumf %max3A_948, %max3A_949 : vector<16xf32>
              %max3A_952 = arith.maximumf %max3A_950, %max3A_951 : vector<16xf32>
              %max3A_953 = arith.maximumf %scan3A_294, %max3A_952 : vector<16xf32>
              %add3A_954 = arith.addi %multiple_of3A_240, %mul3A_302 : i32
              %add3A_955 = arith.constant 0 : i32
              %add3A_956 = arith.addi %add3A_954, %add3A_955 : i32
              %get3A_957 = arith.index_cast %add3A_956 : i32 to index
              %get3A_958 = arith.constant 160 : index
              %get3A_959 = tpu.vector_load %arg7[%get3A_957, %get3A_958] {strides = array<i32>} : memref<160x256xf32, #tpu.memory_space<vmem>>, vector<16xf32>,
              %add3A_960 = arith.addi %multiple_of3A_240, %mul3A_302 : i32
              %add3A_961 = arith.constant 1 : i32
              %add3A_962 = arith.addi %add3A_960, %add3A_961 : i32
              %get3A_963 = arith.index_cast %add3A_962 : i32 to index
              %get3A_964 = arith.constant 160 : index
              %get3A_965 = tpu.vector_load %arg7[%get3A_963, %get3A_964] {strides = array<i32>} : memref<160x256xf32, #tpu.memory_space<vmem>>, vector<16xf32>,
              %add3A_966 = arith.addi %multiple_of3A_240, %mul3A_302 : i32
              %add3A_967 = arith.constant 2 : i32
              %add3A_968 = arith.addi %add3A_966, %add3A_967 : i32
              %get3A_969 = arith.index_cast %add3A_968 : i32 to index
              %get3A_970 = arith.constant 160 : index
              %get3A_971 = tpu.vector_load %arg7[%get3A_969, %get3A_970] {strides = array<i32>} : memref<160x256xf32, #tpu.memory_space<vmem>>, vector<16xf32>,
              %add3A_972 = arith.addi %multiple_of3A_240, %mul3A_302 : i32
              %add3A_973 = arith.constant 3 : i32
              %add3A_974 = arith.addi %add3A_972, %add3A_973 : i32
              %get3A_975 = arith.index_cast %add3A_974 : i32 to index
              %get3A_976 = arith.constant 160 : index
              %get3A_977 = tpu.vector_load %arg7[%get3A_975, %get3A_976] {strides = array<i32>} : memref<160x256xf32, #tpu.memory_space<vmem>>, vector<16xf32>,
              %add3A_978 = arith.addi %multiple_of3A_240, %mul3A_302 : i32
              %add3A_979 = arith.constant 4 : i32
              %add3A_980 = arith.addi %add3A_978, %add3A_979 : i32
              %get3A_981 = arith.index_cast %add3A_980 : i32 to index
              %get3A_982 = arith.constant 160 : index
              %get3A_983 = tpu.vector_load %arg7[%get3A_981, %get3A_982] {strides = array<i32>} : memref<160x256xf32, #tpu.memory_space<vmem>>, vector<16xf32>,
              %add3A_984 = arith.addi %multiple_of3A_240, %mul3A_302 : i32
              %add3A_985 = arith.constant 5 : i32
              %add3A_986 = arith.addi %add3A_984, %add3A_985 : i32
              %get3A_987 = arith.index_cast %add3A_986 : i32 to index
              %get3A_988 = arith.constant 160 : index
              %get3A_989 = tpu.vector_load %arg7[%get3A_987, %get3A_988] {strides = array<i32>} : memref<160x256xf32, #tpu.memory_space<vmem>>, vector<16xf32>,
              %add3A_990 = arith.addi %multiple_of3A_240, %mul3A_302 : i32
              %add3A_991 = arith.constant 6 : i32
              %add3A_992 = arith.addi %add3A_990, %add3A_991 : i32
              %get3A_993 = arith.index_cast %add3A_992 : i32 to index
              %get3A_994 = arith.constant 160 : index
              %get3A_995 = tpu.vector_load %arg7[%get3A_993, %get3A_994] {strides = array<i32>} : memref<160x256xf32, #tpu.memory_space<vmem>>, vector<16xf32>,
              %add3A_996 = arith.addi %multiple_of3A_240, %mul3A_302 : i32
              %add3A_997 = arith.constant 7 : i32
              %add3A_998 = arith.addi %add3A_996, %add3A_997 : i32
              %get3A_999 = arith.index_cast %add3A_998 : i32 to index
              %get3A_1000 = arith.constant 160 : index
              %get3A_1001 = tpu.vector_load %arg7[%get3A_999, %get3A_1000] {strides = array<i32>} : memref<160x256xf32, #tpu.memory_space<vmem>>, vector<16xf32>,
              %add3A_1002 = arith.addf %get3A_959, %get3A_965 : vector<16xf32>
              %add3A_1003 = arith.addf %get3A_971, %get3A_977 : vector<16xf32>
              %add3A_1004 = arith.addf %get3A_983, %get3A_989 : vector<16xf32>
              %add3A_1005 = arith.addf %get3A_995, %get3A_1001 : vector<16xf32>
              %add3A_1006 = arith.addf %add3A_1002, %add3A_1003 : vector<16xf32>
              %add3A_1007 = arith.addf %add3A_1004, %add3A_1005 : vector<16xf32>
              %add3A_1008 = arith.addf %add3A_1006, %add3A_1007 : vector<16xf32>
              %add3A_1009 = arith.addf %scan3A_279, %add3A_1008 : vector<16xf32>
              %max3A_1010 = arith.maximumf %get3A_959, %get3A_965 : vector<16xf32>
              %max3A_1011 = arith.maximumf %get3A_971, %get3A_977 : vector<16xf32>
              %max3A_1012 = arith.maximumf %get3A_983, %get3A_989 : vector<16xf32>
              %max3A_1013 = arith.maximumf %get3A_995, %get3A_1001 : vector<16xf32>
              %max3A_1014 = arith.maximumf %max3A_1010, %max3A_1011 : vector<16xf32>
              %max3A_1015 = arith.maximumf %max3A_1012, %max3A_1013 : vector<16xf32>
              %max3A_1016 = arith.maximumf %max3A_1014, %max3A_1015 : vector<16xf32>
              %max3A_1017 = arith.maximumf %scan3A_295, %max3A_1016 : vector<16xf32>
              %add3A_1018 = arith.addi %multiple_of3A_240, %mul3A_302 : i32
              %add3A_1019 = arith.constant 0 : i32
              %add3A_1020 = arith.addi %add3A_1018, %add3A_1019 : i32
              %get3A_1021 = arith.index_cast %add3A_1020 : i32 to index
              %get3A_1022 = arith.constant 176 : index
              %get3A_1023 = tpu.vector_load %arg7[%get3A_1021, %get3A_1022] {strides = array<i32>} : memref<160x256xf32, #tpu.memory_space<vmem>>, vector<16xf32>,
              %add3A_1024 = arith.addi %multiple_of3A_240, %mul3A_302 : i32
              %add3A_1025 = arith.constant 1 : i32
              %add3A_1026 = arith.addi %add3A_1024, %add3A_1025 : i32
              %get3A_1027 = arith.index_cast %add3A_1026 : i32 to index
              %get3A_1028 = arith.constant 176 : index
              %get3A_1029 = tpu.vector_load %arg7[%get3A_1027, %get3A_1028] {strides = array<i32>} : memref<160x256xf32, #tpu.memory_space<vmem>>, vector<16xf32>,
              %add3A_1030 = arith.addi %multiple_of3A_240, %mul3A_302 : i32
              %add3A_1031 = arith.constant 2 : i32
              %add3A_1032 = arith.addi %add3A_1030, %add3A_1031 : i32
              %get3A_1033 = arith.index_cast %add3A_1032 : i32 to index
              %get3A_1034 = arith.constant 176 : index
              %get3A_1035 = tpu.vector_load %arg7[%get3A_1033, %get3A_1034] {strides = array<i32>} : memref<160x256xf32, #tpu.memory_space<vmem>>, vector<16xf32>,
              %add3A_1036 = arith.addi %multiple_of3A_240, %mul3A_302 : i32
              %add3A_1037 = arith.constant 3 : i32
              %add3A_1038 = arith.addi %add3A_1036, %add3A_1037 : i32
              %get3A_1039 = arith.index_cast %add3A_1038 : i32 to index
              %get3A_1040 = arith.constant 176 : index
              %get3A_1041 = tpu.vector_load %arg7[%get3A_1039, %get3A_1040] {strides = array<i32>} : memref<160x256xf32, #tpu.memory_space<vmem>>, vector<16xf32>,
              %add3A_1042 = arith.addi %multiple_of3A_240, %mul3A_302 : i32
              %add3A_1043 = arith.constant 4 : i32
              %add3A_1044 = arith.addi %add3A_1042, %add3A_1043 : i32
              %get3A_1045 = arith.index_cast %add3A_1044 : i32 to index
              %get3A_1046 = arith.constant 176 : index
              %get3A_1047 = tpu.vector_load %arg7[%get3A_1045, %get3A_1046] {strides = array<i32>} : memref<160x256xf32, #tpu.memory_space<vmem>>, vector<16xf32>,
              %add3A_1048 = arith.addi %multiple_of3A_240, %mul3A_302 : i32
              %add3A_1049 = arith.constant 5 : i32
              %add3A_1050 = arith.addi %add3A_1048, %add3A_1049 : i32
              %get3A_1051 = arith.index_cast %add3A_1050 : i32 to index
              %get3A_1052 = arith.constant 176 : index
              %get3A_1053 = tpu.vector_load %arg7[%get3A_1051, %get3A_1052] {strides = array<i32>} : memref<160x256xf32, #tpu.memory_space<vmem>>, vector<16xf32>,
              %add3A_1054 = arith.addi %multiple_of3A_240, %mul3A_302 : i32
              %add3A_1055 = arith.constant 6 : i32
              %add3A_1056 = arith.addi %add3A_1054, %add3A_1055 : i32
              %get3A_1057 = arith.index_cast %add3A_1056 : i32 to index
              %get3A_1058 = arith.constant 176 : index
              %get3A_1059 = tpu.vector_load %arg7[%get3A_1057, %get3A_1058] {strides = array<i32>} : memref<160x256xf32, #tpu.memory_space<vmem>>, vector<16xf32>,
              %add3A_1060 = arith.addi %multiple_of3A_240, %mul3A_302 : i32
              %add3A_1061 = arith.constant 7 : i32
              %add3A_1062 = arith.addi %add3A_1060, %add3A_1061 : i32
              %get3A_1063 = arith.index_cast %add3A_1062 : i32 to index
              %get3A_1064 = arith.constant 176 : index
              %get3A_1065 = tpu.vector_load %arg7[%get3A_1063, %get3A_1064] {strides = array<i32>} : memref<160x256xf32, #tpu.memory_space<vmem>>, vector<16xf32>,
              %add3A_1066 = arith.addf %get3A_1023, %get3A_1029 : vector<16xf32>
              %add3A_1067 = arith.addf %get3A_1035, %get3A_1041 : vector<16xf32>
              %add3A_1068 = arith.addf %get3A_1047, %get3A_1053 : vector<16xf32>
              %add3A_1069 = arith.addf %get3A_1059, %get3A_1065 : vector<16xf32>
              %add3A_1070 = arith.addf %add3A_1066, %add3A_1067 : vector<16xf32>
              %add3A_1071 = arith.addf %add3A_1068, %add3A_1069 : vector<16xf32>
              %add3A_1072 = arith.addf %add3A_1070, %add3A_1071 : vector<16xf32>
              %add3A_1073 = arith.addf %scan3A_280, %add3A_1072 : vector<16xf32>
              %max3A_1074 = arith.maximumf %get3A_1023, %get3A_1029 : vector<16xf32>
              %max3A_1075 = arith.maximumf %get3A_1035, %get3A_1041 : vector<16xf32>
              %max3A_1076 = arith.maximumf %get3A_1047, %get3A_1053 : vector<16xf32>
              %max3A_1077 = arith.maximumf %get3A_1059, %get3A_1065 : vector<16xf32>
              %max3A_1078 = arith.maximumf %max3A_1074, %max3A_1075 : vector<16xf32>
              %max3A_1079 = arith.maximumf %max3A_1076, %max3A_1077 : vector<16xf32>
              %max3A_1080 = arith.maximumf %max3A_1078, %max3A_1079 : vector<16xf32>
              %max3A_1081 = arith.maximumf %scan3A_296, %max3A_1080 : vector<16xf32>
              %add3A_1082 = arith.addi %multiple_of3A_240, %mul3A_302 : i32
              %add3A_1083 = arith.constant 0 : i32
              %add3A_1084 = arith.addi %add3A_1082, %add3A_1083 : i32
              %get3A_1085 = arith.index_cast %add3A_1084 : i32 to index
              %get3A_1086 = arith.constant 192 : index
              %get3A_1087 = tpu.vector_load %arg7[%get3A_1085, %get3A_1086] {strides = array<i32>} : memref<160x256xf32, #tpu.memory_space<vmem>>, vector<16xf32>,
              %add3A_1088 = arith.addi %multiple_of3A_240, %mul3A_302 : i32
              %add3A_1089 = arith.constant 1 : i32
              %add3A_1090 = arith.addi %add3A_1088, %add3A_1089 : i32
              %get3A_1091 = arith.index_cast %add3A_1090 : i32 to index
              %get3A_1092 = arith.constant 192 : index
              %get3A_1093 = tpu.vector_load %arg7[%get3A_1091, %get3A_1092] {strides = array<i32>} : memref<160x256xf32, #tpu.memory_space<vmem>>, vector<16xf32>,
              %add3A_1094 = arith.addi %multiple_of3A_240, %mul3A_302 : i32
              %add3A_1095 = arith.constant 2 : i32
              %add3A_1096 = arith.addi %add3A_1094, %add3A_1095 : i32
              %get3A_1097 = arith.index_cast %add3A_1096 : i32 to index
              %get3A_1098 = arith.constant 192 : index
              %get3A_1099 = tpu.vector_load %arg7[%get3A_1097, %get3A_1098] {strides = array<i32>} : memref<160x256xf32, #tpu.memory_space<vmem>>, vector<16xf32>,
              %add3A_1100 = arith.addi %multiple_of3A_240, %mul3A_302 : i32
              %add3A_1101 = arith.constant 3 : i32
              %add3A_1102 = arith.addi %add3A_1100, %add3A_1101 : i32
              %get3A_1103 = arith.index_cast %add3A_1102 : i32 to index
              %get3A_1104 = arith.constant 192 : index
              %get3A_1105 = tpu.vector_load %arg7[%get3A_1103, %get3A_1104] {strides = array<i32>} : memref<160x256xf32, #tpu.memory_space<vmem>>, vector<16xf32>,
              %add3A_1106 = arith.addi %multiple_of3A_240, %mul3A_302 : i32
              %add3A_1107 = arith.constant 4 : i32
              %add3A_1108 = arith.addi %add3A_1106, %add3A_1107 : i32
              %get3A_1109 = arith.index_cast %add3A_1108 : i32 to index
              %get3A_1110 = arith.constant 192 : index
              %get3A_1111 = tpu.vector_load %arg7[%get3A_1109, %get3A_1110] {strides = array<i32>} : memref<160x256xf32, #tpu.memory_space<vmem>>, vector<16xf32>,
              %add3A_1112 = arith.addi %multiple_of3A_240, %mul3A_302 : i32
              %add3A_1113 = arith.constant 5 : i32
              %add3A_1114 = arith.addi %add3A_1112, %add3A_1113 : i32
              %get3A_1115 = arith.index_cast %add3A_1114 : i32 to index
              %get3A_1116 = arith.constant 192 : index
              %get3A_1117 = tpu.vector_load %arg7[%get3A_1115, %get3A_1116] {strides = array<i32>} : memref<160x256xf32, #tpu.memory_space<vmem>>, vector<16xf32>,
              %add3A_1118 = arith.addi %multiple_of3A_240, %mul3A_302 : i32
              %add3A_1119 = arith.constant 6 : i32
              %add3A_1120 = arith.addi %add3A_1118, %add3A_1119 : i32
              %get3A_1121 = arith.index_cast %add3A_1120 : i32 to index
              %get3A_1122 = arith.constant 192 : index
              %get3A_1123 = tpu.vector_load %arg7[%get3A_1121, %get3A_1122] {strides = array<i32>} : memref<160x256xf32, #tpu.memory_space<vmem>>, vector<16xf32>,
              %add3A_1124 = arith.addi %multiple_of3A_240, %mul3A_302 : i32
              %add3A_1125 = arith.constant 7 : i32
              %add3A_1126 = arith.addi %add3A_1124, %add3A_1125 : i32
              %get3A_1127 = arith.index_cast %add3A_1126 : i32 to index
              %get3A_1128 = arith.constant 192 : index
              %get3A_1129 = tpu.vector_load %arg7[%get3A_1127, %get3A_1128] {strides = array<i32>} : memref<160x256xf32, #tpu.memory_space<vmem>>, vector<16xf32>,
              %add3A_1130 = arith.addf %get3A_1087, %get3A_1093 : vector<16xf32>
              %add3A_1131 = arith.addf %get3A_1099, %get3A_1105 : vector<16xf32>
              %add3A_1132 = arith.addf %get3A_1111, %get3A_1117 : vector<16xf32>
              %add3A_1133 = arith.addf %get3A_1123, %get3A_1129 : vector<16xf32>
              %add3A_1134 = arith.addf %add3A_1130, %add3A_1131 : vector<16xf32>
              %add3A_1135 = arith.addf %add3A_1132, %add3A_1133 : vector<16xf32>
              %add3A_1136 = arith.addf %add3A_1134, %add3A_1135 : vector<16xf32>
              %add3A_1137 = arith.addf %scan3A_281, %add3A_1136 : vector<16xf32>
              %max3A_1138 = arith.maximumf %get3A_1087, %get3A_1093 : vector<16xf32>
              %max3A_1139 = arith.maximumf %get3A_1099, %get3A_1105 : vector<16xf32>
              %max3A_1140 = arith.maximumf %get3A_1111, %get3A_1117 : vector<16xf32>
              %max3A_1141 = arith.maximumf %get3A_1123, %get3A_1129 : vector<16xf32>
              %max3A_1142 = arith.maximumf %max3A_1138, %max3A_1139 : vector<16xf32>
              %max3A_1143 = arith.maximumf %max3A_1140, %max3A_1141 : vector<16xf32>
              %max3A_1144 = arith.maximumf %max3A_1142, %max3A_1143 : vector<16xf32>
              %max3A_1145 = arith.maximumf %scan3A_297, %max3A_1144 : vector<16xf32>
              %add3A_1146 = arith.addi %multiple_of3A_240, %mul3A_302 : i32
              %add3A_1147 = arith.constant 0 : i32
              %add3A_1148 = arith.addi %add3A_1146, %add3A_1147 : i32
              %get3A_1149 = arith.index_cast %add3A_1148 : i32 to index
              %get3A_1150 = arith.constant 208 : index
              %get3A_1151 = tpu.vector_load %arg7[%get3A_1149, %get3A_1150] {strides = array<i32>} : memref<160x256xf32, #tpu.memory_space<vmem>>, vector<16xf32>,
              %add3A_1152 = arith.addi %multiple_of3A_240, %mul3A_302 : i32
              %add3A_1153 = arith.constant 1 : i32
              %add3A_1154 = arith.addi %add3A_1152, %add3A_1153 : i32
              %get3A_1155 = arith.index_cast %add3A_1154 : i32 to index
              %get3A_1156 = arith.constant 208 : index
              %get3A_1157 = tpu.vector_load %arg7[%get3A_1155, %get3A_1156] {strides = array<i32>} : memref<160x256xf32, #tpu.memory_space<vmem>>, vector<16xf32>,
              %add3A_1158 = arith.addi %multiple_of3A_240, %mul3A_302 : i32
              %add3A_1159 = arith.constant 2 : i32
              %add3A_1160 = arith.addi %add3A_1158, %add3A_1159 : i32
              %get3A_1161 = arith.index_cast %add3A_1160 : i32 to index
              %get3A_1162 = arith.constant 208 : index
              %get3A_1163 = tpu.vector_load %arg7[%get3A_1161, %get3A_1162] {strides = array<i32>} : memref<160x256xf32, #tpu.memory_space<vmem>>, vector<16xf32>,
              %add3A_1164 = arith.addi %multiple_of3A_240, %mul3A_302 : i32
              %add3A_1165 = arith.constant 3 : i32
              %add3A_1166 = arith.addi %add3A_1164, %add3A_1165 : i32
              %get3A_1167 = arith.index_cast %add3A_1166 : i32 to index
              %get3A_1168 = arith.constant 208 : index
              %get3A_1169 = tpu.vector_load %arg7[%get3A_1167, %get3A_1168] {strides = array<i32>} : memref<160x256xf32, #tpu.memory_space<vmem>>, vector<16xf32>,
              %add3A_1170 = arith.addi %multiple_of3A_240, %mul3A_302 : i32
              %add3A_1171 = arith.constant 4 : i32
              %add3A_1172 = arith.addi %add3A_1170, %add3A_1171 : i32
              %get3A_1173 = arith.index_cast %add3A_1172 : i32 to index
              %get3A_1174 = arith.constant 208 : index
              %get3A_1175 = tpu.vector_load %arg7[%get3A_1173, %get3A_1174] {strides = array<i32>} : memref<160x256xf32, #tpu.memory_space<vmem>>, vector<16xf32>,
              %add3A_1176 = arith.addi %multiple_of3A_240, %mul3A_302 : i32
              %add3A_1177 = arith.constant 5 : i32
              %add3A_1178 = arith.addi %add3A_1176, %add3A_1177 : i32
              %get3A_1179 = arith.index_cast %add3A_1178 : i32 to index
              %get3A_1180 = arith.constant 208 : index
              %get3A_1181 = tpu.vector_load %arg7[%get3A_1179, %get3A_1180] {strides = array<i32>} : memref<160x256xf32, #tpu.memory_space<vmem>>, vector<16xf32>,
              %add3A_1182 = arith.addi %multiple_of3A_240, %mul3A_302 : i32
              %add3A_1183 = arith.constant 6 : i32
              %add3A_1184 = arith.addi %add3A_1182, %add3A_1183 : i32
              %get3A_1185 = arith.index_cast %add3A_1184 : i32 to index
              %get3A_1186 = arith.constant 208 : index
              %get3A_1187 = tpu.vector_load %arg7[%get3A_1185, %get3A_1186] {strides = array<i32>} : memref<160x256xf32, #tpu.memory_space<vmem>>, vector<16xf32>,
              %add3A_1188 = arith.addi %multiple_of3A_240, %mul3A_302 : i32
              %add3A_1189 = arith.constant 7 : i32
              %add3A_1190 = arith.addi %add3A_1188, %add3A_1189 : i32
              %get3A_1191 = arith.index_cast %add3A_1190 : i32 to index
              %get3A_1192 = arith.constant 208 : index
              %get3A_1193 = tpu.vector_load %arg7[%get3A_1191, %get3A_1192] {strides = array<i32>} : memref<160x256xf32, #tpu.memory_space<vmem>>, vector<16xf32>,
              %add3A_1194 = arith.addf %get3A_1151, %get3A_1157 : vector<16xf32>
              %add3A_1195 = arith.addf %get3A_1163, %get3A_1169 : vector<16xf32>
              %add3A_1196 = arith.addf %get3A_1175, %get3A_1181 : vector<16xf32>
              %add3A_1197 = arith.addf %get3A_1187, %get3A_1193 : vector<16xf32>
              %add3A_1198 = arith.addf %add3A_1194, %add3A_1195 : vector<16xf32>
              %add3A_1199 = arith.addf %add3A_1196, %add3A_1197 : vector<16xf32>
              %add3A_1200 = arith.addf %add3A_1198, %add3A_1199 : vector<16xf32>
              %add3A_1201 = arith.addf %scan3A_282, %add3A_1200 : vector<16xf32>
              %max3A_1202 = arith.maximumf %get3A_1151, %get3A_1157 : vector<16xf32>
              %max3A_1203 = arith.maximumf %get3A_1163, %get3A_1169 : vector<16xf32>
              %max3A_1204 = arith.maximumf %get3A_1175, %get3A_1181 : vector<16xf32>
              %max3A_1205 = arith.maximumf %get3A_1187, %get3A_1193 : vector<16xf32>
              %max3A_1206 = arith.maximumf %max3A_1202, %max3A_1203 : vector<16xf32>
              %max3A_1207 = arith.maximumf %max3A_1204, %max3A_1205 : vector<16xf32>
              %max3A_1208 = arith.maximumf %max3A_1206, %max3A_1207 : vector<16xf32>
              %max3A_1209 = arith.maximumf %scan3A_298, %max3A_1208 : vector<16xf32>
              %add3A_1210 = arith.addi %multiple_of3A_240, %mul3A_302 : i32
              %add3A_1211 = arith.constant 0 : i32
              %add3A_1212 = arith.addi %add3A_1210, %add3A_1211 : i32
              %get3A_1213 = arith.index_cast %add3A_1212 : i32 to index
              %get3A_1214 = arith.constant 224 : index
              %get3A_1215 = tpu.vector_load %arg7[%get3A_1213, %get3A_1214] {strides = array<i32>} : memref<160x256xf32, #tpu.memory_space<vmem>>, vector<16xf32>,
              %add3A_1216 = arith.addi %multiple_of3A_240, %mul3A_302 : i32
              %add3A_1217 = arith.constant 1 : i32
              %add3A_1218 = arith.addi %add3A_1216, %add3A_1217 : i32
              %get3A_1219 = arith.index_cast %add3A_1218 : i32 to index
              %get3A_1220 = arith.constant 224 : index
              %get3A_1221 = tpu.vector_load %arg7[%get3A_1219, %get3A_1220] {strides = array<i32>} : memref<160x256xf32, #tpu.memory_space<vmem>>, vector<16xf32>,
              %add3A_1222 = arith.addi %multiple_of3A_240, %mul3A_302 : i32
              %add3A_1223 = arith.constant 2 : i32
              %add3A_1224 = arith.addi %add3A_1222, %add3A_1223 : i32
              %get3A_1225 = arith.index_cast %add3A_1224 : i32 to index
              %get3A_1226 = arith.constant 224 : index
              %get3A_1227 = tpu.vector_load %arg7[%get3A_1225, %get3A_1226] {strides = array<i32>} : memref<160x256xf32, #tpu.memory_space<vmem>>, vector<16xf32>,
              %add3A_1228 = arith.addi %multiple_of3A_240, %mul3A_302 : i32
              %add3A_1229 = arith.constant 3 : i32
              %add3A_1230 = arith.addi %add3A_1228, %add3A_1229 : i32
              %get3A_1231 = arith.index_cast %add3A_1230 : i32 to index
              %get3A_1232 = arith.constant 224 : index
              %get3A_1233 = tpu.vector_load %arg7[%get3A_1231, %get3A_1232] {strides = array<i32>} : memref<160x256xf32, #tpu.memory_space<vmem>>, vector<16xf32>,
              %add3A_1234 = arith.addi %multiple_of3A_240, %mul3A_302 : i32
              %add3A_1235 = arith.constant 4 : i32
              %add3A_1236 = arith.addi %add3A_1234, %add3A_1235 : i32
              %get3A_1237 = arith.index_cast %add3A_1236 : i32 to index
              %get3A_1238 = arith.constant 224 : index
              %get3A_1239 = tpu.vector_load %arg7[%get3A_1237, %get3A_1238] {strides = array<i32>} : memref<160x256xf32, #tpu.memory_space<vmem>>, vector<16xf32>,
              %add3A_1240 = arith.addi %multiple_of3A_240, %mul3A_302 : i32
              %add3A_1241 = arith.constant 5 : i32
              %add3A_1242 = arith.addi %add3A_1240, %add3A_1241 : i32
              %get3A_1243 = arith.index_cast %add3A_1242 : i32 to index
              %get3A_1244 = arith.constant 224 : index
              %get3A_1245 = tpu.vector_load %arg7[%get3A_1243, %get3A_1244] {strides = array<i32>} : memref<160x256xf32, #tpu.memory_space<vmem>>, vector<16xf32>,
              %add3A_1246 = arith.addi %multiple_of3A_240, %mul3A_302 : i32
              %add3A_1247 = arith.constant 6 : i32
              %add3A_1248 = arith.addi %add3A_1246, %add3A_1247 : i32
              %get3A_1249 = arith.index_cast %add3A_1248 : i32 to index
              %get3A_1250 = arith.constant 224 : index
              %get3A_1251 = tpu.vector_load %arg7[%get3A_1249, %get3A_1250] {strides = array<i32>} : memref<160x256xf32, #tpu.memory_space<vmem>>, vector<16xf32>,
              %add3A_1252 = arith.addi %multiple_of3A_240, %mul3A_302 : i32
              %add3A_1253 = arith.constant 7 : i32
              %add3A_1254 = arith.addi %add3A_1252, %add3A_1253 : i32
              %get3A_1255 = arith.index_cast %add3A_1254 : i32 to index
              %get3A_1256 = arith.constant 224 : index
              %get3A_1257 = tpu.vector_load %arg7[%get3A_1255, %get3A_1256] {strides = array<i32>} : memref<160x256xf32, #tpu.memory_space<vmem>>, vector<16xf32>,
              %add3A_1258 = arith.addf %get3A_1215, %get3A_1221 : vector<16xf32>
              %add3A_1259 = arith.addf %get3A_1227, %get3A_1233 : vector<16xf32>
              %add3A_1260 = arith.addf %get3A_1239, %get3A_1245 : vector<16xf32>
              %add3A_1261 = arith.addf %get3A_1251, %get3A_1257 : vector<16xf32>
              %add3A_1262 = arith.addf %add3A_1258, %add3A_1259 : vector<16xf32>
              %add3A_1263 = arith.addf %add3A_1260, %add3A_1261 : vector<16xf32>
              %add3A_1264 = arith.addf %add3A_1262, %add3A_1263 : vector<16xf32>
              %add3A_1265 = arith.addf %scan3A_283, %add3A_1264 : vector<16xf32>
              %max3A_1266 = arith.maximumf %get3A_1215, %get3A_1221 : vector<16xf32>
              %max3A_1267 = arith.maximumf %get3A_1227, %get3A_1233 : vector<16xf32>
              %max3A_1268 = arith.maximumf %get3A_1239, %get3A_1245 : vector<16xf32>
              %max3A_1269 = arith.maximumf %get3A_1251, %get3A_1257 : vector<16xf32>
              %max3A_1270 = arith.maximumf %max3A_1266, %max3A_1267 : vector<16xf32>
              %max3A_1271 = arith.maximumf %max3A_1268, %max3A_1269 : vector<16xf32>
              %max3A_1272 = arith.maximumf %max3A_1270, %max3A_1271 : vector<16xf32>
              %max3A_1273 = arith.maximumf %scan3A_299, %max3A_1272 : vector<16xf32>
              %add3A_1274 = arith.addi %multiple_of3A_240, %mul3A_302 : i32
              %add3A_1275 = arith.constant 0 : i32
              %add3A_1276 = arith.addi %add3A_1274, %add3A_1275 : i32
              %get3A_1277 = arith.index_cast %add3A_1276 : i32 to index
              %get3A_1278 = arith.constant 240 : index
              %get3A_1279 = tpu.vector_load %arg7[%get3A_1277, %get3A_1278] {strides = array<i32>} : memref<160x256xf32, #tpu.memory_space<vmem>>, vector<16xf32>,
              %add3A_1280 = arith.addi %multiple_of3A_240, %mul3A_302 : i32
              %add3A_1281 = arith.constant 1 : i32
              %add3A_1282 = arith.addi %add3A_1280, %add3A_1281 : i32
              %get3A_1283 = arith.index_cast %add3A_1282 : i32 to index
              %get3A_1284 = arith.constant 240 : index
              %get3A_1285 = tpu.vector_load %arg7[%get3A_1283, %get3A_1284] {strides = array<i32>} : memref<160x256xf32, #tpu.memory_space<vmem>>, vector<16xf32>,
              %add3A_1286 = arith.addi %multiple_of3A_240, %mul3A_302 : i32
              %add3A_1287 = arith.constant 2 : i32
              %add3A_1288 = arith.addi %add3A_1286, %add3A_1287 : i32
              %get3A_1289 = arith.index_cast %add3A_1288 : i32 to index
              %get3A_1290 = arith.constant 240 : index
              %get3A_1291 = tpu.vector_load %arg7[%get3A_1289, %get3A_1290] {strides = array<i32>} : memref<160x256xf32, #tpu.memory_space<vmem>>, vector<16xf32>,
              %add3A_1292 = arith.addi %multiple_of3A_240, %mul3A_302 : i32
              %add3A_1293 = arith.constant 3 : i32
              %add3A_1294 = arith.addi %add3A_1292, %add3A_1293 : i32
              %get3A_1295 = arith.index_cast %add3A_1294 : i32 to index
              %get3A_1296 = arith.constant 240 : index
              %get3A_1297 = tpu.vector_load %arg7[%get3A_1295, %get3A_1296] {strides = array<i32>} : memref<160x256xf32, #tpu.memory_space<vmem>>, vector<16xf32>,
              %add3A_1298 = arith.addi %multiple_of3A_240, %mul3A_302 : i32
              %add3A_1299 = arith.constant 4 : i32
              %add3A_1300 = arith.addi %add3A_1298, %add3A_1299 : i32
              %get3A_1301 = arith.index_cast %add3A_1300 : i32 to index
              %get3A_1302 = arith.constant 240 : index
              %get3A_1303 = tpu.vector_load %arg7[%get3A_1301, %get3A_1302] {strides = array<i32>} : memref<160x256xf32, #tpu.memory_space<vmem>>, vector<16xf32>,
              %add3A_1304 = arith.addi %multiple_of3A_240, %mul3A_302 : i32
              %add3A_1305 = arith.constant 5 : i32
              %add3A_1306 = arith.addi %add3A_1304, %add3A_1305 : i32
              %get3A_1307 = arith.index_cast %add3A_1306 : i32 to index
              %get3A_1308 = arith.constant 240 : index
              %get3A_1309 = tpu.vector_load %arg7[%get3A_1307, %get3A_1308] {strides = array<i32>} : memref<160x256xf32, #tpu.memory_space<vmem>>, vector<16xf32>,
              %add3A_1310 = arith.addi %multiple_of3A_240, %mul3A_302 : i32
              %add3A_1311 = arith.constant 6 : i32
              %add3A_1312 = arith.addi %add3A_1310, %add3A_1311 : i32
              %get3A_1313 = arith.index_cast %add3A_1312 : i32 to index
              %get3A_1314 = arith.constant 240 : index
              %get3A_1315 = tpu.vector_load %arg7[%get3A_1313, %get3A_1314] {strides = array<i32>} : memref<160x256xf32, #tpu.memory_space<vmem>>, vector<16xf32>,
              %add3A_1316 = arith.addi %multiple_of3A_240, %mul3A_302 : i32
              %add3A_1317 = arith.constant 7 : i32
              %add3A_1318 = arith.addi %add3A_1316, %add3A_1317 : i32
              %get3A_1319 = arith.index_cast %add3A_1318 : i32 to index
              %get3A_1320 = arith.constant 240 : index
              %get3A_1321 = tpu.vector_load %arg7[%get3A_1319, %get3A_1320] {strides = array<i32>} : memref<160x256xf32, #tpu.memory_space<vmem>>, vector<16xf32>,
              %add3A_1322 = arith.addf %get3A_1279, %get3A_1285 : vector<16xf32>
              %add3A_1323 = arith.addf %get3A_1291, %get3A_1297 : vector<16xf32>
              %add3A_1324 = arith.addf %get3A_1303, %get3A_1309 : vector<16xf32>
              %add3A_1325 = arith.addf %get3A_1315, %get3A_1321 : vector<16xf32>
              %add3A_1326 = arith.addf %add3A_1322, %add3A_1323 : vector<16xf32>
              %add3A_1327 = arith.addf %add3A_1324, %add3A_1325 : vector<16xf32>
              %add3A_1328 = arith.addf %add3A_1326, %add3A_1327 : vector<16xf32>
              %add3A_1329 = arith.addf %scan3A_284, %add3A_1328 : vector<16xf32>
              %max3A_1330 = arith.maximumf %get3A_1279, %get3A_1285 : vector<16xf32>
              %max3A_1331 = arith.maximumf %get3A_1291, %get3A_1297 : vector<16xf32>
              %max3A_1332 = arith.maximumf %get3A_1303, %get3A_1309 : vector<16xf32>
              %max3A_1333 = arith.maximumf %get3A_1315, %get3A_1321 : vector<16xf32>
              %max3A_1334 = arith.maximumf %max3A_1330, %max3A_1331 : vector<16xf32>
              %max3A_1335 = arith.maximumf %max3A_1332, %max3A_1333 : vector<16xf32>
              %max3A_1336 = arith.maximumf %max3A_1334, %max3A_1335 : vector<16xf32>
              %max3A_1337 = arith.maximumf %scan3A_300, %max3A_1336 : vector<16xf32>
              scf.yield %add3A_369, %add3A_433, %add3A_497, %add3A_561, %add3A_625, %add3A_689, %add3A_753, %add3A_817, %add3A_881, %add3A_945, %add3A_1009, %add3A_1073, %add3A_1137, %add3A_1201, %add3A_1265, %add3A_1329, %max3A_377, %max3A_441, %max3A_505, %max3A_569, %max3A_633, %max3A_697, %max3A_761, %max3A_825, %max3A_889, %max3A_953, %max3A_1017, %max3A_1081, %max3A_1145, %max3A_1209, %max3A_1273, %max3A_1337 : vector<16xf32>, vector<16xf32>, vector<16xf32>, vector<16xf32>, vector<16xf32>, vector<16xf32>, vector<16xf32>, vector<16xf32>, vector<16xf32>, vector<16xf32>, vector<16xf32>, vector<16xf32>, vector<16xf32>, vector<16xf32>, vector<16xf32>, vector<16xf32>, vector<16xf32>, vector<16xf32>, vector<16xf32>, vector<16xf32>, vector<16xf32>, vector<16xf32>, vector<16xf32>, vector<16xf32>, vector<16xf32>, vector<16xf32>, vector<16xf32>, vector<16xf32>, vector<16xf32>, vector<16xf32>, vector<16xf32>, vector<16xf32>
            } else {
              %broadcast_in_dim3A_311 = arith.constant 0.000000e+00 : f32
              %broadcast_in_dim3A_312 = vector.broadcast %broadcast_in_dim3A_311 : f32 to vector<16xf32>
              %broadcast_in_dim3A_313 = arith.constant 0xFF800000 : f32
              %broadcast_in_dim3A_314 = vector.broadcast %broadcast_in_dim3A_313 : f32 to vector<16xf32>
              %add3A_315 = arith.constant 0 : i32
              %add3A_316 = arith.addi %mul3A_302, %add3A_315 : i32
              %ge3A_317 = arith.cmpi sge, %add3A_316, %sub3A_258 : i32
              %add3A_318 = arith.constant 0 : i32
              %add3A_319 = arith.addi %mul3A_302, %add3A_318 : i32
              %lt3A_320 = arith.cmpi slt, %add3A_319, %sub3A_261 : i32
              %and3A_321 = arith.andi %ge3A_317, %lt3A_320 : i1
              %broadcast_in_dim3A_322 = vector.broadcast %and3A_321 : i1 to vector<16xi1>
              %add3A_323 = arith.constant 1 : i32
              %add3A_324 = arith.addi %mul3A_302, %add3A_323 : i32
              %ge3A_325 = arith.cmpi sge, %add3A_324, %sub3A_258 : i32
              %add3A_326 = arith.constant 1 : i32
              %add3A_327 = arith.addi %mul3A_302, %add3A_326 : i32
              %lt3A_328 = arith.cmpi slt, %add3A_327, %sub3A_261 : i32
              %and3A_329 = arith.andi %ge3A_325, %lt3A_328 : i1
              %broadcast_in_dim3A_330 = vector.broadcast %and3A_329 : i1 to vector<16xi1>
              %add3A_331 = arith.constant 2 : i32
              %add3A_332 = arith.addi %mul3A_302, %add3A_331 : i32
              %ge3A_333 = arith.cmpi sge, %add3A_332, %sub3A_258 : i32
              %add3A_334 = arith.constant 2 : i32
              %add3A_335 = arith.addi %mul3A_302, %add3A_334 : i32
              %lt3A_336 = arith.cmpi slt, %add3A_335, %sub3A_261 : i32
              %and3A_337 = arith.andi %ge3A_333, %lt3A_336 : i1
              %broadcast_in_dim3A_338 = vector.broadcast %and3A_337 : i1 to vector<16xi1>
              %add3A_339 = arith.constant 3 : i32
              %add3A_340 = arith.addi %mul3A_302, %add3A_339 : i32
              %ge3A_341 = arith.cmpi sge, %add3A_340, %sub3A_258 : i32
              %add3A_342 = arith.constant 3 : i32
              %add3A_343 = arith.addi %mul3A_302, %add3A_342 : i32
              %lt3A_344 = arith.cmpi slt, %add3A_343, %sub3A_261 : i32
              %and3A_345 = arith.andi %ge3A_341, %lt3A_344 : i1
              %broadcast_in_dim3A_346 = vector.broadcast %and3A_345 : i1 to vector<16xi1>
              %add3A_347 = arith.constant 4 : i32
              %add3A_348 = arith.addi %mul3A_302, %add3A_347 : i32
              %ge3A_349 = arith.cmpi sge, %add3A_348, %sub3A_258 : i32
              %add3A_350 = arith.constant 4 : i32
              %add3A_351 = arith.addi %mul3A_302, %add3A_350 : i32
              %lt3A_352 = arith.cmpi slt, %add3A_351, %sub3A_261 : i32
              %and3A_353 = arith.andi %ge3A_349, %lt3A_352 : i1
              %broadcast_in_dim3A_354 = vector.broadcast %and3A_353 : i1 to vector<16xi1>
              %add3A_355 = arith.constant 5 : i32
              %add3A_356 = arith.addi %mul3A_302, %add3A_355 : i32
              %ge3A_357 = arith.cmpi sge, %add3A_356, %sub3A_258 : i32
              %add3A_358 = arith.constant 5 : i32
              %add3A_359 = arith.addi %mul3A_302, %add3A_358 : i32
              %lt3A_360 = arith.cmpi slt, %add3A_359, %sub3A_261 : i32
              %and3A_361 = arith.andi %ge3A_357, %lt3A_360 : i1
              %broadcast_in_dim3A_362 = vector.broadcast %and3A_361 : i1 to vector<16xi1>
              %add3A_363 = arith.constant 6 : i32
              %add3A_364 = arith.addi %mul3A_302, %add3A_363 : i32
              %ge3A_365 = arith.cmpi sge, %add3A_364, %sub3A_258 : i32
              %add3A_366 = arith.constant 6 : i32
              %add3A_367 = arith.addi %mul3A_302, %add3A_366 : i32
              %lt3A_368 = arith.cmpi slt, %add3A_367, %sub3A_261 : i32
              %and3A_369 = arith.andi %ge3A_365, %lt3A_368 : i1
              %broadcast_in_dim3A_370 = vector.broadcast %and3A_369 : i1 to vector<16xi1>
              %add3A_371 = arith.constant 7 : i32
              %add3A_372 = arith.addi %mul3A_302, %add3A_371 : i32
              %ge3A_373 = arith.cmpi sge, %add3A_372, %sub3A_258 : i32
              %add3A_374 = arith.constant 7 : i32
              %add3A_375 = arith.addi %mul3A_302, %add3A_374 : i32
              %lt3A_376 = arith.cmpi slt, %add3A_375, %sub3A_261 : i32
              %and3A_377 = arith.andi %ge3A_373, %lt3A_376 : i1
              %broadcast_in_dim3A_378 = vector.broadcast %and3A_377 : i1 to vector<16xi1>
              %add3A_379 = arith.addi %multiple_of3A_240, %mul3A_302 : i32
              %add3A_380 = arith.constant 0 : i32
              %add3A_381 = arith.addi %add3A_379, %add3A_380 : i32
              %get3A = arith.index_cast %add3A_381 : i32 to index
              %get3A_382 = arith.constant 0 : index
              %get3A_383 = tpu.vector_load %arg7[%get3A, %get3A_382] {strides = array<i32>} : memref<160x256xf32, #tpu.memory_space<vmem>>, vector<16xf32>,
              %add3A_384 = arith.addi %multiple_of3A_240, %mul3A_302 : i32
              %add3A_385 = arith.constant 1 : i32
              %add3A_386 = arith.addi %add3A_384, %add3A_385 : i32
              %get3A_387 = arith.index_cast %add3A_386 : i32 to index
              %get3A_388 = arith.constant 0 : index
              %get3A_389 = tpu.vector_load %arg7[%get3A_387, %get3A_388] {strides = array<i32>} : memref<160x256xf32, #tpu.memory_space<vmem>>, vector<16xf32>,
              %add3A_390 = arith.addi %multiple_of3A_240, %mul3A_302 : i32
              %add3A_391 = arith.constant 2 : i32
              %add3A_392 = arith.addi %add3A_390, %add3A_391 : i32
              %get3A_393 = arith.index_cast %add3A_392 : i32 to index
              %get3A_394 = arith.constant 0 : index
              %get3A_395 = tpu.vector_load %arg7[%get3A_393, %get3A_394] {strides = array<i32>} : memref<160x256xf32, #tpu.memory_space<vmem>>, vector<16xf32>,
              %add3A_396 = arith.addi %multiple_of3A_240, %mul3A_302 : i32
              %add3A_397 = arith.constant 3 : i32
              %add3A_398 = arith.addi %add3A_396, %add3A_397 : i32
              %get3A_399 = arith.index_cast %add3A_398 : i32 to index
              %get3A_400 = arith.constant 0 : index
              %get3A_401 = tpu.vector_load %arg7[%get3A_399, %get3A_400] {strides = array<i32>} : memref<160x256xf32, #tpu.memory_space<vmem>>, vector<16xf32>,
              %add3A_402 = arith.addi %multiple_of3A_240, %mul3A_302 : i32
              %add3A_403 = arith.constant 4 : i32
              %add3A_404 = arith.addi %add3A_402, %add3A_403 : i32
              %get3A_405 = arith.index_cast %add3A_404 : i32 to index
              %get3A_406 = arith.constant 0 : index
              %get3A_407 = tpu.vector_load %arg7[%get3A_405, %get3A_406] {strides = array<i32>} : memref<160x256xf32, #tpu.memory_space<vmem>>, vector<16xf32>,
              %add3A_408 = arith.addi %multiple_of3A_240, %mul3A_302 : i32
              %add3A_409 = arith.constant 5 : i32
              %add3A_410 = arith.addi %add3A_408, %add3A_409 : i32
              %get3A_411 = arith.index_cast %add3A_410 : i32 to index
              %get3A_412 = arith.constant 0 : index
              %get3A_413 = tpu.vector_load %arg7[%get3A_411, %get3A_412] {strides = array<i32>} : memref<160x256xf32, #tpu.memory_space<vmem>>, vector<16xf32>,
              %add3A_414 = arith.addi %multiple_of3A_240, %mul3A_302 : i32
              %add3A_415 = arith.constant 6 : i32
              %add3A_416 = arith.addi %add3A_414, %add3A_415 : i32
              %get3A_417 = arith.index_cast %add3A_416 : i32 to index
              %get3A_418 = arith.constant 0 : index
              %get3A_419 = tpu.vector_load %arg7[%get3A_417, %get3A_418] {strides = array<i32>} : memref<160x256xf32, #tpu.memory_space<vmem>>, vector<16xf32>,
              %add3A_420 = arith.addi %multiple_of3A_240, %mul3A_302 : i32
              %add3A_421 = arith.constant 7 : i32
              %add3A_422 = arith.addi %add3A_420, %add3A_421 : i32
              %get3A_423 = arith.index_cast %add3A_422 : i32 to index
              %get3A_424 = arith.constant 0 : index
              %get3A_425 = tpu.vector_load %arg7[%get3A_423, %get3A_424] {strides = array<i32>} : memref<160x256xf32, #tpu.memory_space<vmem>>, vector<16xf32>,
              %select_n3A_426 = arith.select %broadcast_in_dim3A_322, %get3A_383, %broadcast_in_dim3A_312 : vector<16xi1>, vector<16xf32>
              %select_n3A_427 = arith.select %broadcast_in_dim3A_330, %get3A_389, %broadcast_in_dim3A_312 : vector<16xi1>, vector<16xf32>
              %select_n3A_428 = arith.select %broadcast_in_dim3A_338, %get3A_395, %broadcast_in_dim3A_312 : vector<16xi1>, vector<16xf32>
              %select_n3A_429 = arith.select %broadcast_in_dim3A_346, %get3A_401, %broadcast_in_dim3A_312 : vector<16xi1>, vector<16xf32>
              %select_n3A_430 = arith.select %broadcast_in_dim3A_354, %get3A_407, %broadcast_in_dim3A_312 : vector<16xi1>, vector<16xf32>
              %select_n3A_431 = arith.select %broadcast_in_dim3A_362, %get3A_413, %broadcast_in_dim3A_312 : vector<16xi1>, vector<16xf32>
              %select_n3A_432 = arith.select %broadcast_in_dim3A_370, %get3A_419, %broadcast_in_dim3A_312 : vector<16xi1>, vector<16xf32>
              %select_n3A_433 = arith.select %broadcast_in_dim3A_378, %get3A_425, %broadcast_in_dim3A_312 : vector<16xi1>, vector<16xf32>
              %select_n3A_434 = arith.select %broadcast_in_dim3A_322, %get3A_383, %broadcast_in_dim3A_314 : vector<16xi1>, vector<16xf32>
              %select_n3A_435 = arith.select %broadcast_in_dim3A_330, %get3A_389, %broadcast_in_dim3A_314 : vector<16xi1>, vector<16xf32>
              %select_n3A_436 = arith.select %broadcast_in_dim3A_338, %get3A_395, %broadcast_in_dim3A_314 : vector<16xi1>, vector<16xf32>
              %select_n3A_437 = arith.select %broadcast_in_dim3A_346, %get3A_401, %broadcast_in_dim3A_314 : vector<16xi1>, vector<16xf32>
              %select_n3A_438 = arith.select %broadcast_in_dim3A_354, %get3A_407, %broadcast_in_dim3A_314 : vector<16xi1>, vector<16xf32>
              %select_n3A_439 = arith.select %broadcast_in_dim3A_362, %get3A_413, %broadcast_in_dim3A_314 : vector<16xi1>, vector<16xf32>
              %select_n3A_440 = arith.select %broadcast_in_dim3A_370, %get3A_419, %broadcast_in_dim3A_314 : vector<16xi1>, vector<16xf32>
              %select_n3A_441 = arith.select %broadcast_in_dim3A_378, %get3A_425, %broadcast_in_dim3A_314 : vector<16xi1>, vector<16xf32>
              %add3A_442 = arith.addf %select_n3A_426, %select_n3A_427 : vector<16xf32>
              %add3A_443 = arith.addf %select_n3A_428, %select_n3A_429 : vector<16xf32>
              %add3A_444 = arith.addf %select_n3A_430, %select_n3A_431 : vector<16xf32>
              %add3A_445 = arith.addf %select_n3A_432, %select_n3A_433 : vector<16xf32>
              %add3A_446 = arith.addf %add3A_442, %add3A_443 : vector<16xf32>
              %add3A_447 = arith.addf %add3A_444, %add3A_445 : vector<16xf32>
              %add3A_448 = arith.addf %add3A_446, %add3A_447 : vector<16xf32>
              %add3A_449 = arith.addf %scan3A_269, %add3A_448 : vector<16xf32>
              %max3A_450 = arith.maximumf %select_n3A_434, %select_n3A_435 : vector<16xf32>
              %max3A_451 = arith.maximumf %select_n3A_436, %select_n3A_437 : vector<16xf32>
              %max3A_452 = arith.maximumf %select_n3A_438, %select_n3A_439 : vector<16xf32>
              %max3A_453 = arith.maximumf %select_n3A_440, %select_n3A_441 : vector<16xf32>
              %max3A_454 = arith.maximumf %max3A_450, %max3A_451 : vector<16xf32>
              %max3A_455 = arith.maximumf %max3A_452, %max3A_453 : vector<16xf32>
              %max3A_456 = arith.maximumf %max3A_454, %max3A_455 : vector<16xf32>
              %max3A_457 = arith.maximumf %scan3A_285, %max3A_456 : vector<16xf32>
              %add3A_458 = arith.addi %multiple_of3A_240, %mul3A_302 : i32
              %add3A_459 = arith.constant 0 : i32
              %add3A_460 = arith.addi %add3A_458, %add3A_459 : i32
              %get3A_461 = arith.index_cast %add3A_460 : i32 to index
              %get3A_462 = arith.constant 16 : index
              %get3A_463 = tpu.vector_load %arg7[%get3A_461, %get3A_462] {strides = array<i32>} : memref<160x256xf32, #tpu.memory_space<vmem>>, vector<16xf32>,
              %add3A_464 = arith.addi %multiple_of3A_240, %mul3A_302 : i32
              %add3A_465 = arith.constant 1 : i32
              %add3A_466 = arith.addi %add3A_464, %add3A_465 : i32
              %get3A_467 = arith.index_cast %add3A_466 : i32 to index
              %get3A_468 = arith.constant 16 : index
              %get3A_469 = tpu.vector_load %arg7[%get3A_467, %get3A_468] {strides = array<i32>} : memref<160x256xf32, #tpu.memory_space<vmem>>, vector<16xf32>,
              %add3A_470 = arith.addi %multiple_of3A_240, %mul3A_302 : i32
              %add3A_471 = arith.constant 2 : i32
              %add3A_472 = arith.addi %add3A_470, %add3A_471 : i32
              %get3A_473 = arith.index_cast %add3A_472 : i32 to index
              %get3A_474 = arith.constant 16 : index
              %get3A_475 = tpu.vector_load %arg7[%get3A_473, %get3A_474] {strides = array<i32>} : memref<160x256xf32, #tpu.memory_space<vmem>>, vector<16xf32>,
              %add3A_476 = arith.addi %multiple_of3A_240, %mul3A_302 : i32
              %add3A_477 = arith.constant 3 : i32
              %add3A_478 = arith.addi %add3A_476, %add3A_477 : i32
              %get3A_479 = arith.index_cast %add3A_478 : i32 to index
              %get3A_480 = arith.constant 16 : index
              %get3A_481 = tpu.vector_load %arg7[%get3A_479, %get3A_480] {strides = array<i32>} : memref<160x256xf32, #tpu.memory_space<vmem>>, vector<16xf32>,
              %add3A_482 = arith.addi %multiple_of3A_240, %mul3A_302 : i32
              %add3A_483 = arith.constant 4 : i32
              %add3A_484 = arith.addi %add3A_482, %add3A_483 : i32
              %get3A_485 = arith.index_cast %add3A_484 : i32 to index
              %get3A_486 = arith.constant 16 : index
              %get3A_487 = tpu.vector_load %arg7[%get3A_485, %get3A_486] {strides = array<i32>} : memref<160x256xf32, #tpu.memory_space<vmem>>, vector<16xf32>,
              %add3A_488 = arith.addi %multiple_of3A_240, %mul3A_302 : i32
              %add3A_489 = arith.constant 5 : i32
              %add3A_490 = arith.addi %add3A_488, %add3A_489 : i32
              %get3A_491 = arith.index_cast %add3A_490 : i32 to index
              %get3A_492 = arith.constant 16 : index
              %get3A_493 = tpu.vector_load %arg7[%get3A_491, %get3A_492] {strides = array<i32>} : memref<160x256xf32, #tpu.memory_space<vmem>>, vector<16xf32>,
              %add3A_494 = arith.addi %multiple_of3A_240, %mul3A_302 : i32
              %add3A_495 = arith.constant 6 : i32
              %add3A_496 = arith.addi %add3A_494, %add3A_495 : i32
              %get3A_497 = arith.index_cast %add3A_496 : i32 to index
              %get3A_498 = arith.constant 16 : index
              %get3A_499 = tpu.vector_load %arg7[%get3A_497, %get3A_498] {strides = array<i32>} : memref<160x256xf32, #tpu.memory_space<vmem>>, vector<16xf32>,
              %add3A_500 = arith.addi %multiple_of3A_240, %mul3A_302 : i32
              %add3A_501 = arith.constant 7 : i32
              %add3A_502 = arith.addi %add3A_500, %add3A_501 : i32
              %get3A_503 = arith.index_cast %add3A_502 : i32 to index
              %get3A_504 = arith.constant 16 : index
              %get3A_505 = tpu.vector_load %arg7[%get3A_503, %get3A_504] {strides = array<i32>} : memref<160x256xf32, #tpu.memory_space<vmem>>, vector<16xf32>,
              %select_n3A_506 = arith.select %broadcast_in_dim3A_322, %get3A_463, %broadcast_in_dim3A_312 : vector<16xi1>, vector<16xf32>
              %select_n3A_507 = arith.select %broadcast_in_dim3A_330, %get3A_469, %broadcast_in_dim3A_312 : vector<16xi1>, vector<16xf32>
              %select_n3A_508 = arith.select %broadcast_in_dim3A_338, %get3A_475, %broadcast_in_dim3A_312 : vector<16xi1>, vector<16xf32>
              %select_n3A_509 = arith.select %broadcast_in_dim3A_346, %get3A_481, %broadcast_in_dim3A_312 : vector<16xi1>, vector<16xf32>
              %select_n3A_510 = arith.select %broadcast_in_dim3A_354, %get3A_487, %broadcast_in_dim3A_312 : vector<16xi1>, vector<16xf32>
              %select_n3A_511 = arith.select %broadcast_in_dim3A_362, %get3A_493, %broadcast_in_dim3A_312 : vector<16xi1>, vector<16xf32>
              %select_n3A_512 = arith.select %broadcast_in_dim3A_370, %get3A_499, %broadcast_in_dim3A_312 : vector<16xi1>, vector<16xf32>
              %select_n3A_513 = arith.select %broadcast_in_dim3A_378, %get3A_505, %broadcast_in_dim3A_312 : vector<16xi1>, vector<16xf32>
              %select_n3A_514 = arith.select %broadcast_in_dim3A_322, %get3A_463, %broadcast_in_dim3A_314 : vector<16xi1>, vector<16xf32>
              %select_n3A_515 = arith.select %broadcast_in_dim3A_330, %get3A_469, %broadcast_in_dim3A_314 : vector<16xi1>, vector<16xf32>
              %select_n3A_516 = arith.select %broadcast_in_dim3A_338, %get3A_475, %broadcast_in_dim3A_314 : vector<16xi1>, vector<16xf32>
              %select_n3A_517 = arith.select %broadcast_in_dim3A_346, %get3A_481, %broadcast_in_dim3A_314 : vector<16xi1>, vector<16xf32>
              %select_n3A_518 = arith.select %broadcast_in_dim3A_354, %get3A_487, %broadcast_in_dim3A_314 : vector<16xi1>, vector<16xf32>
              %select_n3A_519 = arith.select %broadcast_in_dim3A_362, %get3A_493, %broadcast_in_dim3A_314 : vector<16xi1>, vector<16xf32>
              %select_n3A_520 = arith.select %broadcast_in_dim3A_370, %get3A_499, %broadcast_in_dim3A_314 : vector<16xi1>, vector<16xf32>
              %select_n3A_521 = arith.select %broadcast_in_dim3A_378, %get3A_505, %broadcast_in_dim3A_314 : vector<16xi1>, vector<16xf32>
              %add3A_522 = arith.addf %select_n3A_506, %select_n3A_507 : vector<16xf32>
              %add3A_523 = arith.addf %select_n3A_508, %select_n3A_509 : vector<16xf32>
              %add3A_524 = arith.addf %select_n3A_510, %select_n3A_511 : vector<16xf32>
              %add3A_525 = arith.addf %select_n3A_512, %select_n3A_513 : vector<16xf32>
              %add3A_526 = arith.addf %add3A_522, %add3A_523 : vector<16xf32>
              %add3A_527 = arith.addf %add3A_524, %add3A_525 : vector<16xf32>
              %add3A_528 = arith.addf %add3A_526, %add3A_527 : vector<16xf32>
              %add3A_529 = arith.addf %scan3A_270, %add3A_528 : vector<16xf32>
              %max3A_530 = arith.maximumf %select_n3A_514, %select_n3A_515 : vector<16xf32>
              %max3A_531 = arith.maximumf %select_n3A_516, %select_n3A_517 : vector<16xf32>
              %max3A_532 = arith.maximumf %select_n3A_518, %select_n3A_519 : vector<16xf32>
              %max3A_533 = arith.maximumf %select_n3A_520, %select_n3A_521 : vector<16xf32>
              %max3A_534 = arith.maximumf %max3A_530, %max3A_531 : vector<16xf32>
              %max3A_535 = arith.maximumf %max3A_532, %max3A_533 : vector<16xf32>
              %max3A_536 = arith.maximumf %max3A_534, %max3A_535 : vector<16xf32>
              %max3A_537 = arith.maximumf %scan3A_286, %max3A_536 : vector<16xf32>
              %add3A_538 = arith.addi %multiple_of3A_240, %mul3A_302 : i32
              %add3A_539 = arith.constant 0 : i32
              %add3A_540 = arith.addi %add3A_538, %add3A_539 : i32
              %get3A_541 = arith.index_cast %add3A_540 : i32 to index
              %get3A_542 = arith.constant 32 : index
              %get3A_543 = tpu.vector_load %arg7[%get3A_541, %get3A_542] {strides = array<i32>} : memref<160x256xf32, #tpu.memory_space<vmem>>, vector<16xf32>,
              %add3A_544 = arith.addi %multiple_of3A_240, %mul3A_302 : i32
              %add3A_545 = arith.constant 1 : i32
              %add3A_546 = arith.addi %add3A_544, %add3A_545 : i32
              %get3A_547 = arith.index_cast %add3A_546 : i32 to index
              %get3A_548 = arith.constant 32 : index
              %get3A_549 = tpu.vector_load %arg7[%get3A_547, %get3A_548] {strides = array<i32>} : memref<160x256xf32, #tpu.memory_space<vmem>>, vector<16xf32>,
              %add3A_550 = arith.addi %multiple_of3A_240, %mul3A_302 : i32
              %add3A_551 = arith.constant 2 : i32
              %add3A_552 = arith.addi %add3A_550, %add3A_551 : i32
              %get3A_553 = arith.index_cast %add3A_552 : i32 to index
              %get3A_554 = arith.constant 32 : index
              %get3A_555 = tpu.vector_load %arg7[%get3A_553, %get3A_554] {strides = array<i32>} : memref<160x256xf32, #tpu.memory_space<vmem>>, vector<16xf32>,
              %add3A_556 = arith.addi %multiple_of3A_240, %mul3A_302 : i32
              %add3A_557 = arith.constant 3 : i32
              %add3A_558 = arith.addi %add3A_556, %add3A_557 : i32
              %get3A_559 = arith.index_cast %add3A_558 : i32 to index
              %get3A_560 = arith.constant 32 : index
              %get3A_561 = tpu.vector_load %arg7[%get3A_559, %get3A_560] {strides = array<i32>} : memref<160x256xf32, #tpu.memory_space<vmem>>, vector<16xf32>,
              %add3A_562 = arith.addi %multiple_of3A_240, %mul3A_302 : i32
              %add3A_563 = arith.constant 4 : i32
              %add3A_564 = arith.addi %add3A_562, %add3A_563 : i32
              %get3A_565 = arith.index_cast %add3A_564 : i32 to index
              %get3A_566 = arith.constant 32 : index
              %get3A_567 = tpu.vector_load %arg7[%get3A_565, %get3A_566] {strides = array<i32>} : memref<160x256xf32, #tpu.memory_space<vmem>>, vector<16xf32>,
              %add3A_568 = arith.addi %multiple_of3A_240, %mul3A_302 : i32
              %add3A_569 = arith.constant 5 : i32
              %add3A_570 = arith.addi %add3A_568, %add3A_569 : i32
              %get3A_571 = arith.index_cast %add3A_570 : i32 to index
              %get3A_572 = arith.constant 32 : index
              %get3A_573 = tpu.vector_load %arg7[%get3A_571, %get3A_572] {strides = array<i32>} : memref<160x256xf32, #tpu.memory_space<vmem>>, vector<16xf32>,
              %add3A_574 = arith.addi %multiple_of3A_240, %mul3A_302 : i32
              %add3A_575 = arith.constant 6 : i32
              %add3A_576 = arith.addi %add3A_574, %add3A_575 : i32
              %get3A_577 = arith.index_cast %add3A_576 : i32 to index
              %get3A_578 = arith.constant 32 : index
              %get3A_579 = tpu.vector_load %arg7[%get3A_577, %get3A_578] {strides = array<i32>} : memref<160x256xf32, #tpu.memory_space<vmem>>, vector<16xf32>,
              %add3A_580 = arith.addi %multiple_of3A_240, %mul3A_302 : i32
              %add3A_581 = arith.constant 7 : i32
              %add3A_582 = arith.addi %add3A_580, %add3A_581 : i32
              %get3A_583 = arith.index_cast %add3A_582 : i32 to index
              %get3A_584 = arith.constant 32 : index
              %get3A_585 = tpu.vector_load %arg7[%get3A_583, %get3A_584] {strides = array<i32>} : memref<160x256xf32, #tpu.memory_space<vmem>>, vector<16xf32>,
              %select_n3A_586 = arith.select %broadcast_in_dim3A_322, %get3A_543, %broadcast_in_dim3A_312 : vector<16xi1>, vector<16xf32>
              %select_n3A_587 = arith.select %broadcast_in_dim3A_330, %get3A_549, %broadcast_in_dim3A_312 : vector<16xi1>, vector<16xf32>
              %select_n3A_588 = arith.select %broadcast_in_dim3A_338, %get3A_555, %broadcast_in_dim3A_312 : vector<16xi1>, vector<16xf32>
              %select_n3A_589 = arith.select %broadcast_in_dim3A_346, %get3A_561, %broadcast_in_dim3A_312 : vector<16xi1>, vector<16xf32>
              %select_n3A_590 = arith.select %broadcast_in_dim3A_354, %get3A_567, %broadcast_in_dim3A_312 : vector<16xi1>, vector<16xf32>
              %select_n3A_591 = arith.select %broadcast_in_dim3A_362, %get3A_573, %broadcast_in_dim3A_312 : vector<16xi1>, vector<16xf32>
              %select_n3A_592 = arith.select %broadcast_in_dim3A_370, %get3A_579, %broadcast_in_dim3A_312 : vector<16xi1>, vector<16xf32>
              %select_n3A_593 = arith.select %broadcast_in_dim3A_378, %get3A_585, %broadcast_in_dim3A_312 : vector<16xi1>, vector<16xf32>
              %select_n3A_594 = arith.select %broadcast_in_dim3A_322, %get3A_543, %broadcast_in_dim3A_314 : vector<16xi1>, vector<16xf32>
              %select_n3A_595 = arith.select %broadcast_in_dim3A_330, %get3A_549, %broadcast_in_dim3A_314 : vector<16xi1>, vector<16xf32>
              %select_n3A_596 = arith.select %broadcast_in_dim3A_338, %get3A_555, %broadcast_in_dim3A_314 : vector<16xi1>, vector<16xf32>
              %select_n3A_597 = arith.select %broadcast_in_dim3A_346, %get3A_561, %broadcast_in_dim3A_314 : vector<16xi1>, vector<16xf32>
              %select_n3A_598 = arith.select %broadcast_in_dim3A_354, %get3A_567, %broadcast_in_dim3A_314 : vector<16xi1>, vector<16xf32>
              %select_n3A_599 = arith.select %broadcast_in_dim3A_362, %get3A_573, %broadcast_in_dim3A_314 : vector<16xi1>, vector<16xf32>
              %select_n3A_600 = arith.select %broadcast_in_dim3A_370, %get3A_579, %broadcast_in_dim3A_314 : vector<16xi1>, vector<16xf32>
              %select_n3A_601 = arith.select %broadcast_in_dim3A_378, %get3A_585, %broadcast_in_dim3A_314 : vector<16xi1>, vector<16xf32>
              %add3A_602 = arith.addf %select_n3A_586, %select_n3A_587 : vector<16xf32>
              %add3A_603 = arith.addf %select_n3A_588, %select_n3A_589 : vector<16xf32>
              %add3A_604 = arith.addf %select_n3A_590, %select_n3A_591 : vector<16xf32>
              %add3A_605 = arith.addf %select_n3A_592, %select_n3A_593 : vector<16xf32>
              %add3A_606 = arith.addf %add3A_602, %add3A_603 : vector<16xf32>
              %add3A_607 = arith.addf %add3A_604, %add3A_605 : vector<16xf32>
              %add3A_608 = arith.addf %add3A_606, %add3A_607 : vector<16xf32>
              %add3A_609 = arith.addf %scan3A_271, %add3A_608 : vector<16xf32>
              %max3A_610 = arith.maximumf %select_n3A_594, %select_n3A_595 : vector<16xf32>
              %max3A_611 = arith.maximumf %select_n3A_596, %select_n3A_597 : vector<16xf32>
              %max3A_612 = arith.maximumf %select_n3A_598, %select_n3A_599 : vector<16xf32>
              %max3A_613 = arith.maximumf %select_n3A_600, %select_n3A_601 : vector<16xf32>
              %max3A_614 = arith.maximumf %max3A_610, %max3A_611 : vector<16xf32>
              %max3A_615 = arith.maximumf %max3A_612, %max3A_613 : vector<16xf32>
              %max3A_616 = arith.maximumf %max3A_614, %max3A_615 : vector<16xf32>
              %max3A_617 = arith.maximumf %scan3A_287, %max3A_616 : vector<16xf32>
              %add3A_618 = arith.addi %multiple_of3A_240, %mul3A_302 : i32
              %add3A_619 = arith.constant 0 : i32
              %add3A_620 = arith.addi %add3A_618, %add3A_619 : i32
              %get3A_621 = arith.index_cast %add3A_620 : i32 to index
              %get3A_622 = arith.constant 48 : index
              %get3A_623 = tpu.vector_load %arg7[%get3A_621, %get3A_622] {strides = array<i32>} : memref<160x256xf32, #tpu.memory_space<vmem>>, vector<16xf32>,
              %add3A_624 = arith.addi %multiple_of3A_240, %mul3A_302 : i32
              %add3A_625 = arith.constant 1 : i32
              %add3A_626 = arith.addi %add3A_624, %add3A_625 : i32
              %get3A_627 = arith.index_cast %add3A_626 : i32 to index
              %get3A_628 = arith.constant 48 : index
              %get3A_629 = tpu.vector_load %arg7[%get3A_627, %get3A_628] {strides = array<i32>} : memref<160x256xf32, #tpu.memory_space<vmem>>, vector<16xf32>,
              %add3A_630 = arith.addi %multiple_of3A_240, %mul3A_302 : i32
              %add3A_631 = arith.constant 2 : i32
              %add3A_632 = arith.addi %add3A_630, %add3A_631 : i32
              %get3A_633 = arith.index_cast %add3A_632 : i32 to index
              %get3A_634 = arith.constant 48 : index
              %get3A_635 = tpu.vector_load %arg7[%get3A_633, %get3A_634] {strides = array<i32>} : memref<160x256xf32, #tpu.memory_space<vmem>>, vector<16xf32>,
              %add3A_636 = arith.addi %multiple_of3A_240, %mul3A_302 : i32
              %add3A_637 = arith.constant 3 : i32
              %add3A_638 = arith.addi %add3A_636, %add3A_637 : i32
              %get3A_639 = arith.index_cast %add3A_638 : i32 to index
              %get3A_640 = arith.constant 48 : index
              %get3A_641 = tpu.vector_load %arg7[%get3A_639, %get3A_640] {strides = array<i32>} : memref<160x256xf32, #tpu.memory_space<vmem>>, vector<16xf32>,
              %add3A_642 = arith.addi %multiple_of3A_240, %mul3A_302 : i32
              %add3A_643 = arith.constant 4 : i32
              %add3A_644 = arith.addi %add3A_642, %add3A_643 : i32
              %get3A_645 = arith.index_cast %add3A_644 : i32 to index
              %get3A_646 = arith.constant 48 : index
              %get3A_647 = tpu.vector_load %arg7[%get3A_645, %get3A_646] {strides = array<i32>} : memref<160x256xf32, #tpu.memory_space<vmem>>, vector<16xf32>,
              %add3A_648 = arith.addi %multiple_of3A_240, %mul3A_302 : i32
              %add3A_649 = arith.constant 5 : i32
              %add3A_650 = arith.addi %add3A_648, %add3A_649 : i32
              %get3A_651 = arith.index_cast %add3A_650 : i32 to index
              %get3A_652 = arith.constant 48 : index
              %get3A_653 = tpu.vector_load %arg7[%get3A_651, %get3A_652] {strides = array<i32>} : memref<160x256xf32, #tpu.memory_space<vmem>>, vector<16xf32>,
              %add3A_654 = arith.addi %multiple_of3A_240, %mul3A_302 : i32
              %add3A_655 = arith.constant 6 : i32
              %add3A_656 = arith.addi %add3A_654, %add3A_655 : i32
              %get3A_657 = arith.index_cast %add3A_656 : i32 to index
              %get3A_658 = arith.constant 48 : index
              %get3A_659 = tpu.vector_load %arg7[%get3A_657, %get3A_658] {strides = array<i32>} : memref<160x256xf32, #tpu.memory_space<vmem>>, vector<16xf32>,
              %add3A_660 = arith.addi %multiple_of3A_240, %mul3A_302 : i32
              %add3A_661 = arith.constant 7 : i32
              %add3A_662 = arith.addi %add3A_660, %add3A_661 : i32
              %get3A_663 = arith.index_cast %add3A_662 : i32 to index
              %get3A_664 = arith.constant 48 : index
              %get3A_665 = tpu.vector_load %arg7[%get3A_663, %get3A_664] {strides = array<i32>} : memref<160x256xf32, #tpu.memory_space<vmem>>, vector<16xf32>,
              %select_n3A_666 = arith.select %broadcast_in_dim3A_322, %get3A_623, %broadcast_in_dim3A_312 : vector<16xi1>, vector<16xf32>
              %select_n3A_667 = arith.select %broadcast_in_dim3A_330, %get3A_629, %broadcast_in_dim3A_312 : vector<16xi1>, vector<16xf32>
              %select_n3A_668 = arith.select %broadcast_in_dim3A_338, %get3A_635, %broadcast_in_dim3A_312 : vector<16xi1>, vector<16xf32>
              %select_n3A_669 = arith.select %broadcast_in_dim3A_346, %get3A_641, %broadcast_in_dim3A_312 : vector<16xi1>, vector<16xf32>
              %select_n3A_670 = arith.select %broadcast_in_dim3A_354, %get3A_647, %broadcast_in_dim3A_312 : vector<16xi1>, vector<16xf32>
              %select_n3A_671 = arith.select %broadcast_in_dim3A_362, %get3A_653, %broadcast_in_dim3A_312 : vector<16xi1>, vector<16xf32>
              %select_n3A_672 = arith.select %broadcast_in_dim3A_370, %get3A_659, %broadcast_in_dim3A_312 : vector<16xi1>, vector<16xf32>
              %select_n3A_673 = arith.select %broadcast_in_dim3A_378, %get3A_665, %broadcast_in_dim3A_312 : vector<16xi1>, vector<16xf32>
              %select_n3A_674 = arith.select %broadcast_in_dim3A_322, %get3A_623, %broadcast_in_dim3A_314 : vector<16xi1>, vector<16xf32>
              %select_n3A_675 = arith.select %broadcast_in_dim3A_330, %get3A_629, %broadcast_in_dim3A_314 : vector<16xi1>, vector<16xf32>
              %select_n3A_676 = arith.select %broadcast_in_dim3A_338, %get3A_635, %broadcast_in_dim3A_314 : vector<16xi1>, vector<16xf32>
              %select_n3A_677 = arith.select %broadcast_in_dim3A_346, %get3A_641, %broadcast_in_dim3A_314 : vector<16xi1>, vector<16xf32>
              %select_n3A_678 = arith.select %broadcast_in_dim3A_354, %get3A_647, %broadcast_in_dim3A_314 : vector<16xi1>, vector<16xf32>
              %select_n3A_679 = arith.select %broadcast_in_dim3A_362, %get3A_653, %broadcast_in_dim3A_314 : vector<16xi1>, vector<16xf32>
              %select_n3A_680 = arith.select %broadcast_in_dim3A_370, %get3A_659, %broadcast_in_dim3A_314 : vector<16xi1>, vector<16xf32>
              %select_n3A_681 = arith.select %broadcast_in_dim3A_378, %get3A_665, %broadcast_in_dim3A_314 : vector<16xi1>, vector<16xf32>
              %add3A_682 = arith.addf %select_n3A_666, %select_n3A_667 : vector<16xf32>
              %add3A_683 = arith.addf %select_n3A_668, %select_n3A_669 : vector<16xf32>
              %add3A_684 = arith.addf %select_n3A_670, %select_n3A_671 : vector<16xf32>
              %add3A_685 = arith.addf %select_n3A_672, %select_n3A_673 : vector<16xf32>
              %add3A_686 = arith.addf %add3A_682, %add3A_683 : vector<16xf32>
              %add3A_687 = arith.addf %add3A_684, %add3A_685 : vector<16xf32>
              %add3A_688 = arith.addf %add3A_686, %add3A_687 : vector<16xf32>
              %add3A_689 = arith.addf %scan3A_272, %add3A_688 : vector<16xf32>
              %max3A_690 = arith.maximumf %select_n3A_674, %select_n3A_675 : vector<16xf32>
              %max3A_691 = arith.maximumf %select_n3A_676, %select_n3A_677 : vector<16xf32>
              %max3A_692 = arith.maximumf %select_n3A_678, %select_n3A_679 : vector<16xf32>
              %max3A_693 = arith.maximumf %select_n3A_680, %select_n3A_681 : vector<16xf32>
              %max3A_694 = arith.maximumf %max3A_690, %max3A_691 : vector<16xf32>
              %max3A_695 = arith.maximumf %max3A_692, %max3A_693 : vector<16xf32>
              %max3A_696 = arith.maximumf %max3A_694, %max3A_695 : vector<16xf32>
              %max3A_697 = arith.maximumf %scan3A_288, %max3A_696 : vector<16xf32>
              %add3A_698 = arith.addi %multiple_of3A_240, %mul3A_302 : i32
              %add3A_699 = arith.constant 0 : i32
              %add3A_700 = arith.addi %add3A_698, %add3A_699 : i32
              %get3A_701 = arith.index_cast %add3A_700 : i32 to index
              %get3A_702 = arith.constant 64 : index
              %get3A_703 = tpu.vector_load %arg7[%get3A_701, %get3A_702] {strides = array<i32>} : memref<160x256xf32, #tpu.memory_space<vmem>>, vector<16xf32>,
              %add3A_704 = arith.addi %multiple_of3A_240, %mul3A_302 : i32
              %add3A_705 = arith.constant 1 : i32
              %add3A_706 = arith.addi %add3A_704, %add3A_705 : i32
              %get3A_707 = arith.index_cast %add3A_706 : i32 to index
              %get3A_708 = arith.constant 64 : index
              %get3A_709 = tpu.vector_load %arg7[%get3A_707, %get3A_708] {strides = array<i32>} : memref<160x256xf32, #tpu.memory_space<vmem>>, vector<16xf32>,
              %add3A_710 = arith.addi %multiple_of3A_240, %mul3A_302 : i32
              %add3A_711 = arith.constant 2 : i32
              %add3A_712 = arith.addi %add3A_710, %add3A_711 : i32
              %get3A_713 = arith.index_cast %add3A_712 : i32 to index
              %get3A_714 = arith.constant 64 : index
              %get3A_715 = tpu.vector_load %arg7[%get3A_713, %get3A_714] {strides = array<i32>} : memref<160x256xf32, #tpu.memory_space<vmem>>, vector<16xf32>,
              %add3A_716 = arith.addi %multiple_of3A_240, %mul3A_302 : i32
              %add3A_717 = arith.constant 3 : i32
              %add3A_718 = arith.addi %add3A_716, %add3A_717 : i32
              %get3A_719 = arith.index_cast %add3A_718 : i32 to index
              %get3A_720 = arith.constant 64 : index
              %get3A_721 = tpu.vector_load %arg7[%get3A_719, %get3A_720] {strides = array<i32>} : memref<160x256xf32, #tpu.memory_space<vmem>>, vector<16xf32>,
              %add3A_722 = arith.addi %multiple_of3A_240, %mul3A_302 : i32
              %add3A_723 = arith.constant 4 : i32
              %add3A_724 = arith.addi %add3A_722, %add3A_723 : i32
              %get3A_725 = arith.index_cast %add3A_724 : i32 to index
              %get3A_726 = arith.constant 64 : index
              %get3A_727 = tpu.vector_load %arg7[%get3A_725, %get3A_726] {strides = array<i32>} : memref<160x256xf32, #tpu.memory_space<vmem>>, vector<16xf32>,
              %add3A_728 = arith.addi %multiple_of3A_240, %mul3A_302 : i32
              %add3A_729 = arith.constant 5 : i32
              %add3A_730 = arith.addi %add3A_728, %add3A_729 : i32
              %get3A_731 = arith.index_cast %add3A_730 : i32 to index
              %get3A_732 = arith.constant 64 : index
              %get3A_733 = tpu.vector_load %arg7[%get3A_731, %get3A_732] {strides = array<i32>} : memref<160x256xf32, #tpu.memory_space<vmem>>, vector<16xf32>,
              %add3A_734 = arith.addi %multiple_of3A_240, %mul3A_302 : i32
              %add3A_735 = arith.constant 6 : i32
              %add3A_736 = arith.addi %add3A_734, %add3A_735 : i32
              %get3A_737 = arith.index_cast %add3A_736 : i32 to index
              %get3A_738 = arith.constant 64 : index
              %get3A_739 = tpu.vector_load %arg7[%get3A_737, %get3A_738] {strides = array<i32>} : memref<160x256xf32, #tpu.memory_space<vmem>>, vector<16xf32>,
              %add3A_740 = arith.addi %multiple_of3A_240, %mul3A_302 : i32
              %add3A_741 = arith.constant 7 : i32
              %add3A_742 = arith.addi %add3A_740, %add3A_741 : i32
              %get3A_743 = arith.index_cast %add3A_742 : i32 to index
              %get3A_744 = arith.constant 64 : index
              %get3A_745 = tpu.vector_load %arg7[%get3A_743, %get3A_744] {strides = array<i32>} : memref<160x256xf32, #tpu.memory_space<vmem>>, vector<16xf32>,
              %select_n3A_746 = arith.select %broadcast_in_dim3A_322, %get3A_703, %broadcast_in_dim3A_312 : vector<16xi1>, vector<16xf32>
              %select_n3A_747 = arith.select %broadcast_in_dim3A_330, %get3A_709, %broadcast_in_dim3A_312 : vector<16xi1>, vector<16xf32>
              %select_n3A_748 = arith.select %broadcast_in_dim3A_338, %get3A_715, %broadcast_in_dim3A_312 : vector<16xi1>, vector<16xf32>
              %select_n3A_749 = arith.select %broadcast_in_dim3A_346, %get3A_721, %broadcast_in_dim3A_312 : vector<16xi1>, vector<16xf32>
              %select_n3A_750 = arith.select %broadcast_in_dim3A_354, %get3A_727, %broadcast_in_dim3A_312 : vector<16xi1>, vector<16xf32>
              %select_n3A_751 = arith.select %broadcast_in_dim3A_362, %get3A_733, %broadcast_in_dim3A_312 : vector<16xi1>, vector<16xf32>
              %select_n3A_752 = arith.select %broadcast_in_dim3A_370, %get3A_739, %broadcast_in_dim3A_312 : vector<16xi1>, vector<16xf32>
              %select_n3A_753 = arith.select %broadcast_in_dim3A_378, %get3A_745, %broadcast_in_dim3A_312 : vector<16xi1>, vector<16xf32>
              %select_n3A_754 = arith.select %broadcast_in_dim3A_322, %get3A_703, %broadcast_in_dim3A_314 : vector<16xi1>, vector<16xf32>
              %select_n3A_755 = arith.select %broadcast_in_dim3A_330, %get3A_709, %broadcast_in_dim3A_314 : vector<16xi1>, vector<16xf32>
              %select_n3A_756 = arith.select %broadcast_in_dim3A_338, %get3A_715, %broadcast_in_dim3A_314 : vector<16xi1>, vector<16xf32>
              %select_n3A_757 = arith.select %broadcast_in_dim3A_346, %get3A_721, %broadcast_in_dim3A_314 : vector<16xi1>, vector<16xf32>
              %select_n3A_758 = arith.select %broadcast_in_dim3A_354, %get3A_727, %broadcast_in_dim3A_314 : vector<16xi1>, vector<16xf32>
              %select_n3A_759 = arith.select %broadcast_in_dim3A_362, %get3A_733, %broadcast_in_dim3A_314 : vector<16xi1>, vector<16xf32>
              %select_n3A_760 = arith.select %broadcast_in_dim3A_370, %get3A_739, %broadcast_in_dim3A_314 : vector<16xi1>, vector<16xf32>
              %select_n3A_761 = arith.select %broadcast_in_dim3A_378, %get3A_745, %broadcast_in_dim3A_314 : vector<16xi1>, vector<16xf32>
              %add3A_762 = arith.addf %select_n3A_746, %select_n3A_747 : vector<16xf32>
              %add3A_763 = arith.addf %select_n3A_748, %select_n3A_749 : vector<16xf32>
              %add3A_764 = arith.addf %select_n3A_750, %select_n3A_751 : vector<16xf32>
              %add3A_765 = arith.addf %select_n3A_752, %select_n3A_753 : vector<16xf32>
              %add3A_766 = arith.addf %add3A_762, %add3A_763 : vector<16xf32>
              %add3A_767 = arith.addf %add3A_764, %add3A_765 : vector<16xf32>
              %add3A_768 = arith.addf %add3A_766, %add3A_767 : vector<16xf32>
              %add3A_769 = arith.addf %scan3A_273, %add3A_768 : vector<16xf32>
              %max3A_770 = arith.maximumf %select_n3A_754, %select_n3A_755 : vector<16xf32>
              %max3A_771 = arith.maximumf %select_n3A_756, %select_n3A_757 : vector<16xf32>
              %max3A_772 = arith.maximumf %select_n3A_758, %select_n3A_759 : vector<16xf32>
              %max3A_773 = arith.maximumf %select_n3A_760, %select_n3A_761 : vector<16xf32>
              %max3A_774 = arith.maximumf %max3A_770, %max3A_771 : vector<16xf32>
              %max3A_775 = arith.maximumf %max3A_772, %max3A_773 : vector<16xf32>
              %max3A_776 = arith.maximumf %max3A_774, %max3A_775 : vector<16xf32>
              %max3A_777 = arith.maximumf %scan3A_289, %max3A_776 : vector<16xf32>
              %add3A_778 = arith.addi %multiple_of3A_240, %mul3A_302 : i32
              %add3A_779 = arith.constant 0 : i32
              %add3A_780 = arith.addi %add3A_778, %add3A_779 : i32
              %get3A_781 = arith.index_cast %add3A_780 : i32 to index
              %get3A_782 = arith.constant 80 : index
              %get3A_783 = tpu.vector_load %arg7[%get3A_781, %get3A_782] {strides = array<i32>} : memref<160x256xf32, #tpu.memory_space<vmem>>, vector<16xf32>,
              %add3A_784 = arith.addi %multiple_of3A_240, %mul3A_302 : i32
              %add3A_785 = arith.constant 1 : i32
              %add3A_786 = arith.addi %add3A_784, %add3A_785 : i32
              %get3A_787 = arith.index_cast %add3A_786 : i32 to index
              %get3A_788 = arith.constant 80 : index
              %get3A_789 = tpu.vector_load %arg7[%get3A_787, %get3A_788] {strides = array<i32>} : memref<160x256xf32, #tpu.memory_space<vmem>>, vector<16xf32>,
              %add3A_790 = arith.addi %multiple_of3A_240, %mul3A_302 : i32
              %add3A_791 = arith.constant 2 : i32
              %add3A_792 = arith.addi %add3A_790, %add3A_791 : i32
              %get3A_793 = arith.index_cast %add3A_792 : i32 to index
              %get3A_794 = arith.constant 80 : index
              %get3A_795 = tpu.vector_load %arg7[%get3A_793, %get3A_794] {strides = array<i32>} : memref<160x256xf32, #tpu.memory_space<vmem>>, vector<16xf32>,
              %add3A_796 = arith.addi %multiple_of3A_240, %mul3A_302 : i32
              %add3A_797 = arith.constant 3 : i32
              %add3A_798 = arith.addi %add3A_796, %add3A_797 : i32
              %get3A_799 = arith.index_cast %add3A_798 : i32 to index
              %get3A_800 = arith.constant 80 : index
              %get3A_801 = tpu.vector_load %arg7[%get3A_799, %get3A_800] {strides = array<i32>} : memref<160x256xf32, #tpu.memory_space<vmem>>, vector<16xf32>,
              %add3A_802 = arith.addi %multiple_of3A_240, %mul3A_302 : i32
              %add3A_803 = arith.constant 4 : i32
              %add3A_804 = arith.addi %add3A_802, %add3A_803 : i32
              %get3A_805 = arith.index_cast %add3A_804 : i32 to index
              %get3A_806 = arith.constant 80 : index
              %get3A_807 = tpu.vector_load %arg7[%get3A_805, %get3A_806] {strides = array<i32>} : memref<160x256xf32, #tpu.memory_space<vmem>>, vector<16xf32>,
              %add3A_808 = arith.addi %multiple_of3A_240, %mul3A_302 : i32
              %add3A_809 = arith.constant 5 : i32
              %add3A_810 = arith.addi %add3A_808, %add3A_809 : i32
              %get3A_811 = arith.index_cast %add3A_810 : i32 to index
              %get3A_812 = arith.constant 80 : index
              %get3A_813 = tpu.vector_load %arg7[%get3A_811, %get3A_812] {strides = array<i32>} : memref<160x256xf32, #tpu.memory_space<vmem>>, vector<16xf32>,
              %add3A_814 = arith.addi %multiple_of3A_240, %mul3A_302 : i32
              %add3A_815 = arith.constant 6 : i32
              %add3A_816 = arith.addi %add3A_814, %add3A_815 : i32
              %get3A_817 = arith.index_cast %add3A_816 : i32 to index
              %get3A_818 = arith.constant 80 : index
              %get3A_819 = tpu.vector_load %arg7[%get3A_817, %get3A_818] {strides = array<i32>} : memref<160x256xf32, #tpu.memory_space<vmem>>, vector<16xf32>,
              %add3A_820 = arith.addi %multiple_of3A_240, %mul3A_302 : i32
              %add3A_821 = arith.constant 7 : i32
              %add3A_822 = arith.addi %add3A_820, %add3A_821 : i32
              %get3A_823 = arith.index_cast %add3A_822 : i32 to index
              %get3A_824 = arith.constant 80 : index
              %get3A_825 = tpu.vector_load %arg7[%get3A_823, %get3A_824] {strides = array<i32>} : memref<160x256xf32, #tpu.memory_space<vmem>>, vector<16xf32>,
              %select_n3A_826 = arith.select %broadcast_in_dim3A_322, %get3A_783, %broadcast_in_dim3A_312 : vector<16xi1>, vector<16xf32>
              %select_n3A_827 = arith.select %broadcast_in_dim3A_330, %get3A_789, %broadcast_in_dim3A_312 : vector<16xi1>, vector<16xf32>
              %select_n3A_828 = arith.select %broadcast_in_dim3A_338, %get3A_795, %broadcast_in_dim3A_312 : vector<16xi1>, vector<16xf32>
              %select_n3A_829 = arith.select %broadcast_in_dim3A_346, %get3A_801, %broadcast_in_dim3A_312 : vector<16xi1>, vector<16xf32>
              %select_n3A_830 = arith.select %broadcast_in_dim3A_354, %get3A_807, %broadcast_in_dim3A_312 : vector<16xi1>, vector<16xf32>
              %select_n3A_831 = arith.select %broadcast_in_dim3A_362, %get3A_813, %broadcast_in_dim3A_312 : vector<16xi1>, vector<16xf32>
              %select_n3A_832 = arith.select %broadcast_in_dim3A_370, %get3A_819, %broadcast_in_dim3A_312 : vector<16xi1>, vector<16xf32>
              %select_n3A_833 = arith.select %broadcast_in_dim3A_378, %get3A_825, %broadcast_in_dim3A_312 : vector<16xi1>, vector<16xf32>
              %select_n3A_834 = arith.select %broadcast_in_dim3A_322, %get3A_783, %broadcast_in_dim3A_314 : vector<16xi1>, vector<16xf32>
              %select_n3A_835 = arith.select %broadcast_in_dim3A_330, %get3A_789, %broadcast_in_dim3A_314 : vector<16xi1>, vector<16xf32>
              %select_n3A_836 = arith.select %broadcast_in_dim3A_338, %get3A_795, %broadcast_in_dim3A_314 : vector<16xi1>, vector<16xf32>
              %select_n3A_837 = arith.select %broadcast_in_dim3A_346, %get3A_801, %broadcast_in_dim3A_314 : vector<16xi1>, vector<16xf32>
              %select_n3A_838 = arith.select %broadcast_in_dim3A_354, %get3A_807, %broadcast_in_dim3A_314 : vector<16xi1>, vector<16xf32>
              %select_n3A_839 = arith.select %broadcast_in_dim3A_362, %get3A_813, %broadcast_in_dim3A_314 : vector<16xi1>, vector<16xf32>
              %select_n3A_840 = arith.select %broadcast_in_dim3A_370, %get3A_819, %broadcast_in_dim3A_314 : vector<16xi1>, vector<16xf32>
              %select_n3A_841 = arith.select %broadcast_in_dim3A_378, %get3A_825, %broadcast_in_dim3A_314 : vector<16xi1>, vector<16xf32>
              %add3A_842 = arith.addf %select_n3A_826, %select_n3A_827 : vector<16xf32>
              %add3A_843 = arith.addf %select_n3A_828, %select_n3A_829 : vector<16xf32>
              %add3A_844 = arith.addf %select_n3A_830, %select_n3A_831 : vector<16xf32>
              %add3A_845 = arith.addf %select_n3A_832, %select_n3A_833 : vector<16xf32>
              %add3A_846 = arith.addf %add3A_842, %add3A_843 : vector<16xf32>
              %add3A_847 = arith.addf %add3A_844, %add3A_845 : vector<16xf32>
              %add3A_848 = arith.addf %add3A_846, %add3A_847 : vector<16xf32>
              %add3A_849 = arith.addf %scan3A_274, %add3A_848 : vector<16xf32>
              %max3A_850 = arith.maximumf %select_n3A_834, %select_n3A_835 : vector<16xf32>
              %max3A_851 = arith.maximumf %select_n3A_836, %select_n3A_837 : vector<16xf32>
              %max3A_852 = arith.maximumf %select_n3A_838, %select_n3A_839 : vector<16xf32>
              %max3A_853 = arith.maximumf %select_n3A_840, %select_n3A_841 : vector<16xf32>
              %max3A_854 = arith.maximumf %max3A_850, %max3A_851 : vector<16xf32>
              %max3A_855 = arith.maximumf %max3A_852, %max3A_853 : vector<16xf32>
              %max3A_856 = arith.maximumf %max3A_854, %max3A_855 : vector<16xf32>
              %max3A_857 = arith.maximumf %scan3A_290, %max3A_856 : vector<16xf32>
              %add3A_858 = arith.addi %multiple_of3A_240, %mul3A_302 : i32
              %add3A_859 = arith.constant 0 : i32
              %add3A_860 = arith.addi %add3A_858, %add3A_859 : i32
              %get3A_861 = arith.index_cast %add3A_860 : i32 to index
              %get3A_862 = arith.constant 96 : index
              %get3A_863 = tpu.vector_load %arg7[%get3A_861, %get3A_862] {strides = array<i32>} : memref<160x256xf32, #tpu.memory_space<vmem>>, vector<16xf32>,
              %add3A_864 = arith.addi %multiple_of3A_240, %mul3A_302 : i32
              %add3A_865 = arith.constant 1 : i32
              %add3A_866 = arith.addi %add3A_864, %add3A_865 : i32
              %get3A_867 = arith.index_cast %add3A_866 : i32 to index
              %get3A_868 = arith.constant 96 : index
              %get3A_869 = tpu.vector_load %arg7[%get3A_867, %get3A_868] {strides = array<i32>} : memref<160x256xf32, #tpu.memory_space<vmem>>, vector<16xf32>,
              %add3A_870 = arith.addi %multiple_of3A_240, %mul3A_302 : i32
              %add3A_871 = arith.constant 2 : i32
              %add3A_872 = arith.addi %add3A_870, %add3A_871 : i32
              %get3A_873 = arith.index_cast %add3A_872 : i32 to index
              %get3A_874 = arith.constant 96 : index
              %get3A_875 = tpu.vector_load %arg7[%get3A_873, %get3A_874] {strides = array<i32>} : memref<160x256xf32, #tpu.memory_space<vmem>>, vector<16xf32>,
              %add3A_876 = arith.addi %multiple_of3A_240, %mul3A_302 : i32
              %add3A_877 = arith.constant 3 : i32
              %add3A_878 = arith.addi %add3A_876, %add3A_877 : i32
              %get3A_879 = arith.index_cast %add3A_878 : i32 to index
              %get3A_880 = arith.constant 96 : index
              %get3A_881 = tpu.vector_load %arg7[%get3A_879, %get3A_880] {strides = array<i32>} : memref<160x256xf32, #tpu.memory_space<vmem>>, vector<16xf32>,
              %add3A_882 = arith.addi %multiple_of3A_240, %mul3A_302 : i32
              %add3A_883 = arith.constant 4 : i32
              %add3A_884 = arith.addi %add3A_882, %add3A_883 : i32
              %get3A_885 = arith.index_cast %add3A_884 : i32 to index
              %get3A_886 = arith.constant 96 : index
              %get3A_887 = tpu.vector_load %arg7[%get3A_885, %get3A_886] {strides = array<i32>} : memref<160x256xf32, #tpu.memory_space<vmem>>, vector<16xf32>,
              %add3A_888 = arith.addi %multiple_of3A_240, %mul3A_302 : i32
              %add3A_889 = arith.constant 5 : i32
              %add3A_890 = arith.addi %add3A_888, %add3A_889 : i32
              %get3A_891 = arith.index_cast %add3A_890 : i32 to index
              %get3A_892 = arith.constant 96 : index
              %get3A_893 = tpu.vector_load %arg7[%get3A_891, %get3A_892] {strides = array<i32>} : memref<160x256xf32, #tpu.memory_space<vmem>>, vector<16xf32>,
              %add3A_894 = arith.addi %multiple_of3A_240, %mul3A_302 : i32
              %add3A_895 = arith.constant 6 : i32
              %add3A_896 = arith.addi %add3A_894, %add3A_895 : i32
              %get3A_897 = arith.index_cast %add3A_896 : i32 to index
              %get3A_898 = arith.constant 96 : index
              %get3A_899 = tpu.vector_load %arg7[%get3A_897, %get3A_898] {strides = array<i32>} : memref<160x256xf32, #tpu.memory_space<vmem>>, vector<16xf32>,
              %add3A_900 = arith.addi %multiple_of3A_240, %mul3A_302 : i32
              %add3A_901 = arith.constant 7 : i32
              %add3A_902 = arith.addi %add3A_900, %add3A_901 : i32
              %get3A_903 = arith.index_cast %add3A_902 : i32 to index
              %get3A_904 = arith.constant 96 : index
              %get3A_905 = tpu.vector_load %arg7[%get3A_903, %get3A_904] {strides = array<i32>} : memref<160x256xf32, #tpu.memory_space<vmem>>, vector<16xf32>,
              %select_n3A_906 = arith.select %broadcast_in_dim3A_322, %get3A_863, %broadcast_in_dim3A_312 : vector<16xi1>, vector<16xf32>
              %select_n3A_907 = arith.select %broadcast_in_dim3A_330, %get3A_869, %broadcast_in_dim3A_312 : vector<16xi1>, vector<16xf32>
              %select_n3A_908 = arith.select %broadcast_in_dim3A_338, %get3A_875, %broadcast_in_dim3A_312 : vector<16xi1>, vector<16xf32>
              %select_n3A_909 = arith.select %broadcast_in_dim3A_346, %get3A_881, %broadcast_in_dim3A_312 : vector<16xi1>, vector<16xf32>
              %select_n3A_910 = arith.select %broadcast_in_dim3A_354, %get3A_887, %broadcast_in_dim3A_312 : vector<16xi1>, vector<16xf32>
              %select_n3A_911 = arith.select %broadcast_in_dim3A_362, %get3A_893, %broadcast_in_dim3A_312 : vector<16xi1>, vector<16xf32>
              %select_n3A_912 = arith.select %broadcast_in_dim3A_370, %get3A_899, %broadcast_in_dim3A_312 : vector<16xi1>, vector<16xf32>
              %select_n3A_913 = arith.select %broadcast_in_dim3A_378, %get3A_905, %broadcast_in_dim3A_312 : vector<16xi1>, vector<16xf32>
              %select_n3A_914 = arith.select %broadcast_in_dim3A_322, %get3A_863, %broadcast_in_dim3A_314 : vector<16xi1>, vector<16xf32>
              %select_n3A_915 = arith.select %broadcast_in_dim3A_330, %get3A_869, %broadcast_in_dim3A_314 : vector<16xi1>, vector<16xf32>
              %select_n3A_916 = arith.select %broadcast_in_dim3A_338, %get3A_875, %broadcast_in_dim3A_314 : vector<16xi1>, vector<16xf32>
              %select_n3A_917 = arith.select %broadcast_in_dim3A_346, %get3A_881, %broadcast_in_dim3A_314 : vector<16xi1>, vector<16xf32>
              %select_n3A_918 = arith.select %broadcast_in_dim3A_354, %get3A_887, %broadcast_in_dim3A_314 : vector<16xi1>, vector<16xf32>
              %select_n3A_919 = arith.select %broadcast_in_dim3A_362, %get3A_893, %broadcast_in_dim3A_314 : vector<16xi1>, vector<16xf32>
              %select_n3A_920 = arith.select %broadcast_in_dim3A_370, %get3A_899, %broadcast_in_dim3A_314 : vector<16xi1>, vector<16xf32>
              %select_n3A_921 = arith.select %broadcast_in_dim3A_378, %get3A_905, %broadcast_in_dim3A_314 : vector<16xi1>, vector<16xf32>
              %add3A_922 = arith.addf %select_n3A_906, %select_n3A_907 : vector<16xf32>
              %add3A_923 = arith.addf %select_n3A_908, %select_n3A_909 : vector<16xf32>
              %add3A_924 = arith.addf %select_n3A_910, %select_n3A_911 : vector<16xf32>
              %add3A_925 = arith.addf %select_n3A_912, %select_n3A_913 : vector<16xf32>
              %add3A_926 = arith.addf %add3A_922, %add3A_923 : vector<16xf32>
              %add3A_927 = arith.addf %add3A_924, %add3A_925 : vector<16xf32>
              %add3A_928 = arith.addf %add3A_926, %add3A_927 : vector<16xf32>
              %add3A_929 = arith.addf %scan3A_275, %add3A_928 : vector<16xf32>
              %max3A_930 = arith.maximumf %select_n3A_914, %select_n3A_915 : vector<16xf32>
              %max3A_931 = arith.maximumf %select_n3A_916, %select_n3A_917 : vector<16xf32>
              %max3A_932 = arith.maximumf %select_n3A_918, %select_n3A_919 : vector<16xf32>
              %max3A_933 = arith.maximumf %select_n3A_920, %select_n3A_921 : vector<16xf32>
              %max3A_934 = arith.maximumf %max3A_930, %max3A_931 : vector<16xf32>
              %max3A_935 = arith.maximumf %max3A_932, %max3A_933 : vector<16xf32>
              %max3A_936 = arith.maximumf %max3A_934, %max3A_935 : vector<16xf32>
              %max3A_937 = arith.maximumf %scan3A_291, %max3A_936 : vector<16xf32>
              %add3A_938 = arith.addi %multiple_of3A_240, %mul3A_302 : i32
              %add3A_939 = arith.constant 0 : i32
              %add3A_940 = arith.addi %add3A_938, %add3A_939 : i32
              %get3A_941 = arith.index_cast %add3A_940 : i32 to index
              %get3A_942 = arith.constant 112 : index
              %get3A_943 = tpu.vector_load %arg7[%get3A_941, %get3A_942] {strides = array<i32>} : memref<160x256xf32, #tpu.memory_space<vmem>>, vector<16xf32>,
              %add3A_944 = arith.addi %multiple_of3A_240, %mul3A_302 : i32
              %add3A_945 = arith.constant 1 : i32
              %add3A_946 = arith.addi %add3A_944, %add3A_945 : i32
              %get3A_947 = arith.index_cast %add3A_946 : i32 to index
              %get3A_948 = arith.constant 112 : index
              %get3A_949 = tpu.vector_load %arg7[%get3A_947, %get3A_948] {strides = array<i32>} : memref<160x256xf32, #tpu.memory_space<vmem>>, vector<16xf32>,
              %add3A_950 = arith.addi %multiple_of3A_240, %mul3A_302 : i32
              %add3A_951 = arith.constant 2 : i32
              %add3A_952 = arith.addi %add3A_950, %add3A_951 : i32
              %get3A_953 = arith.index_cast %add3A_952 : i32 to index
              %get3A_954 = arith.constant 112 : index
              %get3A_955 = tpu.vector_load %arg7[%get3A_953, %get3A_954] {strides = array<i32>} : memref<160x256xf32, #tpu.memory_space<vmem>>, vector<16xf32>,
              %add3A_956 = arith.addi %multiple_of3A_240, %mul3A_302 : i32
              %add3A_957 = arith.constant 3 : i32
              %add3A_958 = arith.addi %add3A_956, %add3A_957 : i32
              %get3A_959 = arith.index_cast %add3A_958 : i32 to index
              %get3A_960 = arith.constant 112 : index
              %get3A_961 = tpu.vector_load %arg7[%get3A_959, %get3A_960] {strides = array<i32>} : memref<160x256xf32, #tpu.memory_space<vmem>>, vector<16xf32>,
              %add3A_962 = arith.addi %multiple_of3A_240, %mul3A_302 : i32
              %add3A_963 = arith.constant 4 : i32
              %add3A_964 = arith.addi %add3A_962, %add3A_963 : i32
              %get3A_965 = arith.index_cast %add3A_964 : i32 to index
              %get3A_966 = arith.constant 112 : index
              %get3A_967 = tpu.vector_load %arg7[%get3A_965, %get3A_966] {strides = array<i32>} : memref<160x256xf32, #tpu.memory_space<vmem>>, vector<16xf32>,
              %add3A_968 = arith.addi %multiple_of3A_240, %mul3A_302 : i32
              %add3A_969 = arith.constant 5 : i32
              %add3A_970 = arith.addi %add3A_968, %add3A_969 : i32
              %get3A_971 = arith.index_cast %add3A_970 : i32 to index
              %get3A_972 = arith.constant 112 : index
              %get3A_973 = tpu.vector_load %arg7[%get3A_971, %get3A_972] {strides = array<i32>} : memref<160x256xf32, #tpu.memory_space<vmem>>, vector<16xf32>,
              %add3A_974 = arith.addi %multiple_of3A_240, %mul3A_302 : i32
              %add3A_975 = arith.constant 6 : i32
              %add3A_976 = arith.addi %add3A_974, %add3A_975 : i32
              %get3A_977 = arith.index_cast %add3A_976 : i32 to index
              %get3A_978 = arith.constant 112 : index
              %get3A_979 = tpu.vector_load %arg7[%get3A_977, %get3A_978] {strides = array<i32>} : memref<160x256xf32, #tpu.memory_space<vmem>>, vector<16xf32>,
              %add3A_980 = arith.addi %multiple_of3A_240, %mul3A_302 : i32
              %add3A_981 = arith.constant 7 : i32
              %add3A_982 = arith.addi %add3A_980, %add3A_981 : i32
              %get3A_983 = arith.index_cast %add3A_982 : i32 to index
              %get3A_984 = arith.constant 112 : index
              %get3A_985 = tpu.vector_load %arg7[%get3A_983, %get3A_984] {strides = array<i32>} : memref<160x256xf32, #tpu.memory_space<vmem>>, vector<16xf32>,
              %select_n3A_986 = arith.select %broadcast_in_dim3A_322, %get3A_943, %broadcast_in_dim3A_312 : vector<16xi1>, vector<16xf32>
              %select_n3A_987 = arith.select %broadcast_in_dim3A_330, %get3A_949, %broadcast_in_dim3A_312 : vector<16xi1>, vector<16xf32>
              %select_n3A_988 = arith.select %broadcast_in_dim3A_338, %get3A_955, %broadcast_in_dim3A_312 : vector<16xi1>, vector<16xf32>
              %select_n3A_989 = arith.select %broadcast_in_dim3A_346, %get3A_961, %broadcast_in_dim3A_312 : vector<16xi1>, vector<16xf32>
              %select_n3A_990 = arith.select %broadcast_in_dim3A_354, %get3A_967, %broadcast_in_dim3A_312 : vector<16xi1>, vector<16xf32>
              %select_n3A_991 = arith.select %broadcast_in_dim3A_362, %get3A_973, %broadcast_in_dim3A_312 : vector<16xi1>, vector<16xf32>
              %select_n3A_992 = arith.select %broadcast_in_dim3A_370, %get3A_979, %broadcast_in_dim3A_312 : vector<16xi1>, vector<16xf32>
              %select_n3A_993 = arith.select %broadcast_in_dim3A_378, %get3A_985, %broadcast_in_dim3A_312 : vector<16xi1>, vector<16xf32>
              %select_n3A_994 = arith.select %broadcast_in_dim3A_322, %get3A_943, %broadcast_in_dim3A_314 : vector<16xi1>, vector<16xf32>
              %select_n3A_995 = arith.select %broadcast_in_dim3A_330, %get3A_949, %broadcast_in_dim3A_314 : vector<16xi1>, vector<16xf32>
              %select_n3A_996 = arith.select %broadcast_in_dim3A_338, %get3A_955, %broadcast_in_dim3A_314 : vector<16xi1>, vector<16xf32>
              %select_n3A_997 = arith.select %broadcast_in_dim3A_346, %get3A_961, %broadcast_in_dim3A_314 : vector<16xi1>, vector<16xf32>
              %select_n3A_998 = arith.select %broadcast_in_dim3A_354, %get3A_967, %broadcast_in_dim3A_314 : vector<16xi1>, vector<16xf32>
              %select_n3A_999 = arith.select %broadcast_in_dim3A_362, %get3A_973, %broadcast_in_dim3A_314 : vector<16xi1>, vector<16xf32>
              %select_n3A_1000 = arith.select %broadcast_in_dim3A_370, %get3A_979, %broadcast_in_dim3A_314 : vector<16xi1>, vector<16xf32>
              %select_n3A_1001 = arith.select %broadcast_in_dim3A_378, %get3A_985, %broadcast_in_dim3A_314 : vector<16xi1>, vector<16xf32>
              %add3A_1002 = arith.addf %select_n3A_986, %select_n3A_987 : vector<16xf32>
              %add3A_1003 = arith.addf %select_n3A_988, %select_n3A_989 : vector<16xf32>
              %add3A_1004 = arith.addf %select_n3A_990, %select_n3A_991 : vector<16xf32>
              %add3A_1005 = arith.addf %select_n3A_992, %select_n3A_993 : vector<16xf32>
              %add3A_1006 = arith.addf %add3A_1002, %add3A_1003 : vector<16xf32>
              %add3A_1007 = arith.addf %add3A_1004, %add3A_1005 : vector<16xf32>
              %add3A_1008 = arith.addf %add3A_1006, %add3A_1007 : vector<16xf32>
              %add3A_1009 = arith.addf %scan3A_276, %add3A_1008 : vector<16xf32>
              %max3A_1010 = arith.maximumf %select_n3A_994, %select_n3A_995 : vector<16xf32>
              %max3A_1011 = arith.maximumf %select_n3A_996, %select_n3A_997 : vector<16xf32>
              %max3A_1012 = arith.maximumf %select_n3A_998, %select_n3A_999 : vector<16xf32>
              %max3A_1013 = arith.maximumf %select_n3A_1000, %select_n3A_1001 : vector<16xf32>
              %max3A_1014 = arith.maximumf %max3A_1010, %max3A_1011 : vector<16xf32>
              %max3A_1015 = arith.maximumf %max3A_1012, %max3A_1013 : vector<16xf32>
              %max3A_1016 = arith.maximumf %max3A_1014, %max3A_1015 : vector<16xf32>
              %max3A_1017 = arith.maximumf %scan3A_292, %max3A_1016 : vector<16xf32>
              %add3A_1018 = arith.addi %multiple_of3A_240, %mul3A_302 : i32
              %add3A_1019 = arith.constant 0 : i32
              %add3A_1020 = arith.addi %add3A_1018, %add3A_1019 : i32
              %get3A_1021 = arith.index_cast %add3A_1020 : i32 to index
              %get3A_1022 = arith.constant 128 : index
              %get3A_1023 = tpu.vector_load %arg7[%get3A_1021, %get3A_1022] {strides = array<i32>} : memref<160x256xf32, #tpu.memory_space<vmem>>, vector<16xf32>,
              %add3A_1024 = arith.addi %multiple_of3A_240, %mul3A_302 : i32
              %add3A_1025 = arith.constant 1 : i32
              %add3A_1026 = arith.addi %add3A_1024, %add3A_1025 : i32
              %get3A_1027 = arith.index_cast %add3A_1026 : i32 to index
              %get3A_1028 = arith.constant 128 : index
              %get3A_1029 = tpu.vector_load %arg7[%get3A_1027, %get3A_1028] {strides = array<i32>} : memref<160x256xf32, #tpu.memory_space<vmem>>, vector<16xf32>,
              %add3A_1030 = arith.addi %multiple_of3A_240, %mul3A_302 : i32
              %add3A_1031 = arith.constant 2 : i32
              %add3A_1032 = arith.addi %add3A_1030, %add3A_1031 : i32
              %get3A_1033 = arith.index_cast %add3A_1032 : i32 to index
              %get3A_1034 = arith.constant 128 : index
              %get3A_1035 = tpu.vector_load %arg7[%get3A_1033, %get3A_1034] {strides = array<i32>} : memref<160x256xf32, #tpu.memory_space<vmem>>, vector<16xf32>,
              %add3A_1036 = arith.addi %multiple_of3A_240, %mul3A_302 : i32
              %add3A_1037 = arith.constant 3 : i32
              %add3A_1038 = arith.addi %add3A_1036, %add3A_1037 : i32
              %get3A_1039 = arith.index_cast %add3A_1038 : i32 to index
              %get3A_1040 = arith.constant 128 : index
              %get3A_1041 = tpu.vector_load %arg7[%get3A_1039, %get3A_1040] {strides = array<i32>} : memref<160x256xf32, #tpu.memory_space<vmem>>, vector<16xf32>,
              %add3A_1042 = arith.addi %multiple_of3A_240, %mul3A_302 : i32
              %add3A_1043 = arith.constant 4 : i32
              %add3A_1044 = arith.addi %add3A_1042, %add3A_1043 : i32
              %get3A_1045 = arith.index_cast %add3A_1044 : i32 to index
              %get3A_1046 = arith.constant 128 : index
              %get3A_1047 = tpu.vector_load %arg7[%get3A_1045, %get3A_1046] {strides = array<i32>} : memref<160x256xf32, #tpu.memory_space<vmem>>, vector<16xf32>,
              %add3A_1048 = arith.addi %multiple_of3A_240, %mul3A_302 : i32
              %add3A_1049 = arith.constant 5 : i32
              %add3A_1050 = arith.addi %add3A_1048, %add3A_1049 : i32
              %get3A_1051 = arith.index_cast %add3A_1050 : i32 to index
              %get3A_1052 = arith.constant 128 : index
              %get3A_1053 = tpu.vector_load %arg7[%get3A_1051, %get3A_1052] {strides = array<i32>} : memref<160x256xf32, #tpu.memory_space<vmem>>, vector<16xf32>,
              %add3A_1054 = arith.addi %multiple_of3A_240, %mul3A_302 : i32
              %add3A_1055 = arith.constant 6 : i32
              %add3A_1056 = arith.addi %add3A_1054, %add3A_1055 : i32
              %get3A_1057 = arith.index_cast %add3A_1056 : i32 to index
              %get3A_1058 = arith.constant 128 : index
              %get3A_1059 = tpu.vector_load %arg7[%get3A_1057, %get3A_1058] {strides = array<i32>} : memref<160x256xf32, #tpu.memory_space<vmem>>, vector<16xf32>,
              %add3A_1060 = arith.addi %multiple_of3A_240, %mul3A_302 : i32
              %add3A_1061 = arith.constant 7 : i32
              %add3A_1062 = arith.addi %add3A_1060, %add3A_1061 : i32
              %get3A_1063 = arith.index_cast %add3A_1062 : i32 to index
              %get3A_1064 = arith.constant 128 : index
              %get3A_1065 = tpu.vector_load %arg7[%get3A_1063, %get3A_1064] {strides = array<i32>} : memref<160x256xf32, #tpu.memory_space<vmem>>, vector<16xf32>,
              %select_n3A_1066 = arith.select %broadcast_in_dim3A_322, %get3A_1023, %broadcast_in_dim3A_312 : vector<16xi1>, vector<16xf32>
              %select_n3A_1067 = arith.select %broadcast_in_dim3A_330, %get3A_1029, %broadcast_in_dim3A_312 : vector<16xi1>, vector<16xf32>
              %select_n3A_1068 = arith.select %broadcast_in_dim3A_338, %get3A_1035, %broadcast_in_dim3A_312 : vector<16xi1>, vector<16xf32>
              %select_n3A_1069 = arith.select %broadcast_in_dim3A_346, %get3A_1041, %broadcast_in_dim3A_312 : vector<16xi1>, vector<16xf32>
              %select_n3A_1070 = arith.select %broadcast_in_dim3A_354, %get3A_1047, %broadcast_in_dim3A_312 : vector<16xi1>, vector<16xf32>
              %select_n3A_1071 = arith.select %broadcast_in_dim3A_362, %get3A_1053, %broadcast_in_dim3A_312 : vector<16xi1>, vector<16xf32>
              %select_n3A_1072 = arith.select %broadcast_in_dim3A_370, %get3A_1059, %broadcast_in_dim3A_312 : vector<16xi1>, vector<16xf32>
              %select_n3A_1073 = arith.select %broadcast_in_dim3A_378, %get3A_1065, %broadcast_in_dim3A_312 : vector<16xi1>, vector<16xf32>
              %select_n3A_1074 = arith.select %broadcast_in_dim3A_322, %get3A_1023, %broadcast_in_dim3A_314 : vector<16xi1>, vector<16xf32>
              %select_n3A_1075 = arith.select %broadcast_in_dim3A_330, %get3A_1029, %broadcast_in_dim3A_314 : vector<16xi1>, vector<16xf32>
              %select_n3A_1076 = arith.select %broadcast_in_dim3A_338, %get3A_1035, %broadcast_in_dim3A_314 : vector<16xi1>, vector<16xf32>
              %select_n3A_1077 = arith.select %broadcast_in_dim3A_346, %get3A_1041, %broadcast_in_dim3A_314 : vector<16xi1>, vector<16xf32>
              %select_n3A_1078 = arith.select %broadcast_in_dim3A_354, %get3A_1047, %broadcast_in_dim3A_314 : vector<16xi1>, vector<16xf32>
              %select_n3A_1079 = arith.select %broadcast_in_dim3A_362, %get3A_1053, %broadcast_in_dim3A_314 : vector<16xi1>, vector<16xf32>
              %select_n3A_1080 = arith.select %broadcast_in_dim3A_370, %get3A_1059, %broadcast_in_dim3A_314 : vector<16xi1>, vector<16xf32>
              %select_n3A_1081 = arith.select %broadcast_in_dim3A_378, %get3A_1065, %broadcast_in_dim3A_314 : vector<16xi1>, vector<16xf32>
              %add3A_1082 = arith.addf %select_n3A_1066, %select_n3A_1067 : vector<16xf32>
              %add3A_1083 = arith.addf %select_n3A_1068, %select_n3A_1069 : vector<16xf32>
              %add3A_1084 = arith.addf %select_n3A_1070, %select_n3A_1071 : vector<16xf32>
              %add3A_1085 = arith.addf %select_n3A_1072, %select_n3A_1073 : vector<16xf32>
              %add3A_1086 = arith.addf %add3A_1082, %add3A_1083 : vector<16xf32>
              %add3A_1087 = arith.addf %add3A_1084, %add3A_1085 : vector<16xf32>
              %add3A_1088 = arith.addf %add3A_1086, %add3A_1087 : vector<16xf32>
              %add3A_1089 = arith.addf %scan3A_277, %add3A_1088 : vector<16xf32>
              %max3A_1090 = arith.maximumf %select_n3A_1074, %select_n3A_1075 : vector<16xf32>
              %max3A_1091 = arith.maximumf %select_n3A_1076, %select_n3A_1077 : vector<16xf32>
              %max3A_1092 = arith.maximumf %select_n3A_1078, %select_n3A_1079 : vector<16xf32>
              %max3A_1093 = arith.maximumf %select_n3A_1080, %select_n3A_1081 : vector<16xf32>
              %max3A_1094 = arith.maximumf %max3A_1090, %max3A_1091 : vector<16xf32>
              %max3A_1095 = arith.maximumf %max3A_1092, %max3A_1093 : vector<16xf32>
              %max3A_1096 = arith.maximumf %max3A_1094, %max3A_1095 : vector<16xf32>
              %max3A_1097 = arith.maximumf %scan3A_293, %max3A_1096 : vector<16xf32>
              %add3A_1098 = arith.addi %multiple_of3A_240, %mul3A_302 : i32
              %add3A_1099 = arith.constant 0 : i32
              %add3A_1100 = arith.addi %add3A_1098, %add3A_1099 : i32
              %get3A_1101 = arith.index_cast %add3A_1100 : i32 to index
              %get3A_1102 = arith.constant 144 : index
              %get3A_1103 = tpu.vector_load %arg7[%get3A_1101, %get3A_1102] {strides = array<i32>} : memref<160x256xf32, #tpu.memory_space<vmem>>, vector<16xf32>,
              %add3A_1104 = arith.addi %multiple_of3A_240, %mul3A_302 : i32
              %add3A_1105 = arith.constant 1 : i32
              %add3A_1106 = arith.addi %add3A_1104, %add3A_1105 : i32
              %get3A_1107 = arith.index_cast %add3A_1106 : i32 to index
              %get3A_1108 = arith.constant 144 : index
              %get3A_1109 = tpu.vector_load %arg7[%get3A_1107, %get3A_1108] {strides = array<i32>} : memref<160x256xf32, #tpu.memory_space<vmem>>, vector<16xf32>,
              %add3A_1110 = arith.addi %multiple_of3A_240, %mul3A_302 : i32
              %add3A_1111 = arith.constant 2 : i32
              %add3A_1112 = arith.addi %add3A_1110, %add3A_1111 : i32
              %get3A_1113 = arith.index_cast %add3A_1112 : i32 to index
              %get3A_1114 = arith.constant 144 : index
              %get3A_1115 = tpu.vector_load %arg7[%get3A_1113, %get3A_1114] {strides = array<i32>} : memref<160x256xf32, #tpu.memory_space<vmem>>, vector<16xf32>,
              %add3A_1116 = arith.addi %multiple_of3A_240, %mul3A_302 : i32
              %add3A_1117 = arith.constant 3 : i32
              %add3A_1118 = arith.addi %add3A_1116, %add3A_1117 : i32
              %get3A_1119 = arith.index_cast %add3A_1118 : i32 to index
              %get3A_1120 = arith.constant 144 : index
              %get3A_1121 = tpu.vector_load %arg7[%get3A_1119, %get3A_1120] {strides = array<i32>} : memref<160x256xf32, #tpu.memory_space<vmem>>, vector<16xf32>,
              %add3A_1122 = arith.addi %multiple_of3A_240, %mul3A_302 : i32
              %add3A_1123 = arith.constant 4 : i32
              %add3A_1124 = arith.addi %add3A_1122, %add3A_1123 : i32
              %get3A_1125 = arith.index_cast %add3A_1124 : i32 to index
              %get3A_1126 = arith.constant 144 : index
              %get3A_1127 = tpu.vector_load %arg7[%get3A_1125, %get3A_1126] {strides = array<i32>} : memref<160x256xf32, #tpu.memory_space<vmem>>, vector<16xf32>,
              %add3A_1128 = arith.addi %multiple_of3A_240, %mul3A_302 : i32
              %add3A_1129 = arith.constant 5 : i32
              %add3A_1130 = arith.addi %add3A_1128, %add3A_1129 : i32
              %get3A_1131 = arith.index_cast %add3A_1130 : i32 to index
              %get3A_1132 = arith.constant 144 : index
              %get3A_1133 = tpu.vector_load %arg7[%get3A_1131, %get3A_1132] {strides = array<i32>} : memref<160x256xf32, #tpu.memory_space<vmem>>, vector<16xf32>,
              %add3A_1134 = arith.addi %multiple_of3A_240, %mul3A_302 : i32
              %add3A_1135 = arith.constant 6 : i32
              %add3A_1136 = arith.addi %add3A_1134, %add3A_1135 : i32
              %get3A_1137 = arith.index_cast %add3A_1136 : i32 to index
              %get3A_1138 = arith.constant 144 : index
              %get3A_1139 = tpu.vector_load %arg7[%get3A_1137, %get3A_1138] {strides = array<i32>} : memref<160x256xf32, #tpu.memory_space<vmem>>, vector<16xf32>,
              %add3A_1140 = arith.addi %multiple_of3A_240, %mul3A_302 : i32
              %add3A_1141 = arith.constant 7 : i32
              %add3A_1142 = arith.addi %add3A_1140, %add3A_1141 : i32
              %get3A_1143 = arith.index_cast %add3A_1142 : i32 to index
              %get3A_1144 = arith.constant 144 : index
              %get3A_1145 = tpu.vector_load %arg7[%get3A_1143, %get3A_1144] {strides = array<i32>} : memref<160x256xf32, #tpu.memory_space<vmem>>, vector<16xf32>,
              %select_n3A_1146 = arith.select %broadcast_in_dim3A_322, %get3A_1103, %broadcast_in_dim3A_312 : vector<16xi1>, vector<16xf32>
              %select_n3A_1147 = arith.select %broadcast_in_dim3A_330, %get3A_1109, %broadcast_in_dim3A_312 : vector<16xi1>, vector<16xf32>
              %select_n3A_1148 = arith.select %broadcast_in_dim3A_338, %get3A_1115, %broadcast_in_dim3A_312 : vector<16xi1>, vector<16xf32>
              %select_n3A_1149 = arith.select %broadcast_in_dim3A_346, %get3A_1121, %broadcast_in_dim3A_312 : vector<16xi1>, vector<16xf32>
              %select_n3A_1150 = arith.select %broadcast_in_dim3A_354, %get3A_1127, %broadcast_in_dim3A_312 : vector<16xi1>, vector<16xf32>
              %select_n3A_1151 = arith.select %broadcast_in_dim3A_362, %get3A_1133, %broadcast_in_dim3A_312 : vector<16xi1>, vector<16xf32>
              %select_n3A_1152 = arith.select %broadcast_in_dim3A_370, %get3A_1139, %broadcast_in_dim3A_312 : vector<16xi1>, vector<16xf32>
              %select_n3A_1153 = arith.select %broadcast_in_dim3A_378, %get3A_1145, %broadcast_in_dim3A_312 : vector<16xi1>, vector<16xf32>
              %select_n3A_1154 = arith.select %broadcast_in_dim3A_322, %get3A_1103, %broadcast_in_dim3A_314 : vector<16xi1>, vector<16xf32>
              %select_n3A_1155 = arith.select %broadcast_in_dim3A_330, %get3A_1109, %broadcast_in_dim3A_314 : vector<16xi1>, vector<16xf32>
              %select_n3A_1156 = arith.select %broadcast_in_dim3A_338, %get3A_1115, %broadcast_in_dim3A_314 : vector<16xi1>, vector<16xf32>
              %select_n3A_1157 = arith.select %broadcast_in_dim3A_346, %get3A_1121, %broadcast_in_dim3A_314 : vector<16xi1>, vector<16xf32>
              %select_n3A_1158 = arith.select %broadcast_in_dim3A_354, %get3A_1127, %broadcast_in_dim3A_314 : vector<16xi1>, vector<16xf32>
              %select_n3A_1159 = arith.select %broadcast_in_dim3A_362, %get3A_1133, %broadcast_in_dim3A_314 : vector<16xi1>, vector<16xf32>
              %select_n3A_1160 = arith.select %broadcast_in_dim3A_370, %get3A_1139, %broadcast_in_dim3A_314 : vector<16xi1>, vector<16xf32>
              %select_n3A_1161 = arith.select %broadcast_in_dim3A_378, %get3A_1145, %broadcast_in_dim3A_314 : vector<16xi1>, vector<16xf32>
              %add3A_1162 = arith.addf %select_n3A_1146, %select_n3A_1147 : vector<16xf32>
              %add3A_1163 = arith.addf %select_n3A_1148, %select_n3A_1149 : vector<16xf32>
              %add3A_1164 = arith.addf %select_n3A_1150, %select_n3A_1151 : vector<16xf32>
              %add3A_1165 = arith.addf %select_n3A_1152, %select_n3A_1153 : vector<16xf32>
              %add3A_1166 = arith.addf %add3A_1162, %add3A_1163 : vector<16xf32>
              %add3A_1167 = arith.addf %add3A_1164, %add3A_1165 : vector<16xf32>
              %add3A_1168 = arith.addf %add3A_1166, %add3A_1167 : vector<16xf32>
              %add3A_1169 = arith.addf %scan3A_278, %add3A_1168 : vector<16xf32>
              %max3A_1170 = arith.maximumf %select_n3A_1154, %select_n3A_1155 : vector<16xf32>
              %max3A_1171 = arith.maximumf %select_n3A_1156, %select_n3A_1157 : vector<16xf32>
              %max3A_1172 = arith.maximumf %select_n3A_1158, %select_n3A_1159 : vector<16xf32>
              %max3A_1173 = arith.maximumf %select_n3A_1160, %select_n3A_1161 : vector<16xf32>
              %max3A_1174 = arith.maximumf %max3A_1170, %max3A_1171 : vector<16xf32>
              %max3A_1175 = arith.maximumf %max3A_1172, %max3A_1173 : vector<16xf32>
              %max3A_1176 = arith.maximumf %max3A_1174, %max3A_1175 : vector<16xf32>
              %max3A_1177 = arith.maximumf %scan3A_294, %max3A_1176 : vector<16xf32>
              %add3A_1178 = arith.addi %multiple_of3A_240, %mul3A_302 : i32
              %add3A_1179 = arith.constant 0 : i32
              %add3A_1180 = arith.addi %add3A_1178, %add3A_1179 : i32
              %get3A_1181 = arith.index_cast %add3A_1180 : i32 to index
              %get3A_1182 = arith.constant 160 : index
              %get3A_1183 = tpu.vector_load %arg7[%get3A_1181, %get3A_1182] {strides = array<i32>} : memref<160x256xf32, #tpu.memory_space<vmem>>, vector<16xf32>,
              %add3A_1184 = arith.addi %multiple_of3A_240, %mul3A_302 : i32
              %add3A_1185 = arith.constant 1 : i32
              %add3A_1186 = arith.addi %add3A_1184, %add3A_1185 : i32
              %get3A_1187 = arith.index_cast %add3A_1186 : i32 to index
              %get3A_1188 = arith.constant 160 : index
              %get3A_1189 = tpu.vector_load %arg7[%get3A_1187, %get3A_1188] {strides = array<i32>} : memref<160x256xf32, #tpu.memory_space<vmem>>, vector<16xf32>,
              %add3A_1190 = arith.addi %multiple_of3A_240, %mul3A_302 : i32
              %add3A_1191 = arith.constant 2 : i32
              %add3A_1192 = arith.addi %add3A_1190, %add3A_1191 : i32
              %get3A_1193 = arith.index_cast %add3A_1192 : i32 to index
              %get3A_1194 = arith.constant 160 : index
              %get3A_1195 = tpu.vector_load %arg7[%get3A_1193, %get3A_1194] {strides = array<i32>} : memref<160x256xf32, #tpu.memory_space<vmem>>, vector<16xf32>,
              %add3A_1196 = arith.addi %multiple_of3A_240, %mul3A_302 : i32
              %add3A_1197 = arith.constant 3 : i32
              %add3A_1198 = arith.addi %add3A_1196, %add3A_1197 : i32
              %get3A_1199 = arith.index_cast %add3A_1198 : i32 to index
              %get3A_1200 = arith.constant 160 : index
              %get3A_1201 = tpu.vector_load %arg7[%get3A_1199, %get3A_1200] {strides = array<i32>} : memref<160x256xf32, #tpu.memory_space<vmem>>, vector<16xf32>,
              %add3A_1202 = arith.addi %multiple_of3A_240, %mul3A_302 : i32
              %add3A_1203 = arith.constant 4 : i32
              %add3A_1204 = arith.addi %add3A_1202, %add3A_1203 : i32
              %get3A_1205 = arith.index_cast %add3A_1204 : i32 to index
              %get3A_1206 = arith.constant 160 : index
              %get3A_1207 = tpu.vector_load %arg7[%get3A_1205, %get3A_1206] {strides = array<i32>} : memref<160x256xf32, #tpu.memory_space<vmem>>, vector<16xf32>,
              %add3A_1208 = arith.addi %multiple_of3A_240, %mul3A_302 : i32
              %add3A_1209 = arith.constant 5 : i32
              %add3A_1210 = arith.addi %add3A_1208, %add3A_1209 : i32
              %get3A_1211 = arith.index_cast %add3A_1210 : i32 to index
              %get3A_1212 = arith.constant 160 : index
              %get3A_1213 = tpu.vector_load %arg7[%get3A_1211, %get3A_1212] {strides = array<i32>} : memref<160x256xf32, #tpu.memory_space<vmem>>, vector<16xf32>,
              %add3A_1214 = arith.addi %multiple_of3A_240, %mul3A_302 : i32
              %add3A_1215 = arith.constant 6 : i32
              %add3A_1216 = arith.addi %add3A_1214, %add3A_1215 : i32
              %get3A_1217 = arith.index_cast %add3A_1216 : i32 to index
              %get3A_1218 = arith.constant 160 : index
              %get3A_1219 = tpu.vector_load %arg7[%get3A_1217, %get3A_1218] {strides = array<i32>} : memref<160x256xf32, #tpu.memory_space<vmem>>, vector<16xf32>,
              %add3A_1220 = arith.addi %multiple_of3A_240, %mul3A_302 : i32
              %add3A_1221 = arith.constant 7 : i32
              %add3A_1222 = arith.addi %add3A_1220, %add3A_1221 : i32
              %get3A_1223 = arith.index_cast %add3A_1222 : i32 to index
              %get3A_1224 = arith.constant 160 : index
              %get3A_1225 = tpu.vector_load %arg7[%get3A_1223, %get3A_1224] {strides = array<i32>} : memref<160x256xf32, #tpu.memory_space<vmem>>, vector<16xf32>,
              %select_n3A_1226 = arith.select %broadcast_in_dim3A_322, %get3A_1183, %broadcast_in_dim3A_312 : vector<16xi1>, vector<16xf32>
              %select_n3A_1227 = arith.select %broadcast_in_dim3A_330, %get3A_1189, %broadcast_in_dim3A_312 : vector<16xi1>, vector<16xf32>
              %select_n3A_1228 = arith.select %broadcast_in_dim3A_338, %get3A_1195, %broadcast_in_dim3A_312 : vector<16xi1>, vector<16xf32>
              %select_n3A_1229 = arith.select %broadcast_in_dim3A_346, %get3A_1201, %broadcast_in_dim3A_312 : vector<16xi1>, vector<16xf32>
              %select_n3A_1230 = arith.select %broadcast_in_dim3A_354, %get3A_1207, %broadcast_in_dim3A_312 : vector<16xi1>, vector<16xf32>
              %select_n3A_1231 = arith.select %broadcast_in_dim3A_362, %get3A_1213, %broadcast_in_dim3A_312 : vector<16xi1>, vector<16xf32>
              %select_n3A_1232 = arith.select %broadcast_in_dim3A_370, %get3A_1219, %broadcast_in_dim3A_312 : vector<16xi1>, vector<16xf32>
              %select_n3A_1233 = arith.select %broadcast_in_dim3A_378, %get3A_1225, %broadcast_in_dim3A_312 : vector<16xi1>, vector<16xf32>
              %select_n3A_1234 = arith.select %broadcast_in_dim3A_322, %get3A_1183, %broadcast_in_dim3A_314 : vector<16xi1>, vector<16xf32>
              %select_n3A_1235 = arith.select %broadcast_in_dim3A_330, %get3A_1189, %broadcast_in_dim3A_314 : vector<16xi1>, vector<16xf32>
              %select_n3A_1236 = arith.select %broadcast_in_dim3A_338, %get3A_1195, %broadcast_in_dim3A_314 : vector<16xi1>, vector<16xf32>
              %select_n3A_1237 = arith.select %broadcast_in_dim3A_346, %get3A_1201, %broadcast_in_dim3A_314 : vector<16xi1>, vector<16xf32>
              %select_n3A_1238 = arith.select %broadcast_in_dim3A_354, %get3A_1207, %broadcast_in_dim3A_314 : vector<16xi1>, vector<16xf32>
              %select_n3A_1239 = arith.select %broadcast_in_dim3A_362, %get3A_1213, %broadcast_in_dim3A_314 : vector<16xi1>, vector<16xf32>
              %select_n3A_1240 = arith.select %broadcast_in_dim3A_370, %get3A_1219, %broadcast_in_dim3A_314 : vector<16xi1>, vector<16xf32>
              %select_n3A_1241 = arith.select %broadcast_in_dim3A_378, %get3A_1225, %broadcast_in_dim3A_314 : vector<16xi1>, vector<16xf32>
              %add3A_1242 = arith.addf %select_n3A_1226, %select_n3A_1227 : vector<16xf32>
              %add3A_1243 = arith.addf %select_n3A_1228, %select_n3A_1229 : vector<16xf32>
              %add3A_1244 = arith.addf %select_n3A_1230, %select_n3A_1231 : vector<16xf32>
              %add3A_1245 = arith.addf %select_n3A_1232, %select_n3A_1233 : vector<16xf32>
              %add3A_1246 = arith.addf %add3A_1242, %add3A_1243 : vector<16xf32>
              %add3A_1247 = arith.addf %add3A_1244, %add3A_1245 : vector<16xf32>
              %add3A_1248 = arith.addf %add3A_1246, %add3A_1247 : vector<16xf32>
              %add3A_1249 = arith.addf %scan3A_279, %add3A_1248 : vector<16xf32>
              %max3A_1250 = arith.maximumf %select_n3A_1234, %select_n3A_1235 : vector<16xf32>
              %max3A_1251 = arith.maximumf %select_n3A_1236, %select_n3A_1237 : vector<16xf32>
              %max3A_1252 = arith.maximumf %select_n3A_1238, %select_n3A_1239 : vector<16xf32>
              %max3A_1253 = arith.maximumf %select_n3A_1240, %select_n3A_1241 : vector<16xf32>
              %max3A_1254 = arith.maximumf %max3A_1250, %max3A_1251 : vector<16xf32>
              %max3A_1255 = arith.maximumf %max3A_1252, %max3A_1253 : vector<16xf32>
              %max3A_1256 = arith.maximumf %max3A_1254, %max3A_1255 : vector<16xf32>
              %max3A_1257 = arith.maximumf %scan3A_295, %max3A_1256 : vector<16xf32>
              %add3A_1258 = arith.addi %multiple_of3A_240, %mul3A_302 : i32
              %add3A_1259 = arith.constant 0 : i32
              %add3A_1260 = arith.addi %add3A_1258, %add3A_1259 : i32
              %get3A_1261 = arith.index_cast %add3A_1260 : i32 to index
              %get3A_1262 = arith.constant 176 : index
              %get3A_1263 = tpu.vector_load %arg7[%get3A_1261, %get3A_1262] {strides = array<i32>} : memref<160x256xf32, #tpu.memory_space<vmem>>, vector<16xf32>,
              %add3A_1264 = arith.addi %multiple_of3A_240, %mul3A_302 : i32
              %add3A_1265 = arith.constant 1 : i32
              %add3A_1266 = arith.addi %add3A_1264, %add3A_1265 : i32
              %get3A_1267 = arith.index_cast %add3A_1266 : i32 to index
              %get3A_1268 = arith.constant 176 : index
              %get3A_1269 = tpu.vector_load %arg7[%get3A_1267, %get3A_1268] {strides = array<i32>} : memref<160x256xf32, #tpu.memory_space<vmem>>, vector<16xf32>,
              %add3A_1270 = arith.addi %multiple_of3A_240, %mul3A_302 : i32
              %add3A_1271 = arith.constant 2 : i32
              %add3A_1272 = arith.addi %add3A_1270, %add3A_1271 : i32
              %get3A_1273 = arith.index_cast %add3A_1272 : i32 to index
              %get3A_1274 = arith.constant 176 : index
              %get3A_1275 = tpu.vector_load %arg7[%get3A_1273, %get3A_1274] {strides = array<i32>} : memref<160x256xf32, #tpu.memory_space<vmem>>, vector<16xf32>,
              %add3A_1276 = arith.addi %multiple_of3A_240, %mul3A_302 : i32
              %add3A_1277 = arith.constant 3 : i32
              %add3A_1278 = arith.addi %add3A_1276, %add3A_1277 : i32
              %get3A_1279 = arith.index_cast %add3A_1278 : i32 to index
              %get3A_1280 = arith.constant 176 : index
              %get3A_1281 = tpu.vector_load %arg7[%get3A_1279, %get3A_1280] {strides = array<i32>} : memref<160x256xf32, #tpu.memory_space<vmem>>, vector<16xf32>,
              %add3A_1282 = arith.addi %multiple_of3A_240, %mul3A_302 : i32
              %add3A_1283 = arith.constant 4 : i32
              %add3A_1284 = arith.addi %add3A_1282, %add3A_1283 : i32
              %get3A_1285 = arith.index_cast %add3A_1284 : i32 to index
              %get3A_1286 = arith.constant 176 : index
              %get3A_1287 = tpu.vector_load %arg7[%get3A_1285, %get3A_1286] {strides = array<i32>} : memref<160x256xf32, #tpu.memory_space<vmem>>, vector<16xf32>,
              %add3A_1288 = arith.addi %multiple_of3A_240, %mul3A_302 : i32
              %add3A_1289 = arith.constant 5 : i32
              %add3A_1290 = arith.addi %add3A_1288, %add3A_1289 : i32
              %get3A_1291 = arith.index_cast %add3A_1290 : i32 to index
              %get3A_1292 = arith.constant 176 : index
              %get3A_1293 = tpu.vector_load %arg7[%get3A_1291, %get3A_1292] {strides = array<i32>} : memref<160x256xf32, #tpu.memory_space<vmem>>, vector<16xf32>,
              %add3A_1294 = arith.addi %multiple_of3A_240, %mul3A_302 : i32
              %add3A_1295 = arith.constant 6 : i32
              %add3A_1296 = arith.addi %add3A_1294, %add3A_1295 : i32
              %get3A_1297 = arith.index_cast %add3A_1296 : i32 to index
              %get3A_1298 = arith.constant 176 : index
              %get3A_1299 = tpu.vector_load %arg7[%get3A_1297, %get3A_1298] {strides = array<i32>} : memref<160x256xf32, #tpu.memory_space<vmem>>, vector<16xf32>,
              %add3A_1300 = arith.addi %multiple_of3A_240, %mul3A_302 : i32
              %add3A_1301 = arith.constant 7 : i32
              %add3A_1302 = arith.addi %add3A_1300, %add3A_1301 : i32
              %get3A_1303 = arith.index_cast %add3A_1302 : i32 to index
              %get3A_1304 = arith.constant 176 : index
              %get3A_1305 = tpu.vector_load %arg7[%get3A_1303, %get3A_1304] {strides = array<i32>} : memref<160x256xf32, #tpu.memory_space<vmem>>, vector<16xf32>,
              %select_n3A_1306 = arith.select %broadcast_in_dim3A_322, %get3A_1263, %broadcast_in_dim3A_312 : vector<16xi1>, vector<16xf32>
              %select_n3A_1307 = arith.select %broadcast_in_dim3A_330, %get3A_1269, %broadcast_in_dim3A_312 : vector<16xi1>, vector<16xf32>
              %select_n3A_1308 = arith.select %broadcast_in_dim3A_338, %get3A_1275, %broadcast_in_dim3A_312 : vector<16xi1>, vector<16xf32>
              %select_n3A_1309 = arith.select %broadcast_in_dim3A_346, %get3A_1281, %broadcast_in_dim3A_312 : vector<16xi1>, vector<16xf32>
              %select_n3A_1310 = arith.select %broadcast_in_dim3A_354, %get3A_1287, %broadcast_in_dim3A_312 : vector<16xi1>, vector<16xf32>
              %select_n3A_1311 = arith.select %broadcast_in_dim3A_362, %get3A_1293, %broadcast_in_dim3A_312 : vector<16xi1>, vector<16xf32>
              %select_n3A_1312 = arith.select %broadcast_in_dim3A_370, %get3A_1299, %broadcast_in_dim3A_312 : vector<16xi1>, vector<16xf32>
              %select_n3A_1313 = arith.select %broadcast_in_dim3A_378, %get3A_1305, %broadcast_in_dim3A_312 : vector<16xi1>, vector<16xf32>
              %select_n3A_1314 = arith.select %broadcast_in_dim3A_322, %get3A_1263, %broadcast_in_dim3A_314 : vector<16xi1>, vector<16xf32>
              %select_n3A_1315 = arith.select %broadcast_in_dim3A_330, %get3A_1269, %broadcast_in_dim3A_314 : vector<16xi1>, vector<16xf32>
              %select_n3A_1316 = arith.select %broadcast_in_dim3A_338, %get3A_1275, %broadcast_in_dim3A_314 : vector<16xi1>, vector<16xf32>
              %select_n3A_1317 = arith.select %broadcast_in_dim3A_346, %get3A_1281, %broadcast_in_dim3A_314 : vector<16xi1>, vector<16xf32>
              %select_n3A_1318 = arith.select %broadcast_in_dim3A_354, %get3A_1287, %broadcast_in_dim3A_314 : vector<16xi1>, vector<16xf32>
              %select_n3A_1319 = arith.select %broadcast_in_dim3A_362, %get3A_1293, %broadcast_in_dim3A_314 : vector<16xi1>, vector<16xf32>
              %select_n3A_1320 = arith.select %broadcast_in_dim3A_370, %get3A_1299, %broadcast_in_dim3A_314 : vector<16xi1>, vector<16xf32>
              %select_n3A_1321 = arith.select %broadcast_in_dim3A_378, %get3A_1305, %broadcast_in_dim3A_314 : vector<16xi1>, vector<16xf32>
              %add3A_1322 = arith.addf %select_n3A_1306, %select_n3A_1307 : vector<16xf32>
              %add3A_1323 = arith.addf %select_n3A_1308, %select_n3A_1309 : vector<16xf32>
              %add3A_1324 = arith.addf %select_n3A_1310, %select_n3A_1311 : vector<16xf32>
              %add3A_1325 = arith.addf %select_n3A_1312, %select_n3A_1313 : vector<16xf32>
              %add3A_1326 = arith.addf %add3A_1322, %add3A_1323 : vector<16xf32>
              %add3A_1327 = arith.addf %add3A_1324, %add3A_1325 : vector<16xf32>
              %add3A_1328 = arith.addf %add3A_1326, %add3A_1327 : vector<16xf32>
              %add3A_1329 = arith.addf %scan3A_280, %add3A_1328 : vector<16xf32>
              %max3A_1330 = arith.maximumf %select_n3A_1314, %select_n3A_1315 : vector<16xf32>
              %max3A_1331 = arith.maximumf %select_n3A_1316, %select_n3A_1317 : vector<16xf32>
              %max3A_1332 = arith.maximumf %select_n3A_1318, %select_n3A_1319 : vector<16xf32>
              %max3A_1333 = arith.maximumf %select_n3A_1320, %select_n3A_1321 : vector<16xf32>
              %max3A_1334 = arith.maximumf %max3A_1330, %max3A_1331 : vector<16xf32>
              %max3A_1335 = arith.maximumf %max3A_1332, %max3A_1333 : vector<16xf32>
              %max3A_1336 = arith.maximumf %max3A_1334, %max3A_1335 : vector<16xf32>
              %max3A_1337 = arith.maximumf %scan3A_296, %max3A_1336 : vector<16xf32>
              %add3A_1338 = arith.addi %multiple_of3A_240, %mul3A_302 : i32
              %add3A_1339 = arith.constant 0 : i32
              %add3A_1340 = arith.addi %add3A_1338, %add3A_1339 : i32
              %get3A_1341 = arith.index_cast %add3A_1340 : i32 to index
              %get3A_1342 = arith.constant 192 : index
              %get3A_1343 = tpu.vector_load %arg7[%get3A_1341, %get3A_1342] {strides = array<i32>} : memref<160x256xf32, #tpu.memory_space<vmem>>, vector<16xf32>,
              %add3A_1344 = arith.addi %multiple_of3A_240, %mul3A_302 : i32
              %add3A_1345 = arith.constant 1 : i32
              %add3A_1346 = arith.addi %add3A_1344, %add3A_1345 : i32
              %get3A_1347 = arith.index_cast %add3A_1346 : i32 to index
              %get3A_1348 = arith.constant 192 : index
              %get3A_1349 = tpu.vector_load %arg7[%get3A_1347, %get3A_1348] {strides = array<i32>} : memref<160x256xf32, #tpu.memory_space<vmem>>, vector<16xf32>,
              %add3A_1350 = arith.addi %multiple_of3A_240, %mul3A_302 : i32
              %add3A_1351 = arith.constant 2 : i32
              %add3A_1352 = arith.addi %add3A_1350, %add3A_1351 : i32
              %get3A_1353 = arith.index_cast %add3A_1352 : i32 to index
              %get3A_1354 = arith.constant 192 : index
              %get3A_1355 = tpu.vector_load %arg7[%get3A_1353, %get3A_1354] {strides = array<i32>} : memref<160x256xf32, #tpu.memory_space<vmem>>, vector<16xf32>,
              %add3A_1356 = arith.addi %multiple_of3A_240, %mul3A_302 : i32
              %add3A_1357 = arith.constant 3 : i32
              %add3A_1358 = arith.addi %add3A_1356, %add3A_1357 : i32
              %get3A_1359 = arith.index_cast %add3A_1358 : i32 to index
              %get3A_1360 = arith.constant 192 : index
              %get3A_1361 = tpu.vector_load %arg7[%get3A_1359, %get3A_1360] {strides = array<i32>} : memref<160x256xf32, #tpu.memory_space<vmem>>, vector<16xf32>,
              %add3A_1362 = arith.addi %multiple_of3A_240, %mul3A_302 : i32
              %add3A_1363 = arith.constant 4 : i32
              %add3A_1364 = arith.addi %add3A_1362, %add3A_1363 : i32
              %get3A_1365 = arith.index_cast %add3A_1364 : i32 to index
              %get3A_1366 = arith.constant 192 : index
              %get3A_1367 = tpu.vector_load %arg7[%get3A_1365, %get3A_1366] {strides = array<i32>} : memref<160x256xf32, #tpu.memory_space<vmem>>, vector<16xf32>,
              %add3A_1368 = arith.addi %multiple_of3A_240, %mul3A_302 : i32
              %add3A_1369 = arith.constant 5 : i32
              %add3A_1370 = arith.addi %add3A_1368, %add3A_1369 : i32
              %get3A_1371 = arith.index_cast %add3A_1370 : i32 to index
              %get3A_1372 = arith.constant 192 : index
              %get3A_1373 = tpu.vector_load %arg7[%get3A_1371, %get3A_1372] {strides = array<i32>} : memref<160x256xf32, #tpu.memory_space<vmem>>, vector<16xf32>,
              %add3A_1374 = arith.addi %multiple_of3A_240, %mul3A_302 : i32
              %add3A_1375 = arith.constant 6 : i32
              %add3A_1376 = arith.addi %add3A_1374, %add3A_1375 : i32
              %get3A_1377 = arith.index_cast %add3A_1376 : i32 to index
              %get3A_1378 = arith.constant 192 : index
              %get3A_1379 = tpu.vector_load %arg7[%get3A_1377, %get3A_1378] {strides = array<i32>} : memref<160x256xf32, #tpu.memory_space<vmem>>, vector<16xf32>,
              %add3A_1380 = arith.addi %multiple_of3A_240, %mul3A_302 : i32
              %add3A_1381 = arith.constant 7 : i32
              %add3A_1382 = arith.addi %add3A_1380, %add3A_1381 : i32
              %get3A_1383 = arith.index_cast %add3A_1382 : i32 to index
              %get3A_1384 = arith.constant 192 : index
              %get3A_1385 = tpu.vector_load %arg7[%get3A_1383, %get3A_1384] {strides = array<i32>} : memref<160x256xf32, #tpu.memory_space<vmem>>, vector<16xf32>,
              %select_n3A_1386 = arith.select %broadcast_in_dim3A_322, %get3A_1343, %broadcast_in_dim3A_312 : vector<16xi1>, vector<16xf32>
              %select_n3A_1387 = arith.select %broadcast_in_dim3A_330, %get3A_1349, %broadcast_in_dim3A_312 : vector<16xi1>, vector<16xf32>
              %select_n3A_1388 = arith.select %broadcast_in_dim3A_338, %get3A_1355, %broadcast_in_dim3A_312 : vector<16xi1>, vector<16xf32>
              %select_n3A_1389 = arith.select %broadcast_in_dim3A_346, %get3A_1361, %broadcast_in_dim3A_312 : vector<16xi1>, vector<16xf32>
              %select_n3A_1390 = arith.select %broadcast_in_dim3A_354, %get3A_1367, %broadcast_in_dim3A_312 : vector<16xi1>, vector<16xf32>
              %select_n3A_1391 = arith.select %broadcast_in_dim3A_362, %get3A_1373, %broadcast_in_dim3A_312 : vector<16xi1>, vector<16xf32>
              %select_n3A_1392 = arith.select %broadcast_in_dim3A_370, %get3A_1379, %broadcast_in_dim3A_312 : vector<16xi1>, vector<16xf32>
              %select_n3A_1393 = arith.select %broadcast_in_dim3A_378, %get3A_1385, %broadcast_in_dim3A_312 : vector<16xi1>, vector<16xf32>
              %select_n3A_1394 = arith.select %broadcast_in_dim3A_322, %get3A_1343, %broadcast_in_dim3A_314 : vector<16xi1>, vector<16xf32>
              %select_n3A_1395 = arith.select %broadcast_in_dim3A_330, %get3A_1349, %broadcast_in_dim3A_314 : vector<16xi1>, vector<16xf32>
              %select_n3A_1396 = arith.select %broadcast_in_dim3A_338, %get3A_1355, %broadcast_in_dim3A_314 : vector<16xi1>, vector<16xf32>
              %select_n3A_1397 = arith.select %broadcast_in_dim3A_346, %get3A_1361, %broadcast_in_dim3A_314 : vector<16xi1>, vector<16xf32>
              %select_n3A_1398 = arith.select %broadcast_in_dim3A_354, %get3A_1367, %broadcast_in_dim3A_314 : vector<16xi1>, vector<16xf32>
              %select_n3A_1399 = arith.select %broadcast_in_dim3A_362, %get3A_1373, %broadcast_in_dim3A_314 : vector<16xi1>, vector<16xf32>
              %select_n3A_1400 = arith.select %broadcast_in_dim3A_370, %get3A_1379, %broadcast_in_dim3A_314 : vector<16xi1>, vector<16xf32>
              %select_n3A_1401 = arith.select %broadcast_in_dim3A_378, %get3A_1385, %broadcast_in_dim3A_314 : vector<16xi1>, vector<16xf32>
              %add3A_1402 = arith.addf %select_n3A_1386, %select_n3A_1387 : vector<16xf32>
              %add3A_1403 = arith.addf %select_n3A_1388, %select_n3A_1389 : vector<16xf32>
              %add3A_1404 = arith.addf %select_n3A_1390, %select_n3A_1391 : vector<16xf32>
              %add3A_1405 = arith.addf %select_n3A_1392, %select_n3A_1393 : vector<16xf32>
              %add3A_1406 = arith.addf %add3A_1402, %add3A_1403 : vector<16xf32>
              %add3A_1407 = arith.addf %add3A_1404, %add3A_1405 : vector<16xf32>
              %add3A_1408 = arith.addf %add3A_1406, %add3A_1407 : vector<16xf32>
              %add3A_1409 = arith.addf %scan3A_281, %add3A_1408 : vector<16xf32>
              %max3A_1410 = arith.maximumf %select_n3A_1394, %select_n3A_1395 : vector<16xf32>
              %max3A_1411 = arith.maximumf %select_n3A_1396, %select_n3A_1397 : vector<16xf32>
              %max3A_1412 = arith.maximumf %select_n3A_1398, %select_n3A_1399 : vector<16xf32>
              %max3A_1413 = arith.maximumf %select_n3A_1400, %select_n3A_1401 : vector<16xf32>
              %max3A_1414 = arith.maximumf %max3A_1410, %max3A_1411 : vector<16xf32>
              %max3A_1415 = arith.maximumf %max3A_1412, %max3A_1413 : vector<16xf32>
              %max3A_1416 = arith.maximumf %max3A_1414, %max3A_1415 : vector<16xf32>
              %max3A_1417 = arith.maximumf %scan3A_297, %max3A_1416 : vector<16xf32>
              %add3A_1418 = arith.addi %multiple_of3A_240, %mul3A_302 : i32
              %add3A_1419 = arith.constant 0 : i32
              %add3A_1420 = arith.addi %add3A_1418, %add3A_1419 : i32
              %get3A_1421 = arith.index_cast %add3A_1420 : i32 to index
              %get3A_1422 = arith.constant 208 : index
              %get3A_1423 = tpu.vector_load %arg7[%get3A_1421, %get3A_1422] {strides = array<i32>} : memref<160x256xf32, #tpu.memory_space<vmem>>, vector<16xf32>,
              %add3A_1424 = arith.addi %multiple_of3A_240, %mul3A_302 : i32
              %add3A_1425 = arith.constant 1 : i32
              %add3A_1426 = arith.addi %add3A_1424, %add3A_1425 : i32
              %get3A_1427 = arith.index_cast %add3A_1426 : i32 to index
              %get3A_1428 = arith.constant 208 : index
              %get3A_1429 = tpu.vector_load %arg7[%get3A_1427, %get3A_1428] {strides = array<i32>} : memref<160x256xf32, #tpu.memory_space<vmem>>, vector<16xf32>,
              %add3A_1430 = arith.addi %multiple_of3A_240, %mul3A_302 : i32
              %add3A_1431 = arith.constant 2 : i32
              %add3A_1432 = arith.addi %add3A_1430, %add3A_1431 : i32
              %get3A_1433 = arith.index_cast %add3A_1432 : i32 to index
              %get3A_1434 = arith.constant 208 : index
              %get3A_1435 = tpu.vector_load %arg7[%get3A_1433, %get3A_1434] {strides = array<i32>} : memref<160x256xf32, #tpu.memory_space<vmem>>, vector<16xf32>,
              %add3A_1436 = arith.addi %multiple_of3A_240, %mul3A_302 : i32
              %add3A_1437 = arith.constant 3 : i32
              %add3A_1438 = arith.addi %add3A_1436, %add3A_1437 : i32
              %get3A_1439 = arith.index_cast %add3A_1438 : i32 to index
              %get3A_1440 = arith.constant 208 : index
              %get3A_1441 = tpu.vector_load %arg7[%get3A_1439, %get3A_1440] {strides = array<i32>} : memref<160x256xf32, #tpu.memory_space<vmem>>, vector<16xf32>,
              %add3A_1442 = arith.addi %multiple_of3A_240, %mul3A_302 : i32
              %add3A_1443 = arith.constant 4 : i32
              %add3A_1444 = arith.addi %add3A_1442, %add3A_1443 : i32
              %get3A_1445 = arith.index_cast %add3A_1444 : i32 to index
              %get3A_1446 = arith.constant 208 : index
              %get3A_1447 = tpu.vector_load %arg7[%get3A_1445, %get3A_1446] {strides = array<i32>} : memref<160x256xf32, #tpu.memory_space<vmem>>, vector<16xf32>,
              %add3A_1448 = arith.addi %multiple_of3A_240, %mul3A_302 : i32
              %add3A_1449 = arith.constant 5 : i32
              %add3A_1450 = arith.addi %add3A_1448, %add3A_1449 : i32
              %get3A_1451 = arith.index_cast %add3A_1450 : i32 to index
              %get3A_1452 = arith.constant 208 : index
              %get3A_1453 = tpu.vector_load %arg7[%get3A_1451, %get3A_1452] {strides = array<i32>} : memref<160x256xf32, #tpu.memory_space<vmem>>, vector<16xf32>,
              %add3A_1454 = arith.addi %multiple_of3A_240, %mul3A_302 : i32
              %add3A_1455 = arith.constant 6 : i32
              %add3A_1456 = arith.addi %add3A_1454, %add3A_1455 : i32
              %get3A_1457 = arith.index_cast %add3A_1456 : i32 to index
              %get3A_1458 = arith.constant 208 : index
              %get3A_1459 = tpu.vector_load %arg7[%get3A_1457, %get3A_1458] {strides = array<i32>} : memref<160x256xf32, #tpu.memory_space<vmem>>, vector<16xf32>,
              %add3A_1460 = arith.addi %multiple_of3A_240, %mul3A_302 : i32
              %add3A_1461 = arith.constant 7 : i32
              %add3A_1462 = arith.addi %add3A_1460, %add3A_1461 : i32
              %get3A_1463 = arith.index_cast %add3A_1462 : i32 to index
              %get3A_1464 = arith.constant 208 : index
              %get3A_1465 = tpu.vector_load %arg7[%get3A_1463, %get3A_1464] {strides = array<i32>} : memref<160x256xf32, #tpu.memory_space<vmem>>, vector<16xf32>,
              %select_n3A_1466 = arith.select %broadcast_in_dim3A_322, %get3A_1423, %broadcast_in_dim3A_312 : vector<16xi1>, vector<16xf32>
              %select_n3A_1467 = arith.select %broadcast_in_dim3A_330, %get3A_1429, %broadcast_in_dim3A_312 : vector<16xi1>, vector<16xf32>
              %select_n3A_1468 = arith.select %broadcast_in_dim3A_338, %get3A_1435, %broadcast_in_dim3A_312 : vector<16xi1>, vector<16xf32>
              %select_n3A_1469 = arith.select %broadcast_in_dim3A_346, %get3A_1441, %broadcast_in_dim3A_312 : vector<16xi1>, vector<16xf32>
              %select_n3A_1470 = arith.select %broadcast_in_dim3A_354, %get3A_1447, %broadcast_in_dim3A_312 : vector<16xi1>, vector<16xf32>
              %select_n3A_1471 = arith.select %broadcast_in_dim3A_362, %get3A_1453, %broadcast_in_dim3A_312 : vector<16xi1>, vector<16xf32>
              %select_n3A_1472 = arith.select %broadcast_in_dim3A_370, %get3A_1459, %broadcast_in_dim3A_312 : vector<16xi1>, vector<16xf32>
              %select_n3A_1473 = arith.select %broadcast_in_dim3A_378, %get3A_1465, %broadcast_in_dim3A_312 : vector<16xi1>, vector<16xf32>
              %select_n3A_1474 = arith.select %broadcast_in_dim3A_322, %get3A_1423, %broadcast_in_dim3A_314 : vector<16xi1>, vector<16xf32>
              %select_n3A_1475 = arith.select %broadcast_in_dim3A_330, %get3A_1429, %broadcast_in_dim3A_314 : vector<16xi1>, vector<16xf32>
              %select_n3A_1476 = arith.select %broadcast_in_dim3A_338, %get3A_1435, %broadcast_in_dim3A_314 : vector<16xi1>, vector<16xf32>
              %select_n3A_1477 = arith.select %broadcast_in_dim3A_346, %get3A_1441, %broadcast_in_dim3A_314 : vector<16xi1>, vector<16xf32>
              %select_n3A_1478 = arith.select %broadcast_in_dim3A_354, %get3A_1447, %broadcast_in_dim3A_314 : vector<16xi1>, vector<16xf32>
              %select_n3A_1479 = arith.select %broadcast_in_dim3A_362, %get3A_1453, %broadcast_in_dim3A_314 : vector<16xi1>, vector<16xf32>
              %select_n3A_1480 = arith.select %broadcast_in_dim3A_370, %get3A_1459, %broadcast_in_dim3A_314 : vector<16xi1>, vector<16xf32>
              %select_n3A_1481 = arith.select %broadcast_in_dim3A_378, %get3A_1465, %broadcast_in_dim3A_314 : vector<16xi1>, vector<16xf32>
              %add3A_1482 = arith.addf %select_n3A_1466, %select_n3A_1467 : vector<16xf32>
              %add3A_1483 = arith.addf %select_n3A_1468, %select_n3A_1469 : vector<16xf32>
              %add3A_1484 = arith.addf %select_n3A_1470, %select_n3A_1471 : vector<16xf32>
              %add3A_1485 = arith.addf %select_n3A_1472, %select_n3A_1473 : vector<16xf32>
              %add3A_1486 = arith.addf %add3A_1482, %add3A_1483 : vector<16xf32>
              %add3A_1487 = arith.addf %add3A_1484, %add3A_1485 : vector<16xf32>
              %add3A_1488 = arith.addf %add3A_1486, %add3A_1487 : vector<16xf32>
              %add3A_1489 = arith.addf %scan3A_282, %add3A_1488 : vector<16xf32>
              %max3A_1490 = arith.maximumf %select_n3A_1474, %select_n3A_1475 : vector<16xf32>
              %max3A_1491 = arith.maximumf %select_n3A_1476, %select_n3A_1477 : vector<16xf32>
              %max3A_1492 = arith.maximumf %select_n3A_1478, %select_n3A_1479 : vector<16xf32>
              %max3A_1493 = arith.maximumf %select_n3A_1480, %select_n3A_1481 : vector<16xf32>
              %max3A_1494 = arith.maximumf %max3A_1490, %max3A_1491 : vector<16xf32>
              %max3A_1495 = arith.maximumf %max3A_1492, %max3A_1493 : vector<16xf32>
              %max3A_1496 = arith.maximumf %max3A_1494, %max3A_1495 : vector<16xf32>
              %max3A_1497 = arith.maximumf %scan3A_298, %max3A_1496 : vector<16xf32>
              %add3A_1498 = arith.addi %multiple_of3A_240, %mul3A_302 : i32
              %add3A_1499 = arith.constant 0 : i32
              %add3A_1500 = arith.addi %add3A_1498, %add3A_1499 : i32
              %get3A_1501 = arith.index_cast %add3A_1500 : i32 to index
              %get3A_1502 = arith.constant 224 : index
              %get3A_1503 = tpu.vector_load %arg7[%get3A_1501, %get3A_1502] {strides = array<i32>} : memref<160x256xf32, #tpu.memory_space<vmem>>, vector<16xf32>,
              %add3A_1504 = arith.addi %multiple_of3A_240, %mul3A_302 : i32
              %add3A_1505 = arith.constant 1 : i32
              %add3A_1506 = arith.addi %add3A_1504, %add3A_1505 : i32
              %get3A_1507 = arith.index_cast %add3A_1506 : i32 to index
              %get3A_1508 = arith.constant 224 : index
              %get3A_1509 = tpu.vector_load %arg7[%get3A_1507, %get3A_1508] {strides = array<i32>} : memref<160x256xf32, #tpu.memory_space<vmem>>, vector<16xf32>,
              %add3A_1510 = arith.addi %multiple_of3A_240, %mul3A_302 : i32
              %add3A_1511 = arith.constant 2 : i32
              %add3A_1512 = arith.addi %add3A_1510, %add3A_1511 : i32
              %get3A_1513 = arith.index_cast %add3A_1512 : i32 to index
              %get3A_1514 = arith.constant 224 : index
              %get3A_1515 = tpu.vector_load %arg7[%get3A_1513, %get3A_1514] {strides = array<i32>} : memref<160x256xf32, #tpu.memory_space<vmem>>, vector<16xf32>,
              %add3A_1516 = arith.addi %multiple_of3A_240, %mul3A_302 : i32
              %add3A_1517 = arith.constant 3 : i32
              %add3A_1518 = arith.addi %add3A_1516, %add3A_1517 : i32
              %get3A_1519 = arith.index_cast %add3A_1518 : i32 to index
              %get3A_1520 = arith.constant 224 : index
              %get3A_1521 = tpu.vector_load %arg7[%get3A_1519, %get3A_1520] {strides = array<i32>} : memref<160x256xf32, #tpu.memory_space<vmem>>, vector<16xf32>,
              %add3A_1522 = arith.addi %multiple_of3A_240, %mul3A_302 : i32
              %add3A_1523 = arith.constant 4 : i32
              %add3A_1524 = arith.addi %add3A_1522, %add3A_1523 : i32
              %get3A_1525 = arith.index_cast %add3A_1524 : i32 to index
              %get3A_1526 = arith.constant 224 : index
              %get3A_1527 = tpu.vector_load %arg7[%get3A_1525, %get3A_1526] {strides = array<i32>} : memref<160x256xf32, #tpu.memory_space<vmem>>, vector<16xf32>,
              %add3A_1528 = arith.addi %multiple_of3A_240, %mul3A_302 : i32
              %add3A_1529 = arith.constant 5 : i32
              %add3A_1530 = arith.addi %add3A_1528, %add3A_1529 : i32
              %get3A_1531 = arith.index_cast %add3A_1530 : i32 to index
              %get3A_1532 = arith.constant 224 : index
              %get3A_1533 = tpu.vector_load %arg7[%get3A_1531, %get3A_1532] {strides = array<i32>} : memref<160x256xf32, #tpu.memory_space<vmem>>, vector<16xf32>,
              %add3A_1534 = arith.addi %multiple_of3A_240, %mul3A_302 : i32
              %add3A_1535 = arith.constant 6 : i32
              %add3A_1536 = arith.addi %add3A_1534, %add3A_1535 : i32
              %get3A_1537 = arith.index_cast %add3A_1536 : i32 to index
              %get3A_1538 = arith.constant 224 : index
              %get3A_1539 = tpu.vector_load %arg7[%get3A_1537, %get3A_1538] {strides = array<i32>} : memref<160x256xf32, #tpu.memory_space<vmem>>, vector<16xf32>,
              %add3A_1540 = arith.addi %multiple_of3A_240, %mul3A_302 : i32
              %add3A_1541 = arith.constant 7 : i32
              %add3A_1542 = arith.addi %add3A_1540, %add3A_1541 : i32
              %get3A_1543 = arith.index_cast %add3A_1542 : i32 to index
              %get3A_1544 = arith.constant 224 : index
              %get3A_1545 = tpu.vector_load %arg7[%get3A_1543, %get3A_1544] {strides = array<i32>} : memref<160x256xf32, #tpu.memory_space<vmem>>, vector<16xf32>,
              %select_n3A_1546 = arith.select %broadcast_in_dim3A_322, %get3A_1503, %broadcast_in_dim3A_312 : vector<16xi1>, vector<16xf32>
              %select_n3A_1547 = arith.select %broadcast_in_dim3A_330, %get3A_1509, %broadcast_in_dim3A_312 : vector<16xi1>, vector<16xf32>
              %select_n3A_1548 = arith.select %broadcast_in_dim3A_338, %get3A_1515, %broadcast_in_dim3A_312 : vector<16xi1>, vector<16xf32>
              %select_n3A_1549 = arith.select %broadcast_in_dim3A_346, %get3A_1521, %broadcast_in_dim3A_312 : vector<16xi1>, vector<16xf32>
              %select_n3A_1550 = arith.select %broadcast_in_dim3A_354, %get3A_1527, %broadcast_in_dim3A_312 : vector<16xi1>, vector<16xf32>
              %select_n3A_1551 = arith.select %broadcast_in_dim3A_362, %get3A_1533, %broadcast_in_dim3A_312 : vector<16xi1>, vector<16xf32>
              %select_n3A_1552 = arith.select %broadcast_in_dim3A_370, %get3A_1539, %broadcast_in_dim3A_312 : vector<16xi1>, vector<16xf32>
              %select_n3A_1553 = arith.select %broadcast_in_dim3A_378, %get3A_1545, %broadcast_in_dim3A_312 : vector<16xi1>, vector<16xf32>
              %select_n3A_1554 = arith.select %broadcast_in_dim3A_322, %get3A_1503, %broadcast_in_dim3A_314 : vector<16xi1>, vector<16xf32>
              %select_n3A_1555 = arith.select %broadcast_in_dim3A_330, %get3A_1509, %broadcast_in_dim3A_314 : vector<16xi1>, vector<16xf32>
              %select_n3A_1556 = arith.select %broadcast_in_dim3A_338, %get3A_1515, %broadcast_in_dim3A_314 : vector<16xi1>, vector<16xf32>
              %select_n3A_1557 = arith.select %broadcast_in_dim3A_346, %get3A_1521, %broadcast_in_dim3A_314 : vector<16xi1>, vector<16xf32>
              %select_n3A_1558 = arith.select %broadcast_in_dim3A_354, %get3A_1527, %broadcast_in_dim3A_314 : vector<16xi1>, vector<16xf32>
              %select_n3A_1559 = arith.select %broadcast_in_dim3A_362, %get3A_1533, %broadcast_in_dim3A_314 : vector<16xi1>, vector<16xf32>
              %select_n3A_1560 = arith.select %broadcast_in_dim3A_370, %get3A_1539, %broadcast_in_dim3A_314 : vector<16xi1>, vector<16xf32>
              %select_n3A_1561 = arith.select %broadcast_in_dim3A_378, %get3A_1545, %broadcast_in_dim3A_314 : vector<16xi1>, vector<16xf32>
              %add3A_1562 = arith.addf %select_n3A_1546, %select_n3A_1547 : vector<16xf32>
              %add3A_1563 = arith.addf %select_n3A_1548, %select_n3A_1549 : vector<16xf32>
              %add3A_1564 = arith.addf %select_n3A_1550, %select_n3A_1551 : vector<16xf32>
              %add3A_1565 = arith.addf %select_n3A_1552, %select_n3A_1553 : vector<16xf32>
              %add3A_1566 = arith.addf %add3A_1562, %add3A_1563 : vector<16xf32>
              %add3A_1567 = arith.addf %add3A_1564, %add3A_1565 : vector<16xf32>
              %add3A_1568 = arith.addf %add3A_1566, %add3A_1567 : vector<16xf32>
              %add3A_1569 = arith.addf %scan3A_283, %add3A_1568 : vector<16xf32>
              %max3A_1570 = arith.maximumf %select_n3A_1554, %select_n3A_1555 : vector<16xf32>
              %max3A_1571 = arith.maximumf %select_n3A_1556, %select_n3A_1557 : vector<16xf32>
              %max3A_1572 = arith.maximumf %select_n3A_1558, %select_n3A_1559 : vector<16xf32>
              %max3A_1573 = arith.maximumf %select_n3A_1560, %select_n3A_1561 : vector<16xf32>
              %max3A_1574 = arith.maximumf %max3A_1570, %max3A_1571 : vector<16xf32>
              %max3A_1575 = arith.maximumf %max3A_1572, %max3A_1573 : vector<16xf32>
              %max3A_1576 = arith.maximumf %max3A_1574, %max3A_1575 : vector<16xf32>
              %max3A_1577 = arith.maximumf %scan3A_299, %max3A_1576 : vector<16xf32>
              %add3A_1578 = arith.addi %multiple_of3A_240, %mul3A_302 : i32
              %add3A_1579 = arith.constant 0 : i32
              %add3A_1580 = arith.addi %add3A_1578, %add3A_1579 : i32
              %get3A_1581 = arith.index_cast %add3A_1580 : i32 to index
              %get3A_1582 = arith.constant 240 : index
              %get3A_1583 = tpu.vector_load %arg7[%get3A_1581, %get3A_1582] {strides = array<i32>} : memref<160x256xf32, #tpu.memory_space<vmem>>, vector<16xf32>,
              %add3A_1584 = arith.addi %multiple_of3A_240, %mul3A_302 : i32
              %add3A_1585 = arith.constant 1 : i32
              %add3A_1586 = arith.addi %add3A_1584, %add3A_1585 : i32
              %get3A_1587 = arith.index_cast %add3A_1586 : i32 to index
              %get3A_1588 = arith.constant 240 : index
              %get3A_1589 = tpu.vector_load %arg7[%get3A_1587, %get3A_1588] {strides = array<i32>} : memref<160x256xf32, #tpu.memory_space<vmem>>, vector<16xf32>,
              %add3A_1590 = arith.addi %multiple_of3A_240, %mul3A_302 : i32
              %add3A_1591 = arith.constant 2 : i32
              %add3A_1592 = arith.addi %add3A_1590, %add3A_1591 : i32
              %get3A_1593 = arith.index_cast %add3A_1592 : i32 to index
              %get3A_1594 = arith.constant 240 : index
              %get3A_1595 = tpu.vector_load %arg7[%get3A_1593, %get3A_1594] {strides = array<i32>} : memref<160x256xf32, #tpu.memory_space<vmem>>, vector<16xf32>,
              %add3A_1596 = arith.addi %multiple_of3A_240, %mul3A_302 : i32
              %add3A_1597 = arith.constant 3 : i32
              %add3A_1598 = arith.addi %add3A_1596, %add3A_1597 : i32
              %get3A_1599 = arith.index_cast %add3A_1598 : i32 to index
              %get3A_1600 = arith.constant 240 : index
              %get3A_1601 = tpu.vector_load %arg7[%get3A_1599, %get3A_1600] {strides = array<i32>} : memref<160x256xf32, #tpu.memory_space<vmem>>, vector<16xf32>,
              %add3A_1602 = arith.addi %multiple_of3A_240, %mul3A_302 : i32
              %add3A_1603 = arith.constant 4 : i32
              %add3A_1604 = arith.addi %add3A_1602, %add3A_1603 : i32
              %get3A_1605 = arith.index_cast %add3A_1604 : i32 to index
              %get3A_1606 = arith.constant 240 : index
              %get3A_1607 = tpu.vector_load %arg7[%get3A_1605, %get3A_1606] {strides = array<i32>} : memref<160x256xf32, #tpu.memory_space<vmem>>, vector<16xf32>,
              %add3A_1608 = arith.addi %multiple_of3A_240, %mul3A_302 : i32
              %add3A_1609 = arith.constant 5 : i32
              %add3A_1610 = arith.addi %add3A_1608, %add3A_1609 : i32
              %get3A_1611 = arith.index_cast %add3A_1610 : i32 to index
              %get3A_1612 = arith.constant 240 : index
              %get3A_1613 = tpu.vector_load %arg7[%get3A_1611, %get3A_1612] {strides = array<i32>} : memref<160x256xf32, #tpu.memory_space<vmem>>, vector<16xf32>,
              %add3A_1614 = arith.addi %multiple_of3A_240, %mul3A_302 : i32
              %add3A_1615 = arith.constant 6 : i32
              %add3A_1616 = arith.addi %add3A_1614, %add3A_1615 : i32
              %get3A_1617 = arith.index_cast %add3A_1616 : i32 to index
              %get3A_1618 = arith.constant 240 : index
              %get3A_1619 = tpu.vector_load %arg7[%get3A_1617, %get3A_1618] {strides = array<i32>} : memref<160x256xf32, #tpu.memory_space<vmem>>, vector<16xf32>,
              %add3A_1620 = arith.addi %multiple_of3A_240, %mul3A_302 : i32
              %add3A_1621 = arith.constant 7 : i32
              %add3A_1622 = arith.addi %add3A_1620, %add3A_1621 : i32
              %get3A_1623 = arith.index_cast %add3A_1622 : i32 to index
              %get3A_1624 = arith.constant 240 : index
              %get3A_1625 = tpu.vector_load %arg7[%get3A_1623, %get3A_1624] {strides = array<i32>} : memref<160x256xf32, #tpu.memory_space<vmem>>, vector<16xf32>,
              %select_n3A_1626 = arith.select %broadcast_in_dim3A_322, %get3A_1583, %broadcast_in_dim3A_312 : vector<16xi1>, vector<16xf32>
              %select_n3A_1627 = arith.select %broadcast_in_dim3A_330, %get3A_1589, %broadcast_in_dim3A_312 : vector<16xi1>, vector<16xf32>
              %select_n3A_1628 = arith.select %broadcast_in_dim3A_338, %get3A_1595, %broadcast_in_dim3A_312 : vector<16xi1>, vector<16xf32>
              %select_n3A_1629 = arith.select %broadcast_in_dim3A_346, %get3A_1601, %broadcast_in_dim3A_312 : vector<16xi1>, vector<16xf32>
              %select_n3A_1630 = arith.select %broadcast_in_dim3A_354, %get3A_1607, %broadcast_in_dim3A_312 : vector<16xi1>, vector<16xf32>
              %select_n3A_1631 = arith.select %broadcast_in_dim3A_362, %get3A_1613, %broadcast_in_dim3A_312 : vector<16xi1>, vector<16xf32>
              %select_n3A_1632 = arith.select %broadcast_in_dim3A_370, %get3A_1619, %broadcast_in_dim3A_312 : vector<16xi1>, vector<16xf32>
              %select_n3A_1633 = arith.select %broadcast_in_dim3A_378, %get3A_1625, %broadcast_in_dim3A_312 : vector<16xi1>, vector<16xf32>
              %select_n3A_1634 = arith.select %broadcast_in_dim3A_322, %get3A_1583, %broadcast_in_dim3A_314 : vector<16xi1>, vector<16xf32>
              %select_n3A_1635 = arith.select %broadcast_in_dim3A_330, %get3A_1589, %broadcast_in_dim3A_314 : vector<16xi1>, vector<16xf32>
              %select_n3A_1636 = arith.select %broadcast_in_dim3A_338, %get3A_1595, %broadcast_in_dim3A_314 : vector<16xi1>, vector<16xf32>
              %select_n3A_1637 = arith.select %broadcast_in_dim3A_346, %get3A_1601, %broadcast_in_dim3A_314 : vector<16xi1>, vector<16xf32>
              %select_n3A_1638 = arith.select %broadcast_in_dim3A_354, %get3A_1607, %broadcast_in_dim3A_314 : vector<16xi1>, vector<16xf32>
              %select_n3A_1639 = arith.select %broadcast_in_dim3A_362, %get3A_1613, %broadcast_in_dim3A_314 : vector<16xi1>, vector<16xf32>
              %select_n3A_1640 = arith.select %broadcast_in_dim3A_370, %get3A_1619, %broadcast_in_dim3A_314 : vector<16xi1>, vector<16xf32>
              %select_n3A_1641 = arith.select %broadcast_in_dim3A_378, %get3A_1625, %broadcast_in_dim3A_314 : vector<16xi1>, vector<16xf32>
              %add3A_1642 = arith.addf %select_n3A_1626, %select_n3A_1627 : vector<16xf32>
              %add3A_1643 = arith.addf %select_n3A_1628, %select_n3A_1629 : vector<16xf32>
              %add3A_1644 = arith.addf %select_n3A_1630, %select_n3A_1631 : vector<16xf32>
              %add3A_1645 = arith.addf %select_n3A_1632, %select_n3A_1633 : vector<16xf32>
              %add3A_1646 = arith.addf %add3A_1642, %add3A_1643 : vector<16xf32>
              %add3A_1647 = arith.addf %add3A_1644, %add3A_1645 : vector<16xf32>
              %add3A_1648 = arith.addf %add3A_1646, %add3A_1647 : vector<16xf32>
              %add3A_1649 = arith.addf %scan3A_284, %add3A_1648 : vector<16xf32>
              %max3A_1650 = arith.maximumf %select_n3A_1634, %select_n3A_1635 : vector<16xf32>
              %max3A_1651 = arith.maximumf %select_n3A_1636, %select_n3A_1637 : vector<16xf32>
              %max3A_1652 = arith.maximumf %select_n3A_1638, %select_n3A_1639 : vector<16xf32>
              %max3A_1653 = arith.maximumf %select_n3A_1640, %select_n3A_1641 : vector<16xf32>
              %max3A_1654 = arith.maximumf %max3A_1650, %max3A_1651 : vector<16xf32>
              %max3A_1655 = arith.maximumf %max3A_1652, %max3A_1653 : vector<16xf32>
              %max3A_1656 = arith.maximumf %max3A_1654, %max3A_1655 : vector<16xf32>
              %max3A_1657 = arith.maximumf %scan3A_300, %max3A_1656 : vector<16xf32>
              scf.yield %add3A_449, %add3A_529, %add3A_609, %add3A_689, %add3A_769, %add3A_849, %add3A_929, %add3A_1009, %add3A_1089, %add3A_1169, %add3A_1249, %add3A_1329, %add3A_1409, %add3A_1489, %add3A_1569, %add3A_1649, %max3A_457, %max3A_537, %max3A_617, %max3A_697, %max3A_777, %max3A_857, %max3A_937, %max3A_1017, %max3A_1097, %max3A_1177, %max3A_1257, %max3A_1337, %max3A_1417, %max3A_1497, %max3A_1577, %max3A_1657 : vector<16xf32>, vector<16xf32>, vector<16xf32>, vector<16xf32>, vector<16xf32>, vector<16xf32>, vector<16xf32>, vector<16xf32>, vector<16xf32>, vector<16xf32>, vector<16xf32>, vector<16xf32>, vector<16xf32>, vector<16xf32>, vector<16xf32>, vector<16xf32>, vector<16xf32>, vector<16xf32>, vector<16xf32>, vector<16xf32>, vector<16xf32>, vector<16xf32>, vector<16xf32>, vector<16xf32>, vector<16xf32>, vector<16xf32>, vector<16xf32>, vector<16xf32>, vector<16xf32>, vector<16xf32>, vector<16xf32>, vector<16xf32>
            }
            scf.yield %cond3A_310#0, %cond3A_310#1, %cond3A_310#2, %cond3A_310#3, %cond3A_310#4, %cond3A_310#5, %cond3A_310#6, %cond3A_310#7, %cond3A_310#8, %cond3A_310#9, %cond3A_310#10, %cond3A_310#11, %cond3A_310#12, %cond3A_310#13, %cond3A_310#14, %cond3A_310#15, %cond3A_310#16, %cond3A_310#17, %cond3A_310#18, %cond3A_310#19, %cond3A_310#20, %cond3A_310#21, %cond3A_310#22, %cond3A_310#23, %cond3A_310#24, %cond3A_310#25, %cond3A_310#26, %cond3A_310#27, %cond3A_310#28, %cond3A_310#29, %cond3A_310#30, %cond3A_310#31 : vector<16xf32>, vector<16xf32>, vector<16xf32>, vector<16xf32>, vector<16xf32>, vector<16xf32>, vector<16xf32>, vector<16xf32>, vector<16xf32>, vector<16xf32>, vector<16xf32>, vector<16xf32>, vector<16xf32>, vector<16xf32>, vector<16xf32>, vector<16xf32>, vector<16xf32>, vector<16xf32>, vector<16xf32>, vector<16xf32>, vector<16xf32>, vector<16xf32>, vector<16xf32>, vector<16xf32>, vector<16xf32>, vector<16xf32>, vector<16xf32>, vector<16xf32>, vector<16xf32>, vector<16xf32>, vector<16xf32>, vector<16xf32>
          }
          %scan3A_267 = arith.constant 10 : i32
          scf.yield %scan3A_266#0, %scan3A_266#1, %scan3A_266#2, %scan3A_266#3, %scan3A_266#4, %scan3A_266#5, %scan3A_266#6, %scan3A_266#7, %scan3A_266#8, %scan3A_266#9, %scan3A_266#10, %scan3A_266#11, %scan3A_266#12, %scan3A_266#13, %scan3A_266#14, %scan3A_266#15, %scan3A_266#16, %scan3A_266#17, %scan3A_266#18, %scan3A_266#19, %scan3A_266#20, %scan3A_266#21, %scan3A_266#22, %scan3A_266#23, %scan3A_266#24, %scan3A_266#25, %scan3A_266#26, %scan3A_266#27, %scan3A_266#28, %scan3A_266#29, %scan3A_266#30, %scan3A_266#31 : vector<16xf32>, vector<16xf32>, vector<16xf32>, vector<16xf32>, vector<16xf32>, vector<16xf32>, vector<16xf32>, vector<16xf32>, vector<16xf32>, vector<16xf32>, vector<16xf32>, vector<16xf32>, vector<16xf32>, vector<16xf32>, vector<16xf32>, vector<16xf32>, vector<16xf32>, vector<16xf32>, vector<16xf32>, vector<16xf32>, vector<16xf32>, vector<16xf32>, vector<16xf32>, vector<16xf32>, vector<16xf32>, vector<16xf32>, vector<16xf32>, vector<16xf32>, vector<16xf32>, vector<16xf32>, vector<16xf32>, vector<16xf32>
        }
        %while3A_115 = arith.constant 1 : i32
        %while3A_116:32 = scf.for %while3A_202 = %while3A_112 to %while3A_108 step %while3A_115 iter_args(%while3A_203 = %while3A_114#0, %while3A_204 = %while3A_114#1, %while3A_205 = %while3A_114#2, %while3A_206 = %while3A_114#3, %while3A_207 = %while3A_114#4, %while3A_208 = %while3A_114#5, %while3A_209 = %while3A_114#6, %while3A_210 = %while3A_114#7, %while3A_211 = %while3A_114#8, %while3A_212 = %while3A_114#9, %while3A_213 = %while3A_114#10, %while3A_214 = %while3A_114#11, %while3A_215 = %while3A_114#12, %while3A_216 = %while3A_114#13, %while3A_217 = %while3A_114#14, %while3A_218 = %while3A_114#15, %while3A_219 = %while3A_114#16, %while3A_220 = %while3A_114#17, %while3A_221 = %while3A_114#18, %while3A_222 = %while3A_114#19, %while3A_223 = %while3A_114#20, %while3A_224 = %while3A_114#21, %while3A_225 = %while3A_114#22, %while3A_226 = %while3A_114#23, %while3A_227 = %while3A_114#24, %while3A_228 = %while3A_114#25, %while3A_229 = %while3A_114#26, %while3A_230 = %while3A_114#27, %while3A_231 = %while3A_114#28, %while3A_232 = %while3A_114#29, %while3A_233 = %while3A_114#30, %while3A_234 = %while3A_114#31) -> (vector<16xf32>, vector<16xf32>, vector<16xf32>, vector<16xf32>, vector<16xf32>, vector<16xf32>, vector<16xf32>, vector<16xf32>, vector<16xf32>, vector<16xf32>, vector<16xf32>, vector<16xf32>, vector<16xf32>, vector<16xf32>, vector<16xf32>, vector<16xf32>, vector<16xf32>, vector<16xf32>, vector<16xf32>, vector<16xf32>, vector<16xf32>, vector<16xf32>, vector<16xf32>, vector<16xf32>, vector<16xf32>, vector<16xf32>, vector<16xf32>, vector<16xf32>, vector<16xf32>, vector<16xf32>, vector<16xf32>, vector<16xf32>)  : i32 {
          %sub3A_235 = arith.subi %while3A_202, %select_n3A_64 : i32
          %and3A_236 = arith.constant 1 : i32
          %and3A_237 = arith.andi %sub3A_235, %and3A_236 : i32
          %mul3A_238 = arith.constant 80 : i32
          %mul3A_239 = arith.muli %and3A_237, %mul3A_238 : i32
          %multiple_of3A_240 = tpu.assume_multiple %mul3A_239, 8 : i32
          %dma_wait3A = arith.constant 0 : i32
          %dma_wait3A_241 = tpu.memref_slice %arg7[%multiple_of3A_240, %dma_wait3A] : memref<160x256xf32, #tpu.memory_space<vmem>> -> memref<80x256xf32, #tpu.memory_space<vmem>>
          %dma_wait3A_242 = arith.constant 0 : i32
          %dma_wait3A_243 = arith.constant 0 : i32
          %dma_wait3A_244 = tpu.memref_slice %arg2[%dma_wait3A_242, %dma_wait3A_243] : memref<50000x256xf32, #tpu.memory_space<hbm>> -> memref<80x256xf32, #tpu.memory_space<hbm>>
          %dma_wait3A_245 = arith.constant 0 : i32
          %dma_wait3A_246 = tpu.memref_slice %arg7[%multiple_of3A_240, %dma_wait3A_245] : memref<160x256xf32, #tpu.memory_space<vmem>> -> memref<80x256xf32, #tpu.memory_space<vmem>>
          %dma_wait3A_247 = arith.constant 0 : i32
          %dma_wait3A_248 = arith.constant 0 : i32
          %dma_wait3A_249 = tpu.memref_slice %arg2[%dma_wait3A_247, %dma_wait3A_248] : memref<50000x256xf32, #tpu.memory_space<hbm>> -> memref<80x256xf32, #tpu.memory_space<hbm>>
          tpu.wait_dma2 semaphore(%arg9 : memref<!tpu.dma_semaphore, #tpu.memory_space<semaphore_mem>>) src(%dma_wait3A_249 : memref<80x256xf32, #tpu.memory_space<hbm>>) dst(%dma_wait3A_246 : memref<80x256xf32, #tpu.memory_space<vmem>>)
          %add3A_250 = arith.constant 1 : i32
          %add3A_251 = arith.addi %while3A_202, %add3A_250 : i32
          %lt3A_252 = arith.cmpi slt, %add3A_251, %select_n3A_92 : i32
          %convert_element_type3A_253 = arith.extui %lt3A_252 : i1 to i32
          %cond3A_254 = arith.constant 0 : i32
          %cond3A_255 = arith.cmpi ne, %convert_element_type3A_253, %cond3A_254 : i32
          scf.if %cond3A_255 {
            %add3A_268 = arith.constant 1 : i32
            %add3A_269 = arith.addi %while3A_202, %add3A_268 : i32
            %sub3A_270 = arith.subi %add3A_269, %select_n3A_64 : i32
            %and3A_271 = arith.constant 1 : i32
            %and3A_272 = arith.andi %sub3A_270, %and3A_271 : i32
            %mul3A_273 = arith.constant 80 : i32
            %mul3A_274 = arith.muli %and3A_272, %mul3A_273 : i32
            %multiple_of3A_275 = tpu.assume_multiple %mul3A_274, 8 : i32
            %add3A_276 = arith.constant 1 : i32
            %add3A_277 = arith.addi %while3A_202, %add3A_276 : i32
            %mul3A_278 = arith.constant 80 : i32
            %mul3A_279 = arith.muli %add3A_277, %mul3A_278 : i32
            %multiple_of3A_280 = tpu.assume_multiple %mul3A_279, 8 : i32
            %dma_start3A_281 = arith.constant 0 : i32
            %dma_start3A_282 = tpu.memref_slice %arg7[%multiple_of3A_275, %dma_start3A_281] : memref<160x256xf32, #tpu.memory_space<vmem>> -> memref<80x256xf32, #tpu.memory_space<vmem>>
            %dma_start3A_283 = arith.constant 0 : i32
            %dma_start3A_284 = tpu.memref_slice %arg2[%multiple_of3A_280, %dma_start3A_283] : memref<50000x256xf32, #tpu.memory_space<hbm>> -> memref<80x256xf32, #tpu.memory_space<hbm>>
            %dma_start3A_285 = arith.constant 0 : i32
            %dma_start3A_286 = tpu.memref_slice %arg7[%multiple_of3A_275, %dma_start3A_285] : memref<160x256xf32, #tpu.memory_space<vmem>> -> memref<80x256xf32, #tpu.memory_space<vmem>>
            %dma_start3A_287 = arith.constant 0 : i32
            %dma_start3A_288 = tpu.memref_slice %arg2[%multiple_of3A_280, %dma_start3A_287] : memref<50000x256xf32, #tpu.memory_space<hbm>> -> memref<80x256xf32, #tpu.memory_space<hbm>>
            tpu.enqueue_dma source(%dma_start3A_288 : memref<80x256xf32, #tpu.memory_space<hbm>>) target(%dma_start3A_286 : memref<80x256xf32, #tpu.memory_space<vmem>>) target_semaphore(%arg9 : memref<!tpu.dma_semaphore, #tpu.memory_space<semaphore_mem>>)
          } else {
          }
          %mul3A_256 = arith.constant 80 : i32
          %mul3A_257 = arith.muli %while3A_202, %mul3A_256 : i32
          %max3A = arith.maxsi %select_n3A, %mul3A_257 : i32
          %sub3A_258 = arith.subi %max3A, %mul3A_257 : i32
          %add3A_259 = arith.constant 80 : i32
          %add3A_260 = arith.addi %mul3A_257, %add3A_259 : i32
          %min3A = arith.minsi %select_n3A_41, %add3A_260 : i32
          %sub3A_261 = arith.subi %min3A, %mul3A_257 : i32
          %scan3A_262 = arith.constant 0 : i32
          %scan3A_263 = arith.constant 10 : i32
          %scan3A_264 = arith.addi %scan3A_262, %scan3A_263 : i32
          %scan3A_265 = arith.constant 1 : i32
          %scan3A_266:32 = scf.for %scan3A_268 = %scan3A_262 to %scan3A_264 step %scan3A_265 iter_args(%scan3A_269 = %while3A_203, %scan3A_270 = %while3A_204, %scan3A_271 = %while3A_205, %scan3A_272 = %while3A_206, %scan3A_273 = %while3A_207, %scan3A_274 = %while3A_208, %scan3A_275 = %while3A_209, %scan3A_276 = %while3A_210, %scan3A_277 = %while3A_211, %scan3A_278 = %while3A_212, %scan3A_279 = %while3A_213, %scan3A_280 = %while3A_214, %scan3A_281 = %while3A_215, %scan3A_282 = %while3A_216, %scan3A_283 = %while3A_217, %scan3A_284 = %while3A_218, %scan3A_285 = %while3A_219, %scan3A_286 = %while3A_220, %scan3A_287 = %while3A_221, %scan3A_288 = %while3A_222, %scan3A_289 = %while3A_223, %scan3A_290 = %while3A_224, %scan3A_291 = %while3A_225, %scan3A_292 = %while3A_226, %scan3A_293 = %while3A_227, %scan3A_294 = %while3A_228, %scan3A_295 = %while3A_229, %scan3A_296 = %while3A_230, %scan3A_297 = %while3A_231, %scan3A_298 = %while3A_232, %scan3A_299 = %while3A_233, %scan3A_300 = %while3A_234) -> (vector<16xf32>, vector<16xf32>, vector<16xf32>, vector<16xf32>, vector<16xf32>, vector<16xf32>, vector<16xf32>, vector<16xf32>, vector<16xf32>, vector<16xf32>, vector<16xf32>, vector<16xf32>, vector<16xf32>, vector<16xf32>, vector<16xf32>, vector<16xf32>, vector<16xf32>, vector<16xf32>, vector<16xf32>, vector<16xf32>, vector<16xf32>, vector<16xf32>, vector<16xf32>, vector<16xf32>, vector<16xf32>, vector<16xf32>, vector<16xf32>, vector<16xf32>, vector<16xf32>, vector<16xf32>, vector<16xf32>, vector<16xf32>)  : i32 {
            %mul3A_301 = arith.constant 8 : i32
            %mul3A_302 = arith.muli %scan3A_268, %mul3A_301 : i32
            %ge3A_303 = arith.cmpi sge, %mul3A_302, %sub3A_258 : i32
            %add3A_304 = arith.constant 8 : i32
            %add3A_305 = arith.addi %mul3A_302, %add3A_304 : i32
            %le3A = arith.cmpi sle, %add3A_305, %sub3A_261 : i32
            %and3A_306 = arith.andi %ge3A_303, %le3A : i1
            %convert_element_type3A_307 = arith.extui %and3A_306 : i1 to i32
            %cond3A_308 = arith.constant 0 : i32
            %cond3A_309 = arith.cmpi ne, %convert_element_type3A_307, %cond3A_308 : i32
            %cond3A_310:32 = scf.if %cond3A_309 -> (vector<16xf32>, vector<16xf32>, vector<16xf32>, vector<16xf32>, vector<16xf32>, vector<16xf32>, vector<16xf32>, vector<16xf32>, vector<16xf32>, vector<16xf32>, vector<16xf32>, vector<16xf32>, vector<16xf32>, vector<16xf32>, vector<16xf32>, vector<16xf32>, vector<16xf32>, vector<16xf32>, vector<16xf32>, vector<16xf32>, vector<16xf32>, vector<16xf32>, vector<16xf32>, vector<16xf32>, vector<16xf32>, vector<16xf32>, vector<16xf32>, vector<16xf32>, vector<16xf32>, vector<16xf32>, vector<16xf32>, vector<16xf32>) {
              %broadcast_in_dim3A_311 = arith.constant 0.000000e+00 : f32
              %broadcast_in_dim3A_312 = vector.broadcast %broadcast_in_dim3A_311 : f32 to vector<16xf32>
              %broadcast_in_dim3A_313 = arith.constant 0xFF800000 : f32
              %broadcast_in_dim3A_314 = vector.broadcast %broadcast_in_dim3A_313 : f32 to vector<16xf32>
              %add3A_315 = arith.addi %multiple_of3A_240, %mul3A_302 : i32
              %add3A_316 = arith.constant 0 : i32
              %add3A_317 = arith.addi %add3A_315, %add3A_316 : i32
              %get3A = arith.index_cast %add3A_317 : i32 to index
              %get3A_318 = arith.constant 0 : index
              %get3A_319 = tpu.vector_load %arg7[%get3A, %get3A_318] {strides = array<i32>} : memref<160x256xf32, #tpu.memory_space<vmem>>, vector<16xf32>,
              %add3A_320 = arith.addi %multiple_of3A_240, %mul3A_302 : i32
              %add3A_321 = arith.constant 1 : i32
              %add3A_322 = arith.addi %add3A_320, %add3A_321 : i32
              %get3A_323 = arith.index_cast %add3A_322 : i32 to index
              %get3A_324 = arith.constant 0 : index
              %get3A_325 = tpu.vector_load %arg7[%get3A_323, %get3A_324] {strides = array<i32>} : memref<160x256xf32, #tpu.memory_space<vmem>>, vector<16xf32>,
              %add3A_326 = arith.addi %multiple_of3A_240, %mul3A_302 : i32
              %add3A_327 = arith.constant 2 : i32
              %add3A_328 = arith.addi %add3A_326, %add3A_327 : i32
              %get3A_329 = arith.index_cast %add3A_328 : i32 to index
              %get3A_330 = arith.constant 0 : index
              %get3A_331 = tpu.vector_load %arg7[%get3A_329, %get3A_330] {strides = array<i32>} : memref<160x256xf32, #tpu.memory_space<vmem>>, vector<16xf32>,
              %add3A_332 = arith.addi %multiple_of3A_240, %mul3A_302 : i32
              %add3A_333 = arith.constant 3 : i32
              %add3A_334 = arith.addi %add3A_332, %add3A_333 : i32
              %get3A_335 = arith.index_cast %add3A_334 : i32 to index
              %get3A_336 = arith.constant 0 : index
              %get3A_337 = tpu.vector_load %arg7[%get3A_335, %get3A_336] {strides = array<i32>} : memref<160x256xf32, #tpu.memory_space<vmem>>, vector<16xf32>,
              %add3A_338 = arith.addi %multiple_of3A_240, %mul3A_302 : i32
              %add3A_339 = arith.constant 4 : i32
              %add3A_340 = arith.addi %add3A_338, %add3A_339 : i32
              %get3A_341 = arith.index_cast %add3A_340 : i32 to index
              %get3A_342 = arith.constant 0 : index
              %get3A_343 = tpu.vector_load %arg7[%get3A_341, %get3A_342] {strides = array<i32>} : memref<160x256xf32, #tpu.memory_space<vmem>>, vector<16xf32>,
              %add3A_344 = arith.addi %multiple_of3A_240, %mul3A_302 : i32
              %add3A_345 = arith.constant 5 : i32
              %add3A_346 = arith.addi %add3A_344, %add3A_345 : i32
              %get3A_347 = arith.index_cast %add3A_346 : i32 to index
              %get3A_348 = arith.constant 0 : index
              %get3A_349 = tpu.vector_load %arg7[%get3A_347, %get3A_348] {strides = array<i32>} : memref<160x256xf32, #tpu.memory_space<vmem>>, vector<16xf32>,
              %add3A_350 = arith.addi %multiple_of3A_240, %mul3A_302 : i32
              %add3A_351 = arith.constant 6 : i32
              %add3A_352 = arith.addi %add3A_350, %add3A_351 : i32
              %get3A_353 = arith.index_cast %add3A_352 : i32 to index
              %get3A_354 = arith.constant 0 : index
              %get3A_355 = tpu.vector_load %arg7[%get3A_353, %get3A_354] {strides = array<i32>} : memref<160x256xf32, #tpu.memory_space<vmem>>, vector<16xf32>,
              %add3A_356 = arith.addi %multiple_of3A_240, %mul3A_302 : i32
              %add3A_357 = arith.constant 7 : i32
              %add3A_358 = arith.addi %add3A_356, %add3A_357 : i32
              %get3A_359 = arith.index_cast %add3A_358 : i32 to index
              %get3A_360 = arith.constant 0 : index
              %get3A_361 = tpu.vector_load %arg7[%get3A_359, %get3A_360] {strides = array<i32>} : memref<160x256xf32, #tpu.memory_space<vmem>>, vector<16xf32>,
              %add3A_362 = arith.addf %get3A_319, %get3A_325 : vector<16xf32>
              %add3A_363 = arith.addf %get3A_331, %get3A_337 : vector<16xf32>
              %add3A_364 = arith.addf %get3A_343, %get3A_349 : vector<16xf32>
              %add3A_365 = arith.addf %get3A_355, %get3A_361 : vector<16xf32>
              %add3A_366 = arith.addf %add3A_362, %add3A_363 : vector<16xf32>
              %add3A_367 = arith.addf %add3A_364, %add3A_365 : vector<16xf32>
              %add3A_368 = arith.addf %add3A_366, %add3A_367 : vector<16xf32>
              %add3A_369 = arith.addf %scan3A_269, %add3A_368 : vector<16xf32>
              %max3A_370 = arith.maximumf %get3A_319, %get3A_325 : vector<16xf32>
              %max3A_371 = arith.maximumf %get3A_331, %get3A_337 : vector<16xf32>
              %max3A_372 = arith.maximumf %get3A_343, %get3A_349 : vector<16xf32>
              %max3A_373 = arith.maximumf %get3A_355, %get3A_361 : vector<16xf32>
              %max3A_374 = arith.maximumf %max3A_370, %max3A_371 : vector<16xf32>
              %max3A_375 = arith.maximumf %max3A_372, %max3A_373 : vector<16xf32>
              %max3A_376 = arith.maximumf %max3A_374, %max3A_375 : vector<16xf32>
              %max3A_377 = arith.maximumf %scan3A_285, %max3A_376 : vector<16xf32>
              %add3A_378 = arith.addi %multiple_of3A_240, %mul3A_302 : i32
              %add3A_379 = arith.constant 0 : i32
              %add3A_380 = arith.addi %add3A_378, %add3A_379 : i32
              %get3A_381 = arith.index_cast %add3A_380 : i32 to index
              %get3A_382 = arith.constant 16 : index
              %get3A_383 = tpu.vector_load %arg7[%get3A_381, %get3A_382] {strides = array<i32>} : memref<160x256xf32, #tpu.memory_space<vmem>>, vector<16xf32>,
              %add3A_384 = arith.addi %multiple_of3A_240, %mul3A_302 : i32
              %add3A_385 = arith.constant 1 : i32
              %add3A_386 = arith.addi %add3A_384, %add3A_385 : i32
              %get3A_387 = arith.index_cast %add3A_386 : i32 to index
              %get3A_388 = arith.constant 16 : index
              %get3A_389 = tpu.vector_load %arg7[%get3A_387, %get3A_388] {strides = array<i32>} : memref<160x256xf32, #tpu.memory_space<vmem>>, vector<16xf32>,
              %add3A_390 = arith.addi %multiple_of3A_240, %mul3A_302 : i32
              %add3A_391 = arith.constant 2 : i32
              %add3A_392 = arith.addi %add3A_390, %add3A_391 : i32
              %get3A_393 = arith.index_cast %add3A_392 : i32 to index
              %get3A_394 = arith.constant 16 : index
              %get3A_395 = tpu.vector_load %arg7[%get3A_393, %get3A_394] {strides = array<i32>} : memref<160x256xf32, #tpu.memory_space<vmem>>, vector<16xf32>,
              %add3A_396 = arith.addi %multiple_of3A_240, %mul3A_302 : i32
              %add3A_397 = arith.constant 3 : i32
              %add3A_398 = arith.addi %add3A_396, %add3A_397 : i32
              %get3A_399 = arith.index_cast %add3A_398 : i32 to index
              %get3A_400 = arith.constant 16 : index
              %get3A_401 = tpu.vector_load %arg7[%get3A_399, %get3A_400] {strides = array<i32>} : memref<160x256xf32, #tpu.memory_space<vmem>>, vector<16xf32>,
              %add3A_402 = arith.addi %multiple_of3A_240, %mul3A_302 : i32
              %add3A_403 = arith.constant 4 : i32
              %add3A_404 = arith.addi %add3A_402, %add3A_403 : i32
              %get3A_405 = arith.index_cast %add3A_404 : i32 to index
              %get3A_406 = arith.constant 16 : index
              %get3A_407 = tpu.vector_load %arg7[%get3A_405, %get3A_406] {strides = array<i32>} : memref<160x256xf32, #tpu.memory_space<vmem>>, vector<16xf32>,
              %add3A_408 = arith.addi %multiple_of3A_240, %mul3A_302 : i32
              %add3A_409 = arith.constant 5 : i32
              %add3A_410 = arith.addi %add3A_408, %add3A_409 : i32
              %get3A_411 = arith.index_cast %add3A_410 : i32 to index
              %get3A_412 = arith.constant 16 : index
              %get3A_413 = tpu.vector_load %arg7[%get3A_411, %get3A_412] {strides = array<i32>} : memref<160x256xf32, #tpu.memory_space<vmem>>, vector<16xf32>,
              %add3A_414 = arith.addi %multiple_of3A_240, %mul3A_302 : i32
              %add3A_415 = arith.constant 6 : i32
              %add3A_416 = arith.addi %add3A_414, %add3A_415 : i32
              %get3A_417 = arith.index_cast %add3A_416 : i32 to index
              %get3A_418 = arith.constant 16 : index
              %get3A_419 = tpu.vector_load %arg7[%get3A_417, %get3A_418] {strides = array<i32>} : memref<160x256xf32, #tpu.memory_space<vmem>>, vector<16xf32>,
              %add3A_420 = arith.addi %multiple_of3A_240, %mul3A_302 : i32
              %add3A_421 = arith.constant 7 : i32
              %add3A_422 = arith.addi %add3A_420, %add3A_421 : i32
              %get3A_423 = arith.index_cast %add3A_422 : i32 to index
              %get3A_424 = arith.constant 16 : index
              %get3A_425 = tpu.vector_load %arg7[%get3A_423, %get3A_424] {strides = array<i32>} : memref<160x256xf32, #tpu.memory_space<vmem>>, vector<16xf32>,
              %add3A_426 = arith.addf %get3A_383, %get3A_389 : vector<16xf32>
              %add3A_427 = arith.addf %get3A_395, %get3A_401 : vector<16xf32>
              %add3A_428 = arith.addf %get3A_407, %get3A_413 : vector<16xf32>
              %add3A_429 = arith.addf %get3A_419, %get3A_425 : vector<16xf32>
              %add3A_430 = arith.addf %add3A_426, %add3A_427 : vector<16xf32>
              %add3A_431 = arith.addf %add3A_428, %add3A_429 : vector<16xf32>
              %add3A_432 = arith.addf %add3A_430, %add3A_431 : vector<16xf32>
              %add3A_433 = arith.addf %scan3A_270, %add3A_432 : vector<16xf32>
              %max3A_434 = arith.maximumf %get3A_383, %get3A_389 : vector<16xf32>
              %max3A_435 = arith.maximumf %get3A_395, %get3A_401 : vector<16xf32>
              %max3A_436 = arith.maximumf %get3A_407, %get3A_413 : vector<16xf32>
              %max3A_437 = arith.maximumf %get3A_419, %get3A_425 : vector<16xf32>
              %max3A_438 = arith.maximumf %max3A_434, %max3A_435 : vector<16xf32>
              %max3A_439 = arith.maximumf %max3A_436, %max3A_437 : vector<16xf32>
              %max3A_440 = arith.maximumf %max3A_438, %max3A_439 : vector<16xf32>
              %max3A_441 = arith.maximumf %scan3A_286, %max3A_440 : vector<16xf32>
              %add3A_442 = arith.addi %multiple_of3A_240, %mul3A_302 : i32
              %add3A_443 = arith.constant 0 : i32
              %add3A_444 = arith.addi %add3A_442, %add3A_443 : i32
              %get3A_445 = arith.index_cast %add3A_444 : i32 to index
              %get3A_446 = arith.constant 32 : index
              %get3A_447 = tpu.vector_load %arg7[%get3A_445, %get3A_446] {strides = array<i32>} : memref<160x256xf32, #tpu.memory_space<vmem>>, vector<16xf32>,
              %add3A_448 = arith.addi %multiple_of3A_240, %mul3A_302 : i32
              %add3A_449 = arith.constant 1 : i32
              %add3A_450 = arith.addi %add3A_448, %add3A_449 : i32
              %get3A_451 = arith.index_cast %add3A_450 : i32 to index
              %get3A_452 = arith.constant 32 : index
              %get3A_453 = tpu.vector_load %arg7[%get3A_451, %get3A_452] {strides = array<i32>} : memref<160x256xf32, #tpu.memory_space<vmem>>, vector<16xf32>,
              %add3A_454 = arith.addi %multiple_of3A_240, %mul3A_302 : i32
              %add3A_455 = arith.constant 2 : i32
              %add3A_456 = arith.addi %add3A_454, %add3A_455 : i32
              %get3A_457 = arith.index_cast %add3A_456 : i32 to index
              %get3A_458 = arith.constant 32 : index
              %get3A_459 = tpu.vector_load %arg7[%get3A_457, %get3A_458] {strides = array<i32>} : memref<160x256xf32, #tpu.memory_space<vmem>>, vector<16xf32>,
              %add3A_460 = arith.addi %multiple_of3A_240, %mul3A_302 : i32
              %add3A_461 = arith.constant 3 : i32
              %add3A_462 = arith.addi %add3A_460, %add3A_461 : i32
              %get3A_463 = arith.index_cast %add3A_462 : i32 to index
              %get3A_464 = arith.constant 32 : index
              %get3A_465 = tpu.vector_load %arg7[%get3A_463, %get3A_464] {strides = array<i32>} : memref<160x256xf32, #tpu.memory_space<vmem>>, vector<16xf32>,
              %add3A_466 = arith.addi %multiple_of3A_240, %mul3A_302 : i32
              %add3A_467 = arith.constant 4 : i32
              %add3A_468 = arith.addi %add3A_466, %add3A_467 : i32
              %get3A_469 = arith.index_cast %add3A_468 : i32 to index
              %get3A_470 = arith.constant 32 : index
              %get3A_471 = tpu.vector_load %arg7[%get3A_469, %get3A_470] {strides = array<i32>} : memref<160x256xf32, #tpu.memory_space<vmem>>, vector<16xf32>,
              %add3A_472 = arith.addi %multiple_of3A_240, %mul3A_302 : i32
              %add3A_473 = arith.constant 5 : i32
              %add3A_474 = arith.addi %add3A_472, %add3A_473 : i32
              %get3A_475 = arith.index_cast %add3A_474 : i32 to index
              %get3A_476 = arith.constant 32 : index
              %get3A_477 = tpu.vector_load %arg7[%get3A_475, %get3A_476] {strides = array<i32>} : memref<160x256xf32, #tpu.memory_space<vmem>>, vector<16xf32>,
              %add3A_478 = arith.addi %multiple_of3A_240, %mul3A_302 : i32
              %add3A_479 = arith.constant 6 : i32
              %add3A_480 = arith.addi %add3A_478, %add3A_479 : i32
              %get3A_481 = arith.index_cast %add3A_480 : i32 to index
              %get3A_482 = arith.constant 32 : index
              %get3A_483 = tpu.vector_load %arg7[%get3A_481, %get3A_482] {strides = array<i32>} : memref<160x256xf32, #tpu.memory_space<vmem>>, vector<16xf32>,
              %add3A_484 = arith.addi %multiple_of3A_240, %mul3A_302 : i32
              %add3A_485 = arith.constant 7 : i32
              %add3A_486 = arith.addi %add3A_484, %add3A_485 : i32
              %get3A_487 = arith.index_cast %add3A_486 : i32 to index
              %get3A_488 = arith.constant 32 : index
              %get3A_489 = tpu.vector_load %arg7[%get3A_487, %get3A_488] {strides = array<i32>} : memref<160x256xf32, #tpu.memory_space<vmem>>, vector<16xf32>,
              %add3A_490 = arith.addf %get3A_447, %get3A_453 : vector<16xf32>
              %add3A_491 = arith.addf %get3A_459, %get3A_465 : vector<16xf32>
              %add3A_492 = arith.addf %get3A_471, %get3A_477 : vector<16xf32>
              %add3A_493 = arith.addf %get3A_483, %get3A_489 : vector<16xf32>
              %add3A_494 = arith.addf %add3A_490, %add3A_491 : vector<16xf32>
              %add3A_495 = arith.addf %add3A_492, %add3A_493 : vector<16xf32>
              %add3A_496 = arith.addf %add3A_494, %add3A_495 : vector<16xf32>
              %add3A_497 = arith.addf %scan3A_271, %add3A_496 : vector<16xf32>
              %max3A_498 = arith.maximumf %get3A_447, %get3A_453 : vector<16xf32>
              %max3A_499 = arith.maximumf %get3A_459, %get3A_465 : vector<16xf32>
              %max3A_500 = arith.maximumf %get3A_471, %get3A_477 : vector<16xf32>
              %max3A_501 = arith.maximumf %get3A_483, %get3A_489 : vector<16xf32>
              %max3A_502 = arith.maximumf %max3A_498, %max3A_499 : vector<16xf32>
              %max3A_503 = arith.maximumf %max3A_500, %max3A_501 : vector<16xf32>
              %max3A_504 = arith.maximumf %max3A_502, %max3A_503 : vector<16xf32>
              %max3A_505 = arith.maximumf %scan3A_287, %max3A_504 : vector<16xf32>
              %add3A_506 = arith.addi %multiple_of3A_240, %mul3A_302 : i32
              %add3A_507 = arith.constant 0 : i32
              %add3A_508 = arith.addi %add3A_506, %add3A_507 : i32
              %get3A_509 = arith.index_cast %add3A_508 : i32 to index
              %get3A_510 = arith.constant 48 : index
              %get3A_511 = tpu.vector_load %arg7[%get3A_509, %get3A_510] {strides = array<i32>} : memref<160x256xf32, #tpu.memory_space<vmem>>, vector<16xf32>,
              %add3A_512 = arith.addi %multiple_of3A_240, %mul3A_302 : i32
              %add3A_513 = arith.constant 1 : i32
              %add3A_514 = arith.addi %add3A_512, %add3A_513 : i32
              %get3A_515 = arith.index_cast %add3A_514 : i32 to index
              %get3A_516 = arith.constant 48 : index
              %get3A_517 = tpu.vector_load %arg7[%get3A_515, %get3A_516] {strides = array<i32>} : memref<160x256xf32, #tpu.memory_space<vmem>>, vector<16xf32>,
              %add3A_518 = arith.addi %multiple_of3A_240, %mul3A_302 : i32
              %add3A_519 = arith.constant 2 : i32
              %add3A_520 = arith.addi %add3A_518, %add3A_519 : i32
              %get3A_521 = arith.index_cast %add3A_520 : i32 to index
              %get3A_522 = arith.constant 48 : index
              %get3A_523 = tpu.vector_load %arg7[%get3A_521, %get3A_522] {strides = array<i32>} : memref<160x256xf32, #tpu.memory_space<vmem>>, vector<16xf32>,
              %add3A_524 = arith.addi %multiple_of3A_240, %mul3A_302 : i32
              %add3A_525 = arith.constant 3 : i32
              %add3A_526 = arith.addi %add3A_524, %add3A_525 : i32
              %get3A_527 = arith.index_cast %add3A_526 : i32 to index
              %get3A_528 = arith.constant 48 : index
              %get3A_529 = tpu.vector_load %arg7[%get3A_527, %get3A_528] {strides = array<i32>} : memref<160x256xf32, #tpu.memory_space<vmem>>, vector<16xf32>,
              %add3A_530 = arith.addi %multiple_of3A_240, %mul3A_302 : i32
              %add3A_531 = arith.constant 4 : i32
              %add3A_532 = arith.addi %add3A_530, %add3A_531 : i32
              %get3A_533 = arith.index_cast %add3A_532 : i32 to index
              %get3A_534 = arith.constant 48 : index
              %get3A_535 = tpu.vector_load %arg7[%get3A_533, %get3A_534] {strides = array<i32>} : memref<160x256xf32, #tpu.memory_space<vmem>>, vector<16xf32>,
              %add3A_536 = arith.addi %multiple_of3A_240, %mul3A_302 : i32
              %add3A_537 = arith.constant 5 : i32
              %add3A_538 = arith.addi %add3A_536, %add3A_537 : i32
              %get3A_539 = arith.index_cast %add3A_538 : i32 to index
              %get3A_540 = arith.constant 48 : index
              %get3A_541 = tpu.vector_load %arg7[%get3A_539, %get3A_540] {strides = array<i32>} : memref<160x256xf32, #tpu.memory_space<vmem>>, vector<16xf32>,
              %add3A_542 = arith.addi %multiple_of3A_240, %mul3A_302 : i32
              %add3A_543 = arith.constant 6 : i32
              %add3A_544 = arith.addi %add3A_542, %add3A_543 : i32
              %get3A_545 = arith.index_cast %add3A_544 : i32 to index
              %get3A_546 = arith.constant 48 : index
              %get3A_547 = tpu.vector_load %arg7[%get3A_545, %get3A_546] {strides = array<i32>} : memref<160x256xf32, #tpu.memory_space<vmem>>, vector<16xf32>,
              %add3A_548 = arith.addi %multiple_of3A_240, %mul3A_302 : i32
              %add3A_549 = arith.constant 7 : i32
              %add3A_550 = arith.addi %add3A_548, %add3A_549 : i32
              %get3A_551 = arith.index_cast %add3A_550 : i32 to index
              %get3A_552 = arith.constant 48 : index
              %get3A_553 = tpu.vector_load %arg7[%get3A_551, %get3A_552] {strides = array<i32>} : memref<160x256xf32, #tpu.memory_space<vmem>>, vector<16xf32>,
              %add3A_554 = arith.addf %get3A_511, %get3A_517 : vector<16xf32>
              %add3A_555 = arith.addf %get3A_523, %get3A_529 : vector<16xf32>
              %add3A_556 = arith.addf %get3A_535, %get3A_541 : vector<16xf32>
              %add3A_557 = arith.addf %get3A_547, %get3A_553 : vector<16xf32>
              %add3A_558 = arith.addf %add3A_554, %add3A_555 : vector<16xf32>
              %add3A_559 = arith.addf %add3A_556, %add3A_557 : vector<16xf32>
              %add3A_560 = arith.addf %add3A_558, %add3A_559 : vector<16xf32>
              %add3A_561 = arith.addf %scan3A_272, %add3A_560 : vector<16xf32>
              %max3A_562 = arith.maximumf %get3A_511, %get3A_517 : vector<16xf32>
              %max3A_563 = arith.maximumf %get3A_523, %get3A_529 : vector<16xf32>
              %max3A_564 = arith.maximumf %get3A_535, %get3A_541 : vector<16xf32>
              %max3A_565 = arith.maximumf %get3A_547, %get3A_553 : vector<16xf32>
              %max3A_566 = arith.maximumf %max3A_562, %max3A_563 : vector<16xf32>
              %max3A_567 = arith.maximumf %max3A_564, %max3A_565 : vector<16xf32>
              %max3A_568 = arith.maximumf %max3A_566, %max3A_567 : vector<16xf32>
              %max3A_569 = arith.maximumf %scan3A_288, %max3A_568 : vector<16xf32>
              %add3A_570 = arith.addi %multiple_of3A_240, %mul3A_302 : i32
              %add3A_571 = arith.constant 0 : i32
              %add3A_572 = arith.addi %add3A_570, %add3A_571 : i32
              %get3A_573 = arith.index_cast %add3A_572 : i32 to index
              %get3A_574 = arith.constant 64 : index
              %get3A_575 = tpu.vector_load %arg7[%get3A_573, %get3A_574] {strides = array<i32>} : memref<160x256xf32, #tpu.memory_space<vmem>>, vector<16xf32>,
              %add3A_576 = arith.addi %multiple_of3A_240, %mul3A_302 : i32
              %add3A_577 = arith.constant 1 : i32
              %add3A_578 = arith.addi %add3A_576, %add3A_577 : i32
              %get3A_579 = arith.index_cast %add3A_578 : i32 to index
              %get3A_580 = arith.constant 64 : index
              %get3A_581 = tpu.vector_load %arg7[%get3A_579, %get3A_580] {strides = array<i32>} : memref<160x256xf32, #tpu.memory_space<vmem>>, vector<16xf32>,
              %add3A_582 = arith.addi %multiple_of3A_240, %mul3A_302 : i32
              %add3A_583 = arith.constant 2 : i32
              %add3A_584 = arith.addi %add3A_582, %add3A_583 : i32
              %get3A_585 = arith.index_cast %add3A_584 : i32 to index
              %get3A_586 = arith.constant 64 : index
              %get3A_587 = tpu.vector_load %arg7[%get3A_585, %get3A_586] {strides = array<i32>} : memref<160x256xf32, #tpu.memory_space<vmem>>, vector<16xf32>,
              %add3A_588 = arith.addi %multiple_of3A_240, %mul3A_302 : i32
              %add3A_589 = arith.constant 3 : i32
              %add3A_590 = arith.addi %add3A_588, %add3A_589 : i32
              %get3A_591 = arith.index_cast %add3A_590 : i32 to index
              %get3A_592 = arith.constant 64 : index
              %get3A_593 = tpu.vector_load %arg7[%get3A_591, %get3A_592] {strides = array<i32>} : memref<160x256xf32, #tpu.memory_space<vmem>>, vector<16xf32>,
              %add3A_594 = arith.addi %multiple_of3A_240, %mul3A_302 : i32
              %add3A_595 = arith.constant 4 : i32
              %add3A_596 = arith.addi %add3A_594, %add3A_595 : i32
              %get3A_597 = arith.index_cast %add3A_596 : i32 to index
              %get3A_598 = arith.constant 64 : index
              %get3A_599 = tpu.vector_load %arg7[%get3A_597, %get3A_598] {strides = array<i32>} : memref<160x256xf32, #tpu.memory_space<vmem>>, vector<16xf32>,
              %add3A_600 = arith.addi %multiple_of3A_240, %mul3A_302 : i32
              %add3A_601 = arith.constant 5 : i32
              %add3A_602 = arith.addi %add3A_600, %add3A_601 : i32
              %get3A_603 = arith.index_cast %add3A_602 : i32 to index
              %get3A_604 = arith.constant 64 : index
              %get3A_605 = tpu.vector_load %arg7[%get3A_603, %get3A_604] {strides = array<i32>} : memref<160x256xf32, #tpu.memory_space<vmem>>, vector<16xf32>,
              %add3A_606 = arith.addi %multiple_of3A_240, %mul3A_302 : i32
              %add3A_607 = arith.constant 6 : i32
              %add3A_608 = arith.addi %add3A_606, %add3A_607 : i32
              %get3A_609 = arith.index_cast %add3A_608 : i32 to index
              %get3A_610 = arith.constant 64 : index
              %get3A_611 = tpu.vector_load %arg7[%get3A_609, %get3A_610] {strides = array<i32>} : memref<160x256xf32, #tpu.memory_space<vmem>>, vector<16xf32>,
              %add3A_612 = arith.addi %multiple_of3A_240, %mul3A_302 : i32
              %add3A_613 = arith.constant 7 : i32
              %add3A_614 = arith.addi %add3A_612, %add3A_613 : i32
              %get3A_615 = arith.index_cast %add3A_614 : i32 to index
              %get3A_616 = arith.constant 64 : index
              %get3A_617 = tpu.vector_load %arg7[%get3A_615, %get3A_616] {strides = array<i32>} : memref<160x256xf32, #tpu.memory_space<vmem>>, vector<16xf32>,
              %add3A_618 = arith.addf %get3A_575, %get3A_581 : vector<16xf32>
              %add3A_619 = arith.addf %get3A_587, %get3A_593 : vector<16xf32>
              %add3A_620 = arith.addf %get3A_599, %get3A_605 : vector<16xf32>
              %add3A_621 = arith.addf %get3A_611, %get3A_617 : vector<16xf32>
              %add3A_622 = arith.addf %add3A_618, %add3A_619 : vector<16xf32>
              %add3A_623 = arith.addf %add3A_620, %add3A_621 : vector<16xf32>
              %add3A_624 = arith.addf %add3A_622, %add3A_623 : vector<16xf32>
              %add3A_625 = arith.addf %scan3A_273, %add3A_624 : vector<16xf32>
              %max3A_626 = arith.maximumf %get3A_575, %get3A_581 : vector<16xf32>
              %max3A_627 = arith.maximumf %get3A_587, %get3A_593 : vector<16xf32>
              %max3A_628 = arith.maximumf %get3A_599, %get3A_605 : vector<16xf32>
              %max3A_629 = arith.maximumf %get3A_611, %get3A_617 : vector<16xf32>
              %max3A_630 = arith.maximumf %max3A_626, %max3A_627 : vector<16xf32>
              %max3A_631 = arith.maximumf %max3A_628, %max3A_629 : vector<16xf32>
              %max3A_632 = arith.maximumf %max3A_630, %max3A_631 : vector<16xf32>
              %max3A_633 = arith.maximumf %scan3A_289, %max3A_632 : vector<16xf32>
              %add3A_634 = arith.addi %multiple_of3A_240, %mul3A_302 : i32
              %add3A_635 = arith.constant 0 : i32
              %add3A_636 = arith.addi %add3A_634, %add3A_635 : i32
              %get3A_637 = arith.index_cast %add3A_636 : i32 to index
              %get3A_638 = arith.constant 80 : index
              %get3A_639 = tpu.vector_load %arg7[%get3A_637, %get3A_638] {strides = array<i32>} : memref<160x256xf32, #tpu.memory_space<vmem>>, vector<16xf32>,
              %add3A_640 = arith.addi %multiple_of3A_240, %mul3A_302 : i32
              %add3A_641 = arith.constant 1 : i32
              %add3A_642 = arith.addi %add3A_640, %add3A_641 : i32
              %get3A_643 = arith.index_cast %add3A_642 : i32 to index
              %get3A_644 = arith.constant 80 : index
              %get3A_645 = tpu.vector_load %arg7[%get3A_643, %get3A_644] {strides = array<i32>} : memref<160x256xf32, #tpu.memory_space<vmem>>, vector<16xf32>,
              %add3A_646 = arith.addi %multiple_of3A_240, %mul3A_302 : i32
              %add3A_647 = arith.constant 2 : i32
              %add3A_648 = arith.addi %add3A_646, %add3A_647 : i32
              %get3A_649 = arith.index_cast %add3A_648 : i32 to index
              %get3A_650 = arith.constant 80 : index
              %get3A_651 = tpu.vector_load %arg7[%get3A_649, %get3A_650] {strides = array<i32>} : memref<160x256xf32, #tpu.memory_space<vmem>>, vector<16xf32>,
              %add3A_652 = arith.addi %multiple_of3A_240, %mul3A_302 : i32
              %add3A_653 = arith.constant 3 : i32
              %add3A_654 = arith.addi %add3A_652, %add3A_653 : i32
              %get3A_655 = arith.index_cast %add3A_654 : i32 to index
              %get3A_656 = arith.constant 80 : index
              %get3A_657 = tpu.vector_load %arg7[%get3A_655, %get3A_656] {strides = array<i32>} : memref<160x256xf32, #tpu.memory_space<vmem>>, vector<16xf32>,
              %add3A_658 = arith.addi %multiple_of3A_240, %mul3A_302 : i32
              %add3A_659 = arith.constant 4 : i32
              %add3A_660 = arith.addi %add3A_658, %add3A_659 : i32
              %get3A_661 = arith.index_cast %add3A_660 : i32 to index
              %get3A_662 = arith.constant 80 : index
              %get3A_663 = tpu.vector_load %arg7[%get3A_661, %get3A_662] {strides = array<i32>} : memref<160x256xf32, #tpu.memory_space<vmem>>, vector<16xf32>,
              %add3A_664 = arith.addi %multiple_of3A_240, %mul3A_302 : i32
              %add3A_665 = arith.constant 5 : i32
              %add3A_666 = arith.addi %add3A_664, %add3A_665 : i32
              %get3A_667 = arith.index_cast %add3A_666 : i32 to index
              %get3A_668 = arith.constant 80 : index
              %get3A_669 = tpu.vector_load %arg7[%get3A_667, %get3A_668] {strides = array<i32>} : memref<160x256xf32, #tpu.memory_space<vmem>>, vector<16xf32>,
              %add3A_670 = arith.addi %multiple_of3A_240, %mul3A_302 : i32
              %add3A_671 = arith.constant 6 : i32
              %add3A_672 = arith.addi %add3A_670, %add3A_671 : i32
              %get3A_673 = arith.index_cast %add3A_672 : i32 to index
              %get3A_674 = arith.constant 80 : index
              %get3A_675 = tpu.vector_load %arg7[%get3A_673, %get3A_674] {strides = array<i32>} : memref<160x256xf32, #tpu.memory_space<vmem>>, vector<16xf32>,
              %add3A_676 = arith.addi %multiple_of3A_240, %mul3A_302 : i32
              %add3A_677 = arith.constant 7 : i32
              %add3A_678 = arith.addi %add3A_676, %add3A_677 : i32
              %get3A_679 = arith.index_cast %add3A_678 : i32 to index
              %get3A_680 = arith.constant 80 : index
              %get3A_681 = tpu.vector_load %arg7[%get3A_679, %get3A_680] {strides = array<i32>} : memref<160x256xf32, #tpu.memory_space<vmem>>, vector<16xf32>,
              %add3A_682 = arith.addf %get3A_639, %get3A_645 : vector<16xf32>
              %add3A_683 = arith.addf %get3A_651, %get3A_657 : vector<16xf32>
              %add3A_684 = arith.addf %get3A_663, %get3A_669 : vector<16xf32>
              %add3A_685 = arith.addf %get3A_675, %get3A_681 : vector<16xf32>
              %add3A_686 = arith.addf %add3A_682, %add3A_683 : vector<16xf32>
              %add3A_687 = arith.addf %add3A_684, %add3A_685 : vector<16xf32>
              %add3A_688 = arith.addf %add3A_686, %add3A_687 : vector<16xf32>
              %add3A_689 = arith.addf %scan3A_274, %add3A_688 : vector<16xf32>
              %max3A_690 = arith.maximumf %get3A_639, %get3A_645 : vector<16xf32>
              %max3A_691 = arith.maximumf %get3A_651, %get3A_657 : vector<16xf32>
              %max3A_692 = arith.maximumf %get3A_663, %get3A_669 : vector<16xf32>
              %max3A_693 = arith.maximumf %get3A_675, %get3A_681 : vector<16xf32>
              %max3A_694 = arith.maximumf %max3A_690, %max3A_691 : vector<16xf32>
              %max3A_695 = arith.maximumf %max3A_692, %max3A_693 : vector<16xf32>
              %max3A_696 = arith.maximumf %max3A_694, %max3A_695 : vector<16xf32>
              %max3A_697 = arith.maximumf %scan3A_290, %max3A_696 : vector<16xf32>
              %add3A_698 = arith.addi %multiple_of3A_240, %mul3A_302 : i32
              %add3A_699 = arith.constant 0 : i32
              %add3A_700 = arith.addi %add3A_698, %add3A_699 : i32
              %get3A_701 = arith.index_cast %add3A_700 : i32 to index
              %get3A_702 = arith.constant 96 : index
              %get3A_703 = tpu.vector_load %arg7[%get3A_701, %get3A_702] {strides = array<i32>} : memref<160x256xf32, #tpu.memory_space<vmem>>, vector<16xf32>,
              %add3A_704 = arith.addi %multiple_of3A_240, %mul3A_302 : i32
              %add3A_705 = arith.constant 1 : i32
              %add3A_706 = arith.addi %add3A_704, %add3A_705 : i32
              %get3A_707 = arith.index_cast %add3A_706 : i32 to index
              %get3A_708 = arith.constant 96 : index
              %get3A_709 = tpu.vector_load %arg7[%get3A_707, %get3A_708] {strides = array<i32>} : memref<160x256xf32, #tpu.memory_space<vmem>>, vector<16xf32>,
              %add3A_710 = arith.addi %multiple_of3A_240, %mul3A_302 : i32
              %add3A_711 = arith.constant 2 : i32
              %add3A_712 = arith.addi %add3A_710, %add3A_711 : i32
              %get3A_713 = arith.index_cast %add3A_712 : i32 to index
              %get3A_714 = arith.constant 96 : index
              %get3A_715 = tpu.vector_load %arg7[%get3A_713, %get3A_714] {strides = array<i32>} : memref<160x256xf32, #tpu.memory_space<vmem>>, vector<16xf32>,
              %add3A_716 = arith.addi %multiple_of3A_240, %mul3A_302 : i32
              %add3A_717 = arith.constant 3 : i32
              %add3A_718 = arith.addi %add3A_716, %add3A_717 : i32
              %get3A_719 = arith.index_cast %add3A_718 : i32 to index
              %get3A_720 = arith.constant 96 : index
              %get3A_721 = tpu.vector_load %arg7[%get3A_719, %get3A_720] {strides = array<i32>} : memref<160x256xf32, #tpu.memory_space<vmem>>, vector<16xf32>,
              %add3A_722 = arith.addi %multiple_of3A_240, %mul3A_302 : i32
              %add3A_723 = arith.constant 4 : i32
              %add3A_724 = arith.addi %add3A_722, %add3A_723 : i32
              %get3A_725 = arith.index_cast %add3A_724 : i32 to index
              %get3A_726 = arith.constant 96 : index
              %get3A_727 = tpu.vector_load %arg7[%get3A_725, %get3A_726] {strides = array<i32>} : memref<160x256xf32, #tpu.memory_space<vmem>>, vector<16xf32>,
              %add3A_728 = arith.addi %multiple_of3A_240, %mul3A_302 : i32
              %add3A_729 = arith.constant 5 : i32
              %add3A_730 = arith.addi %add3A_728, %add3A_729 : i32
              %get3A_731 = arith.index_cast %add3A_730 : i32 to index
              %get3A_732 = arith.constant 96 : index
              %get3A_733 = tpu.vector_load %arg7[%get3A_731, %get3A_732] {strides = array<i32>} : memref<160x256xf32, #tpu.memory_space<vmem>>, vector<16xf32>,
              %add3A_734 = arith.addi %multiple_of3A_240, %mul3A_302 : i32
              %add3A_735 = arith.constant 6 : i32
              %add3A_736 = arith.addi %add3A_734, %add3A_735 : i32
              %get3A_737 = arith.index_cast %add3A_736 : i32 to index
              %get3A_738 = arith.constant 96 : index
              %get3A_739 = tpu.vector_load %arg7[%get3A_737, %get3A_738] {strides = array<i32>} : memref<160x256xf32, #tpu.memory_space<vmem>>, vector<16xf32>,
              %add3A_740 = arith.addi %multiple_of3A_240, %mul3A_302 : i32
              %add3A_741 = arith.constant 7 : i32
              %add3A_742 = arith.addi %add3A_740, %add3A_741 : i32
              %get3A_743 = arith.index_cast %add3A_742 : i32 to index
              %get3A_744 = arith.constant 96 : index
              %get3A_745 = tpu.vector_load %arg7[%get3A_743, %get3A_744] {strides = array<i32>} : memref<160x256xf32, #tpu.memory_space<vmem>>, vector<16xf32>,
              %add3A_746 = arith.addf %get3A_703, %get3A_709 : vector<16xf32>
              %add3A_747 = arith.addf %get3A_715, %get3A_721 : vector<16xf32>
              %add3A_748 = arith.addf %get3A_727, %get3A_733 : vector<16xf32>
              %add3A_749 = arith.addf %get3A_739, %get3A_745 : vector<16xf32>
              %add3A_750 = arith.addf %add3A_746, %add3A_747 : vector<16xf32>
              %add3A_751 = arith.addf %add3A_748, %add3A_749 : vector<16xf32>
              %add3A_752 = arith.addf %add3A_750, %add3A_751 : vector<16xf32>
              %add3A_753 = arith.addf %scan3A_275, %add3A_752 : vector<16xf32>
              %max3A_754 = arith.maximumf %get3A_703, %get3A_709 : vector<16xf32>
              %max3A_755 = arith.maximumf %get3A_715, %get3A_721 : vector<16xf32>
              %max3A_756 = arith.maximumf %get3A_727, %get3A_733 : vector<16xf32>
              %max3A_757 = arith.maximumf %get3A_739, %get3A_745 : vector<16xf32>
              %max3A_758 = arith.maximumf %max3A_754, %max3A_755 : vector<16xf32>
              %max3A_759 = arith.maximumf %max3A_756, %max3A_757 : vector<16xf32>
              %max3A_760 = arith.maximumf %max3A_758, %max3A_759 : vector<16xf32>
              %max3A_761 = arith.maximumf %scan3A_291, %max3A_760 : vector<16xf32>
              %add3A_762 = arith.addi %multiple_of3A_240, %mul3A_302 : i32
              %add3A_763 = arith.constant 0 : i32
              %add3A_764 = arith.addi %add3A_762, %add3A_763 : i32
              %get3A_765 = arith.index_cast %add3A_764 : i32 to index
              %get3A_766 = arith.constant 112 : index
              %get3A_767 = tpu.vector_load %arg7[%get3A_765, %get3A_766] {strides = array<i32>} : memref<160x256xf32, #tpu.memory_space<vmem>>, vector<16xf32>,
              %add3A_768 = arith.addi %multiple_of3A_240, %mul3A_302 : i32
              %add3A_769 = arith.constant 1 : i32
              %add3A_770 = arith.addi %add3A_768, %add3A_769 : i32
              %get3A_771 = arith.index_cast %add3A_770 : i32 to index
              %get3A_772 = arith.constant 112 : index
              %get3A_773 = tpu.vector_load %arg7[%get3A_771, %get3A_772] {strides = array<i32>} : memref<160x256xf32, #tpu.memory_space<vmem>>, vector<16xf32>,
              %add3A_774 = arith.addi %multiple_of3A_240, %mul3A_302 : i32
              %add3A_775 = arith.constant 2 : i32
              %add3A_776 = arith.addi %add3A_774, %add3A_775 : i32
              %get3A_777 = arith.index_cast %add3A_776 : i32 to index
              %get3A_778 = arith.constant 112 : index
              %get3A_779 = tpu.vector_load %arg7[%get3A_777, %get3A_778] {strides = array<i32>} : memref<160x256xf32, #tpu.memory_space<vmem>>, vector<16xf32>,
              %add3A_780 = arith.addi %multiple_of3A_240, %mul3A_302 : i32
              %add3A_781 = arith.constant 3 : i32
              %add3A_782 = arith.addi %add3A_780, %add3A_781 : i32
              %get3A_783 = arith.index_cast %add3A_782 : i32 to index
              %get3A_784 = arith.constant 112 : index
              %get3A_785 = tpu.vector_load %arg7[%get3A_783, %get3A_784] {strides = array<i32>} : memref<160x256xf32, #tpu.memory_space<vmem>>, vector<16xf32>,
              %add3A_786 = arith.addi %multiple_of3A_240, %mul3A_302 : i32
              %add3A_787 = arith.constant 4 : i32
              %add3A_788 = arith.addi %add3A_786, %add3A_787 : i32
              %get3A_789 = arith.index_cast %add3A_788 : i32 to index
              %get3A_790 = arith.constant 112 : index
              %get3A_791 = tpu.vector_load %arg7[%get3A_789, %get3A_790] {strides = array<i32>} : memref<160x256xf32, #tpu.memory_space<vmem>>, vector<16xf32>,
              %add3A_792 = arith.addi %multiple_of3A_240, %mul3A_302 : i32
              %add3A_793 = arith.constant 5 : i32
              %add3A_794 = arith.addi %add3A_792, %add3A_793 : i32
              %get3A_795 = arith.index_cast %add3A_794 : i32 to index
              %get3A_796 = arith.constant 112 : index
              %get3A_797 = tpu.vector_load %arg7[%get3A_795, %get3A_796] {strides = array<i32>} : memref<160x256xf32, #tpu.memory_space<vmem>>, vector<16xf32>,
              %add3A_798 = arith.addi %multiple_of3A_240, %mul3A_302 : i32
              %add3A_799 = arith.constant 6 : i32
              %add3A_800 = arith.addi %add3A_798, %add3A_799 : i32
              %get3A_801 = arith.index_cast %add3A_800 : i32 to index
              %get3A_802 = arith.constant 112 : index
              %get3A_803 = tpu.vector_load %arg7[%get3A_801, %get3A_802] {strides = array<i32>} : memref<160x256xf32, #tpu.memory_space<vmem>>, vector<16xf32>,
              %add3A_804 = arith.addi %multiple_of3A_240, %mul3A_302 : i32
              %add3A_805 = arith.constant 7 : i32
              %add3A_806 = arith.addi %add3A_804, %add3A_805 : i32
              %get3A_807 = arith.index_cast %add3A_806 : i32 to index
              %get3A_808 = arith.constant 112 : index
              %get3A_809 = tpu.vector_load %arg7[%get3A_807, %get3A_808] {strides = array<i32>} : memref<160x256xf32, #tpu.memory_space<vmem>>, vector<16xf32>,
              %add3A_810 = arith.addf %get3A_767, %get3A_773 : vector<16xf32>
              %add3A_811 = arith.addf %get3A_779, %get3A_785 : vector<16xf32>
              %add3A_812 = arith.addf %get3A_791, %get3A_797 : vector<16xf32>
              %add3A_813 = arith.addf %get3A_803, %get3A_809 : vector<16xf32>
              %add3A_814 = arith.addf %add3A_810, %add3A_811 : vector<16xf32>
              %add3A_815 = arith.addf %add3A_812, %add3A_813 : vector<16xf32>
              %add3A_816 = arith.addf %add3A_814, %add3A_815 : vector<16xf32>
              %add3A_817 = arith.addf %scan3A_276, %add3A_816 : vector<16xf32>
              %max3A_818 = arith.maximumf %get3A_767, %get3A_773 : vector<16xf32>
              %max3A_819 = arith.maximumf %get3A_779, %get3A_785 : vector<16xf32>
              %max3A_820 = arith.maximumf %get3A_791, %get3A_797 : vector<16xf32>
              %max3A_821 = arith.maximumf %get3A_803, %get3A_809 : vector<16xf32>
              %max3A_822 = arith.maximumf %max3A_818, %max3A_819 : vector<16xf32>
              %max3A_823 = arith.maximumf %max3A_820, %max3A_821 : vector<16xf32>
              %max3A_824 = arith.maximumf %max3A_822, %max3A_823 : vector<16xf32>
              %max3A_825 = arith.maximumf %scan3A_292, %max3A_824 : vector<16xf32>
              %add3A_826 = arith.addi %multiple_of3A_240, %mul3A_302 : i32
              %add3A_827 = arith.constant 0 : i32
              %add3A_828 = arith.addi %add3A_826, %add3A_827 : i32
              %get3A_829 = arith.index_cast %add3A_828 : i32 to index
              %get3A_830 = arith.constant 128 : index
              %get3A_831 = tpu.vector_load %arg7[%get3A_829, %get3A_830] {strides = array<i32>} : memref<160x256xf32, #tpu.memory_space<vmem>>, vector<16xf32>,
              %add3A_832 = arith.addi %multiple_of3A_240, %mul3A_302 : i32
              %add3A_833 = arith.constant 1 : i32
              %add3A_834 = arith.addi %add3A_832, %add3A_833 : i32
              %get3A_835 = arith.index_cast %add3A_834 : i32 to index
              %get3A_836 = arith.constant 128 : index
              %get3A_837 = tpu.vector_load %arg7[%get3A_835, %get3A_836] {strides = array<i32>} : memref<160x256xf32, #tpu.memory_space<vmem>>, vector<16xf32>,
              %add3A_838 = arith.addi %multiple_of3A_240, %mul3A_302 : i32
              %add3A_839 = arith.constant 2 : i32
              %add3A_840 = arith.addi %add3A_838, %add3A_839 : i32
              %get3A_841 = arith.index_cast %add3A_840 : i32 to index
              %get3A_842 = arith.constant 128 : index
              %get3A_843 = tpu.vector_load %arg7[%get3A_841, %get3A_842] {strides = array<i32>} : memref<160x256xf32, #tpu.memory_space<vmem>>, vector<16xf32>,
              %add3A_844 = arith.addi %multiple_of3A_240, %mul3A_302 : i32
              %add3A_845 = arith.constant 3 : i32
              %add3A_846 = arith.addi %add3A_844, %add3A_845 : i32
              %get3A_847 = arith.index_cast %add3A_846 : i32 to index
              %get3A_848 = arith.constant 128 : index
              %get3A_849 = tpu.vector_load %arg7[%get3A_847, %get3A_848] {strides = array<i32>} : memref<160x256xf32, #tpu.memory_space<vmem>>, vector<16xf32>,
              %add3A_850 = arith.addi %multiple_of3A_240, %mul3A_302 : i32
              %add3A_851 = arith.constant 4 : i32
              %add3A_852 = arith.addi %add3A_850, %add3A_851 : i32
              %get3A_853 = arith.index_cast %add3A_852 : i32 to index
              %get3A_854 = arith.constant 128 : index
              %get3A_855 = tpu.vector_load %arg7[%get3A_853, %get3A_854] {strides = array<i32>} : memref<160x256xf32, #tpu.memory_space<vmem>>, vector<16xf32>,
              %add3A_856 = arith.addi %multiple_of3A_240, %mul3A_302 : i32
              %add3A_857 = arith.constant 5 : i32
              %add3A_858 = arith.addi %add3A_856, %add3A_857 : i32
              %get3A_859 = arith.index_cast %add3A_858 : i32 to index
              %get3A_860 = arith.constant 128 : index
              %get3A_861 = tpu.vector_load %arg7[%get3A_859, %get3A_860] {strides = array<i32>} : memref<160x256xf32, #tpu.memory_space<vmem>>, vector<16xf32>,
              %add3A_862 = arith.addi %multiple_of3A_240, %mul3A_302 : i32
              %add3A_863 = arith.constant 6 : i32
              %add3A_864 = arith.addi %add3A_862, %add3A_863 : i32
              %get3A_865 = arith.index_cast %add3A_864 : i32 to index
              %get3A_866 = arith.constant 128 : index
              %get3A_867 = tpu.vector_load %arg7[%get3A_865, %get3A_866] {strides = array<i32>} : memref<160x256xf32, #tpu.memory_space<vmem>>, vector<16xf32>,
              %add3A_868 = arith.addi %multiple_of3A_240, %mul3A_302 : i32
              %add3A_869 = arith.constant 7 : i32
              %add3A_870 = arith.addi %add3A_868, %add3A_869 : i32
              %get3A_871 = arith.index_cast %add3A_870 : i32 to index
              %get3A_872 = arith.constant 128 : index
              %get3A_873 = tpu.vector_load %arg7[%get3A_871, %get3A_872] {strides = array<i32>} : memref<160x256xf32, #tpu.memory_space<vmem>>, vector<16xf32>,
              %add3A_874 = arith.addf %get3A_831, %get3A_837 : vector<16xf32>
              %add3A_875 = arith.addf %get3A_843, %get3A_849 : vector<16xf32>
              %add3A_876 = arith.addf %get3A_855, %get3A_861 : vector<16xf32>
              %add3A_877 = arith.addf %get3A_867, %get3A_873 : vector<16xf32>
              %add3A_878 = arith.addf %add3A_874, %add3A_875 : vector<16xf32>
              %add3A_879 = arith.addf %add3A_876, %add3A_877 : vector<16xf32>
              %add3A_880 = arith.addf %add3A_878, %add3A_879 : vector<16xf32>
              %add3A_881 = arith.addf %scan3A_277, %add3A_880 : vector<16xf32>
              %max3A_882 = arith.maximumf %get3A_831, %get3A_837 : vector<16xf32>
              %max3A_883 = arith.maximumf %get3A_843, %get3A_849 : vector<16xf32>
              %max3A_884 = arith.maximumf %get3A_855, %get3A_861 : vector<16xf32>
              %max3A_885 = arith.maximumf %get3A_867, %get3A_873 : vector<16xf32>
              %max3A_886 = arith.maximumf %max3A_882, %max3A_883 : vector<16xf32>
              %max3A_887 = arith.maximumf %max3A_884, %max3A_885 : vector<16xf32>
              %max3A_888 = arith.maximumf %max3A_886, %max3A_887 : vector<16xf32>
              %max3A_889 = arith.maximumf %scan3A_293, %max3A_888 : vector<16xf32>
              %add3A_890 = arith.addi %multiple_of3A_240, %mul3A_302 : i32
              %add3A_891 = arith.constant 0 : i32
              %add3A_892 = arith.addi %add3A_890, %add3A_891 : i32
              %get3A_893 = arith.index_cast %add3A_892 : i32 to index
              %get3A_894 = arith.constant 144 : index
              %get3A_895 = tpu.vector_load %arg7[%get3A_893, %get3A_894] {strides = array<i32>} : memref<160x256xf32, #tpu.memory_space<vmem>>, vector<16xf32>,
              %add3A_896 = arith.addi %multiple_of3A_240, %mul3A_302 : i32
              %add3A_897 = arith.constant 1 : i32
              %add3A_898 = arith.addi %add3A_896, %add3A_897 : i32
              %get3A_899 = arith.index_cast %add3A_898 : i32 to index
              %get3A_900 = arith.constant 144 : index
              %get3A_901 = tpu.vector_load %arg7[%get3A_899, %get3A_900] {strides = array<i32>} : memref<160x256xf32, #tpu.memory_space<vmem>>, vector<16xf32>,
              %add3A_902 = arith.addi %multiple_of3A_240, %mul3A_302 : i32
              %add3A_903 = arith.constant 2 : i32
              %add3A_904 = arith.addi %add3A_902, %add3A_903 : i32
              %get3A_905 = arith.index_cast %add3A_904 : i32 to index
              %get3A_906 = arith.constant 144 : index
              %get3A_907 = tpu.vector_load %arg7[%get3A_905, %get3A_906] {strides = array<i32>} : memref<160x256xf32, #tpu.memory_space<vmem>>, vector<16xf32>,
              %add3A_908 = arith.addi %multiple_of3A_240, %mul3A_302 : i32
              %add3A_909 = arith.constant 3 : i32
              %add3A_910 = arith.addi %add3A_908, %add3A_909 : i32
              %get3A_911 = arith.index_cast %add3A_910 : i32 to index
              %get3A_912 = arith.constant 144 : index
              %get3A_913 = tpu.vector_load %arg7[%get3A_911, %get3A_912] {strides = array<i32>} : memref<160x256xf32, #tpu.memory_space<vmem>>, vector<16xf32>,
              %add3A_914 = arith.addi %multiple_of3A_240, %mul3A_302 : i32
              %add3A_915 = arith.constant 4 : i32
              %add3A_916 = arith.addi %add3A_914, %add3A_915 : i32
              %get3A_917 = arith.index_cast %add3A_916 : i32 to index
              %get3A_918 = arith.constant 144 : index
              %get3A_919 = tpu.vector_load %arg7[%get3A_917, %get3A_918] {strides = array<i32>} : memref<160x256xf32, #tpu.memory_space<vmem>>, vector<16xf32>,
              %add3A_920 = arith.addi %multiple_of3A_240, %mul3A_302 : i32
              %add3A_921 = arith.constant 5 : i32
              %add3A_922 = arith.addi %add3A_920, %add3A_921 : i32
              %get3A_923 = arith.index_cast %add3A_922 : i32 to index
              %get3A_924 = arith.constant 144 : index
              %get3A_925 = tpu.vector_load %arg7[%get3A_923, %get3A_924] {strides = array<i32>} : memref<160x256xf32, #tpu.memory_space<vmem>>, vector<16xf32>,
              %add3A_926 = arith.addi %multiple_of3A_240, %mul3A_302 : i32
              %add3A_927 = arith.constant 6 : i32
              %add3A_928 = arith.addi %add3A_926, %add3A_927 : i32
              %get3A_929 = arith.index_cast %add3A_928 : i32 to index
              %get3A_930 = arith.constant 144 : index
              %get3A_931 = tpu.vector_load %arg7[%get3A_929, %get3A_930] {strides = array<i32>} : memref<160x256xf32, #tpu.memory_space<vmem>>, vector<16xf32>,
              %add3A_932 = arith.addi %multiple_of3A_240, %mul3A_302 : i32
              %add3A_933 = arith.constant 7 : i32
              %add3A_934 = arith.addi %add3A_932, %add3A_933 : i32
              %get3A_935 = arith.index_cast %add3A_934 : i32 to index
              %get3A_936 = arith.constant 144 : index
              %get3A_937 = tpu.vector_load %arg7[%get3A_935, %get3A_936] {strides = array<i32>} : memref<160x256xf32, #tpu.memory_space<vmem>>, vector<16xf32>,
              %add3A_938 = arith.addf %get3A_895, %get3A_901 : vector<16xf32>
              %add3A_939 = arith.addf %get3A_907, %get3A_913 : vector<16xf32>
              %add3A_940 = arith.addf %get3A_919, %get3A_925 : vector<16xf32>
              %add3A_941 = arith.addf %get3A_931, %get3A_937 : vector<16xf32>
              %add3A_942 = arith.addf %add3A_938, %add3A_939 : vector<16xf32>
              %add3A_943 = arith.addf %add3A_940, %add3A_941 : vector<16xf32>
              %add3A_944 = arith.addf %add3A_942, %add3A_943 : vector<16xf32>
              %add3A_945 = arith.addf %scan3A_278, %add3A_944 : vector<16xf32>
              %max3A_946 = arith.maximumf %get3A_895, %get3A_901 : vector<16xf32>
              %max3A_947 = arith.maximumf %get3A_907, %get3A_913 : vector<16xf32>
              %max3A_948 = arith.maximumf %get3A_919, %get3A_925 : vector<16xf32>
              %max3A_949 = arith.maximumf %get3A_931, %get3A_937 : vector<16xf32>
              %max3A_950 = arith.maximumf %max3A_946, %max3A_947 : vector<16xf32>
              %max3A_951 = arith.maximumf %max3A_948, %max3A_949 : vector<16xf32>
              %max3A_952 = arith.maximumf %max3A_950, %max3A_951 : vector<16xf32>
              %max3A_953 = arith.maximumf %scan3A_294, %max3A_952 : vector<16xf32>
              %add3A_954 = arith.addi %multiple_of3A_240, %mul3A_302 : i32
              %add3A_955 = arith.constant 0 : i32
              %add3A_956 = arith.addi %add3A_954, %add3A_955 : i32
              %get3A_957 = arith.index_cast %add3A_956 : i32 to index
              %get3A_958 = arith.constant 160 : index
              %get3A_959 = tpu.vector_load %arg7[%get3A_957, %get3A_958] {strides = array<i32>} : memref<160x256xf32, #tpu.memory_space<vmem>>, vector<16xf32>,
              %add3A_960 = arith.addi %multiple_of3A_240, %mul3A_302 : i32
              %add3A_961 = arith.constant 1 : i32
              %add3A_962 = arith.addi %add3A_960, %add3A_961 : i32
              %get3A_963 = arith.index_cast %add3A_962 : i32 to index
              %get3A_964 = arith.constant 160 : index
              %get3A_965 = tpu.vector_load %arg7[%get3A_963, %get3A_964] {strides = array<i32>} : memref<160x256xf32, #tpu.memory_space<vmem>>, vector<16xf32>,
              %add3A_966 = arith.addi %multiple_of3A_240, %mul3A_302 : i32
              %add3A_967 = arith.constant 2 : i32
              %add3A_968 = arith.addi %add3A_966, %add3A_967 : i32
              %get3A_969 = arith.index_cast %add3A_968 : i32 to index
              %get3A_970 = arith.constant 160 : index
              %get3A_971 = tpu.vector_load %arg7[%get3A_969, %get3A_970] {strides = array<i32>} : memref<160x256xf32, #tpu.memory_space<vmem>>, vector<16xf32>,
              %add3A_972 = arith.addi %multiple_of3A_240, %mul3A_302 : i32
              %add3A_973 = arith.constant 3 : i32
              %add3A_974 = arith.addi %add3A_972, %add3A_973 : i32
              %get3A_975 = arith.index_cast %add3A_974 : i32 to index
              %get3A_976 = arith.constant 160 : index
              %get3A_977 = tpu.vector_load %arg7[%get3A_975, %get3A_976] {strides = array<i32>} : memref<160x256xf32, #tpu.memory_space<vmem>>, vector<16xf32>,
              %add3A_978 = arith.addi %multiple_of3A_240, %mul3A_302 : i32
              %add3A_979 = arith.constant 4 : i32
              %add3A_980 = arith.addi %add3A_978, %add3A_979 : i32
              %get3A_981 = arith.index_cast %add3A_980 : i32 to index
              %get3A_982 = arith.constant 160 : index
              %get3A_983 = tpu.vector_load %arg7[%get3A_981, %get3A_982] {strides = array<i32>} : memref<160x256xf32, #tpu.memory_space<vmem>>, vector<16xf32>,
              %add3A_984 = arith.addi %multiple_of3A_240, %mul3A_302 : i32
              %add3A_985 = arith.constant 5 : i32
              %add3A_986 = arith.addi %add3A_984, %add3A_985 : i32
              %get3A_987 = arith.index_cast %add3A_986 : i32 to index
              %get3A_988 = arith.constant 160 : index
              %get3A_989 = tpu.vector_load %arg7[%get3A_987, %get3A_988] {strides = array<i32>} : memref<160x256xf32, #tpu.memory_space<vmem>>, vector<16xf32>,
              %add3A_990 = arith.addi %multiple_of3A_240, %mul3A_302 : i32
              %add3A_991 = arith.constant 6 : i32
              %add3A_992 = arith.addi %add3A_990, %add3A_991 : i32
              %get3A_993 = arith.index_cast %add3A_992 : i32 to index
              %get3A_994 = arith.constant 160 : index
              %get3A_995 = tpu.vector_load %arg7[%get3A_993, %get3A_994] {strides = array<i32>} : memref<160x256xf32, #tpu.memory_space<vmem>>, vector<16xf32>,
              %add3A_996 = arith.addi %multiple_of3A_240, %mul3A_302 : i32
              %add3A_997 = arith.constant 7 : i32
              %add3A_998 = arith.addi %add3A_996, %add3A_997 : i32
              %get3A_999 = arith.index_cast %add3A_998 : i32 to index
              %get3A_1000 = arith.constant 160 : index
              %get3A_1001 = tpu.vector_load %arg7[%get3A_999, %get3A_1000] {strides = array<i32>} : memref<160x256xf32, #tpu.memory_space<vmem>>, vector<16xf32>,
              %add3A_1002 = arith.addf %get3A_959, %get3A_965 : vector<16xf32>
              %add3A_1003 = arith.addf %get3A_971, %get3A_977 : vector<16xf32>
              %add3A_1004 = arith.addf %get3A_983, %get3A_989 : vector<16xf32>
              %add3A_1005 = arith.addf %get3A_995, %get3A_1001 : vector<16xf32>
              %add3A_1006 = arith.addf %add3A_1002, %add3A_1003 : vector<16xf32>
              %add3A_1007 = arith.addf %add3A_1004, %add3A_1005 : vector<16xf32>
              %add3A_1008 = arith.addf %add3A_1006, %add3A_1007 : vector<16xf32>
              %add3A_1009 = arith.addf %scan3A_279, %add3A_1008 : vector<16xf32>
              %max3A_1010 = arith.maximumf %get3A_959, %get3A_965 : vector<16xf32>
              %max3A_1011 = arith.maximumf %get3A_971, %get3A_977 : vector<16xf32>
              %max3A_1012 = arith.maximumf %get3A_983, %get3A_989 : vector<16xf32>
              %max3A_1013 = arith.maximumf %get3A_995, %get3A_1001 : vector<16xf32>
              %max3A_1014 = arith.maximumf %max3A_1010, %max3A_1011 : vector<16xf32>
              %max3A_1015 = arith.maximumf %max3A_1012, %max3A_1013 : vector<16xf32>
              %max3A_1016 = arith.maximumf %max3A_1014, %max3A_1015 : vector<16xf32>
              %max3A_1017 = arith.maximumf %scan3A_295, %max3A_1016 : vector<16xf32>
              %add3A_1018 = arith.addi %multiple_of3A_240, %mul3A_302 : i32
              %add3A_1019 = arith.constant 0 : i32
              %add3A_1020 = arith.addi %add3A_1018, %add3A_1019 : i32
              %get3A_1021 = arith.index_cast %add3A_1020 : i32 to index
              %get3A_1022 = arith.constant 176 : index
              %get3A_1023 = tpu.vector_load %arg7[%get3A_1021, %get3A_1022] {strides = array<i32>} : memref<160x256xf32, #tpu.memory_space<vmem>>, vector<16xf32>,
              %add3A_1024 = arith.addi %multiple_of3A_240, %mul3A_302 : i32
              %add3A_1025 = arith.constant 1 : i32
              %add3A_1026 = arith.addi %add3A_1024, %add3A_1025 : i32
              %get3A_1027 = arith.index_cast %add3A_1026 : i32 to index
              %get3A_1028 = arith.constant 176 : index
              %get3A_1029 = tpu.vector_load %arg7[%get3A_1027, %get3A_1028] {strides = array<i32>} : memref<160x256xf32, #tpu.memory_space<vmem>>, vector<16xf32>,
              %add3A_1030 = arith.addi %multiple_of3A_240, %mul3A_302 : i32
              %add3A_1031 = arith.constant 2 : i32
              %add3A_1032 = arith.addi %add3A_1030, %add3A_1031 : i32
              %get3A_1033 = arith.index_cast %add3A_1032 : i32 to index
              %get3A_1034 = arith.constant 176 : index
              %get3A_1035 = tpu.vector_load %arg7[%get3A_1033, %get3A_1034] {strides = array<i32>} : memref<160x256xf32, #tpu.memory_space<vmem>>, vector<16xf32>,
              %add3A_1036 = arith.addi %multiple_of3A_240, %mul3A_302 : i32
              %add3A_1037 = arith.constant 3 : i32
              %add3A_1038 = arith.addi %add3A_1036, %add3A_1037 : i32
              %get3A_1039 = arith.index_cast %add3A_1038 : i32 to index
              %get3A_1040 = arith.constant 176 : index
              %get3A_1041 = tpu.vector_load %arg7[%get3A_1039, %get3A_1040] {strides = array<i32>} : memref<160x256xf32, #tpu.memory_space<vmem>>, vector<16xf32>,
              %add3A_1042 = arith.addi %multiple_of3A_240, %mul3A_302 : i32
              %add3A_1043 = arith.constant 4 : i32
              %add3A_1044 = arith.addi %add3A_1042, %add3A_1043 : i32
              %get3A_1045 = arith.index_cast %add3A_1044 : i32 to index
              %get3A_1046 = arith.constant 176 : index
              %get3A_1047 = tpu.vector_load %arg7[%get3A_1045, %get3A_1046] {strides = array<i32>} : memref<160x256xf32, #tpu.memory_space<vmem>>, vector<16xf32>,
              %add3A_1048 = arith.addi %multiple_of3A_240, %mul3A_302 : i32
              %add3A_1049 = arith.constant 5 : i32
              %add3A_1050 = arith.addi %add3A_1048, %add3A_1049 : i32
              %get3A_1051 = arith.index_cast %add3A_1050 : i32 to index
              %get3A_1052 = arith.constant 176 : index
              %get3A_1053 = tpu.vector_load %arg7[%get3A_1051, %get3A_1052] {strides = array<i32>} : memref<160x256xf32, #tpu.memory_space<vmem>>, vector<16xf32>,
              %add3A_1054 = arith.addi %multiple_of3A_240, %mul3A_302 : i32
              %add3A_1055 = arith.constant 6 : i32
              %add3A_1056 = arith.addi %add3A_1054, %add3A_1055 : i32
              %get3A_1057 = arith.index_cast %add3A_1056 : i32 to index
              %get3A_1058 = arith.constant 176 : index
              %get3A_1059 = tpu.vector_load %arg7[%get3A_1057, %get3A_1058] {strides = array<i32>} : memref<160x256xf32, #tpu.memory_space<vmem>>, vector<16xf32>,
              %add3A_1060 = arith.addi %multiple_of3A_240, %mul3A_302 : i32
              %add3A_1061 = arith.constant 7 : i32
              %add3A_1062 = arith.addi %add3A_1060, %add3A_1061 : i32
              %get3A_1063 = arith.index_cast %add3A_1062 : i32 to index
              %get3A_1064 = arith.constant 176 : index
              %get3A_1065 = tpu.vector_load %arg7[%get3A_1063, %get3A_1064] {strides = array<i32>} : memref<160x256xf32, #tpu.memory_space<vmem>>, vector<16xf32>,
              %add3A_1066 = arith.addf %get3A_1023, %get3A_1029 : vector<16xf32>
              %add3A_1067 = arith.addf %get3A_1035, %get3A_1041 : vector<16xf32>
              %add3A_1068 = arith.addf %get3A_1047, %get3A_1053 : vector<16xf32>
              %add3A_1069 = arith.addf %get3A_1059, %get3A_1065 : vector<16xf32>
              %add3A_1070 = arith.addf %add3A_1066, %add3A_1067 : vector<16xf32>
              %add3A_1071 = arith.addf %add3A_1068, %add3A_1069 : vector<16xf32>
              %add3A_1072 = arith.addf %add3A_1070, %add3A_1071 : vector<16xf32>
              %add3A_1073 = arith.addf %scan3A_280, %add3A_1072 : vector<16xf32>
              %max3A_1074 = arith.maximumf %get3A_1023, %get3A_1029 : vector<16xf32>
              %max3A_1075 = arith.maximumf %get3A_1035, %get3A_1041 : vector<16xf32>
              %max3A_1076 = arith.maximumf %get3A_1047, %get3A_1053 : vector<16xf32>
              %max3A_1077 = arith.maximumf %get3A_1059, %get3A_1065 : vector<16xf32>
              %max3A_1078 = arith.maximumf %max3A_1074, %max3A_1075 : vector<16xf32>
              %max3A_1079 = arith.maximumf %max3A_1076, %max3A_1077 : vector<16xf32>
              %max3A_1080 = arith.maximumf %max3A_1078, %max3A_1079 : vector<16xf32>
              %max3A_1081 = arith.maximumf %scan3A_296, %max3A_1080 : vector<16xf32>
              %add3A_1082 = arith.addi %multiple_of3A_240, %mul3A_302 : i32
              %add3A_1083 = arith.constant 0 : i32
              %add3A_1084 = arith.addi %add3A_1082, %add3A_1083 : i32
              %get3A_1085 = arith.index_cast %add3A_1084 : i32 to index
              %get3A_1086 = arith.constant 192 : index
              %get3A_1087 = tpu.vector_load %arg7[%get3A_1085, %get3A_1086] {strides = array<i32>} : memref<160x256xf32, #tpu.memory_space<vmem>>, vector<16xf32>,
              %add3A_1088 = arith.addi %multiple_of3A_240, %mul3A_302 : i32
              %add3A_1089 = arith.constant 1 : i32
              %add3A_1090 = arith.addi %add3A_1088, %add3A_1089 : i32
              %get3A_1091 = arith.index_cast %add3A_1090 : i32 to index
              %get3A_1092 = arith.constant 192 : index
              %get3A_1093 = tpu.vector_load %arg7[%get3A_1091, %get3A_1092] {strides = array<i32>} : memref<160x256xf32, #tpu.memory_space<vmem>>, vector<16xf32>,
              %add3A_1094 = arith.addi %multiple_of3A_240, %mul3A_302 : i32
              %add3A_1095 = arith.constant 2 : i32
              %add3A_1096 = arith.addi %add3A_1094, %add3A_1095 : i32
              %get3A_1097 = arith.index_cast %add3A_1096 : i32 to index
              %get3A_1098 = arith.constant 192 : index
              %get3A_1099 = tpu.vector_load %arg7[%get3A_1097, %get3A_1098] {strides = array<i32>} : memref<160x256xf32, #tpu.memory_space<vmem>>, vector<16xf32>,
              %add3A_1100 = arith.addi %multiple_of3A_240, %mul3A_302 : i32
              %add3A_1101 = arith.constant 3 : i32
              %add3A_1102 = arith.addi %add3A_1100, %add3A_1101 : i32
              %get3A_1103 = arith.index_cast %add3A_1102 : i32 to index
              %get3A_1104 = arith.constant 192 : index
              %get3A_1105 = tpu.vector_load %arg7[%get3A_1103, %get3A_1104] {strides = array<i32>} : memref<160x256xf32, #tpu.memory_space<vmem>>, vector<16xf32>,
              %add3A_1106 = arith.addi %multiple_of3A_240, %mul3A_302 : i32
              %add3A_1107 = arith.constant 4 : i32
              %add3A_1108 = arith.addi %add3A_1106, %add3A_1107 : i32
              %get3A_1109 = arith.index_cast %add3A_1108 : i32 to index
              %get3A_1110 = arith.constant 192 : index
              %get3A_1111 = tpu.vector_load %arg7[%get3A_1109, %get3A_1110] {strides = array<i32>} : memref<160x256xf32, #tpu.memory_space<vmem>>, vector<16xf32>,
              %add3A_1112 = arith.addi %multiple_of3A_240, %mul3A_302 : i32
              %add3A_1113 = arith.constant 5 : i32
              %add3A_1114 = arith.addi %add3A_1112, %add3A_1113 : i32
              %get3A_1115 = arith.index_cast %add3A_1114 : i32 to index
              %get3A_1116 = arith.constant 192 : index
              %get3A_1117 = tpu.vector_load %arg7[%get3A_1115, %get3A_1116] {strides = array<i32>} : memref<160x256xf32, #tpu.memory_space<vmem>>, vector<16xf32>,
              %add3A_1118 = arith.addi %multiple_of3A_240, %mul3A_302 : i32
              %add3A_1119 = arith.constant 6 : i32
              %add3A_1120 = arith.addi %add3A_1118, %add3A_1119 : i32
              %get3A_1121 = arith.index_cast %add3A_1120 : i32 to index
              %get3A_1122 = arith.constant 192 : index
              %get3A_1123 = tpu.vector_load %arg7[%get3A_1121, %get3A_1122] {strides = array<i32>} : memref<160x256xf32, #tpu.memory_space<vmem>>, vector<16xf32>,
              %add3A_1124 = arith.addi %multiple_of3A_240, %mul3A_302 : i32
              %add3A_1125 = arith.constant 7 : i32
              %add3A_1126 = arith.addi %add3A_1124, %add3A_1125 : i32
              %get3A_1127 = arith.index_cast %add3A_1126 : i32 to index
              %get3A_1128 = arith.constant 192 : index
              %get3A_1129 = tpu.vector_load %arg7[%get3A_1127, %get3A_1128] {strides = array<i32>} : memref<160x256xf32, #tpu.memory_space<vmem>>, vector<16xf32>,
              %add3A_1130 = arith.addf %get3A_1087, %get3A_1093 : vector<16xf32>
              %add3A_1131 = arith.addf %get3A_1099, %get3A_1105 : vector<16xf32>
              %add3A_1132 = arith.addf %get3A_1111, %get3A_1117 : vector<16xf32>
              %add3A_1133 = arith.addf %get3A_1123, %get3A_1129 : vector<16xf32>
              %add3A_1134 = arith.addf %add3A_1130, %add3A_1131 : vector<16xf32>
              %add3A_1135 = arith.addf %add3A_1132, %add3A_1133 : vector<16xf32>
              %add3A_1136 = arith.addf %add3A_1134, %add3A_1135 : vector<16xf32>
              %add3A_1137 = arith.addf %scan3A_281, %add3A_1136 : vector<16xf32>
              %max3A_1138 = arith.maximumf %get3A_1087, %get3A_1093 : vector<16xf32>
              %max3A_1139 = arith.maximumf %get3A_1099, %get3A_1105 : vector<16xf32>
              %max3A_1140 = arith.maximumf %get3A_1111, %get3A_1117 : vector<16xf32>
              %max3A_1141 = arith.maximumf %get3A_1123, %get3A_1129 : vector<16xf32>
              %max3A_1142 = arith.maximumf %max3A_1138, %max3A_1139 : vector<16xf32>
              %max3A_1143 = arith.maximumf %max3A_1140, %max3A_1141 : vector<16xf32>
              %max3A_1144 = arith.maximumf %max3A_1142, %max3A_1143 : vector<16xf32>
              %max3A_1145 = arith.maximumf %scan3A_297, %max3A_1144 : vector<16xf32>
              %add3A_1146 = arith.addi %multiple_of3A_240, %mul3A_302 : i32
              %add3A_1147 = arith.constant 0 : i32
              %add3A_1148 = arith.addi %add3A_1146, %add3A_1147 : i32
              %get3A_1149 = arith.index_cast %add3A_1148 : i32 to index
              %get3A_1150 = arith.constant 208 : index
              %get3A_1151 = tpu.vector_load %arg7[%get3A_1149, %get3A_1150] {strides = array<i32>} : memref<160x256xf32, #tpu.memory_space<vmem>>, vector<16xf32>,
              %add3A_1152 = arith.addi %multiple_of3A_240, %mul3A_302 : i32
              %add3A_1153 = arith.constant 1 : i32
              %add3A_1154 = arith.addi %add3A_1152, %add3A_1153 : i32
              %get3A_1155 = arith.index_cast %add3A_1154 : i32 to index
              %get3A_1156 = arith.constant 208 : index
              %get3A_1157 = tpu.vector_load %arg7[%get3A_1155, %get3A_1156] {strides = array<i32>} : memref<160x256xf32, #tpu.memory_space<vmem>>, vector<16xf32>,
              %add3A_1158 = arith.addi %multiple_of3A_240, %mul3A_302 : i32
              %add3A_1159 = arith.constant 2 : i32
              %add3A_1160 = arith.addi %add3A_1158, %add3A_1159 : i32
              %get3A_1161 = arith.index_cast %add3A_1160 : i32 to index
              %get3A_1162 = arith.constant 208 : index
              %get3A_1163 = tpu.vector_load %arg7[%get3A_1161, %get3A_1162] {strides = array<i32>} : memref<160x256xf32, #tpu.memory_space<vmem>>, vector<16xf32>,
              %add3A_1164 = arith.addi %multiple_of3A_240, %mul3A_302 : i32
              %add3A_1165 = arith.constant 3 : i32
              %add3A_1166 = arith.addi %add3A_1164, %add3A_1165 : i32
              %get3A_1167 = arith.index_cast %add3A_1166 : i32 to index
              %get3A_1168 = arith.constant 208 : index
              %get3A_1169 = tpu.vector_load %arg7[%get3A_1167, %get3A_1168] {strides = array<i32>} : memref<160x256xf32, #tpu.memory_space<vmem>>, vector<16xf32>,
              %add3A_1170 = arith.addi %multiple_of3A_240, %mul3A_302 : i32
              %add3A_1171 = arith.constant 4 : i32
              %add3A_1172 = arith.addi %add3A_1170, %add3A_1171 : i32
              %get3A_1173 = arith.index_cast %add3A_1172 : i32 to index
              %get3A_1174 = arith.constant 208 : index
              %get3A_1175 = tpu.vector_load %arg7[%get3A_1173, %get3A_1174] {strides = array<i32>} : memref<160x256xf32, #tpu.memory_space<vmem>>, vector<16xf32>,
              %add3A_1176 = arith.addi %multiple_of3A_240, %mul3A_302 : i32
              %add3A_1177 = arith.constant 5 : i32
              %add3A_1178 = arith.addi %add3A_1176, %add3A_1177 : i32
              %get3A_1179 = arith.index_cast %add3A_1178 : i32 to index
              %get3A_1180 = arith.constant 208 : index
              %get3A_1181 = tpu.vector_load %arg7[%get3A_1179, %get3A_1180] {strides = array<i32>} : memref<160x256xf32, #tpu.memory_space<vmem>>, vector<16xf32>,
              %add3A_1182 = arith.addi %multiple_of3A_240, %mul3A_302 : i32
              %add3A_1183 = arith.constant 6 : i32
              %add3A_1184 = arith.addi %add3A_1182, %add3A_1183 : i32
              %get3A_1185 = arith.index_cast %add3A_1184 : i32 to index
              %get3A_1186 = arith.constant 208 : index
              %get3A_1187 = tpu.vector_load %arg7[%get3A_1185, %get3A_1186] {strides = array<i32>} : memref<160x256xf32, #tpu.memory_space<vmem>>, vector<16xf32>,
              %add3A_1188 = arith.addi %multiple_of3A_240, %mul3A_302 : i32
              %add3A_1189 = arith.constant 7 : i32
              %add3A_1190 = arith.addi %add3A_1188, %add3A_1189 : i32
              %get3A_1191 = arith.index_cast %add3A_1190 : i32 to index
              %get3A_1192 = arith.constant 208 : index
              %get3A_1193 = tpu.vector_load %arg7[%get3A_1191, %get3A_1192] {strides = array<i32>} : memref<160x256xf32, #tpu.memory_space<vmem>>, vector<16xf32>,
              %add3A_1194 = arith.addf %get3A_1151, %get3A_1157 : vector<16xf32>
              %add3A_1195 = arith.addf %get3A_1163, %get3A_1169 : vector<16xf32>
              %add3A_1196 = arith.addf %get3A_1175, %get3A_1181 : vector<16xf32>
              %add3A_1197 = arith.addf %get3A_1187, %get3A_1193 : vector<16xf32>
              %add3A_1198 = arith.addf %add3A_1194, %add3A_1195 : vector<16xf32>
              %add3A_1199 = arith.addf %add3A_1196, %add3A_1197 : vector<16xf32>
              %add3A_1200 = arith.addf %add3A_1198, %add3A_1199 : vector<16xf32>
              %add3A_1201 = arith.addf %scan3A_282, %add3A_1200 : vector<16xf32>
              %max3A_1202 = arith.maximumf %get3A_1151, %get3A_1157 : vector<16xf32>
              %max3A_1203 = arith.maximumf %get3A_1163, %get3A_1169 : vector<16xf32>
              %max3A_1204 = arith.maximumf %get3A_1175, %get3A_1181 : vector<16xf32>
              %max3A_1205 = arith.maximumf %get3A_1187, %get3A_1193 : vector<16xf32>
              %max3A_1206 = arith.maximumf %max3A_1202, %max3A_1203 : vector<16xf32>
              %max3A_1207 = arith.maximumf %max3A_1204, %max3A_1205 : vector<16xf32>
              %max3A_1208 = arith.maximumf %max3A_1206, %max3A_1207 : vector<16xf32>
              %max3A_1209 = arith.maximumf %scan3A_298, %max3A_1208 : vector<16xf32>
              %add3A_1210 = arith.addi %multiple_of3A_240, %mul3A_302 : i32
              %add3A_1211 = arith.constant 0 : i32
              %add3A_1212 = arith.addi %add3A_1210, %add3A_1211 : i32
              %get3A_1213 = arith.index_cast %add3A_1212 : i32 to index
              %get3A_1214 = arith.constant 224 : index
              %get3A_1215 = tpu.vector_load %arg7[%get3A_1213, %get3A_1214] {strides = array<i32>} : memref<160x256xf32, #tpu.memory_space<vmem>>, vector<16xf32>,
              %add3A_1216 = arith.addi %multiple_of3A_240, %mul3A_302 : i32
              %add3A_1217 = arith.constant 1 : i32
              %add3A_1218 = arith.addi %add3A_1216, %add3A_1217 : i32
              %get3A_1219 = arith.index_cast %add3A_1218 : i32 to index
              %get3A_1220 = arith.constant 224 : index
              %get3A_1221 = tpu.vector_load %arg7[%get3A_1219, %get3A_1220] {strides = array<i32>} : memref<160x256xf32, #tpu.memory_space<vmem>>, vector<16xf32>,
              %add3A_1222 = arith.addi %multiple_of3A_240, %mul3A_302 : i32
              %add3A_1223 = arith.constant 2 : i32
              %add3A_1224 = arith.addi %add3A_1222, %add3A_1223 : i32
              %get3A_1225 = arith.index_cast %add3A_1224 : i32 to index
              %get3A_1226 = arith.constant 224 : index
              %get3A_1227 = tpu.vector_load %arg7[%get3A_1225, %get3A_1226] {strides = array<i32>} : memref<160x256xf32, #tpu.memory_space<vmem>>, vector<16xf32>,
              %add3A_1228 = arith.addi %multiple_of3A_240, %mul3A_302 : i32
              %add3A_1229 = arith.constant 3 : i32
              %add3A_1230 = arith.addi %add3A_1228, %add3A_1229 : i32
              %get3A_1231 = arith.index_cast %add3A_1230 : i32 to index
              %get3A_1232 = arith.constant 224 : index
              %get3A_1233 = tpu.vector_load %arg7[%get3A_1231, %get3A_1232] {strides = array<i32>} : memref<160x256xf32, #tpu.memory_space<vmem>>, vector<16xf32>,
              %add3A_1234 = arith.addi %multiple_of3A_240, %mul3A_302 : i32
              %add3A_1235 = arith.constant 4 : i32
              %add3A_1236 = arith.addi %add3A_1234, %add3A_1235 : i32
              %get3A_1237 = arith.index_cast %add3A_1236 : i32 to index
              %get3A_1238 = arith.constant 224 : index
              %get3A_1239 = tpu.vector_load %arg7[%get3A_1237, %get3A_1238] {strides = array<i32>} : memref<160x256xf32, #tpu.memory_space<vmem>>, vector<16xf32>,
              %add3A_1240 = arith.addi %multiple_of3A_240, %mul3A_302 : i32
              %add3A_1241 = arith.constant 5 : i32
              %add3A_1242 = arith.addi %add3A_1240, %add3A_1241 : i32
              %get3A_1243 = arith.index_cast %add3A_1242 : i32 to index
              %get3A_1244 = arith.constant 224 : index
              %get3A_1245 = tpu.vector_load %arg7[%get3A_1243, %get3A_1244] {strides = array<i32>} : memref<160x256xf32, #tpu.memory_space<vmem>>, vector<16xf32>,
              %add3A_1246 = arith.addi %multiple_of3A_240, %mul3A_302 : i32
              %add3A_1247 = arith.constant 6 : i32
              %add3A_1248 = arith.addi %add3A_1246, %add3A_1247 : i32
              %get3A_1249 = arith.index_cast %add3A_1248 : i32 to index
              %get3A_1250 = arith.constant 224 : index
              %get3A_1251 = tpu.vector_load %arg7[%get3A_1249, %get3A_1250] {strides = array<i32>} : memref<160x256xf32, #tpu.memory_space<vmem>>, vector<16xf32>,
              %add3A_1252 = arith.addi %multiple_of3A_240, %mul3A_302 : i32
              %add3A_1253 = arith.constant 7 : i32
              %add3A_1254 = arith.addi %add3A_1252, %add3A_1253 : i32
              %get3A_1255 = arith.index_cast %add3A_1254 : i32 to index
              %get3A_1256 = arith.constant 224 : index
              %get3A_1257 = tpu.vector_load %arg7[%get3A_1255, %get3A_1256] {strides = array<i32>} : memref<160x256xf32, #tpu.memory_space<vmem>>, vector<16xf32>,
              %add3A_1258 = arith.addf %get3A_1215, %get3A_1221 : vector<16xf32>
              %add3A_1259 = arith.addf %get3A_1227, %get3A_1233 : vector<16xf32>
              %add3A_1260 = arith.addf %get3A_1239, %get3A_1245 : vector<16xf32>
              %add3A_1261 = arith.addf %get3A_1251, %get3A_1257 : vector<16xf32>
              %add3A_1262 = arith.addf %add3A_1258, %add3A_1259 : vector<16xf32>
              %add3A_1263 = arith.addf %add3A_1260, %add3A_1261 : vector<16xf32>
              %add3A_1264 = arith.addf %add3A_1262, %add3A_1263 : vector<16xf32>
              %add3A_1265 = arith.addf %scan3A_283, %add3A_1264 : vector<16xf32>
              %max3A_1266 = arith.maximumf %get3A_1215, %get3A_1221 : vector<16xf32>
              %max3A_1267 = arith.maximumf %get3A_1227, %get3A_1233 : vector<16xf32>
              %max3A_1268 = arith.maximumf %get3A_1239, %get3A_1245 : vector<16xf32>
              %max3A_1269 = arith.maximumf %get3A_1251, %get3A_1257 : vector<16xf32>
              %max3A_1270 = arith.maximumf %max3A_1266, %max3A_1267 : vector<16xf32>
              %max3A_1271 = arith.maximumf %max3A_1268, %max3A_1269 : vector<16xf32>
              %max3A_1272 = arith.maximumf %max3A_1270, %max3A_1271 : vector<16xf32>
              %max3A_1273 = arith.maximumf %scan3A_299, %max3A_1272 : vector<16xf32>
              %add3A_1274 = arith.addi %multiple_of3A_240, %mul3A_302 : i32
              %add3A_1275 = arith.constant 0 : i32
              %add3A_1276 = arith.addi %add3A_1274, %add3A_1275 : i32
              %get3A_1277 = arith.index_cast %add3A_1276 : i32 to index
              %get3A_1278 = arith.constant 240 : index
              %get3A_1279 = tpu.vector_load %arg7[%get3A_1277, %get3A_1278] {strides = array<i32>} : memref<160x256xf32, #tpu.memory_space<vmem>>, vector<16xf32>,
              %add3A_1280 = arith.addi %multiple_of3A_240, %mul3A_302 : i32
              %add3A_1281 = arith.constant 1 : i32
              %add3A_1282 = arith.addi %add3A_1280, %add3A_1281 : i32
              %get3A_1283 = arith.index_cast %add3A_1282 : i32 to index
              %get3A_1284 = arith.constant 240 : index
              %get3A_1285 = tpu.vector_load %arg7[%get3A_1283, %get3A_1284] {strides = array<i32>} : memref<160x256xf32, #tpu.memory_space<vmem>>, vector<16xf32>,
              %add3A_1286 = arith.addi %multiple_of3A_240, %mul3A_302 : i32
              %add3A_1287 = arith.constant 2 : i32
              %add3A_1288 = arith.addi %add3A_1286, %add3A_1287 : i32
              %get3A_1289 = arith.index_cast %add3A_1288 : i32 to index
              %get3A_1290 = arith.constant 240 : index
              %get3A_1291 = tpu.vector_load %arg7[%get3A_1289, %get3A_1290] {strides = array<i32>} : memref<160x256xf32, #tpu.memory_space<vmem>>, vector<16xf32>,
              %add3A_1292 = arith.addi %multiple_of3A_240, %mul3A_302 : i32
              %add3A_1293 = arith.constant 3 : i32
              %add3A_1294 = arith.addi %add3A_1292, %add3A_1293 : i32
              %get3A_1295 = arith.index_cast %add3A_1294 : i32 to index
              %get3A_1296 = arith.constant 240 : index
              %get3A_1297 = tpu.vector_load %arg7[%get3A_1295, %get3A_1296] {strides = array<i32>} : memref<160x256xf32, #tpu.memory_space<vmem>>, vector<16xf32>,
              %add3A_1298 = arith.addi %multiple_of3A_240, %mul3A_302 : i32
              %add3A_1299 = arith.constant 4 : i32
              %add3A_1300 = arith.addi %add3A_1298, %add3A_1299 : i32
              %get3A_1301 = arith.index_cast %add3A_1300 : i32 to index
              %get3A_1302 = arith.constant 240 : index
              %get3A_1303 = tpu.vector_load %arg7[%get3A_1301, %get3A_1302] {strides = array<i32>} : memref<160x256xf32, #tpu.memory_space<vmem>>, vector<16xf32>,
              %add3A_1304 = arith.addi %multiple_of3A_240, %mul3A_302 : i32
              %add3A_1305 = arith.constant 5 : i32
              %add3A_1306 = arith.addi %add3A_1304, %add3A_1305 : i32
              %get3A_1307 = arith.index_cast %add3A_1306 : i32 to index
              %get3A_1308 = arith.constant 240 : index
              %get3A_1309 = tpu.vector_load %arg7[%get3A_1307, %get3A_1308] {strides = array<i32>} : memref<160x256xf32, #tpu.memory_space<vmem>>, vector<16xf32>,
              %add3A_1310 = arith.addi %multiple_of3A_240, %mul3A_302 : i32
              %add3A_1311 = arith.constant 6 : i32
              %add3A_1312 = arith.addi %add3A_1310, %add3A_1311 : i32
              %get3A_1313 = arith.index_cast %add3A_1312 : i32 to index
              %get3A_1314 = arith.constant 240 : index
              %get3A_1315 = tpu.vector_load %arg7[%get3A_1313, %get3A_1314] {strides = array<i32>} : memref<160x256xf32, #tpu.memory_space<vmem>>, vector<16xf32>,
              %add3A_1316 = arith.addi %multiple_of3A_240, %mul3A_302 : i32
              %add3A_1317 = arith.constant 7 : i32
              %add3A_1318 = arith.addi %add3A_1316, %add3A_1317 : i32
              %get3A_1319 = arith.index_cast %add3A_1318 : i32 to index
              %get3A_1320 = arith.constant 240 : index
              %get3A_1321 = tpu.vector_load %arg7[%get3A_1319, %get3A_1320] {strides = array<i32>} : memref<160x256xf32, #tpu.memory_space<vmem>>, vector<16xf32>,
              %add3A_1322 = arith.addf %get3A_1279, %get3A_1285 : vector<16xf32>
              %add3A_1323 = arith.addf %get3A_1291, %get3A_1297 : vector<16xf32>
              %add3A_1324 = arith.addf %get3A_1303, %get3A_1309 : vector<16xf32>
              %add3A_1325 = arith.addf %get3A_1315, %get3A_1321 : vector<16xf32>
              %add3A_1326 = arith.addf %add3A_1322, %add3A_1323 : vector<16xf32>
              %add3A_1327 = arith.addf %add3A_1324, %add3A_1325 : vector<16xf32>
              %add3A_1328 = arith.addf %add3A_1326, %add3A_1327 : vector<16xf32>
              %add3A_1329 = arith.addf %scan3A_284, %add3A_1328 : vector<16xf32>
              %max3A_1330 = arith.maximumf %get3A_1279, %get3A_1285 : vector<16xf32>
              %max3A_1331 = arith.maximumf %get3A_1291, %get3A_1297 : vector<16xf32>
              %max3A_1332 = arith.maximumf %get3A_1303, %get3A_1309 : vector<16xf32>
              %max3A_1333 = arith.maximumf %get3A_1315, %get3A_1321 : vector<16xf32>
              %max3A_1334 = arith.maximumf %max3A_1330, %max3A_1331 : vector<16xf32>
              %max3A_1335 = arith.maximumf %max3A_1332, %max3A_1333 : vector<16xf32>
              %max3A_1336 = arith.maximumf %max3A_1334, %max3A_1335 : vector<16xf32>
              %max3A_1337 = arith.maximumf %scan3A_300, %max3A_1336 : vector<16xf32>
              scf.yield %add3A_369, %add3A_433, %add3A_497, %add3A_561, %add3A_625, %add3A_689, %add3A_753, %add3A_817, %add3A_881, %add3A_945, %add3A_1009, %add3A_1073, %add3A_1137, %add3A_1201, %add3A_1265, %add3A_1329, %max3A_377, %max3A_441, %max3A_505, %max3A_569, %max3A_633, %max3A_697, %max3A_761, %max3A_825, %max3A_889, %max3A_953, %max3A_1017, %max3A_1081, %max3A_1145, %max3A_1209, %max3A_1273, %max3A_1337 : vector<16xf32>, vector<16xf32>, vector<16xf32>, vector<16xf32>, vector<16xf32>, vector<16xf32>, vector<16xf32>, vector<16xf32>, vector<16xf32>, vector<16xf32>, vector<16xf32>, vector<16xf32>, vector<16xf32>, vector<16xf32>, vector<16xf32>, vector<16xf32>, vector<16xf32>, vector<16xf32>, vector<16xf32>, vector<16xf32>, vector<16xf32>, vector<16xf32>, vector<16xf32>, vector<16xf32>, vector<16xf32>, vector<16xf32>, vector<16xf32>, vector<16xf32>, vector<16xf32>, vector<16xf32>, vector<16xf32>, vector<16xf32>
            } else {
              %broadcast_in_dim3A_311 = arith.constant 0.000000e+00 : f32
              %broadcast_in_dim3A_312 = vector.broadcast %broadcast_in_dim3A_311 : f32 to vector<16xf32>
              %broadcast_in_dim3A_313 = arith.constant 0xFF800000 : f32
              %broadcast_in_dim3A_314 = vector.broadcast %broadcast_in_dim3A_313 : f32 to vector<16xf32>
              %add3A_315 = arith.constant 0 : i32
              %add3A_316 = arith.addi %mul3A_302, %add3A_315 : i32
              %ge3A_317 = arith.cmpi sge, %add3A_316, %sub3A_258 : i32
              %add3A_318 = arith.constant 0 : i32
              %add3A_319 = arith.addi %mul3A_302, %add3A_318 : i32
              %lt3A_320 = arith.cmpi slt, %add3A_319, %sub3A_261 : i32
              %and3A_321 = arith.andi %ge3A_317, %lt3A_320 : i1
              %broadcast_in_dim3A_322 = vector.broadcast %and3A_321 : i1 to vector<16xi1>
              %add3A_323 = arith.constant 1 : i32
              %add3A_324 = arith.addi %mul3A_302, %add3A_323 : i32
              %ge3A_325 = arith.cmpi sge, %add3A_324, %sub3A_258 : i32
              %add3A_326 = arith.constant 1 : i32
              %add3A_327 = arith.addi %mul3A_302, %add3A_326 : i32
              %lt3A_328 = arith.cmpi slt, %add3A_327, %sub3A_261 : i32
              %and3A_329 = arith.andi %ge3A_325, %lt3A_328 : i1
              %broadcast_in_dim3A_330 = vector.broadcast %and3A_329 : i1 to vector<16xi1>
              %add3A_331 = arith.constant 2 : i32
              %add3A_332 = arith.addi %mul3A_302, %add3A_331 : i32
              %ge3A_333 = arith.cmpi sge, %add3A_332, %sub3A_258 : i32
              %add3A_334 = arith.constant 2 : i32
              %add3A_335 = arith.addi %mul3A_302, %add3A_334 : i32
              %lt3A_336 = arith.cmpi slt, %add3A_335, %sub3A_261 : i32
              %and3A_337 = arith.andi %ge3A_333, %lt3A_336 : i1
              %broadcast_in_dim3A_338 = vector.broadcast %and3A_337 : i1 to vector<16xi1>
              %add3A_339 = arith.constant 3 : i32
              %add3A_340 = arith.addi %mul3A_302, %add3A_339 : i32
              %ge3A_341 = arith.cmpi sge, %add3A_340, %sub3A_258 : i32
              %add3A_342 = arith.constant 3 : i32
              %add3A_343 = arith.addi %mul3A_302, %add3A_342 : i32
              %lt3A_344 = arith.cmpi slt, %add3A_343, %sub3A_261 : i32
              %and3A_345 = arith.andi %ge3A_341, %lt3A_344 : i1
              %broadcast_in_dim3A_346 = vector.broadcast %and3A_345 : i1 to vector<16xi1>
              %add3A_347 = arith.constant 4 : i32
              %add3A_348 = arith.addi %mul3A_302, %add3A_347 : i32
              %ge3A_349 = arith.cmpi sge, %add3A_348, %sub3A_258 : i32
              %add3A_350 = arith.constant 4 : i32
              %add3A_351 = arith.addi %mul3A_302, %add3A_350 : i32
              %lt3A_352 = arith.cmpi slt, %add3A_351, %sub3A_261 : i32
              %and3A_353 = arith.andi %ge3A_349, %lt3A_352 : i1
              %broadcast_in_dim3A_354 = vector.broadcast %and3A_353 : i1 to vector<16xi1>
              %add3A_355 = arith.constant 5 : i32
              %add3A_356 = arith.addi %mul3A_302, %add3A_355 : i32
              %ge3A_357 = arith.cmpi sge, %add3A_356, %sub3A_258 : i32
              %add3A_358 = arith.constant 5 : i32
              %add3A_359 = arith.addi %mul3A_302, %add3A_358 : i32
              %lt3A_360 = arith.cmpi slt, %add3A_359, %sub3A_261 : i32
              %and3A_361 = arith.andi %ge3A_357, %lt3A_360 : i1
              %broadcast_in_dim3A_362 = vector.broadcast %and3A_361 : i1 to vector<16xi1>
              %add3A_363 = arith.constant 6 : i32
              %add3A_364 = arith.addi %mul3A_302, %add3A_363 : i32
              %ge3A_365 = arith.cmpi sge, %add3A_364, %sub3A_258 : i32
              %add3A_366 = arith.constant 6 : i32
              %add3A_367 = arith.addi %mul3A_302, %add3A_366 : i32
              %lt3A_368 = arith.cmpi slt, %add3A_367, %sub3A_261 : i32
              %and3A_369 = arith.andi %ge3A_365, %lt3A_368 : i1
              %broadcast_in_dim3A_370 = vector.broadcast %and3A_369 : i1 to vector<16xi1>
              %add3A_371 = arith.constant 7 : i32
              %add3A_372 = arith.addi %mul3A_302, %add3A_371 : i32
              %ge3A_373 = arith.cmpi sge, %add3A_372, %sub3A_258 : i32
              %add3A_374 = arith.constant 7 : i32
              %add3A_375 = arith.addi %mul3A_302, %add3A_374 : i32
              %lt3A_376 = arith.cmpi slt, %add3A_375, %sub3A_261 : i32
              %and3A_377 = arith.andi %ge3A_373, %lt3A_376 : i1
              %broadcast_in_dim3A_378 = vector.broadcast %and3A_377 : i1 to vector<16xi1>
              %add3A_379 = arith.addi %multiple_of3A_240, %mul3A_302 : i32
              %add3A_380 = arith.constant 0 : i32
              %add3A_381 = arith.addi %add3A_379, %add3A_380 : i32
              %get3A = arith.index_cast %add3A_381 : i32 to index
              %get3A_382 = arith.constant 0 : index
              %get3A_383 = tpu.vector_load %arg7[%get3A, %get3A_382] {strides = array<i32>} : memref<160x256xf32, #tpu.memory_space<vmem>>, vector<16xf32>,
              %add3A_384 = arith.addi %multiple_of3A_240, %mul3A_302 : i32
              %add3A_385 = arith.constant 1 : i32
              %add3A_386 = arith.addi %add3A_384, %add3A_385 : i32
              %get3A_387 = arith.index_cast %add3A_386 : i32 to index
              %get3A_388 = arith.constant 0 : index
              %get3A_389 = tpu.vector_load %arg7[%get3A_387, %get3A_388] {strides = array<i32>} : memref<160x256xf32, #tpu.memory_space<vmem>>, vector<16xf32>,
              %add3A_390 = arith.addi %multiple_of3A_240, %mul3A_302 : i32
              %add3A_391 = arith.constant 2 : i32
              %add3A_392 = arith.addi %add3A_390, %add3A_391 : i32
              %get3A_393 = arith.index_cast %add3A_392 : i32 to index
              %get3A_394 = arith.constant 0 : index
              %get3A_395 = tpu.vector_load %arg7[%get3A_393, %get3A_394] {strides = array<i32>} : memref<160x256xf32, #tpu.memory_space<vmem>>, vector<16xf32>,
              %add3A_396 = arith.addi %multiple_of3A_240, %mul3A_302 : i32
              %add3A_397 = arith.constant 3 : i32
              %add3A_398 = arith.addi %add3A_396, %add3A_397 : i32
              %get3A_399 = arith.index_cast %add3A_398 : i32 to index
              %get3A_400 = arith.constant 0 : index
              %get3A_401 = tpu.vector_load %arg7[%get3A_399, %get3A_400] {strides = array<i32>} : memref<160x256xf32, #tpu.memory_space<vmem>>, vector<16xf32>,
              %add3A_402 = arith.addi %multiple_of3A_240, %mul3A_302 : i32
              %add3A_403 = arith.constant 4 : i32
              %add3A_404 = arith.addi %add3A_402, %add3A_403 : i32
              %get3A_405 = arith.index_cast %add3A_404 : i32 to index
              %get3A_406 = arith.constant 0 : index
              %get3A_407 = tpu.vector_load %arg7[%get3A_405, %get3A_406] {strides = array<i32>} : memref<160x256xf32, #tpu.memory_space<vmem>>, vector<16xf32>,
              %add3A_408 = arith.addi %multiple_of3A_240, %mul3A_302 : i32
              %add3A_409 = arith.constant 5 : i32
              %add3A_410 = arith.addi %add3A_408, %add3A_409 : i32
              %get3A_411 = arith.index_cast %add3A_410 : i32 to index
              %get3A_412 = arith.constant 0 : index
              %get3A_413 = tpu.vector_load %arg7[%get3A_411, %get3A_412] {strides = array<i32>} : memref<160x256xf32, #tpu.memory_space<vmem>>, vector<16xf32>,
              %add3A_414 = arith.addi %multiple_of3A_240, %mul3A_302 : i32
              %add3A_415 = arith.constant 6 : i32
              %add3A_416 = arith.addi %add3A_414, %add3A_415 : i32
              %get3A_417 = arith.index_cast %add3A_416 : i32 to index
              %get3A_418 = arith.constant 0 : index
              %get3A_419 = tpu.vector_load %arg7[%get3A_417, %get3A_418] {strides = array<i32>} : memref<160x256xf32, #tpu.memory_space<vmem>>, vector<16xf32>,
              %add3A_420 = arith.addi %multiple_of3A_240, %mul3A_302 : i32
              %add3A_421 = arith.constant 7 : i32
              %add3A_422 = arith.addi %add3A_420, %add3A_421 : i32
              %get3A_423 = arith.index_cast %add3A_422 : i32 to index
              %get3A_424 = arith.constant 0 : index
              %get3A_425 = tpu.vector_load %arg7[%get3A_423, %get3A_424] {strides = array<i32>} : memref<160x256xf32, #tpu.memory_space<vmem>>, vector<16xf32>,
              %select_n3A_426 = arith.select %broadcast_in_dim3A_322, %get3A_383, %broadcast_in_dim3A_312 : vector<16xi1>, vector<16xf32>
              %select_n3A_427 = arith.select %broadcast_in_dim3A_330, %get3A_389, %broadcast_in_dim3A_312 : vector<16xi1>, vector<16xf32>
              %select_n3A_428 = arith.select %broadcast_in_dim3A_338, %get3A_395, %broadcast_in_dim3A_312 : vector<16xi1>, vector<16xf32>
              %select_n3A_429 = arith.select %broadcast_in_dim3A_346, %get3A_401, %broadcast_in_dim3A_312 : vector<16xi1>, vector<16xf32>
              %select_n3A_430 = arith.select %broadcast_in_dim3A_354, %get3A_407, %broadcast_in_dim3A_312 : vector<16xi1>, vector<16xf32>
              %select_n3A_431 = arith.select %broadcast_in_dim3A_362, %get3A_413, %broadcast_in_dim3A_312 : vector<16xi1>, vector<16xf32>
              %select_n3A_432 = arith.select %broadcast_in_dim3A_370, %get3A_419, %broadcast_in_dim3A_312 : vector<16xi1>, vector<16xf32>
              %select_n3A_433 = arith.select %broadcast_in_dim3A_378, %get3A_425, %broadcast_in_dim3A_312 : vector<16xi1>, vector<16xf32>
              %select_n3A_434 = arith.select %broadcast_in_dim3A_322, %get3A_383, %broadcast_in_dim3A_314 : vector<16xi1>, vector<16xf32>
              %select_n3A_435 = arith.select %broadcast_in_dim3A_330, %get3A_389, %broadcast_in_dim3A_314 : vector<16xi1>, vector<16xf32>
              %select_n3A_436 = arith.select %broadcast_in_dim3A_338, %get3A_395, %broadcast_in_dim3A_314 : vector<16xi1>, vector<16xf32>
              %select_n3A_437 = arith.select %broadcast_in_dim3A_346, %get3A_401, %broadcast_in_dim3A_314 : vector<16xi1>, vector<16xf32>
              %select_n3A_438 = arith.select %broadcast_in_dim3A_354, %get3A_407, %broadcast_in_dim3A_314 : vector<16xi1>, vector<16xf32>
              %select_n3A_439 = arith.select %broadcast_in_dim3A_362, %get3A_413, %broadcast_in_dim3A_314 : vector<16xi1>, vector<16xf32>
              %select_n3A_440 = arith.select %broadcast_in_dim3A_370, %get3A_419, %broadcast_in_dim3A_314 : vector<16xi1>, vector<16xf32>
              %select_n3A_441 = arith.select %broadcast_in_dim3A_378, %get3A_425, %broadcast_in_dim3A_314 : vector<16xi1>, vector<16xf32>
              %add3A_442 = arith.addf %select_n3A_426, %select_n3A_427 : vector<16xf32>
              %add3A_443 = arith.addf %select_n3A_428, %select_n3A_429 : vector<16xf32>
              %add3A_444 = arith.addf %select_n3A_430, %select_n3A_431 : vector<16xf32>
              %add3A_445 = arith.addf %select_n3A_432, %select_n3A_433 : vector<16xf32>
              %add3A_446 = arith.addf %add3A_442, %add3A_443 : vector<16xf32>
              %add3A_447 = arith.addf %add3A_444, %add3A_445 : vector<16xf32>
              %add3A_448 = arith.addf %add3A_446, %add3A_447 : vector<16xf32>
              %add3A_449 = arith.addf %scan3A_269, %add3A_448 : vector<16xf32>
              %max3A_450 = arith.maximumf %select_n3A_434, %select_n3A_435 : vector<16xf32>
              %max3A_451 = arith.maximumf %select_n3A_436, %select_n3A_437 : vector<16xf32>
              %max3A_452 = arith.maximumf %select_n3A_438, %select_n3A_439 : vector<16xf32>
              %max3A_453 = arith.maximumf %select_n3A_440, %select_n3A_441 : vector<16xf32>
              %max3A_454 = arith.maximumf %max3A_450, %max3A_451 : vector<16xf32>
              %max3A_455 = arith.maximumf %max3A_452, %max3A_453 : vector<16xf32>
              %max3A_456 = arith.maximumf %max3A_454, %max3A_455 : vector<16xf32>
              %max3A_457 = arith.maximumf %scan3A_285, %max3A_456 : vector<16xf32>
              %add3A_458 = arith.addi %multiple_of3A_240, %mul3A_302 : i32
              %add3A_459 = arith.constant 0 : i32
              %add3A_460 = arith.addi %add3A_458, %add3A_459 : i32
              %get3A_461 = arith.index_cast %add3A_460 : i32 to index
              %get3A_462 = arith.constant 16 : index
              %get3A_463 = tpu.vector_load %arg7[%get3A_461, %get3A_462] {strides = array<i32>} : memref<160x256xf32, #tpu.memory_space<vmem>>, vector<16xf32>,
              %add3A_464 = arith.addi %multiple_of3A_240, %mul3A_302 : i32
              %add3A_465 = arith.constant 1 : i32
              %add3A_466 = arith.addi %add3A_464, %add3A_465 : i32
              %get3A_467 = arith.index_cast %add3A_466 : i32 to index
              %get3A_468 = arith.constant 16 : index
              %get3A_469 = tpu.vector_load %arg7[%get3A_467, %get3A_468] {strides = array<i32>} : memref<160x256xf32, #tpu.memory_space<vmem>>, vector<16xf32>,
              %add3A_470 = arith.addi %multiple_of3A_240, %mul3A_302 : i32
              %add3A_471 = arith.constant 2 : i32
              %add3A_472 = arith.addi %add3A_470, %add3A_471 : i32
              %get3A_473 = arith.index_cast %add3A_472 : i32 to index
              %get3A_474 = arith.constant 16 : index
              %get3A_475 = tpu.vector_load %arg7[%get3A_473, %get3A_474] {strides = array<i32>} : memref<160x256xf32, #tpu.memory_space<vmem>>, vector<16xf32>,
              %add3A_476 = arith.addi %multiple_of3A_240, %mul3A_302 : i32
              %add3A_477 = arith.constant 3 : i32
              %add3A_478 = arith.addi %add3A_476, %add3A_477 : i32
              %get3A_479 = arith.index_cast %add3A_478 : i32 to index
              %get3A_480 = arith.constant 16 : index
              %get3A_481 = tpu.vector_load %arg7[%get3A_479, %get3A_480] {strides = array<i32>} : memref<160x256xf32, #tpu.memory_space<vmem>>, vector<16xf32>,
              %add3A_482 = arith.addi %multiple_of3A_240, %mul3A_302 : i32
              %add3A_483 = arith.constant 4 : i32
              %add3A_484 = arith.addi %add3A_482, %add3A_483 : i32
              %get3A_485 = arith.index_cast %add3A_484 : i32 to index
              %get3A_486 = arith.constant 16 : index
              %get3A_487 = tpu.vector_load %arg7[%get3A_485, %get3A_486] {strides = array<i32>} : memref<160x256xf32, #tpu.memory_space<vmem>>, vector<16xf32>,
              %add3A_488 = arith.addi %multiple_of3A_240, %mul3A_302 : i32
              %add3A_489 = arith.constant 5 : i32
              %add3A_490 = arith.addi %add3A_488, %add3A_489 : i32
              %get3A_491 = arith.index_cast %add3A_490 : i32 to index
              %get3A_492 = arith.constant 16 : index
              %get3A_493 = tpu.vector_load %arg7[%get3A_491, %get3A_492] {strides = array<i32>} : memref<160x256xf32, #tpu.memory_space<vmem>>, vector<16xf32>,
              %add3A_494 = arith.addi %multiple_of3A_240, %mul3A_302 : i32
              %add3A_495 = arith.constant 6 : i32
              %add3A_496 = arith.addi %add3A_494, %add3A_495 : i32
              %get3A_497 = arith.index_cast %add3A_496 : i32 to index
              %get3A_498 = arith.constant 16 : index
              %get3A_499 = tpu.vector_load %arg7[%get3A_497, %get3A_498] {strides = array<i32>} : memref<160x256xf32, #tpu.memory_space<vmem>>, vector<16xf32>,
              %add3A_500 = arith.addi %multiple_of3A_240, %mul3A_302 : i32
              %add3A_501 = arith.constant 7 : i32
              %add3A_502 = arith.addi %add3A_500, %add3A_501 : i32
              %get3A_503 = arith.index_cast %add3A_502 : i32 to index
              %get3A_504 = arith.constant 16 : index
              %get3A_505 = tpu.vector_load %arg7[%get3A_503, %get3A_504] {strides = array<i32>} : memref<160x256xf32, #tpu.memory_space<vmem>>, vector<16xf32>,
              %select_n3A_506 = arith.select %broadcast_in_dim3A_322, %get3A_463, %broadcast_in_dim3A_312 : vector<16xi1>, vector<16xf32>
              %select_n3A_507 = arith.select %broadcast_in_dim3A_330, %get3A_469, %broadcast_in_dim3A_312 : vector<16xi1>, vector<16xf32>
              %select_n3A_508 = arith.select %broadcast_in_dim3A_338, %get3A_475, %broadcast_in_dim3A_312 : vector<16xi1>, vector<16xf32>
              %select_n3A_509 = arith.select %broadcast_in_dim3A_346, %get3A_481, %broadcast_in_dim3A_312 : vector<16xi1>, vector<16xf32>
              %select_n3A_510 = arith.select %broadcast_in_dim3A_354, %get3A_487, %broadcast_in_dim3A_312 : vector<16xi1>, vector<16xf32>
              %select_n3A_511 = arith.select %broadcast_in_dim3A_362, %get3A_493, %broadcast_in_dim3A_312 : vector<16xi1>, vector<16xf32>
              %select_n3A_512 = arith.select %broadcast_in_dim3A_370, %get3A_499, %broadcast_in_dim3A_312 : vector<16xi1>, vector<16xf32>
              %select_n3A_513 = arith.select %broadcast_in_dim3A_378, %get3A_505, %broadcast_in_dim3A_312 : vector<16xi1>, vector<16xf32>
              %select_n3A_514 = arith.select %broadcast_in_dim3A_322, %get3A_463, %broadcast_in_dim3A_314 : vector<16xi1>, vector<16xf32>
              %select_n3A_515 = arith.select %broadcast_in_dim3A_330, %get3A_469, %broadcast_in_dim3A_314 : vector<16xi1>, vector<16xf32>
              %select_n3A_516 = arith.select %broadcast_in_dim3A_338, %get3A_475, %broadcast_in_dim3A_314 : vector<16xi1>, vector<16xf32>
              %select_n3A_517 = arith.select %broadcast_in_dim3A_346, %get3A_481, %broadcast_in_dim3A_314 : vector<16xi1>, vector<16xf32>
              %select_n3A_518 = arith.select %broadcast_in_dim3A_354, %get3A_487, %broadcast_in_dim3A_314 : vector<16xi1>, vector<16xf32>
              %select_n3A_519 = arith.select %broadcast_in_dim3A_362, %get3A_493, %broadcast_in_dim3A_314 : vector<16xi1>, vector<16xf32>
              %select_n3A_520 = arith.select %broadcast_in_dim3A_370, %get3A_499, %broadcast_in_dim3A_314 : vector<16xi1>, vector<16xf32>
              %select_n3A_521 = arith.select %broadcast_in_dim3A_378, %get3A_505, %broadcast_in_dim3A_314 : vector<16xi1>, vector<16xf32>
              %add3A_522 = arith.addf %select_n3A_506, %select_n3A_507 : vector<16xf32>
              %add3A_523 = arith.addf %select_n3A_508, %select_n3A_509 : vector<16xf32>
              %add3A_524 = arith.addf %select_n3A_510, %select_n3A_511 : vector<16xf32>
              %add3A_525 = arith.addf %select_n3A_512, %select_n3A_513 : vector<16xf32>
              %add3A_526 = arith.addf %add3A_522, %add3A_523 : vector<16xf32>
              %add3A_527 = arith.addf %add3A_524, %add3A_525 : vector<16xf32>
              %add3A_528 = arith.addf %add3A_526, %add3A_527 : vector<16xf32>
              %add3A_529 = arith.addf %scan3A_270, %add3A_528 : vector<16xf32>
              %max3A_530 = arith.maximumf %select_n3A_514, %select_n3A_515 : vector<16xf32>
              %max3A_531 = arith.maximumf %select_n3A_516, %select_n3A_517 : vector<16xf32>
              %max3A_532 = arith.maximumf %select_n3A_518, %select_n3A_519 : vector<16xf32>
              %max3A_533 = arith.maximumf %select_n3A_520, %select_n3A_521 : vector<16xf32>
              %max3A_534 = arith.maximumf %max3A_530, %max3A_531 : vector<16xf32>
              %max3A_535 = arith.maximumf %max3A_532, %max3A_533 : vector<16xf32>
              %max3A_536 = arith.maximumf %max3A_534, %max3A_535 : vector<16xf32>
              %max3A_537 = arith.maximumf %scan3A_286, %max3A_536 : vector<16xf32>
              %add3A_538 = arith.addi %multiple_of3A_240, %mul3A_302 : i32
              %add3A_539 = arith.constant 0 : i32
              %add3A_540 = arith.addi %add3A_538, %add3A_539 : i32
              %get3A_541 = arith.index_cast %add3A_540 : i32 to index
              %get3A_542 = arith.constant 32 : index
              %get3A_543 = tpu.vector_load %arg7[%get3A_541, %get3A_542] {strides = array<i32>} : memref<160x256xf32, #tpu.memory_space<vmem>>, vector<16xf32>,
              %add3A_544 = arith.addi %multiple_of3A_240, %mul3A_302 : i32
              %add3A_545 = arith.constant 1 : i32
              %add3A_546 = arith.addi %add3A_544, %add3A_545 : i32
              %get3A_547 = arith.index_cast %add3A_546 : i32 to index
              %get3A_548 = arith.constant 32 : index
              %get3A_549 = tpu.vector_load %arg7[%get3A_547, %get3A_548] {strides = array<i32>} : memref<160x256xf32, #tpu.memory_space<vmem>>, vector<16xf32>,
              %add3A_550 = arith.addi %multiple_of3A_240, %mul3A_302 : i32
              %add3A_551 = arith.constant 2 : i32
              %add3A_552 = arith.addi %add3A_550, %add3A_551 : i32
              %get3A_553 = arith.index_cast %add3A_552 : i32 to index
              %get3A_554 = arith.constant 32 : index
              %get3A_555 = tpu.vector_load %arg7[%get3A_553, %get3A_554] {strides = array<i32>} : memref<160x256xf32, #tpu.memory_space<vmem>>, vector<16xf32>,
              %add3A_556 = arith.addi %multiple_of3A_240, %mul3A_302 : i32
              %add3A_557 = arith.constant 3 : i32
              %add3A_558 = arith.addi %add3A_556, %add3A_557 : i32
              %get3A_559 = arith.index_cast %add3A_558 : i32 to index
              %get3A_560 = arith.constant 32 : index
              %get3A_561 = tpu.vector_load %arg7[%get3A_559, %get3A_560] {strides = array<i32>} : memref<160x256xf32, #tpu.memory_space<vmem>>, vector<16xf32>,
              %add3A_562 = arith.addi %multiple_of3A_240, %mul3A_302 : i32
              %add3A_563 = arith.constant 4 : i32
              %add3A_564 = arith.addi %add3A_562, %add3A_563 : i32
              %get3A_565 = arith.index_cast %add3A_564 : i32 to index
              %get3A_566 = arith.constant 32 : index
              %get3A_567 = tpu.vector_load %arg7[%get3A_565, %get3A_566] {strides = array<i32>} : memref<160x256xf32, #tpu.memory_space<vmem>>, vector<16xf32>,
              %add3A_568 = arith.addi %multiple_of3A_240, %mul3A_302 : i32
              %add3A_569 = arith.constant 5 : i32
              %add3A_570 = arith.addi %add3A_568, %add3A_569 : i32
              %get3A_571 = arith.index_cast %add3A_570 : i32 to index
              %get3A_572 = arith.constant 32 : index
              %get3A_573 = tpu.vector_load %arg7[%get3A_571, %get3A_572] {strides = array<i32>} : memref<160x256xf32, #tpu.memory_space<vmem>>, vector<16xf32>,
              %add3A_574 = arith.addi %multiple_of3A_240, %mul3A_302 : i32
              %add3A_575 = arith.constant 6 : i32
              %add3A_576 = arith.addi %add3A_574, %add3A_575 : i32
              %get3A_577 = arith.index_cast %add3A_576 : i32 to index
              %get3A_578 = arith.constant 32 : index
              %get3A_579 = tpu.vector_load %arg7[%get3A_577, %get3A_578] {strides = array<i32>} : memref<160x256xf32, #tpu.memory_space<vmem>>, vector<16xf32>,
              %add3A_580 = arith.addi %multiple_of3A_240, %mul3A_302 : i32
              %add3A_581 = arith.constant 7 : i32
              %add3A_582 = arith.addi %add3A_580, %add3A_581 : i32
              %get3A_583 = arith.index_cast %add3A_582 : i32 to index
              %get3A_584 = arith.constant 32 : index
              %get3A_585 = tpu.vector_load %arg7[%get3A_583, %get3A_584] {strides = array<i32>} : memref<160x256xf32, #tpu.memory_space<vmem>>, vector<16xf32>,
              %select_n3A_586 = arith.select %broadcast_in_dim3A_322, %get3A_543, %broadcast_in_dim3A_312 : vector<16xi1>, vector<16xf32>
              %select_n3A_587 = arith.select %broadcast_in_dim3A_330, %get3A_549, %broadcast_in_dim3A_312 : vector<16xi1>, vector<16xf32>
              %select_n3A_588 = arith.select %broadcast_in_dim3A_338, %get3A_555, %broadcast_in_dim3A_312 : vector<16xi1>, vector<16xf32>
              %select_n3A_589 = arith.select %broadcast_in_dim3A_346, %get3A_561, %broadcast_in_dim3A_312 : vector<16xi1>, vector<16xf32>
              %select_n3A_590 = arith.select %broadcast_in_dim3A_354, %get3A_567, %broadcast_in_dim3A_312 : vector<16xi1>, vector<16xf32>
              %select_n3A_591 = arith.select %broadcast_in_dim3A_362, %get3A_573, %broadcast_in_dim3A_312 : vector<16xi1>, vector<16xf32>
              %select_n3A_592 = arith.select %broadcast_in_dim3A_370, %get3A_579, %broadcast_in_dim3A_312 : vector<16xi1>, vector<16xf32>
              %select_n3A_593 = arith.select %broadcast_in_dim3A_378, %get3A_585, %broadcast_in_dim3A_312 : vector<16xi1>, vector<16xf32>
              %select_n3A_594 = arith.select %broadcast_in_dim3A_322, %get3A_543, %broadcast_in_dim3A_314 : vector<16xi1>, vector<16xf32>
              %select_n3A_595 = arith.select %broadcast_in_dim3A_330, %get3A_549, %broadcast_in_dim3A_314 : vector<16xi1>, vector<16xf32>
              %select_n3A_596 = arith.select %broadcast_in_dim3A_338, %get3A_555, %broadcast_in_dim3A_314 : vector<16xi1>, vector<16xf32>
              %select_n3A_597 = arith.select %broadcast_in_dim3A_346, %get3A_561, %broadcast_in_dim3A_314 : vector<16xi1>, vector<16xf32>
              %select_n3A_598 = arith.select %broadcast_in_dim3A_354, %get3A_567, %broadcast_in_dim3A_314 : vector<16xi1>, vector<16xf32>
              %select_n3A_599 = arith.select %broadcast_in_dim3A_362, %get3A_573, %broadcast_in_dim3A_314 : vector<16xi1>, vector<16xf32>
              %select_n3A_600 = arith.select %broadcast_in_dim3A_370, %get3A_579, %broadcast_in_dim3A_314 : vector<16xi1>, vector<16xf32>
              %select_n3A_601 = arith.select %broadcast_in_dim3A_378, %get3A_585, %broadcast_in_dim3A_314 : vector<16xi1>, vector<16xf32>
              %add3A_602 = arith.addf %select_n3A_586, %select_n3A_587 : vector<16xf32>
              %add3A_603 = arith.addf %select_n3A_588, %select_n3A_589 : vector<16xf32>
              %add3A_604 = arith.addf %select_n3A_590, %select_n3A_591 : vector<16xf32>
              %add3A_605 = arith.addf %select_n3A_592, %select_n3A_593 : vector<16xf32>
              %add3A_606 = arith.addf %add3A_602, %add3A_603 : vector<16xf32>
              %add3A_607 = arith.addf %add3A_604, %add3A_605 : vector<16xf32>
              %add3A_608 = arith.addf %add3A_606, %add3A_607 : vector<16xf32>
              %add3A_609 = arith.addf %scan3A_271, %add3A_608 : vector<16xf32>
              %max3A_610 = arith.maximumf %select_n3A_594, %select_n3A_595 : vector<16xf32>
              %max3A_611 = arith.maximumf %select_n3A_596, %select_n3A_597 : vector<16xf32>
              %max3A_612 = arith.maximumf %select_n3A_598, %select_n3A_599 : vector<16xf32>
              %max3A_613 = arith.maximumf %select_n3A_600, %select_n3A_601 : vector<16xf32>
              %max3A_614 = arith.maximumf %max3A_610, %max3A_611 : vector<16xf32>
              %max3A_615 = arith.maximumf %max3A_612, %max3A_613 : vector<16xf32>
              %max3A_616 = arith.maximumf %max3A_614, %max3A_615 : vector<16xf32>
              %max3A_617 = arith.maximumf %scan3A_287, %max3A_616 : vector<16xf32>
              %add3A_618 = arith.addi %multiple_of3A_240, %mul3A_302 : i32
              %add3A_619 = arith.constant 0 : i32
              %add3A_620 = arith.addi %add3A_618, %add3A_619 : i32
              %get3A_621 = arith.index_cast %add3A_620 : i32 to index
              %get3A_622 = arith.constant 48 : index
              %get3A_623 = tpu.vector_load %arg7[%get3A_621, %get3A_622] {strides = array<i32>} : memref<160x256xf32, #tpu.memory_space<vmem>>, vector<16xf32>,
              %add3A_624 = arith.addi %multiple_of3A_240, %mul3A_302 : i32
              %add3A_625 = arith.constant 1 : i32
              %add3A_626 = arith.addi %add3A_624, %add3A_625 : i32
              %get3A_627 = arith.index_cast %add3A_626 : i32 to index
              %get3A_628 = arith.constant 48 : index
              %get3A_629 = tpu.vector_load %arg7[%get3A_627, %get3A_628] {strides = array<i32>} : memref<160x256xf32, #tpu.memory_space<vmem>>, vector<16xf32>,
              %add3A_630 = arith.addi %multiple_of3A_240, %mul3A_302 : i32
              %add3A_631 = arith.constant 2 : i32
              %add3A_632 = arith.addi %add3A_630, %add3A_631 : i32
              %get3A_633 = arith.index_cast %add3A_632 : i32 to index
              %get3A_634 = arith.constant 48 : index
              %get3A_635 = tpu.vector_load %arg7[%get3A_633, %get3A_634] {strides = array<i32>} : memref<160x256xf32, #tpu.memory_space<vmem>>, vector<16xf32>,
              %add3A_636 = arith.addi %multiple_of3A_240, %mul3A_302 : i32
              %add3A_637 = arith.constant 3 : i32
              %add3A_638 = arith.addi %add3A_636, %add3A_637 : i32
              %get3A_639 = arith.index_cast %add3A_638 : i32 to index
              %get3A_640 = arith.constant 48 : index
              %get3A_641 = tpu.vector_load %arg7[%get3A_639, %get3A_640] {strides = array<i32>} : memref<160x256xf32, #tpu.memory_space<vmem>>, vector<16xf32>,
              %add3A_642 = arith.addi %multiple_of3A_240, %mul3A_302 : i32
              %add3A_643 = arith.constant 4 : i32
              %add3A_644 = arith.addi %add3A_642, %add3A_643 : i32
              %get3A_645 = arith.index_cast %add3A_644 : i32 to index
              %get3A_646 = arith.constant 48 : index
              %get3A_647 = tpu.vector_load %arg7[%get3A_645, %get3A_646] {strides = array<i32>} : memref<160x256xf32, #tpu.memory_space<vmem>>, vector<16xf32>,
              %add3A_648 = arith.addi %multiple_of3A_240, %mul3A_302 : i32
              %add3A_649 = arith.constant 5 : i32
              %add3A_650 = arith.addi %add3A_648, %add3A_649 : i32
              %get3A_651 = arith.index_cast %add3A_650 : i32 to index
              %get3A_652 = arith.constant 48 : index
              %get3A_653 = tpu.vector_load %arg7[%get3A_651, %get3A_652] {strides = array<i32>} : memref<160x256xf32, #tpu.memory_space<vmem>>, vector<16xf32>,
              %add3A_654 = arith.addi %multiple_of3A_240, %mul3A_302 : i32
              %add3A_655 = arith.constant 6 : i32
              %add3A_656 = arith.addi %add3A_654, %add3A_655 : i32
              %get3A_657 = arith.index_cast %add3A_656 : i32 to index
              %get3A_658 = arith.constant 48 : index
              %get3A_659 = tpu.vector_load %arg7[%get3A_657, %get3A_658] {strides = array<i32>} : memref<160x256xf32, #tpu.memory_space<vmem>>, vector<16xf32>,
              %add3A_660 = arith.addi %multiple_of3A_240, %mul3A_302 : i32
              %add3A_661 = arith.constant 7 : i32
              %add3A_662 = arith.addi %add3A_660, %add3A_661 : i32
              %get3A_663 = arith.index_cast %add3A_662 : i32 to index
              %get3A_664 = arith.constant 48 : index
              %get3A_665 = tpu.vector_load %arg7[%get3A_663, %get3A_664] {strides = array<i32>} : memref<160x256xf32, #tpu.memory_space<vmem>>, vector<16xf32>,
              %select_n3A_666 = arith.select %broadcast_in_dim3A_322, %get3A_623, %broadcast_in_dim3A_312 : vector<16xi1>, vector<16xf32>
              %select_n3A_667 = arith.select %broadcast_in_dim3A_330, %get3A_629, %broadcast_in_dim3A_312 : vector<16xi1>, vector<16xf32>
              %select_n3A_668 = arith.select %broadcast_in_dim3A_338, %get3A_635, %broadcast_in_dim3A_312 : vector<16xi1>, vector<16xf32>
              %select_n3A_669 = arith.select %broadcast_in_dim3A_346, %get3A_641, %broadcast_in_dim3A_312 : vector<16xi1>, vector<16xf32>
              %select_n3A_670 = arith.select %broadcast_in_dim3A_354, %get3A_647, %broadcast_in_dim3A_312 : vector<16xi1>, vector<16xf32>
              %select_n3A_671 = arith.select %broadcast_in_dim3A_362, %get3A_653, %broadcast_in_dim3A_312 : vector<16xi1>, vector<16xf32>
              %select_n3A_672 = arith.select %broadcast_in_dim3A_370, %get3A_659, %broadcast_in_dim3A_312 : vector<16xi1>, vector<16xf32>
              %select_n3A_673 = arith.select %broadcast_in_dim3A_378, %get3A_665, %broadcast_in_dim3A_312 : vector<16xi1>, vector<16xf32>
              %select_n3A_674 = arith.select %broadcast_in_dim3A_322, %get3A_623, %broadcast_in_dim3A_314 : vector<16xi1>, vector<16xf32>
              %select_n3A_675 = arith.select %broadcast_in_dim3A_330, %get3A_629, %broadcast_in_dim3A_314 : vector<16xi1>, vector<16xf32>
              %select_n3A_676 = arith.select %broadcast_in_dim3A_338, %get3A_635, %broadcast_in_dim3A_314 : vector<16xi1>, vector<16xf32>
              %select_n3A_677 = arith.select %broadcast_in_dim3A_346, %get3A_641, %broadcast_in_dim3A_314 : vector<16xi1>, vector<16xf32>
              %select_n3A_678 = arith.select %broadcast_in_dim3A_354, %get3A_647, %broadcast_in_dim3A_314 : vector<16xi1>, vector<16xf32>
              %select_n3A_679 = arith.select %broadcast_in_dim3A_362, %get3A_653, %broadcast_in_dim3A_314 : vector<16xi1>, vector<16xf32>
              %select_n3A_680 = arith.select %broadcast_in_dim3A_370, %get3A_659, %broadcast_in_dim3A_314 : vector<16xi1>, vector<16xf32>
              %select_n3A_681 = arith.select %broadcast_in_dim3A_378, %get3A_665, %broadcast_in_dim3A_314 : vector<16xi1>, vector<16xf32>
              %add3A_682 = arith.addf %select_n3A_666, %select_n3A_667 : vector<16xf32>
              %add3A_683 = arith.addf %select_n3A_668, %select_n3A_669 : vector<16xf32>
              %add3A_684 = arith.addf %select_n3A_670, %select_n3A_671 : vector<16xf32>
              %add3A_685 = arith.addf %select_n3A_672, %select_n3A_673 : vector<16xf32>
              %add3A_686 = arith.addf %add3A_682, %add3A_683 : vector<16xf32>
              %add3A_687 = arith.addf %add3A_684, %add3A_685 : vector<16xf32>
              %add3A_688 = arith.addf %add3A_686, %add3A_687 : vector<16xf32>
              %add3A_689 = arith.addf %scan3A_272, %add3A_688 : vector<16xf32>
              %max3A_690 = arith.maximumf %select_n3A_674, %select_n3A_675 : vector<16xf32>
              %max3A_691 = arith.maximumf %select_n3A_676, %select_n3A_677 : vector<16xf32>
              %max3A_692 = arith.maximumf %select_n3A_678, %select_n3A_679 : vector<16xf32>
              %max3A_693 = arith.maximumf %select_n3A_680, %select_n3A_681 : vector<16xf32>
              %max3A_694 = arith.maximumf %max3A_690, %max3A_691 : vector<16xf32>
              %max3A_695 = arith.maximumf %max3A_692, %max3A_693 : vector<16xf32>
              %max3A_696 = arith.maximumf %max3A_694, %max3A_695 : vector<16xf32>
              %max3A_697 = arith.maximumf %scan3A_288, %max3A_696 : vector<16xf32>
              %add3A_698 = arith.addi %multiple_of3A_240, %mul3A_302 : i32
              %add3A_699 = arith.constant 0 : i32
              %add3A_700 = arith.addi %add3A_698, %add3A_699 : i32
              %get3A_701 = arith.index_cast %add3A_700 : i32 to index
              %get3A_702 = arith.constant 64 : index
              %get3A_703 = tpu.vector_load %arg7[%get3A_701, %get3A_702] {strides = array<i32>} : memref<160x256xf32, #tpu.memory_space<vmem>>, vector<16xf32>,
              %add3A_704 = arith.addi %multiple_of3A_240, %mul3A_302 : i32
              %add3A_705 = arith.constant 1 : i32
              %add3A_706 = arith.addi %add3A_704, %add3A_705 : i32
              %get3A_707 = arith.index_cast %add3A_706 : i32 to index
              %get3A_708 = arith.constant 64 : index
              %get3A_709 = tpu.vector_load %arg7[%get3A_707, %get3A_708] {strides = array<i32>} : memref<160x256xf32, #tpu.memory_space<vmem>>, vector<16xf32>,
              %add3A_710 = arith.addi %multiple_of3A_240, %mul3A_302 : i32
              %add3A_711 = arith.constant 2 : i32
              %add3A_712 = arith.addi %add3A_710, %add3A_711 : i32
              %get3A_713 = arith.index_cast %add3A_712 : i32 to index
              %get3A_714 = arith.constant 64 : index
              %get3A_715 = tpu.vector_load %arg7[%get3A_713, %get3A_714] {strides = array<i32>} : memref<160x256xf32, #tpu.memory_space<vmem>>, vector<16xf32>,
              %add3A_716 = arith.addi %multiple_of3A_240, %mul3A_302 : i32
              %add3A_717 = arith.constant 3 : i32
              %add3A_718 = arith.addi %add3A_716, %add3A_717 : i32
              %get3A_719 = arith.index_cast %add3A_718 : i32 to index
              %get3A_720 = arith.constant 64 : index
              %get3A_721 = tpu.vector_load %arg7[%get3A_719, %get3A_720] {strides = array<i32>} : memref<160x256xf32, #tpu.memory_space<vmem>>, vector<16xf32>,
              %add3A_722 = arith.addi %multiple_of3A_240, %mul3A_302 : i32
              %add3A_723 = arith.constant 4 : i32
              %add3A_724 = arith.addi %add3A_722, %add3A_723 : i32
              %get3A_725 = arith.index_cast %add3A_724 : i32 to index
              %get3A_726 = arith.constant 64 : index
              %get3A_727 = tpu.vector_load %arg7[%get3A_725, %get3A_726] {strides = array<i32>} : memref<160x256xf32, #tpu.memory_space<vmem>>, vector<16xf32>,
              %add3A_728 = arith.addi %multiple_of3A_240, %mul3A_302 : i32
              %add3A_729 = arith.constant 5 : i32
              %add3A_730 = arith.addi %add3A_728, %add3A_729 : i32
              %get3A_731 = arith.index_cast %add3A_730 : i32 to index
              %get3A_732 = arith.constant 64 : index
              %get3A_733 = tpu.vector_load %arg7[%get3A_731, %get3A_732] {strides = array<i32>} : memref<160x256xf32, #tpu.memory_space<vmem>>, vector<16xf32>,
              %add3A_734 = arith.addi %multiple_of3A_240, %mul3A_302 : i32
              %add3A_735 = arith.constant 6 : i32
              %add3A_736 = arith.addi %add3A_734, %add3A_735 : i32
              %get3A_737 = arith.index_cast %add3A_736 : i32 to index
              %get3A_738 = arith.constant 64 : index
              %get3A_739 = tpu.vector_load %arg7[%get3A_737, %get3A_738] {strides = array<i32>} : memref<160x256xf32, #tpu.memory_space<vmem>>, vector<16xf32>,
              %add3A_740 = arith.addi %multiple_of3A_240, %mul3A_302 : i32
              %add3A_741 = arith.constant 7 : i32
              %add3A_742 = arith.addi %add3A_740, %add3A_741 : i32
              %get3A_743 = arith.index_cast %add3A_742 : i32 to index
              %get3A_744 = arith.constant 64 : index
              %get3A_745 = tpu.vector_load %arg7[%get3A_743, %get3A_744] {strides = array<i32>} : memref<160x256xf32, #tpu.memory_space<vmem>>, vector<16xf32>,
              %select_n3A_746 = arith.select %broadcast_in_dim3A_322, %get3A_703, %broadcast_in_dim3A_312 : vector<16xi1>, vector<16xf32>
              %select_n3A_747 = arith.select %broadcast_in_dim3A_330, %get3A_709, %broadcast_in_dim3A_312 : vector<16xi1>, vector<16xf32>
              %select_n3A_748 = arith.select %broadcast_in_dim3A_338, %get3A_715, %broadcast_in_dim3A_312 : vector<16xi1>, vector<16xf32>
              %select_n3A_749 = arith.select %broadcast_in_dim3A_346, %get3A_721, %broadcast_in_dim3A_312 : vector<16xi1>, vector<16xf32>
              %select_n3A_750 = arith.select %broadcast_in_dim3A_354, %get3A_727, %broadcast_in_dim3A_312 : vector<16xi1>, vector<16xf32>
              %select_n3A_751 = arith.select %broadcast_in_dim3A_362, %get3A_733, %broadcast_in_dim3A_312 : vector<16xi1>, vector<16xf32>
              %select_n3A_752 = arith.select %broadcast_in_dim3A_370, %get3A_739, %broadcast_in_dim3A_312 : vector<16xi1>, vector<16xf32>
              %select_n3A_753 = arith.select %broadcast_in_dim3A_378, %get3A_745, %broadcast_in_dim3A_312 : vector<16xi1>, vector<16xf32>
              %select_n3A_754 = arith.select %broadcast_in_dim3A_322, %get3A_703, %broadcast_in_dim3A_314 : vector<16xi1>, vector<16xf32>
              %select_n3A_755 = arith.select %broadcast_in_dim3A_330, %get3A_709, %broadcast_in_dim3A_314 : vector<16xi1>, vector<16xf32>
              %select_n3A_756 = arith.select %broadcast_in_dim3A_338, %get3A_715, %broadcast_in_dim3A_314 : vector<16xi1>, vector<16xf32>
              %select_n3A_757 = arith.select %broadcast_in_dim3A_346, %get3A_721, %broadcast_in_dim3A_314 : vector<16xi1>, vector<16xf32>
              %select_n3A_758 = arith.select %broadcast_in_dim3A_354, %get3A_727, %broadcast_in_dim3A_314 : vector<16xi1>, vector<16xf32>
              %select_n3A_759 = arith.select %broadcast_in_dim3A_362, %get3A_733, %broadcast_in_dim3A_314 : vector<16xi1>, vector<16xf32>
              %select_n3A_760 = arith.select %broadcast_in_dim3A_370, %get3A_739, %broadcast_in_dim3A_314 : vector<16xi1>, vector<16xf32>
              %select_n3A_761 = arith.select %broadcast_in_dim3A_378, %get3A_745, %broadcast_in_dim3A_314 : vector<16xi1>, vector<16xf32>
              %add3A_762 = arith.addf %select_n3A_746, %select_n3A_747 : vector<16xf32>
              %add3A_763 = arith.addf %select_n3A_748, %select_n3A_749 : vector<16xf32>
              %add3A_764 = arith.addf %select_n3A_750, %select_n3A_751 : vector<16xf32>
              %add3A_765 = arith.addf %select_n3A_752, %select_n3A_753 : vector<16xf32>
              %add3A_766 = arith.addf %add3A_762, %add3A_763 : vector<16xf32>
              %add3A_767 = arith.addf %add3A_764, %add3A_765 : vector<16xf32>
              %add3A_768 = arith.addf %add3A_766, %add3A_767 : vector<16xf32>
              %add3A_769 = arith.addf %scan3A_273, %add3A_768 : vector<16xf32>
              %max3A_770 = arith.maximumf %select_n3A_754, %select_n3A_755 : vector<16xf32>
              %max3A_771 = arith.maximumf %select_n3A_756, %select_n3A_757 : vector<16xf32>
              %max3A_772 = arith.maximumf %select_n3A_758, %select_n3A_759 : vector<16xf32>
              %max3A_773 = arith.maximumf %select_n3A_760, %select_n3A_761 : vector<16xf32>
              %max3A_774 = arith.maximumf %max3A_770, %max3A_771 : vector<16xf32>
              %max3A_775 = arith.maximumf %max3A_772, %max3A_773 : vector<16xf32>
              %max3A_776 = arith.maximumf %max3A_774, %max3A_775 : vector<16xf32>
              %max3A_777 = arith.maximumf %scan3A_289, %max3A_776 : vector<16xf32>
              %add3A_778 = arith.addi %multiple_of3A_240, %mul3A_302 : i32
              %add3A_779 = arith.constant 0 : i32
              %add3A_780 = arith.addi %add3A_778, %add3A_779 : i32
              %get3A_781 = arith.index_cast %add3A_780 : i32 to index
              %get3A_782 = arith.constant 80 : index
              %get3A_783 = tpu.vector_load %arg7[%get3A_781, %get3A_782] {strides = array<i32>} : memref<160x256xf32, #tpu.memory_space<vmem>>, vector<16xf32>,
              %add3A_784 = arith.addi %multiple_of3A_240, %mul3A_302 : i32
              %add3A_785 = arith.constant 1 : i32
              %add3A_786 = arith.addi %add3A_784, %add3A_785 : i32
              %get3A_787 = arith.index_cast %add3A_786 : i32 to index
              %get3A_788 = arith.constant 80 : index
              %get3A_789 = tpu.vector_load %arg7[%get3A_787, %get3A_788] {strides = array<i32>} : memref<160x256xf32, #tpu.memory_space<vmem>>, vector<16xf32>,
              %add3A_790 = arith.addi %multiple_of3A_240, %mul3A_302 : i32
              %add3A_791 = arith.constant 2 : i32
              %add3A_792 = arith.addi %add3A_790, %add3A_791 : i32
              %get3A_793 = arith.index_cast %add3A_792 : i32 to index
              %get3A_794 = arith.constant 80 : index
              %get3A_795 = tpu.vector_load %arg7[%get3A_793, %get3A_794] {strides = array<i32>} : memref<160x256xf32, #tpu.memory_space<vmem>>, vector<16xf32>,
              %add3A_796 = arith.addi %multiple_of3A_240, %mul3A_302 : i32
              %add3A_797 = arith.constant 3 : i32
              %add3A_798 = arith.addi %add3A_796, %add3A_797 : i32
              %get3A_799 = arith.index_cast %add3A_798 : i32 to index
              %get3A_800 = arith.constant 80 : index
              %get3A_801 = tpu.vector_load %arg7[%get3A_799, %get3A_800] {strides = array<i32>} : memref<160x256xf32, #tpu.memory_space<vmem>>, vector<16xf32>,
              %add3A_802 = arith.addi %multiple_of3A_240, %mul3A_302 : i32
              %add3A_803 = arith.constant 4 : i32
              %add3A_804 = arith.addi %add3A_802, %add3A_803 : i32
              %get3A_805 = arith.index_cast %add3A_804 : i32 to index
              %get3A_806 = arith.constant 80 : index
              %get3A_807 = tpu.vector_load %arg7[%get3A_805, %get3A_806] {strides = array<i32>} : memref<160x256xf32, #tpu.memory_space<vmem>>, vector<16xf32>,
              %add3A_808 = arith.addi %multiple_of3A_240, %mul3A_302 : i32
              %add3A_809 = arith.constant 5 : i32
              %add3A_810 = arith.addi %add3A_808, %add3A_809 : i32
              %get3A_811 = arith.index_cast %add3A_810 : i32 to index
              %get3A_812 = arith.constant 80 : index
              %get3A_813 = tpu.vector_load %arg7[%get3A_811, %get3A_812] {strides = array<i32>} : memref<160x256xf32, #tpu.memory_space<vmem>>, vector<16xf32>,
              %add3A_814 = arith.addi %multiple_of3A_240, %mul3A_302 : i32
              %add3A_815 = arith.constant 6 : i32
              %add3A_816 = arith.addi %add3A_814, %add3A_815 : i32
              %get3A_817 = arith.index_cast %add3A_816 : i32 to index
              %get3A_818 = arith.constant 80 : index
              %get3A_819 = tpu.vector_load %arg7[%get3A_817, %get3A_818] {strides = array<i32>} : memref<160x256xf32, #tpu.memory_space<vmem>>, vector<16xf32>,
              %add3A_820 = arith.addi %multiple_of3A_240, %mul3A_302 : i32
              %add3A_821 = arith.constant 7 : i32
              %add3A_822 = arith.addi %add3A_820, %add3A_821 : i32
              %get3A_823 = arith.index_cast %add3A_822 : i32 to index
              %get3A_824 = arith.constant 80 : index
              %get3A_825 = tpu.vector_load %arg7[%get3A_823, %get3A_824] {strides = array<i32>} : memref<160x256xf32, #tpu.memory_space<vmem>>, vector<16xf32>,
              %select_n3A_826 = arith.select %broadcast_in_dim3A_322, %get3A_783, %broadcast_in_dim3A_312 : vector<16xi1>, vector<16xf32>
              %select_n3A_827 = arith.select %broadcast_in_dim3A_330, %get3A_789, %broadcast_in_dim3A_312 : vector<16xi1>, vector<16xf32>
              %select_n3A_828 = arith.select %broadcast_in_dim3A_338, %get3A_795, %broadcast_in_dim3A_312 : vector<16xi1>, vector<16xf32>
              %select_n3A_829 = arith.select %broadcast_in_dim3A_346, %get3A_801, %broadcast_in_dim3A_312 : vector<16xi1>, vector<16xf32>
              %select_n3A_830 = arith.select %broadcast_in_dim3A_354, %get3A_807, %broadcast_in_dim3A_312 : vector<16xi1>, vector<16xf32>
              %select_n3A_831 = arith.select %broadcast_in_dim3A_362, %get3A_813, %broadcast_in_dim3A_312 : vector<16xi1>, vector<16xf32>
              %select_n3A_832 = arith.select %broadcast_in_dim3A_370, %get3A_819, %broadcast_in_dim3A_312 : vector<16xi1>, vector<16xf32>
              %select_n3A_833 = arith.select %broadcast_in_dim3A_378, %get3A_825, %broadcast_in_dim3A_312 : vector<16xi1>, vector<16xf32>
              %select_n3A_834 = arith.select %broadcast_in_dim3A_322, %get3A_783, %broadcast_in_dim3A_314 : vector<16xi1>, vector<16xf32>
              %select_n3A_835 = arith.select %broadcast_in_dim3A_330, %get3A_789, %broadcast_in_dim3A_314 : vector<16xi1>, vector<16xf32>
              %select_n3A_836 = arith.select %broadcast_in_dim3A_338, %get3A_795, %broadcast_in_dim3A_314 : vector<16xi1>, vector<16xf32>
              %select_n3A_837 = arith.select %broadcast_in_dim3A_346, %get3A_801, %broadcast_in_dim3A_314 : vector<16xi1>, vector<16xf32>
              %select_n3A_838 = arith.select %broadcast_in_dim3A_354, %get3A_807, %broadcast_in_dim3A_314 : vector<16xi1>, vector<16xf32>
              %select_n3A_839 = arith.select %broadcast_in_dim3A_362, %get3A_813, %broadcast_in_dim3A_314 : vector<16xi1>, vector<16xf32>
              %select_n3A_840 = arith.select %broadcast_in_dim3A_370, %get3A_819, %broadcast_in_dim3A_314 : vector<16xi1>, vector<16xf32>
              %select_n3A_841 = arith.select %broadcast_in_dim3A_378, %get3A_825, %broadcast_in_dim3A_314 : vector<16xi1>, vector<16xf32>
              %add3A_842 = arith.addf %select_n3A_826, %select_n3A_827 : vector<16xf32>
              %add3A_843 = arith.addf %select_n3A_828, %select_n3A_829 : vector<16xf32>
              %add3A_844 = arith.addf %select_n3A_830, %select_n3A_831 : vector<16xf32>
              %add3A_845 = arith.addf %select_n3A_832, %select_n3A_833 : vector<16xf32>
              %add3A_846 = arith.addf %add3A_842, %add3A_843 : vector<16xf32>
              %add3A_847 = arith.addf %add3A_844, %add3A_845 : vector<16xf32>
              %add3A_848 = arith.addf %add3A_846, %add3A_847 : vector<16xf32>
              %add3A_849 = arith.addf %scan3A_274, %add3A_848 : vector<16xf32>
              %max3A_850 = arith.maximumf %select_n3A_834, %select_n3A_835 : vector<16xf32>
              %max3A_851 = arith.maximumf %select_n3A_836, %select_n3A_837 : vector<16xf32>
              %max3A_852 = arith.maximumf %select_n3A_838, %select_n3A_839 : vector<16xf32>
              %max3A_853 = arith.maximumf %select_n3A_840, %select_n3A_841 : vector<16xf32>
              %max3A_854 = arith.maximumf %max3A_850, %max3A_851 : vector<16xf32>
              %max3A_855 = arith.maximumf %max3A_852, %max3A_853 : vector<16xf32>
              %max3A_856 = arith.maximumf %max3A_854, %max3A_855 : vector<16xf32>
              %max3A_857 = arith.maximumf %scan3A_290, %max3A_856 : vector<16xf32>
              %add3A_858 = arith.addi %multiple_of3A_240, %mul3A_302 : i32
              %add3A_859 = arith.constant 0 : i32
              %add3A_860 = arith.addi %add3A_858, %add3A_859 : i32
              %get3A_861 = arith.index_cast %add3A_860 : i32 to index
              %get3A_862 = arith.constant 96 : index
              %get3A_863 = tpu.vector_load %arg7[%get3A_861, %get3A_862] {strides = array<i32>} : memref<160x256xf32, #tpu.memory_space<vmem>>, vector<16xf32>,
              %add3A_864 = arith.addi %multiple_of3A_240, %mul3A_302 : i32
              %add3A_865 = arith.constant 1 : i32
              %add3A_866 = arith.addi %add3A_864, %add3A_865 : i32
              %get3A_867 = arith.index_cast %add3A_866 : i32 to index
              %get3A_868 = arith.constant 96 : index
              %get3A_869 = tpu.vector_load %arg7[%get3A_867, %get3A_868] {strides = array<i32>} : memref<160x256xf32, #tpu.memory_space<vmem>>, vector<16xf32>,
              %add3A_870 = arith.addi %multiple_of3A_240, %mul3A_302 : i32
              %add3A_871 = arith.constant 2 : i32
              %add3A_872 = arith.addi %add3A_870, %add3A_871 : i32
              %get3A_873 = arith.index_cast %add3A_872 : i32 to index
              %get3A_874 = arith.constant 96 : index
              %get3A_875 = tpu.vector_load %arg7[%get3A_873, %get3A_874] {strides = array<i32>} : memref<160x256xf32, #tpu.memory_space<vmem>>, vector<16xf32>,
              %add3A_876 = arith.addi %multiple_of3A_240, %mul3A_302 : i32
              %add3A_877 = arith.constant 3 : i32
              %add3A_878 = arith.addi %add3A_876, %add3A_877 : i32
              %get3A_879 = arith.index_cast %add3A_878 : i32 to index
              %get3A_880 = arith.constant 96 : index
              %get3A_881 = tpu.vector_load %arg7[%get3A_879, %get3A_880] {strides = array<i32>} : memref<160x256xf32, #tpu.memory_space<vmem>>, vector<16xf32>,
              %add3A_882 = arith.addi %multiple_of3A_240, %mul3A_302 : i32
              %add3A_883 = arith.constant 4 : i32
              %add3A_884 = arith.addi %add3A_882, %add3A_883 : i32
              %get3A_885 = arith.index_cast %add3A_884 : i32 to index
              %get3A_886 = arith.constant 96 : index
              %get3A_887 = tpu.vector_load %arg7[%get3A_885, %get3A_886] {strides = array<i32>} : memref<160x256xf32, #tpu.memory_space<vmem>>, vector<16xf32>,
              %add3A_888 = arith.addi %multiple_of3A_240, %mul3A_302 : i32
              %add3A_889 = arith.constant 5 : i32
              %add3A_890 = arith.addi %add3A_888, %add3A_889 : i32
              %get3A_891 = arith.index_cast %add3A_890 : i32 to index
              %get3A_892 = arith.constant 96 : index
              %get3A_893 = tpu.vector_load %arg7[%get3A_891, %get3A_892] {strides = array<i32>} : memref<160x256xf32, #tpu.memory_space<vmem>>, vector<16xf32>,
              %add3A_894 = arith.addi %multiple_of3A_240, %mul3A_302 : i32
              %add3A_895 = arith.constant 6 : i32
              %add3A_896 = arith.addi %add3A_894, %add3A_895 : i32
              %get3A_897 = arith.index_cast %add3A_896 : i32 to index
              %get3A_898 = arith.constant 96 : index
              %get3A_899 = tpu.vector_load %arg7[%get3A_897, %get3A_898] {strides = array<i32>} : memref<160x256xf32, #tpu.memory_space<vmem>>, vector<16xf32>,
              %add3A_900 = arith.addi %multiple_of3A_240, %mul3A_302 : i32
              %add3A_901 = arith.constant 7 : i32
              %add3A_902 = arith.addi %add3A_900, %add3A_901 : i32
              %get3A_903 = arith.index_cast %add3A_902 : i32 to index
              %get3A_904 = arith.constant 96 : index
              %get3A_905 = tpu.vector_load %arg7[%get3A_903, %get3A_904] {strides = array<i32>} : memref<160x256xf32, #tpu.memory_space<vmem>>, vector<16xf32>,
              %select_n3A_906 = arith.select %broadcast_in_dim3A_322, %get3A_863, %broadcast_in_dim3A_312 : vector<16xi1>, vector<16xf32>
              %select_n3A_907 = arith.select %broadcast_in_dim3A_330, %get3A_869, %broadcast_in_dim3A_312 : vector<16xi1>, vector<16xf32>
              %select_n3A_908 = arith.select %broadcast_in_dim3A_338, %get3A_875, %broadcast_in_dim3A_312 : vector<16xi1>, vector<16xf32>
              %select_n3A_909 = arith.select %broadcast_in_dim3A_346, %get3A_881, %broadcast_in_dim3A_312 : vector<16xi1>, vector<16xf32>
              %select_n3A_910 = arith.select %broadcast_in_dim3A_354, %get3A_887, %broadcast_in_dim3A_312 : vector<16xi1>, vector<16xf32>
              %select_n3A_911 = arith.select %broadcast_in_dim3A_362, %get3A_893, %broadcast_in_dim3A_312 : vector<16xi1>, vector<16xf32>
              %select_n3A_912 = arith.select %broadcast_in_dim3A_370, %get3A_899, %broadcast_in_dim3A_312 : vector<16xi1>, vector<16xf32>
              %select_n3A_913 = arith.select %broadcast_in_dim3A_378, %get3A_905, %broadcast_in_dim3A_312 : vector<16xi1>, vector<16xf32>
              %select_n3A_914 = arith.select %broadcast_in_dim3A_322, %get3A_863, %broadcast_in_dim3A_314 : vector<16xi1>, vector<16xf32>
              %select_n3A_915 = arith.select %broadcast_in_dim3A_330, %get3A_869, %broadcast_in_dim3A_314 : vector<16xi1>, vector<16xf32>
              %select_n3A_916 = arith.select %broadcast_in_dim3A_338, %get3A_875, %broadcast_in_dim3A_314 : vector<16xi1>, vector<16xf32>
              %select_n3A_917 = arith.select %broadcast_in_dim3A_346, %get3A_881, %broadcast_in_dim3A_314 : vector<16xi1>, vector<16xf32>
              %select_n3A_918 = arith.select %broadcast_in_dim3A_354, %get3A_887, %broadcast_in_dim3A_314 : vector<16xi1>, vector<16xf32>
              %select_n3A_919 = arith.select %broadcast_in_dim3A_362, %get3A_893, %broadcast_in_dim3A_314 : vector<16xi1>, vector<16xf32>
              %select_n3A_920 = arith.select %broadcast_in_dim3A_370, %get3A_899, %broadcast_in_dim3A_314 : vector<16xi1>, vector<16xf32>
              %select_n3A_921 = arith.select %broadcast_in_dim3A_378, %get3A_905, %broadcast_in_dim3A_314 : vector<16xi1>, vector<16xf32>
              %add3A_922 = arith.addf %select_n3A_906, %select_n3A_907 : vector<16xf32>
              %add3A_923 = arith.addf %select_n3A_908, %select_n3A_909 : vector<16xf32>
              %add3A_924 = arith.addf %select_n3A_910, %select_n3A_911 : vector<16xf32>
              %add3A_925 = arith.addf %select_n3A_912, %select_n3A_913 : vector<16xf32>
              %add3A_926 = arith.addf %add3A_922, %add3A_923 : vector<16xf32>
              %add3A_927 = arith.addf %add3A_924, %add3A_925 : vector<16xf32>
              %add3A_928 = arith.addf %add3A_926, %add3A_927 : vector<16xf32>
              %add3A_929 = arith.addf %scan3A_275, %add3A_928 : vector<16xf32>
              %max3A_930 = arith.maximumf %select_n3A_914, %select_n3A_915 : vector<16xf32>
              %max3A_931 = arith.maximumf %select_n3A_916, %select_n3A_917 : vector<16xf32>
              %max3A_932 = arith.maximumf %select_n3A_918, %select_n3A_919 : vector<16xf32>
              %max3A_933 = arith.maximumf %select_n3A_920, %select_n3A_921 : vector<16xf32>
              %max3A_934 = arith.maximumf %max3A_930, %max3A_931 : vector<16xf32>
              %max3A_935 = arith.maximumf %max3A_932, %max3A_933 : vector<16xf32>
              %max3A_936 = arith.maximumf %max3A_934, %max3A_935 : vector<16xf32>
              %max3A_937 = arith.maximumf %scan3A_291, %max3A_936 : vector<16xf32>
              %add3A_938 = arith.addi %multiple_of3A_240, %mul3A_302 : i32
              %add3A_939 = arith.constant 0 : i32
              %add3A_940 = arith.addi %add3A_938, %add3A_939 : i32
              %get3A_941 = arith.index_cast %add3A_940 : i32 to index
              %get3A_942 = arith.constant 112 : index
              %get3A_943 = tpu.vector_load %arg7[%get3A_941, %get3A_942] {strides = array<i32>} : memref<160x256xf32, #tpu.memory_space<vmem>>, vector<16xf32>,
              %add3A_944 = arith.addi %multiple_of3A_240, %mul3A_302 : i32
              %add3A_945 = arith.constant 1 : i32
              %add3A_946 = arith.addi %add3A_944, %add3A_945 : i32
              %get3A_947 = arith.index_cast %add3A_946 : i32 to index
              %get3A_948 = arith.constant 112 : index
              %get3A_949 = tpu.vector_load %arg7[%get3A_947, %get3A_948] {strides = array<i32>} : memref<160x256xf32, #tpu.memory_space<vmem>>, vector<16xf32>,
              %add3A_950 = arith.addi %multiple_of3A_240, %mul3A_302 : i32
              %add3A_951 = arith.constant 2 : i32
              %add3A_952 = arith.addi %add3A_950, %add3A_951 : i32
              %get3A_953 = arith.index_cast %add3A_952 : i32 to index
              %get3A_954 = arith.constant 112 : index
              %get3A_955 = tpu.vector_load %arg7[%get3A_953, %get3A_954] {strides = array<i32>} : memref<160x256xf32, #tpu.memory_space<vmem>>, vector<16xf32>,
              %add3A_956 = arith.addi %multiple_of3A_240, %mul3A_302 : i32
              %add3A_957 = arith.constant 3 : i32
              %add3A_958 = arith.addi %add3A_956, %add3A_957 : i32
              %get3A_959 = arith.index_cast %add3A_958 : i32 to index
              %get3A_960 = arith.constant 112 : index
              %get3A_961 = tpu.vector_load %arg7[%get3A_959, %get3A_960] {strides = array<i32>} : memref<160x256xf32, #tpu.memory_space<vmem>>, vector<16xf32>,
              %add3A_962 = arith.addi %multiple_of3A_240, %mul3A_302 : i32
              %add3A_963 = arith.constant 4 : i32
              %add3A_964 = arith.addi %add3A_962, %add3A_963 : i32
              %get3A_965 = arith.index_cast %add3A_964 : i32 to index
              %get3A_966 = arith.constant 112 : index
              %get3A_967 = tpu.vector_load %arg7[%get3A_965, %get3A_966] {strides = array<i32>} : memref<160x256xf32, #tpu.memory_space<vmem>>, vector<16xf32>,
              %add3A_968 = arith.addi %multiple_of3A_240, %mul3A_302 : i32
              %add3A_969 = arith.constant 5 : i32
              %add3A_970 = arith.addi %add3A_968, %add3A_969 : i32
              %get3A_971 = arith.index_cast %add3A_970 : i32 to index
              %get3A_972 = arith.constant 112 : index
              %get3A_973 = tpu.vector_load %arg7[%get3A_971, %get3A_972] {strides = array<i32>} : memref<160x256xf32, #tpu.memory_space<vmem>>, vector<16xf32>,
              %add3A_974 = arith.addi %multiple_of3A_240, %mul3A_302 : i32
              %add3A_975 = arith.constant 6 : i32
              %add3A_976 = arith.addi %add3A_974, %add3A_975 : i32
              %get3A_977 = arith.index_cast %add3A_976 : i32 to index
              %get3A_978 = arith.constant 112 : index
              %get3A_979 = tpu.vector_load %arg7[%get3A_977, %get3A_978] {strides = array<i32>} : memref<160x256xf32, #tpu.memory_space<vmem>>, vector<16xf32>,
              %add3A_980 = arith.addi %multiple_of3A_240, %mul3A_302 : i32
              %add3A_981 = arith.constant 7 : i32
              %add3A_982 = arith.addi %add3A_980, %add3A_981 : i32
              %get3A_983 = arith.index_cast %add3A_982 : i32 to index
              %get3A_984 = arith.constant 112 : index
              %get3A_985 = tpu.vector_load %arg7[%get3A_983, %get3A_984] {strides = array<i32>} : memref<160x256xf32, #tpu.memory_space<vmem>>, vector<16xf32>,
              %select_n3A_986 = arith.select %broadcast_in_dim3A_322, %get3A_943, %broadcast_in_dim3A_312 : vector<16xi1>, vector<16xf32>
              %select_n3A_987 = arith.select %broadcast_in_dim3A_330, %get3A_949, %broadcast_in_dim3A_312 : vector<16xi1>, vector<16xf32>
              %select_n3A_988 = arith.select %broadcast_in_dim3A_338, %get3A_955, %broadcast_in_dim3A_312 : vector<16xi1>, vector<16xf32>
              %select_n3A_989 = arith.select %broadcast_in_dim3A_346, %get3A_961, %broadcast_in_dim3A_312 : vector<16xi1>, vector<16xf32>
              %select_n3A_990 = arith.select %broadcast_in_dim3A_354, %get3A_967, %broadcast_in_dim3A_312 : vector<16xi1>, vector<16xf32>
              %select_n3A_991 = arith.select %broadcast_in_dim3A_362, %get3A_973, %broadcast_in_dim3A_312 : vector<16xi1>, vector<16xf32>
              %select_n3A_992 = arith.select %broadcast_in_dim3A_370, %get3A_979, %broadcast_in_dim3A_312 : vector<16xi1>, vector<16xf32>
              %select_n3A_993 = arith.select %broadcast_in_dim3A_378, %get3A_985, %broadcast_in_dim3A_312 : vector<16xi1>, vector<16xf32>
              %select_n3A_994 = arith.select %broadcast_in_dim3A_322, %get3A_943, %broadcast_in_dim3A_314 : vector<16xi1>, vector<16xf32>
              %select_n3A_995 = arith.select %broadcast_in_dim3A_330, %get3A_949, %broadcast_in_dim3A_314 : vector<16xi1>, vector<16xf32>
              %select_n3A_996 = arith.select %broadcast_in_dim3A_338, %get3A_955, %broadcast_in_dim3A_314 : vector<16xi1>, vector<16xf32>
              %select_n3A_997 = arith.select %broadcast_in_dim3A_346, %get3A_961, %broadcast_in_dim3A_314 : vector<16xi1>, vector<16xf32>
              %select_n3A_998 = arith.select %broadcast_in_dim3A_354, %get3A_967, %broadcast_in_dim3A_314 : vector<16xi1>, vector<16xf32>
              %select_n3A_999 = arith.select %broadcast_in_dim3A_362, %get3A_973, %broadcast_in_dim3A_314 : vector<16xi1>, vector<16xf32>
              %select_n3A_1000 = arith.select %broadcast_in_dim3A_370, %get3A_979, %broadcast_in_dim3A_314 : vector<16xi1>, vector<16xf32>
              %select_n3A_1001 = arith.select %broadcast_in_dim3A_378, %get3A_985, %broadcast_in_dim3A_314 : vector<16xi1>, vector<16xf32>
              %add3A_1002 = arith.addf %select_n3A_986, %select_n3A_987 : vector<16xf32>
              %add3A_1003 = arith.addf %select_n3A_988, %select_n3A_989 : vector<16xf32>
              %add3A_1004 = arith.addf %select_n3A_990, %select_n3A_991 : vector<16xf32>
              %add3A_1005 = arith.addf %select_n3A_992, %select_n3A_993 : vector<16xf32>
              %add3A_1006 = arith.addf %add3A_1002, %add3A_1003 : vector<16xf32>
              %add3A_1007 = arith.addf %add3A_1004, %add3A_1005 : vector<16xf32>
              %add3A_1008 = arith.addf %add3A_1006, %add3A_1007 : vector<16xf32>
              %add3A_1009 = arith.addf %scan3A_276, %add3A_1008 : vector<16xf32>
              %max3A_1010 = arith.maximumf %select_n3A_994, %select_n3A_995 : vector<16xf32>
              %max3A_1011 = arith.maximumf %select_n3A_996, %select_n3A_997 : vector<16xf32>
              %max3A_1012 = arith.maximumf %select_n3A_998, %select_n3A_999 : vector<16xf32>
              %max3A_1013 = arith.maximumf %select_n3A_1000, %select_n3A_1001 : vector<16xf32>
              %max3A_1014 = arith.maximumf %max3A_1010, %max3A_1011 : vector<16xf32>
              %max3A_1015 = arith.maximumf %max3A_1012, %max3A_1013 : vector<16xf32>
              %max3A_1016 = arith.maximumf %max3A_1014, %max3A_1015 : vector<16xf32>
              %max3A_1017 = arith.maximumf %scan3A_292, %max3A_1016 : vector<16xf32>
              %add3A_1018 = arith.addi %multiple_of3A_240, %mul3A_302 : i32
              %add3A_1019 = arith.constant 0 : i32
              %add3A_1020 = arith.addi %add3A_1018, %add3A_1019 : i32
              %get3A_1021 = arith.index_cast %add3A_1020 : i32 to index
              %get3A_1022 = arith.constant 128 : index
              %get3A_1023 = tpu.vector_load %arg7[%get3A_1021, %get3A_1022] {strides = array<i32>} : memref<160x256xf32, #tpu.memory_space<vmem>>, vector<16xf32>,
              %add3A_1024 = arith.addi %multiple_of3A_240, %mul3A_302 : i32
              %add3A_1025 = arith.constant 1 : i32
              %add3A_1026 = arith.addi %add3A_1024, %add3A_1025 : i32
              %get3A_1027 = arith.index_cast %add3A_1026 : i32 to index
              %get3A_1028 = arith.constant 128 : index
              %get3A_1029 = tpu.vector_load %arg7[%get3A_1027, %get3A_1028] {strides = array<i32>} : memref<160x256xf32, #tpu.memory_space<vmem>>, vector<16xf32>,
              %add3A_1030 = arith.addi %multiple_of3A_240, %mul3A_302 : i32
              %add3A_1031 = arith.constant 2 : i32
              %add3A_1032 = arith.addi %add3A_1030, %add3A_1031 : i32
              %get3A_1033 = arith.index_cast %add3A_1032 : i32 to index
              %get3A_1034 = arith.constant 128 : index
              %get3A_1035 = tpu.vector_load %arg7[%get3A_1033, %get3A_1034] {strides = array<i32>} : memref<160x256xf32, #tpu.memory_space<vmem>>, vector<16xf32>,
              %add3A_1036 = arith.addi %multiple_of3A_240, %mul3A_302 : i32
              %add3A_1037 = arith.constant 3 : i32
              %add3A_1038 = arith.addi %add3A_1036, %add3A_1037 : i32
              %get3A_1039 = arith.index_cast %add3A_1038 : i32 to index
              %get3A_1040 = arith.constant 128 : index
              %get3A_1041 = tpu.vector_load %arg7[%get3A_1039, %get3A_1040] {strides = array<i32>} : memref<160x256xf32, #tpu.memory_space<vmem>>, vector<16xf32>,
              %add3A_1042 = arith.addi %multiple_of3A_240, %mul3A_302 : i32
              %add3A_1043 = arith.constant 4 : i32
              %add3A_1044 = arith.addi %add3A_1042, %add3A_1043 : i32
              %get3A_1045 = arith.index_cast %add3A_1044 : i32 to index
              %get3A_1046 = arith.constant 128 : index
              %get3A_1047 = tpu.vector_load %arg7[%get3A_1045, %get3A_1046] {strides = array<i32>} : memref<160x256xf32, #tpu.memory_space<vmem>>, vector<16xf32>,
              %add3A_1048 = arith.addi %multiple_of3A_240, %mul3A_302 : i32
              %add3A_1049 = arith.constant 5 : i32
              %add3A_1050 = arith.addi %add3A_1048, %add3A_1049 : i32
              %get3A_1051 = arith.index_cast %add3A_1050 : i32 to index
              %get3A_1052 = arith.constant 128 : index
              %get3A_1053 = tpu.vector_load %arg7[%get3A_1051, %get3A_1052] {strides = array<i32>} : memref<160x256xf32, #tpu.memory_space<vmem>>, vector<16xf32>,
              %add3A_1054 = arith.addi %multiple_of3A_240, %mul3A_302 : i32
              %add3A_1055 = arith.constant 6 : i32
              %add3A_1056 = arith.addi %add3A_1054, %add3A_1055 : i32
              %get3A_1057 = arith.index_cast %add3A_1056 : i32 to index
              %get3A_1058 = arith.constant 128 : index
              %get3A_1059 = tpu.vector_load %arg7[%get3A_1057, %get3A_1058] {strides = array<i32>} : memref<160x256xf32, #tpu.memory_space<vmem>>, vector<16xf32>,
              %add3A_1060 = arith.addi %multiple_of3A_240, %mul3A_302 : i32
              %add3A_1061 = arith.constant 7 : i32
              %add3A_1062 = arith.addi %add3A_1060, %add3A_1061 : i32
              %get3A_1063 = arith.index_cast %add3A_1062 : i32 to index
              %get3A_1064 = arith.constant 128 : index
              %get3A_1065 = tpu.vector_load %arg7[%get3A_1063, %get3A_1064] {strides = array<i32>} : memref<160x256xf32, #tpu.memory_space<vmem>>, vector<16xf32>,
              %select_n3A_1066 = arith.select %broadcast_in_dim3A_322, %get3A_1023, %broadcast_in_dim3A_312 : vector<16xi1>, vector<16xf32>
              %select_n3A_1067 = arith.select %broadcast_in_dim3A_330, %get3A_1029, %broadcast_in_dim3A_312 : vector<16xi1>, vector<16xf32>
              %select_n3A_1068 = arith.select %broadcast_in_dim3A_338, %get3A_1035, %broadcast_in_dim3A_312 : vector<16xi1>, vector<16xf32>
              %select_n3A_1069 = arith.select %broadcast_in_dim3A_346, %get3A_1041, %broadcast_in_dim3A_312 : vector<16xi1>, vector<16xf32>
              %select_n3A_1070 = arith.select %broadcast_in_dim3A_354, %get3A_1047, %broadcast_in_dim3A_312 : vector<16xi1>, vector<16xf32>
              %select_n3A_1071 = arith.select %broadcast_in_dim3A_362, %get3A_1053, %broadcast_in_dim3A_312 : vector<16xi1>, vector<16xf32>
              %select_n3A_1072 = arith.select %broadcast_in_dim3A_370, %get3A_1059, %broadcast_in_dim3A_312 : vector<16xi1>, vector<16xf32>
              %select_n3A_1073 = arith.select %broadcast_in_dim3A_378, %get3A_1065, %broadcast_in_dim3A_312 : vector<16xi1>, vector<16xf32>
              %select_n3A_1074 = arith.select %broadcast_in_dim3A_322, %get3A_1023, %broadcast_in_dim3A_314 : vector<16xi1>, vector<16xf32>
              %select_n3A_1075 = arith.select %broadcast_in_dim3A_330, %get3A_1029, %broadcast_in_dim3A_314 : vector<16xi1>, vector<16xf32>
              %select_n3A_1076 = arith.select %broadcast_in_dim3A_338, %get3A_1035, %broadcast_in_dim3A_314 : vector<16xi1>, vector<16xf32>
              %select_n3A_1077 = arith.select %broadcast_in_dim3A_346, %get3A_1041, %broadcast_in_dim3A_314 : vector<16xi1>, vector<16xf32>
              %select_n3A_1078 = arith.select %broadcast_in_dim3A_354, %get3A_1047, %broadcast_in_dim3A_314 : vector<16xi1>, vector<16xf32>
              %select_n3A_1079 = arith.select %broadcast_in_dim3A_362, %get3A_1053, %broadcast_in_dim3A_314 : vector<16xi1>, vector<16xf32>
              %select_n3A_1080 = arith.select %broadcast_in_dim3A_370, %get3A_1059, %broadcast_in_dim3A_314 : vector<16xi1>, vector<16xf32>
              %select_n3A_1081 = arith.select %broadcast_in_dim3A_378, %get3A_1065, %broadcast_in_dim3A_314 : vector<16xi1>, vector<16xf32>
              %add3A_1082 = arith.addf %select_n3A_1066, %select_n3A_1067 : vector<16xf32>
              %add3A_1083 = arith.addf %select_n3A_1068, %select_n3A_1069 : vector<16xf32>
              %add3A_1084 = arith.addf %select_n3A_1070, %select_n3A_1071 : vector<16xf32>
              %add3A_1085 = arith.addf %select_n3A_1072, %select_n3A_1073 : vector<16xf32>
              %add3A_1086 = arith.addf %add3A_1082, %add3A_1083 : vector<16xf32>
              %add3A_1087 = arith.addf %add3A_1084, %add3A_1085 : vector<16xf32>
              %add3A_1088 = arith.addf %add3A_1086, %add3A_1087 : vector<16xf32>
              %add3A_1089 = arith.addf %scan3A_277, %add3A_1088 : vector<16xf32>
              %max3A_1090 = arith.maximumf %select_n3A_1074, %select_n3A_1075 : vector<16xf32>
              %max3A_1091 = arith.maximumf %select_n3A_1076, %select_n3A_1077 : vector<16xf32>
              %max3A_1092 = arith.maximumf %select_n3A_1078, %select_n3A_1079 : vector<16xf32>
              %max3A_1093 = arith.maximumf %select_n3A_1080, %select_n3A_1081 : vector<16xf32>
              %max3A_1094 = arith.maximumf %max3A_1090, %max3A_1091 : vector<16xf32>
              %max3A_1095 = arith.maximumf %max3A_1092, %max3A_1093 : vector<16xf32>
              %max3A_1096 = arith.maximumf %max3A_1094, %max3A_1095 : vector<16xf32>
              %max3A_1097 = arith.maximumf %scan3A_293, %max3A_1096 : vector<16xf32>
              %add3A_1098 = arith.addi %multiple_of3A_240, %mul3A_302 : i32
              %add3A_1099 = arith.constant 0 : i32
              %add3A_1100 = arith.addi %add3A_1098, %add3A_1099 : i32
              %get3A_1101 = arith.index_cast %add3A_1100 : i32 to index
              %get3A_1102 = arith.constant 144 : index
              %get3A_1103 = tpu.vector_load %arg7[%get3A_1101, %get3A_1102] {strides = array<i32>} : memref<160x256xf32, #tpu.memory_space<vmem>>, vector<16xf32>,
              %add3A_1104 = arith.addi %multiple_of3A_240, %mul3A_302 : i32
              %add3A_1105 = arith.constant 1 : i32
              %add3A_1106 = arith.addi %add3A_1104, %add3A_1105 : i32
              %get3A_1107 = arith.index_cast %add3A_1106 : i32 to index
              %get3A_1108 = arith.constant 144 : index
              %get3A_1109 = tpu.vector_load %arg7[%get3A_1107, %get3A_1108] {strides = array<i32>} : memref<160x256xf32, #tpu.memory_space<vmem>>, vector<16xf32>,
              %add3A_1110 = arith.addi %multiple_of3A_240, %mul3A_302 : i32
              %add3A_1111 = arith.constant 2 : i32
              %add3A_1112 = arith.addi %add3A_1110, %add3A_1111 : i32
              %get3A_1113 = arith.index_cast %add3A_1112 : i32 to index
              %get3A_1114 = arith.constant 144 : index
              %get3A_1115 = tpu.vector_load %arg7[%get3A_1113, %get3A_1114] {strides = array<i32>} : memref<160x256xf32, #tpu.memory_space<vmem>>, vector<16xf32>,
              %add3A_1116 = arith.addi %multiple_of3A_240, %mul3A_302 : i32
              %add3A_1117 = arith.constant 3 : i32
              %add3A_1118 = arith.addi %add3A_1116, %add3A_1117 : i32
              %get3A_1119 = arith.index_cast %add3A_1118 : i32 to index
              %get3A_1120 = arith.constant 144 : index
              %get3A_1121 = tpu.vector_load %arg7[%get3A_1119, %get3A_1120] {strides = array<i32>} : memref<160x256xf32, #tpu.memory_space<vmem>>, vector<16xf32>,
              %add3A_1122 = arith.addi %multiple_of3A_240, %mul3A_302 : i32
              %add3A_1123 = arith.constant 4 : i32
              %add3A_1124 = arith.addi %add3A_1122, %add3A_1123 : i32
              %get3A_1125 = arith.index_cast %add3A_1124 : i32 to index
              %get3A_1126 = arith.constant 144 : index
              %get3A_1127 = tpu.vector_load %arg7[%get3A_1125, %get3A_1126] {strides = array<i32>} : memref<160x256xf32, #tpu.memory_space<vmem>>, vector<16xf32>,
              %add3A_1128 = arith.addi %multiple_of3A_240, %mul3A_302 : i32
              %add3A_1129 = arith.constant 5 : i32
              %add3A_1130 = arith.addi %add3A_1128, %add3A_1129 : i32
              %get3A_1131 = arith.index_cast %add3A_1130 : i32 to index
              %get3A_1132 = arith.constant 144 : index
              %get3A_1133 = tpu.vector_load %arg7[%get3A_1131, %get3A_1132] {strides = array<i32>} : memref<160x256xf32, #tpu.memory_space<vmem>>, vector<16xf32>,
              %add3A_1134 = arith.addi %multiple_of3A_240, %mul3A_302 : i32
              %add3A_1135 = arith.constant 6 : i32
              %add3A_1136 = arith.addi %add3A_1134, %add3A_1135 : i32
              %get3A_1137 = arith.index_cast %add3A_1136 : i32 to index
              %get3A_1138 = arith.constant 144 : index
              %get3A_1139 = tpu.vector_load %arg7[%get3A_1137, %get3A_1138] {strides = array<i32>} : memref<160x256xf32, #tpu.memory_space<vmem>>, vector<16xf32>,
              %add3A_1140 = arith.addi %multiple_of3A_240, %mul3A_302 : i32
              %add3A_1141 = arith.constant 7 : i32
              %add3A_1142 = arith.addi %add3A_1140, %add3A_1141 : i32
              %get3A_1143 = arith.index_cast %add3A_1142 : i32 to index
              %get3A_1144 = arith.constant 144 : index
              %get3A_1145 = tpu.vector_load %arg7[%get3A_1143, %get3A_1144] {strides = array<i32>} : memref<160x256xf32, #tpu.memory_space<vmem>>, vector<16xf32>,
              %select_n3A_1146 = arith.select %broadcast_in_dim3A_322, %get3A_1103, %broadcast_in_dim3A_312 : vector<16xi1>, vector<16xf32>
              %select_n3A_1147 = arith.select %broadcast_in_dim3A_330, %get3A_1109, %broadcast_in_dim3A_312 : vector<16xi1>, vector<16xf32>
              %select_n3A_1148 = arith.select %broadcast_in_dim3A_338, %get3A_1115, %broadcast_in_dim3A_312 : vector<16xi1>, vector<16xf32>
              %select_n3A_1149 = arith.select %broadcast_in_dim3A_346, %get3A_1121, %broadcast_in_dim3A_312 : vector<16xi1>, vector<16xf32>
              %select_n3A_1150 = arith.select %broadcast_in_dim3A_354, %get3A_1127, %broadcast_in_dim3A_312 : vector<16xi1>, vector<16xf32>
              %select_n3A_1151 = arith.select %broadcast_in_dim3A_362, %get3A_1133, %broadcast_in_dim3A_312 : vector<16xi1>, vector<16xf32>
              %select_n3A_1152 = arith.select %broadcast_in_dim3A_370, %get3A_1139, %broadcast_in_dim3A_312 : vector<16xi1>, vector<16xf32>
              %select_n3A_1153 = arith.select %broadcast_in_dim3A_378, %get3A_1145, %broadcast_in_dim3A_312 : vector<16xi1>, vector<16xf32>
              %select_n3A_1154 = arith.select %broadcast_in_dim3A_322, %get3A_1103, %broadcast_in_dim3A_314 : vector<16xi1>, vector<16xf32>
              %select_n3A_1155 = arith.select %broadcast_in_dim3A_330, %get3A_1109, %broadcast_in_dim3A_314 : vector<16xi1>, vector<16xf32>
              %select_n3A_1156 = arith.select %broadcast_in_dim3A_338, %get3A_1115, %broadcast_in_dim3A_314 : vector<16xi1>, vector<16xf32>
              %select_n3A_1157 = arith.select %broadcast_in_dim3A_346, %get3A_1121, %broadcast_in_dim3A_314 : vector<16xi1>, vector<16xf32>
              %select_n3A_1158 = arith.select %broadcast_in_dim3A_354, %get3A_1127, %broadcast_in_dim3A_314 : vector<16xi1>, vector<16xf32>
              %select_n3A_1159 = arith.select %broadcast_in_dim3A_362, %get3A_1133, %broadcast_in_dim3A_314 : vector<16xi1>, vector<16xf32>
              %select_n3A_1160 = arith.select %broadcast_in_dim3A_370, %get3A_1139, %broadcast_in_dim3A_314 : vector<16xi1>, vector<16xf32>
              %select_n3A_1161 = arith.select %broadcast_in_dim3A_378, %get3A_1145, %broadcast_in_dim3A_314 : vector<16xi1>, vector<16xf32>
              %add3A_1162 = arith.addf %select_n3A_1146, %select_n3A_1147 : vector<16xf32>
              %add3A_1163 = arith.addf %select_n3A_1148, %select_n3A_1149 : vector<16xf32>
              %add3A_1164 = arith.addf %select_n3A_1150, %select_n3A_1151 : vector<16xf32>
              %add3A_1165 = arith.addf %select_n3A_1152, %select_n3A_1153 : vector<16xf32>
              %add3A_1166 = arith.addf %add3A_1162, %add3A_1163 : vector<16xf32>
              %add3A_1167 = arith.addf %add3A_1164, %add3A_1165 : vector<16xf32>
              %add3A_1168 = arith.addf %add3A_1166, %add3A_1167 : vector<16xf32>
              %add3A_1169 = arith.addf %scan3A_278, %add3A_1168 : vector<16xf32>
              %max3A_1170 = arith.maximumf %select_n3A_1154, %select_n3A_1155 : vector<16xf32>
              %max3A_1171 = arith.maximumf %select_n3A_1156, %select_n3A_1157 : vector<16xf32>
              %max3A_1172 = arith.maximumf %select_n3A_1158, %select_n3A_1159 : vector<16xf32>
              %max3A_1173 = arith.maximumf %select_n3A_1160, %select_n3A_1161 : vector<16xf32>
              %max3A_1174 = arith.maximumf %max3A_1170, %max3A_1171 : vector<16xf32>
              %max3A_1175 = arith.maximumf %max3A_1172, %max3A_1173 : vector<16xf32>
              %max3A_1176 = arith.maximumf %max3A_1174, %max3A_1175 : vector<16xf32>
              %max3A_1177 = arith.maximumf %scan3A_294, %max3A_1176 : vector<16xf32>
              %add3A_1178 = arith.addi %multiple_of3A_240, %mul3A_302 : i32
              %add3A_1179 = arith.constant 0 : i32
              %add3A_1180 = arith.addi %add3A_1178, %add3A_1179 : i32
              %get3A_1181 = arith.index_cast %add3A_1180 : i32 to index
              %get3A_1182 = arith.constant 160 : index
              %get3A_1183 = tpu.vector_load %arg7[%get3A_1181, %get3A_1182] {strides = array<i32>} : memref<160x256xf32, #tpu.memory_space<vmem>>, vector<16xf32>,
              %add3A_1184 = arith.addi %multiple_of3A_240, %mul3A_302 : i32
              %add3A_1185 = arith.constant 1 : i32
              %add3A_1186 = arith.addi %add3A_1184, %add3A_1185 : i32
              %get3A_1187 = arith.index_cast %add3A_1186 : i32 to index
              %get3A_1188 = arith.constant 160 : index
              %get3A_1189 = tpu.vector_load %arg7[%get3A_1187, %get3A_1188] {strides = array<i32>} : memref<160x256xf32, #tpu.memory_space<vmem>>, vector<16xf32>,
              %add3A_1190 = arith.addi %multiple_of3A_240, %mul3A_302 : i32
              %add3A_1191 = arith.constant 2 : i32
              %add3A_1192 = arith.addi %add3A_1190, %add3A_1191 : i32
              %get3A_1193 = arith.index_cast %add3A_1192 : i32 to index
              %get3A_1194 = arith.constant 160 : index
              %get3A_1195 = tpu.vector_load %arg7[%get3A_1193, %get3A_1194] {strides = array<i32>} : memref<160x256xf32, #tpu.memory_space<vmem>>, vector<16xf32>,
              %add3A_1196 = arith.addi %multiple_of3A_240, %mul3A_302 : i32
              %add3A_1197 = arith.constant 3 : i32
              %add3A_1198 = arith.addi %add3A_1196, %add3A_1197 : i32
              %get3A_1199 = arith.index_cast %add3A_1198 : i32 to index
              %get3A_1200 = arith.constant 160 : index
              %get3A_1201 = tpu.vector_load %arg7[%get3A_1199, %get3A_1200] {strides = array<i32>} : memref<160x256xf32, #tpu.memory_space<vmem>>, vector<16xf32>,
              %add3A_1202 = arith.addi %multiple_of3A_240, %mul3A_302 : i32
              %add3A_1203 = arith.constant 4 : i32
              %add3A_1204 = arith.addi %add3A_1202, %add3A_1203 : i32
              %get3A_1205 = arith.index_cast %add3A_1204 : i32 to index
              %get3A_1206 = arith.constant 160 : index
              %get3A_1207 = tpu.vector_load %arg7[%get3A_1205, %get3A_1206] {strides = array<i32>} : memref<160x256xf32, #tpu.memory_space<vmem>>, vector<16xf32>,
              %add3A_1208 = arith.addi %multiple_of3A_240, %mul3A_302 : i32
              %add3A_1209 = arith.constant 5 : i32
              %add3A_1210 = arith.addi %add3A_1208, %add3A_1209 : i32
              %get3A_1211 = arith.index_cast %add3A_1210 : i32 to index
              %get3A_1212 = arith.constant 160 : index
              %get3A_1213 = tpu.vector_load %arg7[%get3A_1211, %get3A_1212] {strides = array<i32>} : memref<160x256xf32, #tpu.memory_space<vmem>>, vector<16xf32>,
              %add3A_1214 = arith.addi %multiple_of3A_240, %mul3A_302 : i32
              %add3A_1215 = arith.constant 6 : i32
              %add3A_1216 = arith.addi %add3A_1214, %add3A_1215 : i32
              %get3A_1217 = arith.index_cast %add3A_1216 : i32 to index
              %get3A_1218 = arith.constant 160 : index
              %get3A_1219 = tpu.vector_load %arg7[%get3A_1217, %get3A_1218] {strides = array<i32>} : memref<160x256xf32, #tpu.memory_space<vmem>>, vector<16xf32>,
              %add3A_1220 = arith.addi %multiple_of3A_240, %mul3A_302 : i32
              %add3A_1221 = arith.constant 7 : i32
              %add3A_1222 = arith.addi %add3A_1220, %add3A_1221 : i32
              %get3A_1223 = arith.index_cast %add3A_1222 : i32 to index
              %get3A_1224 = arith.constant 160 : index
              %get3A_1225 = tpu.vector_load %arg7[%get3A_1223, %get3A_1224] {strides = array<i32>} : memref<160x256xf32, #tpu.memory_space<vmem>>, vector<16xf32>,
              %select_n3A_1226 = arith.select %broadcast_in_dim3A_322, %get3A_1183, %broadcast_in_dim3A_312 : vector<16xi1>, vector<16xf32>
              %select_n3A_1227 = arith.select %broadcast_in_dim3A_330, %get3A_1189, %broadcast_in_dim3A_312 : vector<16xi1>, vector<16xf32>
              %select_n3A_1228 = arith.select %broadcast_in_dim3A_338, %get3A_1195, %broadcast_in_dim3A_312 : vector<16xi1>, vector<16xf32>
              %select_n3A_1229 = arith.select %broadcast_in_dim3A_346, %get3A_1201, %broadcast_in_dim3A_312 : vector<16xi1>, vector<16xf32>
              %select_n3A_1230 = arith.select %broadcast_in_dim3A_354, %get3A_1207, %broadcast_in_dim3A_312 : vector<16xi1>, vector<16xf32>
              %select_n3A_1231 = arith.select %broadcast_in_dim3A_362, %get3A_1213, %broadcast_in_dim3A_312 : vector<16xi1>, vector<16xf32>
              %select_n3A_1232 = arith.select %broadcast_in_dim3A_370, %get3A_1219, %broadcast_in_dim3A_312 : vector<16xi1>, vector<16xf32>
              %select_n3A_1233 = arith.select %broadcast_in_dim3A_378, %get3A_1225, %broadcast_in_dim3A_312 : vector<16xi1>, vector<16xf32>
              %select_n3A_1234 = arith.select %broadcast_in_dim3A_322, %get3A_1183, %broadcast_in_dim3A_314 : vector<16xi1>, vector<16xf32>
              %select_n3A_1235 = arith.select %broadcast_in_dim3A_330, %get3A_1189, %broadcast_in_dim3A_314 : vector<16xi1>, vector<16xf32>
              %select_n3A_1236 = arith.select %broadcast_in_dim3A_338, %get3A_1195, %broadcast_in_dim3A_314 : vector<16xi1>, vector<16xf32>
              %select_n3A_1237 = arith.select %broadcast_in_dim3A_346, %get3A_1201, %broadcast_in_dim3A_314 : vector<16xi1>, vector<16xf32>
              %select_n3A_1238 = arith.select %broadcast_in_dim3A_354, %get3A_1207, %broadcast_in_dim3A_314 : vector<16xi1>, vector<16xf32>
              %select_n3A_1239 = arith.select %broadcast_in_dim3A_362, %get3A_1213, %broadcast_in_dim3A_314 : vector<16xi1>, vector<16xf32>
              %select_n3A_1240 = arith.select %broadcast_in_dim3A_370, %get3A_1219, %broadcast_in_dim3A_314 : vector<16xi1>, vector<16xf32>
              %select_n3A_1241 = arith.select %broadcast_in_dim3A_378, %get3A_1225, %broadcast_in_dim3A_314 : vector<16xi1>, vector<16xf32>
              %add3A_1242 = arith.addf %select_n3A_1226, %select_n3A_1227 : vector<16xf32>
              %add3A_1243 = arith.addf %select_n3A_1228, %select_n3A_1229 : vector<16xf32>
              %add3A_1244 = arith.addf %select_n3A_1230, %select_n3A_1231 : vector<16xf32>
              %add3A_1245 = arith.addf %select_n3A_1232, %select_n3A_1233 : vector<16xf32>
              %add3A_1246 = arith.addf %add3A_1242, %add3A_1243 : vector<16xf32>
              %add3A_1247 = arith.addf %add3A_1244, %add3A_1245 : vector<16xf32>
              %add3A_1248 = arith.addf %add3A_1246, %add3A_1247 : vector<16xf32>
              %add3A_1249 = arith.addf %scan3A_279, %add3A_1248 : vector<16xf32>
              %max3A_1250 = arith.maximumf %select_n3A_1234, %select_n3A_1235 : vector<16xf32>
              %max3A_1251 = arith.maximumf %select_n3A_1236, %select_n3A_1237 : vector<16xf32>
              %max3A_1252 = arith.maximumf %select_n3A_1238, %select_n3A_1239 : vector<16xf32>
              %max3A_1253 = arith.maximumf %select_n3A_1240, %select_n3A_1241 : vector<16xf32>
              %max3A_1254 = arith.maximumf %max3A_1250, %max3A_1251 : vector<16xf32>
              %max3A_1255 = arith.maximumf %max3A_1252, %max3A_1253 : vector<16xf32>
              %max3A_1256 = arith.maximumf %max3A_1254, %max3A_1255 : vector<16xf32>
              %max3A_1257 = arith.maximumf %scan3A_295, %max3A_1256 : vector<16xf32>
              %add3A_1258 = arith.addi %multiple_of3A_240, %mul3A_302 : i32
              %add3A_1259 = arith.constant 0 : i32
              %add3A_1260 = arith.addi %add3A_1258, %add3A_1259 : i32
              %get3A_1261 = arith.index_cast %add3A_1260 : i32 to index
              %get3A_1262 = arith.constant 176 : index
              %get3A_1263 = tpu.vector_load %arg7[%get3A_1261, %get3A_1262] {strides = array<i32>} : memref<160x256xf32, #tpu.memory_space<vmem>>, vector<16xf32>,
              %add3A_1264 = arith.addi %multiple_of3A_240, %mul3A_302 : i32
              %add3A_1265 = arith.constant 1 : i32
              %add3A_1266 = arith.addi %add3A_1264, %add3A_1265 : i32
              %get3A_1267 = arith.index_cast %add3A_1266 : i32 to index
              %get3A_1268 = arith.constant 176 : index
              %get3A_1269 = tpu.vector_load %arg7[%get3A_1267, %get3A_1268] {strides = array<i32>} : memref<160x256xf32, #tpu.memory_space<vmem>>, vector<16xf32>,
              %add3A_1270 = arith.addi %multiple_of3A_240, %mul3A_302 : i32
              %add3A_1271 = arith.constant 2 : i32
              %add3A_1272 = arith.addi %add3A_1270, %add3A_1271 : i32
              %get3A_1273 = arith.index_cast %add3A_1272 : i32 to index
              %get3A_1274 = arith.constant 176 : index
              %get3A_1275 = tpu.vector_load %arg7[%get3A_1273, %get3A_1274] {strides = array<i32>} : memref<160x256xf32, #tpu.memory_space<vmem>>, vector<16xf32>,
              %add3A_1276 = arith.addi %multiple_of3A_240, %mul3A_302 : i32
              %add3A_1277 = arith.constant 3 : i32
              %add3A_1278 = arith.addi %add3A_1276, %add3A_1277 : i32
              %get3A_1279 = arith.index_cast %add3A_1278 : i32 to index
              %get3A_1280 = arith.constant 176 : index
              %get3A_1281 = tpu.vector_load %arg7[%get3A_1279, %get3A_1280] {strides = array<i32>} : memref<160x256xf32, #tpu.memory_space<vmem>>, vector<16xf32>,
              %add3A_1282 = arith.addi %multiple_of3A_240, %mul3A_302 : i32
              %add3A_1283 = arith.constant 4 : i32
              %add3A_1284 = arith.addi %add3A_1282, %add3A_1283 : i32
              %get3A_1285 = arith.index_cast %add3A_1284 : i32 to index
              %get3A_1286 = arith.constant 176 : index
              %get3A_1287 = tpu.vector_load %arg7[%get3A_1285, %get3A_1286] {strides = array<i32>} : memref<160x256xf32, #tpu.memory_space<vmem>>, vector<16xf32>,
              %add3A_1288 = arith.addi %multiple_of3A_240, %mul3A_302 : i32
              %add3A_1289 = arith.constant 5 : i32
              %add3A_1290 = arith.addi %add3A_1288, %add3A_1289 : i32
              %get3A_1291 = arith.index_cast %add3A_1290 : i32 to index
              %get3A_1292 = arith.constant 176 : index
              %get3A_1293 = tpu.vector_load %arg7[%get3A_1291, %get3A_1292] {strides = array<i32>} : memref<160x256xf32, #tpu.memory_space<vmem>>, vector<16xf32>,
              %add3A_1294 = arith.addi %multiple_of3A_240, %mul3A_302 : i32
              %add3A_1295 = arith.constant 6 : i32
              %add3A_1296 = arith.addi %add3A_1294, %add3A_1295 : i32
              %get3A_1297 = arith.index_cast %add3A_1296 : i32 to index
              %get3A_1298 = arith.constant 176 : index
              %get3A_1299 = tpu.vector_load %arg7[%get3A_1297, %get3A_1298] {strides = array<i32>} : memref<160x256xf32, #tpu.memory_space<vmem>>, vector<16xf32>,
              %add3A_1300 = arith.addi %multiple_of3A_240, %mul3A_302 : i32
              %add3A_1301 = arith.constant 7 : i32
              %add3A_1302 = arith.addi %add3A_1300, %add3A_1301 : i32
              %get3A_1303 = arith.index_cast %add3A_1302 : i32 to index
              %get3A_1304 = arith.constant 176 : index
              %get3A_1305 = tpu.vector_load %arg7[%get3A_1303, %get3A_1304] {strides = array<i32>} : memref<160x256xf32, #tpu.memory_space<vmem>>, vector<16xf32>,
              %select_n3A_1306 = arith.select %broadcast_in_dim3A_322, %get3A_1263, %broadcast_in_dim3A_312 : vector<16xi1>, vector<16xf32>
              %select_n3A_1307 = arith.select %broadcast_in_dim3A_330, %get3A_1269, %broadcast_in_dim3A_312 : vector<16xi1>, vector<16xf32>
              %select_n3A_1308 = arith.select %broadcast_in_dim3A_338, %get3A_1275, %broadcast_in_dim3A_312 : vector<16xi1>, vector<16xf32>
              %select_n3A_1309 = arith.select %broadcast_in_dim3A_346, %get3A_1281, %broadcast_in_dim3A_312 : vector<16xi1>, vector<16xf32>
              %select_n3A_1310 = arith.select %broadcast_in_dim3A_354, %get3A_1287, %broadcast_in_dim3A_312 : vector<16xi1>, vector<16xf32>
              %select_n3A_1311 = arith.select %broadcast_in_dim3A_362, %get3A_1293, %broadcast_in_dim3A_312 : vector<16xi1>, vector<16xf32>
              %select_n3A_1312 = arith.select %broadcast_in_dim3A_370, %get3A_1299, %broadcast_in_dim3A_312 : vector<16xi1>, vector<16xf32>
              %select_n3A_1313 = arith.select %broadcast_in_dim3A_378, %get3A_1305, %broadcast_in_dim3A_312 : vector<16xi1>, vector<16xf32>
              %select_n3A_1314 = arith.select %broadcast_in_dim3A_322, %get3A_1263, %broadcast_in_dim3A_314 : vector<16xi1>, vector<16xf32>
              %select_n3A_1315 = arith.select %broadcast_in_dim3A_330, %get3A_1269, %broadcast_in_dim3A_314 : vector<16xi1>, vector<16xf32>
              %select_n3A_1316 = arith.select %broadcast_in_dim3A_338, %get3A_1275, %broadcast_in_dim3A_314 : vector<16xi1>, vector<16xf32>
              %select_n3A_1317 = arith.select %broadcast_in_dim3A_346, %get3A_1281, %broadcast_in_dim3A_314 : vector<16xi1>, vector<16xf32>
              %select_n3A_1318 = arith.select %broadcast_in_dim3A_354, %get3A_1287, %broadcast_in_dim3A_314 : vector<16xi1>, vector<16xf32>
              %select_n3A_1319 = arith.select %broadcast_in_dim3A_362, %get3A_1293, %broadcast_in_dim3A_314 : vector<16xi1>, vector<16xf32>
              %select_n3A_1320 = arith.select %broadcast_in_dim3A_370, %get3A_1299, %broadcast_in_dim3A_314 : vector<16xi1>, vector<16xf32>
              %select_n3A_1321 = arith.select %broadcast_in_dim3A_378, %get3A_1305, %broadcast_in_dim3A_314 : vector<16xi1>, vector<16xf32>
              %add3A_1322 = arith.addf %select_n3A_1306, %select_n3A_1307 : vector<16xf32>
              %add3A_1323 = arith.addf %select_n3A_1308, %select_n3A_1309 : vector<16xf32>
              %add3A_1324 = arith.addf %select_n3A_1310, %select_n3A_1311 : vector<16xf32>
              %add3A_1325 = arith.addf %select_n3A_1312, %select_n3A_1313 : vector<16xf32>
              %add3A_1326 = arith.addf %add3A_1322, %add3A_1323 : vector<16xf32>
              %add3A_1327 = arith.addf %add3A_1324, %add3A_1325 : vector<16xf32>
              %add3A_1328 = arith.addf %add3A_1326, %add3A_1327 : vector<16xf32>
              %add3A_1329 = arith.addf %scan3A_280, %add3A_1328 : vector<16xf32>
              %max3A_1330 = arith.maximumf %select_n3A_1314, %select_n3A_1315 : vector<16xf32>
              %max3A_1331 = arith.maximumf %select_n3A_1316, %select_n3A_1317 : vector<16xf32>
              %max3A_1332 = arith.maximumf %select_n3A_1318, %select_n3A_1319 : vector<16xf32>
              %max3A_1333 = arith.maximumf %select_n3A_1320, %select_n3A_1321 : vector<16xf32>
              %max3A_1334 = arith.maximumf %max3A_1330, %max3A_1331 : vector<16xf32>
              %max3A_1335 = arith.maximumf %max3A_1332, %max3A_1333 : vector<16xf32>
              %max3A_1336 = arith.maximumf %max3A_1334, %max3A_1335 : vector<16xf32>
              %max3A_1337 = arith.maximumf %scan3A_296, %max3A_1336 : vector<16xf32>
              %add3A_1338 = arith.addi %multiple_of3A_240, %mul3A_302 : i32
              %add3A_1339 = arith.constant 0 : i32
              %add3A_1340 = arith.addi %add3A_1338, %add3A_1339 : i32
              %get3A_1341 = arith.index_cast %add3A_1340 : i32 to index
              %get3A_1342 = arith.constant 192 : index
              %get3A_1343 = tpu.vector_load %arg7[%get3A_1341, %get3A_1342] {strides = array<i32>} : memref<160x256xf32, #tpu.memory_space<vmem>>, vector<16xf32>,
              %add3A_1344 = arith.addi %multiple_of3A_240, %mul3A_302 : i32
              %add3A_1345 = arith.constant 1 : i32
              %add3A_1346 = arith.addi %add3A_1344, %add3A_1345 : i32
              %get3A_1347 = arith.index_cast %add3A_1346 : i32 to index
              %get3A_1348 = arith.constant 192 : index
              %get3A_1349 = tpu.vector_load %arg7[%get3A_1347, %get3A_1348] {strides = array<i32>} : memref<160x256xf32, #tpu.memory_space<vmem>>, vector<16xf32>,
              %add3A_1350 = arith.addi %multiple_of3A_240, %mul3A_302 : i32
              %add3A_1351 = arith.constant 2 : i32
              %add3A_1352 = arith.addi %add3A_1350, %add3A_1351 : i32
              %get3A_1353 = arith.index_cast %add3A_1352 : i32 to index
              %get3A_1354 = arith.constant 192 : index
              %get3A_1355 = tpu.vector_load %arg7[%get3A_1353, %get3A_1354] {strides = array<i32>} : memref<160x256xf32, #tpu.memory_space<vmem>>, vector<16xf32>,
              %add3A_1356 = arith.addi %multiple_of3A_240, %mul3A_302 : i32
              %add3A_1357 = arith.constant 3 : i32
              %add3A_1358 = arith.addi %add3A_1356, %add3A_1357 : i32
              %get3A_1359 = arith.index_cast %add3A_1358 : i32 to index
              %get3A_1360 = arith.constant 192 : index
              %get3A_1361 = tpu.vector_load %arg7[%get3A_1359, %get3A_1360] {strides = array<i32>} : memref<160x256xf32, #tpu.memory_space<vmem>>, vector<16xf32>,
              %add3A_1362 = arith.addi %multiple_of3A_240, %mul3A_302 : i32
              %add3A_1363 = arith.constant 4 : i32
              %add3A_1364 = arith.addi %add3A_1362, %add3A_1363 : i32
              %get3A_1365 = arith.index_cast %add3A_1364 : i32 to index
              %get3A_1366 = arith.constant 192 : index
              %get3A_1367 = tpu.vector_load %arg7[%get3A_1365, %get3A_1366] {strides = array<i32>} : memref<160x256xf32, #tpu.memory_space<vmem>>, vector<16xf32>,
              %add3A_1368 = arith.addi %multiple_of3A_240, %mul3A_302 : i32
              %add3A_1369 = arith.constant 5 : i32
              %add3A_1370 = arith.addi %add3A_1368, %add3A_1369 : i32
              %get3A_1371 = arith.index_cast %add3A_1370 : i32 to index
              %get3A_1372 = arith.constant 192 : index
              %get3A_1373 = tpu.vector_load %arg7[%get3A_1371, %get3A_1372] {strides = array<i32>} : memref<160x256xf32, #tpu.memory_space<vmem>>, vector<16xf32>,
              %add3A_1374 = arith.addi %multiple_of3A_240, %mul3A_302 : i32
              %add3A_1375 = arith.constant 6 : i32
              %add3A_1376 = arith.addi %add3A_1374, %add3A_1375 : i32
              %get3A_1377 = arith.index_cast %add3A_1376 : i32 to index
              %get3A_1378 = arith.constant 192 : index
              %get3A_1379 = tpu.vector_load %arg7[%get3A_1377, %get3A_1378] {strides = array<i32>} : memref<160x256xf32, #tpu.memory_space<vmem>>, vector<16xf32>,
              %add3A_1380 = arith.addi %multiple_of3A_240, %mul3A_302 : i32
              %add3A_1381 = arith.constant 7 : i32
              %add3A_1382 = arith.addi %add3A_1380, %add3A_1381 : i32
              %get3A_1383 = arith.index_cast %add3A_1382 : i32 to index
              %get3A_1384 = arith.constant 192 : index
              %get3A_1385 = tpu.vector_load %arg7[%get3A_1383, %get3A_1384] {strides = array<i32>} : memref<160x256xf32, #tpu.memory_space<vmem>>, vector<16xf32>,
              %select_n3A_1386 = arith.select %broadcast_in_dim3A_322, %get3A_1343, %broadcast_in_dim3A_312 : vector<16xi1>, vector<16xf32>
              %select_n3A_1387 = arith.select %broadcast_in_dim3A_330, %get3A_1349, %broadcast_in_dim3A_312 : vector<16xi1>, vector<16xf32>
              %select_n3A_1388 = arith.select %broadcast_in_dim3A_338, %get3A_1355, %broadcast_in_dim3A_312 : vector<16xi1>, vector<16xf32>
              %select_n3A_1389 = arith.select %broadcast_in_dim3A_346, %get3A_1361, %broadcast_in_dim3A_312 : vector<16xi1>, vector<16xf32>
              %select_n3A_1390 = arith.select %broadcast_in_dim3A_354, %get3A_1367, %broadcast_in_dim3A_312 : vector<16xi1>, vector<16xf32>
              %select_n3A_1391 = arith.select %broadcast_in_dim3A_362, %get3A_1373, %broadcast_in_dim3A_312 : vector<16xi1>, vector<16xf32>
              %select_n3A_1392 = arith.select %broadcast_in_dim3A_370, %get3A_1379, %broadcast_in_dim3A_312 : vector<16xi1>, vector<16xf32>
              %select_n3A_1393 = arith.select %broadcast_in_dim3A_378, %get3A_1385, %broadcast_in_dim3A_312 : vector<16xi1>, vector<16xf32>
              %select_n3A_1394 = arith.select %broadcast_in_dim3A_322, %get3A_1343, %broadcast_in_dim3A_314 : vector<16xi1>, vector<16xf32>
              %select_n3A_1395 = arith.select %broadcast_in_dim3A_330, %get3A_1349, %broadcast_in_dim3A_314 : vector<16xi1>, vector<16xf32>
              %select_n3A_1396 = arith.select %broadcast_in_dim3A_338, %get3A_1355, %broadcast_in_dim3A_314 : vector<16xi1>, vector<16xf32>
              %select_n3A_1397 = arith.select %broadcast_in_dim3A_346, %get3A_1361, %broadcast_in_dim3A_314 : vector<16xi1>, vector<16xf32>
              %select_n3A_1398 = arith.select %broadcast_in_dim3A_354, %get3A_1367, %broadcast_in_dim3A_314 : vector<16xi1>, vector<16xf32>
              %select_n3A_1399 = arith.select %broadcast_in_dim3A_362, %get3A_1373, %broadcast_in_dim3A_314 : vector<16xi1>, vector<16xf32>
              %select_n3A_1400 = arith.select %broadcast_in_dim3A_370, %get3A_1379, %broadcast_in_dim3A_314 : vector<16xi1>, vector<16xf32>
              %select_n3A_1401 = arith.select %broadcast_in_dim3A_378, %get3A_1385, %broadcast_in_dim3A_314 : vector<16xi1>, vector<16xf32>
              %add3A_1402 = arith.addf %select_n3A_1386, %select_n3A_1387 : vector<16xf32>
              %add3A_1403 = arith.addf %select_n3A_1388, %select_n3A_1389 : vector<16xf32>
              %add3A_1404 = arith.addf %select_n3A_1390, %select_n3A_1391 : vector<16xf32>
              %add3A_1405 = arith.addf %select_n3A_1392, %select_n3A_1393 : vector<16xf32>
              %add3A_1406 = arith.addf %add3A_1402, %add3A_1403 : vector<16xf32>
              %add3A_1407 = arith.addf %add3A_1404, %add3A_1405 : vector<16xf32>
              %add3A_1408 = arith.addf %add3A_1406, %add3A_1407 : vector<16xf32>
              %add3A_1409 = arith.addf %scan3A_281, %add3A_1408 : vector<16xf32>
              %max3A_1410 = arith.maximumf %select_n3A_1394, %select_n3A_1395 : vector<16xf32>
              %max3A_1411 = arith.maximumf %select_n3A_1396, %select_n3A_1397 : vector<16xf32>
              %max3A_1412 = arith.maximumf %select_n3A_1398, %select_n3A_1399 : vector<16xf32>
              %max3A_1413 = arith.maximumf %select_n3A_1400, %select_n3A_1401 : vector<16xf32>
              %max3A_1414 = arith.maximumf %max3A_1410, %max3A_1411 : vector<16xf32>
              %max3A_1415 = arith.maximumf %max3A_1412, %max3A_1413 : vector<16xf32>
              %max3A_1416 = arith.maximumf %max3A_1414, %max3A_1415 : vector<16xf32>
              %max3A_1417 = arith.maximumf %scan3A_297, %max3A_1416 : vector<16xf32>
              %add3A_1418 = arith.addi %multiple_of3A_240, %mul3A_302 : i32
              %add3A_1419 = arith.constant 0 : i32
              %add3A_1420 = arith.addi %add3A_1418, %add3A_1419 : i32
              %get3A_1421 = arith.index_cast %add3A_1420 : i32 to index
              %get3A_1422 = arith.constant 208 : index
              %get3A_1423 = tpu.vector_load %arg7[%get3A_1421, %get3A_1422] {strides = array<i32>} : memref<160x256xf32, #tpu.memory_space<vmem>>, vector<16xf32>,
              %add3A_1424 = arith.addi %multiple_of3A_240, %mul3A_302 : i32
              %add3A_1425 = arith.constant 1 : i32
              %add3A_1426 = arith.addi %add3A_1424, %add3A_1425 : i32
              %get3A_1427 = arith.index_cast %add3A_1426 : i32 to index
              %get3A_1428 = arith.constant 208 : index
              %get3A_1429 = tpu.vector_load %arg7[%get3A_1427, %get3A_1428] {strides = array<i32>} : memref<160x256xf32, #tpu.memory_space<vmem>>, vector<16xf32>,
              %add3A_1430 = arith.addi %multiple_of3A_240, %mul3A_302 : i32
              %add3A_1431 = arith.constant 2 : i32
              %add3A_1432 = arith.addi %add3A_1430, %add3A_1431 : i32
              %get3A_1433 = arith.index_cast %add3A_1432 : i32 to index
              %get3A_1434 = arith.constant 208 : index
              %get3A_1435 = tpu.vector_load %arg7[%get3A_1433, %get3A_1434] {strides = array<i32>} : memref<160x256xf32, #tpu.memory_space<vmem>>, vector<16xf32>,
              %add3A_1436 = arith.addi %multiple_of3A_240, %mul3A_302 : i32
              %add3A_1437 = arith.constant 3 : i32
              %add3A_1438 = arith.addi %add3A_1436, %add3A_1437 : i32
              %get3A_1439 = arith.index_cast %add3A_1438 : i32 to index
              %get3A_1440 = arith.constant 208 : index
              %get3A_1441 = tpu.vector_load %arg7[%get3A_1439, %get3A_1440] {strides = array<i32>} : memref<160x256xf32, #tpu.memory_space<vmem>>, vector<16xf32>,
              %add3A_1442 = arith.addi %multiple_of3A_240, %mul3A_302 : i32
              %add3A_1443 = arith.constant 4 : i32
              %add3A_1444 = arith.addi %add3A_1442, %add3A_1443 : i32
              %get3A_1445 = arith.index_cast %add3A_1444 : i32 to index
              %get3A_1446 = arith.constant 208 : index
              %get3A_1447 = tpu.vector_load %arg7[%get3A_1445, %get3A_1446] {strides = array<i32>} : memref<160x256xf32, #tpu.memory_space<vmem>>, vector<16xf32>,
              %add3A_1448 = arith.addi %multiple_of3A_240, %mul3A_302 : i32
              %add3A_1449 = arith.constant 5 : i32
              %add3A_1450 = arith.addi %add3A_1448, %add3A_1449 : i32
              %get3A_1451 = arith.index_cast %add3A_1450 : i32 to index
              %get3A_1452 = arith.constant 208 : index
              %get3A_1453 = tpu.vector_load %arg7[%get3A_1451, %get3A_1452] {strides = array<i32>} : memref<160x256xf32, #tpu.memory_space<vmem>>, vector<16xf32>,
              %add3A_1454 = arith.addi %multiple_of3A_240, %mul3A_302 : i32
              %add3A_1455 = arith.constant 6 : i32
              %add3A_1456 = arith.addi %add3A_1454, %add3A_1455 : i32
              %get3A_1457 = arith.index_cast %add3A_1456 : i32 to index
              %get3A_1458 = arith.constant 208 : index
              %get3A_1459 = tpu.vector_load %arg7[%get3A_1457, %get3A_1458] {strides = array<i32>} : memref<160x256xf32, #tpu.memory_space<vmem>>, vector<16xf32>,
              %add3A_1460 = arith.addi %multiple_of3A_240, %mul3A_302 : i32
              %add3A_1461 = arith.constant 7 : i32
              %add3A_1462 = arith.addi %add3A_1460, %add3A_1461 : i32
              %get3A_1463 = arith.index_cast %add3A_1462 : i32 to index
              %get3A_1464 = arith.constant 208 : index
              %get3A_1465 = tpu.vector_load %arg7[%get3A_1463, %get3A_1464] {strides = array<i32>} : memref<160x256xf32, #tpu.memory_space<vmem>>, vector<16xf32>,
              %select_n3A_1466 = arith.select %broadcast_in_dim3A_322, %get3A_1423, %broadcast_in_dim3A_312 : vector<16xi1>, vector<16xf32>
              %select_n3A_1467 = arith.select %broadcast_in_dim3A_330, %get3A_1429, %broadcast_in_dim3A_312 : vector<16xi1>, vector<16xf32>
              %select_n3A_1468 = arith.select %broadcast_in_dim3A_338, %get3A_1435, %broadcast_in_dim3A_312 : vector<16xi1>, vector<16xf32>
              %select_n3A_1469 = arith.select %broadcast_in_dim3A_346, %get3A_1441, %broadcast_in_dim3A_312 : vector<16xi1>, vector<16xf32>
              %select_n3A_1470 = arith.select %broadcast_in_dim3A_354, %get3A_1447, %broadcast_in_dim3A_312 : vector<16xi1>, vector<16xf32>
              %select_n3A_1471 = arith.select %broadcast_in_dim3A_362, %get3A_1453, %broadcast_in_dim3A_312 : vector<16xi1>, vector<16xf32>
              %select_n3A_1472 = arith.select %broadcast_in_dim3A_370, %get3A_1459, %broadcast_in_dim3A_312 : vector<16xi1>, vector<16xf32>
              %select_n3A_1473 = arith.select %broadcast_in_dim3A_378, %get3A_1465, %broadcast_in_dim3A_312 : vector<16xi1>, vector<16xf32>
              %select_n3A_1474 = arith.select %broadcast_in_dim3A_322, %get3A_1423, %broadcast_in_dim3A_314 : vector<16xi1>, vector<16xf32>
              %select_n3A_1475 = arith.select %broadcast_in_dim3A_330, %get3A_1429, %broadcast_in_dim3A_314 : vector<16xi1>, vector<16xf32>
              %select_n3A_1476 = arith.select %broadcast_in_dim3A_338, %get3A_1435, %broadcast_in_dim3A_314 : vector<16xi1>, vector<16xf32>
              %select_n3A_1477 = arith.select %broadcast_in_dim3A_346, %get3A_1441, %broadcast_in_dim3A_314 : vector<16xi1>, vector<16xf32>
              %select_n3A_1478 = arith.select %broadcast_in_dim3A_354, %get3A_1447, %broadcast_in_dim3A_314 : vector<16xi1>, vector<16xf32>
              %select_n3A_1479 = arith.select %broadcast_in_dim3A_362, %get3A_1453, %broadcast_in_dim3A_314 : vector<16xi1>, vector<16xf32>
              %select_n3A_1480 = arith.select %broadcast_in_dim3A_370, %get3A_1459, %broadcast_in_dim3A_314 : vector<16xi1>, vector<16xf32>
              %select_n3A_1481 = arith.select %broadcast_in_dim3A_378, %get3A_1465, %broadcast_in_dim3A_314 : vector<16xi1>, vector<16xf32>
              %add3A_1482 = arith.addf %select_n3A_1466, %select_n3A_1467 : vector<16xf32>
              %add3A_1483 = arith.addf %select_n3A_1468, %select_n3A_1469 : vector<16xf32>
              %add3A_1484 = arith.addf %select_n3A_1470, %select_n3A_1471 : vector<16xf32>
              %add3A_1485 = arith.addf %select_n3A_1472, %select_n3A_1473 : vector<16xf32>
              %add3A_1486 = arith.addf %add3A_1482, %add3A_1483 : vector<16xf32>
              %add3A_1487 = arith.addf %add3A_1484, %add3A_1485 : vector<16xf32>
              %add3A_1488 = arith.addf %add3A_1486, %add3A_1487 : vector<16xf32>
              %add3A_1489 = arith.addf %scan3A_282, %add3A_1488 : vector<16xf32>
              %max3A_1490 = arith.maximumf %select_n3A_1474, %select_n3A_1475 : vector<16xf32>
              %max3A_1491 = arith.maximumf %select_n3A_1476, %select_n3A_1477 : vector<16xf32>
              %max3A_1492 = arith.maximumf %select_n3A_1478, %select_n3A_1479 : vector<16xf32>
              %max3A_1493 = arith.maximumf %select_n3A_1480, %select_n3A_1481 : vector<16xf32>
              %max3A_1494 = arith.maximumf %max3A_1490, %max3A_1491 : vector<16xf32>
              %max3A_1495 = arith.maximumf %max3A_1492, %max3A_1493 : vector<16xf32>
              %max3A_1496 = arith.maximumf %max3A_1494, %max3A_1495 : vector<16xf32>
              %max3A_1497 = arith.maximumf %scan3A_298, %max3A_1496 : vector<16xf32>
              %add3A_1498 = arith.addi %multiple_of3A_240, %mul3A_302 : i32
              %add3A_1499 = arith.constant 0 : i32
              %add3A_1500 = arith.addi %add3A_1498, %add3A_1499 : i32
              %get3A_1501 = arith.index_cast %add3A_1500 : i32 to index
              %get3A_1502 = arith.constant 224 : index
              %get3A_1503 = tpu.vector_load %arg7[%get3A_1501, %get3A_1502] {strides = array<i32>} : memref<160x256xf32, #tpu.memory_space<vmem>>, vector<16xf32>,
              %add3A_1504 = arith.addi %multiple_of3A_240, %mul3A_302 : i32
              %add3A_1505 = arith.constant 1 : i32
              %add3A_1506 = arith.addi %add3A_1504, %add3A_1505 : i32
              %get3A_1507 = arith.index_cast %add3A_1506 : i32 to index
              %get3A_1508 = arith.constant 224 : index
              %get3A_1509 = tpu.vector_load %arg7[%get3A_1507, %get3A_1508] {strides = array<i32>} : memref<160x256xf32, #tpu.memory_space<vmem>>, vector<16xf32>,
              %add3A_1510 = arith.addi %multiple_of3A_240, %mul3A_302 : i32
              %add3A_1511 = arith.constant 2 : i32
              %add3A_1512 = arith.addi %add3A_1510, %add3A_1511 : i32
              %get3A_1513 = arith.index_cast %add3A_1512 : i32 to index
              %get3A_1514 = arith.constant 224 : index
              %get3A_1515 = tpu.vector_load %arg7[%get3A_1513, %get3A_1514] {strides = array<i32>} : memref<160x256xf32, #tpu.memory_space<vmem>>, vector<16xf32>,
              %add3A_1516 = arith.addi %multiple_of3A_240, %mul3A_302 : i32
              %add3A_1517 = arith.constant 3 : i32
              %add3A_1518 = arith.addi %add3A_1516, %add3A_1517 : i32
              %get3A_1519 = arith.index_cast %add3A_1518 : i32 to index
              %get3A_1520 = arith.constant 224 : index
              %get3A_1521 = tpu.vector_load %arg7[%get3A_1519, %get3A_1520] {strides = array<i32>} : memref<160x256xf32, #tpu.memory_space<vmem>>, vector<16xf32>,
              %add3A_1522 = arith.addi %multiple_of3A_240, %mul3A_302 : i32
              %add3A_1523 = arith.constant 4 : i32
              %add3A_1524 = arith.addi %add3A_1522, %add3A_1523 : i32
              %get3A_1525 = arith.index_cast %add3A_1524 : i32 to index
              %get3A_1526 = arith.constant 224 : index
              %get3A_1527 = tpu.vector_load %arg7[%get3A_1525, %get3A_1526] {strides = array<i32>} : memref<160x256xf32, #tpu.memory_space<vmem>>, vector<16xf32>,
              %add3A_1528 = arith.addi %multiple_of3A_240, %mul3A_302 : i32
              %add3A_1529 = arith.constant 5 : i32
              %add3A_1530 = arith.addi %add3A_1528, %add3A_1529 : i32
              %get3A_1531 = arith.index_cast %add3A_1530 : i32 to index
              %get3A_1532 = arith.constant 224 : index
              %get3A_1533 = tpu.vector_load %arg7[%get3A_1531, %get3A_1532] {strides = array<i32>} : memref<160x256xf32, #tpu.memory_space<vmem>>, vector<16xf32>,
              %add3A_1534 = arith.addi %multiple_of3A_240, %mul3A_302 : i32
              %add3A_1535 = arith.constant 6 : i32
              %add3A_1536 = arith.addi %add3A_1534, %add3A_1535 : i32
              %get3A_1537 = arith.index_cast %add3A_1536 : i32 to index
              %get3A_1538 = arith.constant 224 : index
              %get3A_1539 = tpu.vector_load %arg7[%get3A_1537, %get3A_1538] {strides = array<i32>} : memref<160x256xf32, #tpu.memory_space<vmem>>, vector<16xf32>,
              %add3A_1540 = arith.addi %multiple_of3A_240, %mul3A_302 : i32
              %add3A_1541 = arith.constant 7 : i32
              %add3A_1542 = arith.addi %add3A_1540, %add3A_1541 : i32
              %get3A_1543 = arith.index_cast %add3A_1542 : i32 to index
              %get3A_1544 = arith.constant 224 : index
              %get3A_1545 = tpu.vector_load %arg7[%get3A_1543, %get3A_1544] {strides = array<i32>} : memref<160x256xf32, #tpu.memory_space<vmem>>, vector<16xf32>,
              %select_n3A_1546 = arith.select %broadcast_in_dim3A_322, %get3A_1503, %broadcast_in_dim3A_312 : vector<16xi1>, vector<16xf32>
              %select_n3A_1547 = arith.select %broadcast_in_dim3A_330, %get3A_1509, %broadcast_in_dim3A_312 : vector<16xi1>, vector<16xf32>
              %select_n3A_1548 = arith.select %broadcast_in_dim3A_338, %get3A_1515, %broadcast_in_dim3A_312 : vector<16xi1>, vector<16xf32>
              %select_n3A_1549 = arith.select %broadcast_in_dim3A_346, %get3A_1521, %broadcast_in_dim3A_312 : vector<16xi1>, vector<16xf32>
              %select_n3A_1550 = arith.select %broadcast_in_dim3A_354, %get3A_1527, %broadcast_in_dim3A_312 : vector<16xi1>, vector<16xf32>
              %select_n3A_1551 = arith.select %broadcast_in_dim3A_362, %get3A_1533, %broadcast_in_dim3A_312 : vector<16xi1>, vector<16xf32>
              %select_n3A_1552 = arith.select %broadcast_in_dim3A_370, %get3A_1539, %broadcast_in_dim3A_312 : vector<16xi1>, vector<16xf32>
              %select_n3A_1553 = arith.select %broadcast_in_dim3A_378, %get3A_1545, %broadcast_in_dim3A_312 : vector<16xi1>, vector<16xf32>
              %select_n3A_1554 = arith.select %broadcast_in_dim3A_322, %get3A_1503, %broadcast_in_dim3A_314 : vector<16xi1>, vector<16xf32>
              %select_n3A_1555 = arith.select %broadcast_in_dim3A_330, %get3A_1509, %broadcast_in_dim3A_314 : vector<16xi1>, vector<16xf32>
              %select_n3A_1556 = arith.select %broadcast_in_dim3A_338, %get3A_1515, %broadcast_in_dim3A_314 : vector<16xi1>, vector<16xf32>
              %select_n3A_1557 = arith.select %broadcast_in_dim3A_346, %get3A_1521, %broadcast_in_dim3A_314 : vector<16xi1>, vector<16xf32>
              %select_n3A_1558 = arith.select %broadcast_in_dim3A_354, %get3A_1527, %broadcast_in_dim3A_314 : vector<16xi1>, vector<16xf32>
              %select_n3A_1559 = arith.select %broadcast_in_dim3A_362, %get3A_1533, %broadcast_in_dim3A_314 : vector<16xi1>, vector<16xf32>
              %select_n3A_1560 = arith.select %broadcast_in_dim3A_370, %get3A_1539, %broadcast_in_dim3A_314 : vector<16xi1>, vector<16xf32>
              %select_n3A_1561 = arith.select %broadcast_in_dim3A_378, %get3A_1545, %broadcast_in_dim3A_314 : vector<16xi1>, vector<16xf32>
              %add3A_1562 = arith.addf %select_n3A_1546, %select_n3A_1547 : vector<16xf32>
              %add3A_1563 = arith.addf %select_n3A_1548, %select_n3A_1549 : vector<16xf32>
              %add3A_1564 = arith.addf %select_n3A_1550, %select_n3A_1551 : vector<16xf32>
              %add3A_1565 = arith.addf %select_n3A_1552, %select_n3A_1553 : vector<16xf32>
              %add3A_1566 = arith.addf %add3A_1562, %add3A_1563 : vector<16xf32>
              %add3A_1567 = arith.addf %add3A_1564, %add3A_1565 : vector<16xf32>
              %add3A_1568 = arith.addf %add3A_1566, %add3A_1567 : vector<16xf32>
              %add3A_1569 = arith.addf %scan3A_283, %add3A_1568 : vector<16xf32>
              %max3A_1570 = arith.maximumf %select_n3A_1554, %select_n3A_1555 : vector<16xf32>
              %max3A_1571 = arith.maximumf %select_n3A_1556, %select_n3A_1557 : vector<16xf32>
              %max3A_1572 = arith.maximumf %select_n3A_1558, %select_n3A_1559 : vector<16xf32>
              %max3A_1573 = arith.maximumf %select_n3A_1560, %select_n3A_1561 : vector<16xf32>
              %max3A_1574 = arith.maximumf %max3A_1570, %max3A_1571 : vector<16xf32>
              %max3A_1575 = arith.maximumf %max3A_1572, %max3A_1573 : vector<16xf32>
              %max3A_1576 = arith.maximumf %max3A_1574, %max3A_1575 : vector<16xf32>
              %max3A_1577 = arith.maximumf %scan3A_299, %max3A_1576 : vector<16xf32>
              %add3A_1578 = arith.addi %multiple_of3A_240, %mul3A_302 : i32
              %add3A_1579 = arith.constant 0 : i32
              %add3A_1580 = arith.addi %add3A_1578, %add3A_1579 : i32
              %get3A_1581 = arith.index_cast %add3A_1580 : i32 to index
              %get3A_1582 = arith.constant 240 : index
              %get3A_1583 = tpu.vector_load %arg7[%get3A_1581, %get3A_1582] {strides = array<i32>} : memref<160x256xf32, #tpu.memory_space<vmem>>, vector<16xf32>,
              %add3A_1584 = arith.addi %multiple_of3A_240, %mul3A_302 : i32
              %add3A_1585 = arith.constant 1 : i32
              %add3A_1586 = arith.addi %add3A_1584, %add3A_1585 : i32
              %get3A_1587 = arith.index_cast %add3A_1586 : i32 to index
              %get3A_1588 = arith.constant 240 : index
              %get3A_1589 = tpu.vector_load %arg7[%get3A_1587, %get3A_1588] {strides = array<i32>} : memref<160x256xf32, #tpu.memory_space<vmem>>, vector<16xf32>,
              %add3A_1590 = arith.addi %multiple_of3A_240, %mul3A_302 : i32
              %add3A_1591 = arith.constant 2 : i32
              %add3A_1592 = arith.addi %add3A_1590, %add3A_1591 : i32
              %get3A_1593 = arith.index_cast %add3A_1592 : i32 to index
              %get3A_1594 = arith.constant 240 : index
              %get3A_1595 = tpu.vector_load %arg7[%get3A_1593, %get3A_1594] {strides = array<i32>} : memref<160x256xf32, #tpu.memory_space<vmem>>, vector<16xf32>,
              %add3A_1596 = arith.addi %multiple_of3A_240, %mul3A_302 : i32
              %add3A_1597 = arith.constant 3 : i32
              %add3A_1598 = arith.addi %add3A_1596, %add3A_1597 : i32
              %get3A_1599 = arith.index_cast %add3A_1598 : i32 to index
              %get3A_1600 = arith.constant 240 : index
              %get3A_1601 = tpu.vector_load %arg7[%get3A_1599, %get3A_1600] {strides = array<i32>} : memref<160x256xf32, #tpu.memory_space<vmem>>, vector<16xf32>,
              %add3A_1602 = arith.addi %multiple_of3A_240, %mul3A_302 : i32
              %add3A_1603 = arith.constant 4 : i32
              %add3A_1604 = arith.addi %add3A_1602, %add3A_1603 : i32
              %get3A_1605 = arith.index_cast %add3A_1604 : i32 to index
              %get3A_1606 = arith.constant 240 : index
              %get3A_1607 = tpu.vector_load %arg7[%get3A_1605, %get3A_1606] {strides = array<i32>} : memref<160x256xf32, #tpu.memory_space<vmem>>, vector<16xf32>,
              %add3A_1608 = arith.addi %multiple_of3A_240, %mul3A_302 : i32
              %add3A_1609 = arith.constant 5 : i32
              %add3A_1610 = arith.addi %add3A_1608, %add3A_1609 : i32
              %get3A_1611 = arith.index_cast %add3A_1610 : i32 to index
              %get3A_1612 = arith.constant 240 : index
              %get3A_1613 = tpu.vector_load %arg7[%get3A_1611, %get3A_1612] {strides = array<i32>} : memref<160x256xf32, #tpu.memory_space<vmem>>, vector<16xf32>,
              %add3A_1614 = arith.addi %multiple_of3A_240, %mul3A_302 : i32
              %add3A_1615 = arith.constant 6 : i32
              %add3A_1616 = arith.addi %add3A_1614, %add3A_1615 : i32
              %get3A_1617 = arith.index_cast %add3A_1616 : i32 to index
              %get3A_1618 = arith.constant 240 : index
              %get3A_1619 = tpu.vector_load %arg7[%get3A_1617, %get3A_1618] {strides = array<i32>} : memref<160x256xf32, #tpu.memory_space<vmem>>, vector<16xf32>,
              %add3A_1620 = arith.addi %multiple_of3A_240, %mul3A_302 : i32
              %add3A_1621 = arith.constant 7 : i32
              %add3A_1622 = arith.addi %add3A_1620, %add3A_1621 : i32
              %get3A_1623 = arith.index_cast %add3A_1622 : i32 to index
              %get3A_1624 = arith.constant 240 : index
              %get3A_1625 = tpu.vector_load %arg7[%get3A_1623, %get3A_1624] {strides = array<i32>} : memref<160x256xf32, #tpu.memory_space<vmem>>, vector<16xf32>,
              %select_n3A_1626 = arith.select %broadcast_in_dim3A_322, %get3A_1583, %broadcast_in_dim3A_312 : vector<16xi1>, vector<16xf32>
              %select_n3A_1627 = arith.select %broadcast_in_dim3A_330, %get3A_1589, %broadcast_in_dim3A_312 : vector<16xi1>, vector<16xf32>
              %select_n3A_1628 = arith.select %broadcast_in_dim3A_338, %get3A_1595, %broadcast_in_dim3A_312 : vector<16xi1>, vector<16xf32>
              %select_n3A_1629 = arith.select %broadcast_in_dim3A_346, %get3A_1601, %broadcast_in_dim3A_312 : vector<16xi1>, vector<16xf32>
              %select_n3A_1630 = arith.select %broadcast_in_dim3A_354, %get3A_1607, %broadcast_in_dim3A_312 : vector<16xi1>, vector<16xf32>
              %select_n3A_1631 = arith.select %broadcast_in_dim3A_362, %get3A_1613, %broadcast_in_dim3A_312 : vector<16xi1>, vector<16xf32>
              %select_n3A_1632 = arith.select %broadcast_in_dim3A_370, %get3A_1619, %broadcast_in_dim3A_312 : vector<16xi1>, vector<16xf32>
              %select_n3A_1633 = arith.select %broadcast_in_dim3A_378, %get3A_1625, %broadcast_in_dim3A_312 : vector<16xi1>, vector<16xf32>
              %select_n3A_1634 = arith.select %broadcast_in_dim3A_322, %get3A_1583, %broadcast_in_dim3A_314 : vector<16xi1>, vector<16xf32>
              %select_n3A_1635 = arith.select %broadcast_in_dim3A_330, %get3A_1589, %broadcast_in_dim3A_314 : vector<16xi1>, vector<16xf32>
              %select_n3A_1636 = arith.select %broadcast_in_dim3A_338, %get3A_1595, %broadcast_in_dim3A_314 : vector<16xi1>, vector<16xf32>
              %select_n3A_1637 = arith.select %broadcast_in_dim3A_346, %get3A_1601, %broadcast_in_dim3A_314 : vector<16xi1>, vector<16xf32>
              %select_n3A_1638 = arith.select %broadcast_in_dim3A_354, %get3A_1607, %broadcast_in_dim3A_314 : vector<16xi1>, vector<16xf32>
              %select_n3A_1639 = arith.select %broadcast_in_dim3A_362, %get3A_1613, %broadcast_in_dim3A_314 : vector<16xi1>, vector<16xf32>
              %select_n3A_1640 = arith.select %broadcast_in_dim3A_370, %get3A_1619, %broadcast_in_dim3A_314 : vector<16xi1>, vector<16xf32>
              %select_n3A_1641 = arith.select %broadcast_in_dim3A_378, %get3A_1625, %broadcast_in_dim3A_314 : vector<16xi1>, vector<16xf32>
              %add3A_1642 = arith.addf %select_n3A_1626, %select_n3A_1627 : vector<16xf32>
              %add3A_1643 = arith.addf %select_n3A_1628, %select_n3A_1629 : vector<16xf32>
              %add3A_1644 = arith.addf %select_n3A_1630, %select_n3A_1631 : vector<16xf32>
              %add3A_1645 = arith.addf %select_n3A_1632, %select_n3A_1633 : vector<16xf32>
              %add3A_1646 = arith.addf %add3A_1642, %add3A_1643 : vector<16xf32>
              %add3A_1647 = arith.addf %add3A_1644, %add3A_1645 : vector<16xf32>
              %add3A_1648 = arith.addf %add3A_1646, %add3A_1647 : vector<16xf32>
              %add3A_1649 = arith.addf %scan3A_284, %add3A_1648 : vector<16xf32>
              %max3A_1650 = arith.maximumf %select_n3A_1634, %select_n3A_1635 : vector<16xf32>
              %max3A_1651 = arith.maximumf %select_n3A_1636, %select_n3A_1637 : vector<16xf32>
              %max3A_1652 = arith.maximumf %select_n3A_1638, %select_n3A_1639 : vector<16xf32>
              %max3A_1653 = arith.maximumf %select_n3A_1640, %select_n3A_1641 : vector<16xf32>
              %max3A_1654 = arith.maximumf %max3A_1650, %max3A_1651 : vector<16xf32>
              %max3A_1655 = arith.maximumf %max3A_1652, %max3A_1653 : vector<16xf32>
              %max3A_1656 = arith.maximumf %max3A_1654, %max3A_1655 : vector<16xf32>
              %max3A_1657 = arith.maximumf %scan3A_300, %max3A_1656 : vector<16xf32>
              scf.yield %add3A_449, %add3A_529, %add3A_609, %add3A_689, %add3A_769, %add3A_849, %add3A_929, %add3A_1009, %add3A_1089, %add3A_1169, %add3A_1249, %add3A_1329, %add3A_1409, %add3A_1489, %add3A_1569, %add3A_1649, %max3A_457, %max3A_537, %max3A_617, %max3A_697, %max3A_777, %max3A_857, %max3A_937, %max3A_1017, %max3A_1097, %max3A_1177, %max3A_1257, %max3A_1337, %max3A_1417, %max3A_1497, %max3A_1577, %max3A_1657 : vector<16xf32>, vector<16xf32>, vector<16xf32>, vector<16xf32>, vector<16xf32>, vector<16xf32>, vector<16xf32>, vector<16xf32>, vector<16xf32>, vector<16xf32>, vector<16xf32>, vector<16xf32>, vector<16xf32>, vector<16xf32>, vector<16xf32>, vector<16xf32>, vector<16xf32>, vector<16xf32>, vector<16xf32>, vector<16xf32>, vector<16xf32>, vector<16xf32>, vector<16xf32>, vector<16xf32>, vector<16xf32>, vector<16xf32>, vector<16xf32>, vector<16xf32>, vector<16xf32>, vector<16xf32>, vector<16xf32>, vector<16xf32>
            }
            scf.yield %cond3A_310#0, %cond3A_310#1, %cond3A_310#2, %cond3A_310#3, %cond3A_310#4, %cond3A_310#5, %cond3A_310#6, %cond3A_310#7, %cond3A_310#8, %cond3A_310#9, %cond3A_310#10, %cond3A_310#11, %cond3A_310#12, %cond3A_310#13, %cond3A_310#14, %cond3A_310#15, %cond3A_310#16, %cond3A_310#17, %cond3A_310#18, %cond3A_310#19, %cond3A_310#20, %cond3A_310#21, %cond3A_310#22, %cond3A_310#23, %cond3A_310#24, %cond3A_310#25, %cond3A_310#26, %cond3A_310#27, %cond3A_310#28, %cond3A_310#29, %cond3A_310#30, %cond3A_310#31 : vector<16xf32>, vector<16xf32>, vector<16xf32>, vector<16xf32>, vector<16xf32>, vector<16xf32>, vector<16xf32>, vector<16xf32>, vector<16xf32>, vector<16xf32>, vector<16xf32>, vector<16xf32>, vector<16xf32>, vector<16xf32>, vector<16xf32>, vector<16xf32>, vector<16xf32>, vector<16xf32>, vector<16xf32>, vector<16xf32>, vector<16xf32>, vector<16xf32>, vector<16xf32>, vector<16xf32>, vector<16xf32>, vector<16xf32>, vector<16xf32>, vector<16xf32>, vector<16xf32>, vector<16xf32>, vector<16xf32>, vector<16xf32>
          }
          %scan3A_267 = arith.constant 10 : i32
          scf.yield %scan3A_266#0, %scan3A_266#1, %scan3A_266#2, %scan3A_266#3, %scan3A_266#4, %scan3A_266#5, %scan3A_266#6, %scan3A_266#7, %scan3A_266#8, %scan3A_266#9, %scan3A_266#10, %scan3A_266#11, %scan3A_266#12, %scan3A_266#13, %scan3A_266#14, %scan3A_266#15, %scan3A_266#16, %scan3A_266#17, %scan3A_266#18, %scan3A_266#19, %scan3A_266#20, %scan3A_266#21, %scan3A_266#22, %scan3A_266#23, %scan3A_266#24, %scan3A_266#25, %scan3A_266#26, %scan3A_266#27, %scan3A_266#28, %scan3A_266#29, %scan3A_266#30, %scan3A_266#31 : vector<16xf32>, vector<16xf32>, vector<16xf32>, vector<16xf32>, vector<16xf32>, vector<16xf32>, vector<16xf32>, vector<16xf32>, vector<16xf32>, vector<16xf32>, vector<16xf32>, vector<16xf32>, vector<16xf32>, vector<16xf32>, vector<16xf32>, vector<16xf32>, vector<16xf32>, vector<16xf32>, vector<16xf32>, vector<16xf32>, vector<16xf32>, vector<16xf32>, vector<16xf32>, vector<16xf32>, vector<16xf32>, vector<16xf32>, vector<16xf32>, vector<16xf32>, vector<16xf32>, vector<16xf32>, vector<16xf32>, vector<16xf32>
        }
        %sub3A_117 = arith.subi %select_n3A_41, %select_n3A : i32
        %convert_element_type3A_118 = arith.sitofp %sub3A_117 : i32 to f32
        %broadcast_in_dim3A_119 = vector.broadcast %convert_element_type3A_118 : f32 to vector<16xf32>
        %div3A_120 = arith.constant 1.000000e+00 : f32
        %div3A_121 = vector.broadcast %div3A_120 : f32 to vector<16xf32>
        %div3A_122 = arith.divf %div3A_121, %broadcast_in_dim3A_119 : vector<16xf32>
        %mul3A_123 = arith.mulf %while3A_116#0, %div3A_122 : vector<16xf32>
        %swap3A = arith.constant 0 : index
        %swap3A_124 = tpu.vector_load %arg8[%swap3A] {strides = array<i32>} : memref<512xf32, #tpu.memory_space<vmem>>, vector<16xf32>,
        tpu.vector_store %arg8[%swap3A], %mul3A_123 {strides = array<i32>} : memref<512xf32, #tpu.memory_space<vmem>>, vector<16xf32>,
        %swap3A_125 = arith.constant 256 : index
        %swap3A_126 = tpu.vector_load %arg8[%swap3A_125] {strides = array<i32>} : memref<512xf32, #tpu.memory_space<vmem>>, vector<16xf32>,
        tpu.vector_store %arg8[%swap3A_125], %while3A_116#16 {strides = array<i32>} : memref<512xf32, #tpu.memory_space<vmem>>, vector<16xf32>,
        %mul3A_127 = arith.mulf %while3A_116#1, %div3A_122 : vector<16xf32>
        %swap3A_128 = arith.constant 16 : index
        %swap3A_129 = tpu.vector_load %arg8[%swap3A_128] {strides = array<i32>} : memref<512xf32, #tpu.memory_space<vmem>>, vector<16xf32>,
        tpu.vector_store %arg8[%swap3A_128], %mul3A_127 {strides = array<i32>} : memref<512xf32, #tpu.memory_space<vmem>>, vector<16xf32>,
        %swap3A_130 = arith.constant 272 : index
        %swap3A_131 = tpu.vector_load %arg8[%swap3A_130] {strides = array<i32>} : memref<512xf32, #tpu.memory_space<vmem>>, vector<16xf32>,
        tpu.vector_store %arg8[%swap3A_130], %while3A_116#17 {strides = array<i32>} : memref<512xf32, #tpu.memory_space<vmem>>, vector<16xf32>,
        %mul3A_132 = arith.mulf %while3A_116#2, %div3A_122 : vector<16xf32>
        %swap3A_133 = arith.constant 32 : index
        %swap3A_134 = tpu.vector_load %arg8[%swap3A_133] {strides = array<i32>} : memref<512xf32, #tpu.memory_space<vmem>>, vector<16xf32>,
        tpu.vector_store %arg8[%swap3A_133], %mul3A_132 {strides = array<i32>} : memref<512xf32, #tpu.memory_space<vmem>>, vector<16xf32>,
        %swap3A_135 = arith.constant 288 : index
        %swap3A_136 = tpu.vector_load %arg8[%swap3A_135] {strides = array<i32>} : memref<512xf32, #tpu.memory_space<vmem>>, vector<16xf32>,
        tpu.vector_store %arg8[%swap3A_135], %while3A_116#18 {strides = array<i32>} : memref<512xf32, #tpu.memory_space<vmem>>, vector<16xf32>,
        %mul3A_137 = arith.mulf %while3A_116#3, %div3A_122 : vector<16xf32>
        %swap3A_138 = arith.constant 48 : index
        %swap3A_139 = tpu.vector_load %arg8[%swap3A_138] {strides = array<i32>} : memref<512xf32, #tpu.memory_space<vmem>>, vector<16xf32>,
        tpu.vector_store %arg8[%swap3A_138], %mul3A_137 {strides = array<i32>} : memref<512xf32, #tpu.memory_space<vmem>>, vector<16xf32>,
        %swap3A_140 = arith.constant 304 : index
        %swap3A_141 = tpu.vector_load %arg8[%swap3A_140] {strides = array<i32>} : memref<512xf32, #tpu.memory_space<vmem>>, vector<16xf32>,
        tpu.vector_store %arg8[%swap3A_140], %while3A_116#19 {strides = array<i32>} : memref<512xf32, #tpu.memory_space<vmem>>, vector<16xf32>,
        %mul3A_142 = arith.mulf %while3A_116#4, %div3A_122 : vector<16xf32>
        %swap3A_143 = arith.constant 64 : index
        %swap3A_144 = tpu.vector_load %arg8[%swap3A_143] {strides = array<i32>} : memref<512xf32, #tpu.memory_space<vmem>>, vector<16xf32>,
        tpu.vector_store %arg8[%swap3A_143], %mul3A_142 {strides = array<i32>} : memref<512xf32, #tpu.memory_space<vmem>>, vector<16xf32>,
        %swap3A_145 = arith.constant 320 : index
        %swap3A_146 = tpu.vector_load %arg8[%swap3A_145] {strides = array<i32>} : memref<512xf32, #tpu.memory_space<vmem>>, vector<16xf32>,
        tpu.vector_store %arg8[%swap3A_145], %while3A_116#20 {strides = array<i32>} : memref<512xf32, #tpu.memory_space<vmem>>, vector<16xf32>,
        %mul3A_147 = arith.mulf %while3A_116#5, %div3A_122 : vector<16xf32>
        %swap3A_148 = arith.constant 80 : index
        %swap3A_149 = tpu.vector_load %arg8[%swap3A_148] {strides = array<i32>} : memref<512xf32, #tpu.memory_space<vmem>>, vector<16xf32>,
        tpu.vector_store %arg8[%swap3A_148], %mul3A_147 {strides = array<i32>} : memref<512xf32, #tpu.memory_space<vmem>>, vector<16xf32>,
        %swap3A_150 = arith.constant 336 : index
        %swap3A_151 = tpu.vector_load %arg8[%swap3A_150] {strides = array<i32>} : memref<512xf32, #tpu.memory_space<vmem>>, vector<16xf32>,
        tpu.vector_store %arg8[%swap3A_150], %while3A_116#21 {strides = array<i32>} : memref<512xf32, #tpu.memory_space<vmem>>, vector<16xf32>,
        %mul3A_152 = arith.mulf %while3A_116#6, %div3A_122 : vector<16xf32>
        %swap3A_153 = arith.constant 96 : index
        %swap3A_154 = tpu.vector_load %arg8[%swap3A_153] {strides = array<i32>} : memref<512xf32, #tpu.memory_space<vmem>>, vector<16xf32>,
        tpu.vector_store %arg8[%swap3A_153], %mul3A_152 {strides = array<i32>} : memref<512xf32, #tpu.memory_space<vmem>>, vector<16xf32>,
        %swap3A_155 = arith.constant 352 : index
        %swap3A_156 = tpu.vector_load %arg8[%swap3A_155] {strides = array<i32>} : memref<512xf32, #tpu.memory_space<vmem>>, vector<16xf32>,
        tpu.vector_store %arg8[%swap3A_155], %while3A_116#22 {strides = array<i32>} : memref<512xf32, #tpu.memory_space<vmem>>, vector<16xf32>,
        %mul3A_157 = arith.mulf %while3A_116#7, %div3A_122 : vector<16xf32>
        %swap3A_158 = arith.constant 112 : index
        %swap3A_159 = tpu.vector_load %arg8[%swap3A_158] {strides = array<i32>} : memref<512xf32, #tpu.memory_space<vmem>>, vector<16xf32>,
        tpu.vector_store %arg8[%swap3A_158], %mul3A_157 {strides = array<i32>} : memref<512xf32, #tpu.memory_space<vmem>>, vector<16xf32>,
        %swap3A_160 = arith.constant 368 : index
        %swap3A_161 = tpu.vector_load %arg8[%swap3A_160] {strides = array<i32>} : memref<512xf32, #tpu.memory_space<vmem>>, vector<16xf32>,
        tpu.vector_store %arg8[%swap3A_160], %while3A_116#23 {strides = array<i32>} : memref<512xf32, #tpu.memory_space<vmem>>, vector<16xf32>,
        %mul3A_162 = arith.mulf %while3A_116#8, %div3A_122 : vector<16xf32>
        %swap3A_163 = arith.constant 128 : index
        %swap3A_164 = tpu.vector_load %arg8[%swap3A_163] {strides = array<i32>} : memref<512xf32, #tpu.memory_space<vmem>>, vector<16xf32>,
        tpu.vector_store %arg8[%swap3A_163], %mul3A_162 {strides = array<i32>} : memref<512xf32, #tpu.memory_space<vmem>>, vector<16xf32>,
        %swap3A_165 = arith.constant 384 : index
        %swap3A_166 = tpu.vector_load %arg8[%swap3A_165] {strides = array<i32>} : memref<512xf32, #tpu.memory_space<vmem>>, vector<16xf32>,
        tpu.vector_store %arg8[%swap3A_165], %while3A_116#24 {strides = array<i32>} : memref<512xf32, #tpu.memory_space<vmem>>, vector<16xf32>,
        %mul3A_167 = arith.mulf %while3A_116#9, %div3A_122 : vector<16xf32>
        %swap3A_168 = arith.constant 144 : index
        %swap3A_169 = tpu.vector_load %arg8[%swap3A_168] {strides = array<i32>} : memref<512xf32, #tpu.memory_space<vmem>>, vector<16xf32>,
        tpu.vector_store %arg8[%swap3A_168], %mul3A_167 {strides = array<i32>} : memref<512xf32, #tpu.memory_space<vmem>>, vector<16xf32>,
        %swap3A_170 = arith.constant 400 : index
        %swap3A_171 = tpu.vector_load %arg8[%swap3A_170] {strides = array<i32>} : memref<512xf32, #tpu.memory_space<vmem>>, vector<16xf32>,
        tpu.vector_store %arg8[%swap3A_170], %while3A_116#25 {strides = array<i32>} : memref<512xf32, #tpu.memory_space<vmem>>, vector<16xf32>,
        %mul3A_172 = arith.mulf %while3A_116#10, %div3A_122 : vector<16xf32>
        %swap3A_173 = arith.constant 160 : index
        %swap3A_174 = tpu.vector_load %arg8[%swap3A_173] {strides = array<i32>} : memref<512xf32, #tpu.memory_space<vmem>>, vector<16xf32>,
        tpu.vector_store %arg8[%swap3A_173], %mul3A_172 {strides = array<i32>} : memref<512xf32, #tpu.memory_space<vmem>>, vector<16xf32>,
        %swap3A_175 = arith.constant 416 : index
        %swap3A_176 = tpu.vector_load %arg8[%swap3A_175] {strides = array<i32>} : memref<512xf32, #tpu.memory_space<vmem>>, vector<16xf32>,
        tpu.vector_store %arg8[%swap3A_175], %while3A_116#26 {strides = array<i32>} : memref<512xf32, #tpu.memory_space<vmem>>, vector<16xf32>,
        %mul3A_177 = arith.mulf %while3A_116#11, %div3A_122 : vector<16xf32>
        %swap3A_178 = arith.constant 176 : index
        %swap3A_179 = tpu.vector_load %arg8[%swap3A_178] {strides = array<i32>} : memref<512xf32, #tpu.memory_space<vmem>>, vector<16xf32>,
        tpu.vector_store %arg8[%swap3A_178], %mul3A_177 {strides = array<i32>} : memref<512xf32, #tpu.memory_space<vmem>>, vector<16xf32>,
        %swap3A_180 = arith.constant 432 : index
        %swap3A_181 = tpu.vector_load %arg8[%swap3A_180] {strides = array<i32>} : memref<512xf32, #tpu.memory_space<vmem>>, vector<16xf32>,
        tpu.vector_store %arg8[%swap3A_180], %while3A_116#27 {strides = array<i32>} : memref<512xf32, #tpu.memory_space<vmem>>, vector<16xf32>,
        %mul3A_182 = arith.mulf %while3A_116#12, %div3A_122 : vector<16xf32>
        %swap3A_183 = arith.constant 192 : index
        %swap3A_184 = tpu.vector_load %arg8[%swap3A_183] {strides = array<i32>} : memref<512xf32, #tpu.memory_space<vmem>>, vector<16xf32>,
        tpu.vector_store %arg8[%swap3A_183], %mul3A_182 {strides = array<i32>} : memref<512xf32, #tpu.memory_space<vmem>>, vector<16xf32>,
        %swap3A_185 = arith.constant 448 : index
        %swap3A_186 = tpu.vector_load %arg8[%swap3A_185] {strides = array<i32>} : memref<512xf32, #tpu.memory_space<vmem>>, vector<16xf32>,
        tpu.vector_store %arg8[%swap3A_185], %while3A_116#28 {strides = array<i32>} : memref<512xf32, #tpu.memory_space<vmem>>, vector<16xf32>,
        %mul3A_187 = arith.mulf %while3A_116#13, %div3A_122 : vector<16xf32>
        %swap3A_188 = arith.constant 208 : index
        %swap3A_189 = tpu.vector_load %arg8[%swap3A_188] {strides = array<i32>} : memref<512xf32, #tpu.memory_space<vmem>>, vector<16xf32>,
        tpu.vector_store %arg8[%swap3A_188], %mul3A_187 {strides = array<i32>} : memref<512xf32, #tpu.memory_space<vmem>>, vector<16xf32>,
        %swap3A_190 = arith.constant 464 : index
        %swap3A_191 = tpu.vector_load %arg8[%swap3A_190] {strides = array<i32>} : memref<512xf32, #tpu.memory_space<vmem>>, vector<16xf32>,
        tpu.vector_store %arg8[%swap3A_190], %while3A_116#29 {strides = array<i32>} : memref<512xf32, #tpu.memory_space<vmem>>, vector<16xf32>,
        %mul3A_192 = arith.mulf %while3A_116#14, %div3A_122 : vector<16xf32>
        %swap3A_193 = arith.constant 224 : index
        %swap3A_194 = tpu.vector_load %arg8[%swap3A_193] {strides = array<i32>} : memref<512xf32, #tpu.memory_space<vmem>>, vector<16xf32>,
        tpu.vector_store %arg8[%swap3A_193], %mul3A_192 {strides = array<i32>} : memref<512xf32, #tpu.memory_space<vmem>>, vector<16xf32>,
        %swap3A_195 = arith.constant 480 : index
        %swap3A_196 = tpu.vector_load %arg8[%swap3A_195] {strides = array<i32>} : memref<512xf32, #tpu.memory_space<vmem>>, vector<16xf32>,
        tpu.vector_store %arg8[%swap3A_195], %while3A_116#30 {strides = array<i32>} : memref<512xf32, #tpu.memory_space<vmem>>, vector<16xf32>,
        %mul3A_197 = arith.mulf %while3A_116#15, %div3A_122 : vector<16xf32>
        %swap3A_198 = arith.constant 240 : index
        %swap3A_199 = tpu.vector_load %arg8[%swap3A_198] {strides = array<i32>} : memref<512xf32, #tpu.memory_space<vmem>>, vector<16xf32>,
        tpu.vector_store %arg8[%swap3A_198], %mul3A_197 {strides = array<i32>} : memref<512xf32, #tpu.memory_space<vmem>>, vector<16xf32>,
        %swap3A_200 = arith.constant 496 : index
        %swap3A_201 = tpu.vector_load %arg8[%swap3A_200] {strides = array<i32>} : memref<512xf32, #tpu.memory_space<vmem>>, vector<16xf32>,
        tpu.vector_store %arg8[%swap3A_200], %while3A_116#31 {strides = array<i32>} : memref<512xf32, #tpu.memory_space<vmem>>, vector<16xf32>,
        "tpu.region"() ({
          %run_scoped3A = tpu.sem_alloc : memref<!tpu.dma_semaphore, #tpu.memory_space<semaphore_mem>>
          %dma_start3A_202 = arith.constant 0 : i32
          %dma_start3A_203 = tpu.memref_slice %arg8[%dma_start3A_202] : memref<512xf32, #tpu.memory_space<vmem>> -> memref<256xf32, #tpu.memory_space<vmem>>
          %dma_start3A_204 = tpu.memref_slice %arg4[%multiple_of3A] : memref<16384xf32, #tpu.memory_space<hbm>> -> memref<256xf32, #tpu.memory_space<hbm>>
          %dma_start3A_205 = tpu.memref_slice %arg4[%multiple_of3A] : memref<16384xf32, #tpu.memory_space<hbm>> -> memref<256xf32, #tpu.memory_space<hbm>>
          %dma_start3A_206 = arith.constant 0 : i32
          %dma_start3A_207 = tpu.memref_slice %arg8[%dma_start3A_206] : memref<512xf32, #tpu.memory_space<vmem>> -> memref<256xf32, #tpu.memory_space<vmem>>
          tpu.enqueue_dma source(%dma_start3A_207 : memref<256xf32, #tpu.memory_space<vmem>>) target(%dma_start3A_205 : memref<256xf32, #tpu.memory_space<hbm>>) target_semaphore(%run_scoped3A : memref<!tpu.dma_semaphore, #tpu.memory_space<semaphore_mem>>)
          %dma_wait3A = arith.constant 0 : i32
          %dma_wait3A_208 = tpu.memref_slice %arg8[%dma_wait3A] : memref<512xf32, #tpu.memory_space<vmem>> -> memref<256xf32, #tpu.memory_space<vmem>>
          %dma_wait3A_209 = tpu.memref_slice %arg4[%multiple_of3A] : memref<16384xf32, #tpu.memory_space<hbm>> -> memref<256xf32, #tpu.memory_space<hbm>>
          %dma_wait3A_210 = tpu.memref_slice %arg4[%multiple_of3A] : memref<16384xf32, #tpu.memory_space<hbm>> -> memref<256xf32, #tpu.memory_space<hbm>>
          %dma_wait3A_211 = arith.constant 0 : i32
          %dma_wait3A_212 = tpu.memref_slice %arg8[%dma_wait3A_211] : memref<512xf32, #tpu.memory_space<vmem>> -> memref<256xf32, #tpu.memory_space<vmem>>
          tpu.wait_dma2 semaphore(%run_scoped3A : memref<!tpu.dma_semaphore, #tpu.memory_space<semaphore_mem>>) src(%dma_wait3A_212 : memref<256xf32, #tpu.memory_space<vmem>>) dst(%dma_wait3A_210 : memref<256xf32, #tpu.memory_space<hbm>>)
          tpu.yield
        }) : () -> ()
        "tpu.region"() ({
          %run_scoped3A = tpu.sem_alloc : memref<!tpu.dma_semaphore, #tpu.memory_space<semaphore_mem>>
          %dma_start3A_202 = arith.constant 256 : i32
          %dma_start3A_203 = tpu.memref_slice %arg8[%dma_start3A_202] : memref<512xf32, #tpu.memory_space<vmem>> -> memref<256xf32, #tpu.memory_space<vmem>>
          %dma_start3A_204 = tpu.memref_slice %arg5[%multiple_of3A] : memref<16384xf32, #tpu.memory_space<hbm>> -> memref<256xf32, #tpu.memory_space<hbm>>
          %dma_start3A_205 = tpu.memref_slice %arg5[%multiple_of3A] : memref<16384xf32, #tpu.memory_space<hbm>> -> memref<256xf32, #tpu.memory_space<hbm>>
          %dma_start3A_206 = arith.constant 256 : i32
          %dma_start3A_207 = tpu.memref_slice %arg8[%dma_start3A_206] : memref<512xf32, #tpu.memory_space<vmem>> -> memref<256xf32, #tpu.memory_space<vmem>>
          tpu.enqueue_dma source(%dma_start3A_207 : memref<256xf32, #tpu.memory_space<vmem>>) target(%dma_start3A_205 : memref<256xf32, #tpu.memory_space<hbm>>) target_semaphore(%run_scoped3A : memref<!tpu.dma_semaphore, #tpu.memory_space<semaphore_mem>>)
          %dma_wait3A = arith.constant 256 : i32
          %dma_wait3A_208 = tpu.memref_slice %arg8[%dma_wait3A] : memref<512xf32, #tpu.memory_space<vmem>> -> memref<256xf32, #tpu.memory_space<vmem>>
          %dma_wait3A_209 = tpu.memref_slice %arg5[%multiple_of3A] : memref<16384xf32, #tpu.memory_space<hbm>> -> memref<256xf32, #tpu.memory_space<hbm>>
          %dma_wait3A_210 = tpu.memref_slice %arg5[%multiple_of3A] : memref<16384xf32, #tpu.memory_space<hbm>> -> memref<256xf32, #tpu.memory_space<hbm>>
          %dma_wait3A_211 = arith.constant 256 : i32
          %dma_wait3A_212 = tpu.memref_slice %arg8[%dma_wait3A_211] : memref<512xf32, #tpu.memory_space<vmem>> -> memref<256xf32, #tpu.memory_space<vmem>>
          tpu.wait_dma2 semaphore(%run_scoped3A : memref<!tpu.dma_semaphore, #tpu.memory_space<semaphore_mem>>) src(%dma_wait3A_212 : memref<256xf32, #tpu.memory_space<vmem>>) dst(%dma_wait3A_210 : memref<256xf32, #tpu.memory_space<hbm>>)
          tpu.yield
        }) : () -> ()
      } else {
      }
    }
    %scan3A_35 = arith.constant 2 : i32
    return
  }
}

module attributes {stable_mosaic.version = 14 : i64} {
  func.func @_mlp_body(%arg0: memref<64x128xf32, #tpu.memory_space<vmem>>, %arg1: memref<16384xf32, #tpu.memory_space<vmem>>, %arg2: memref<16384xf32, #tpu.memory_space<vmem>>, %arg3: memref<640x256xf32, #tpu.memory_space<vmem>>, %arg4: memref<1x256xf32, #tpu.memory_space<vmem>>, %arg5: memref<256x256xf32, #tpu.memory_space<vmem>>, %arg6: memref<1x256xf32, #tpu.memory_space<vmem>>, %arg7: memref<256x128xf32, #tpu.memory_space<vmem>>, %arg8: memref<1x128xf32, #tpu.memory_space<vmem>>, %arg9: memref<64x128xf32, #tpu.memory_space<vmem>>) attributes {dimension_semantics = [], scalar_prefetch = 0 : i64, scratch_operands = 0 : i64, tpu.core_type = #tpu.core_type<tc>} {
    %get3A = arith.constant 0 : index
    %get3A_0 = vector.load %arg1[%get3A] : memref<16384xf32, #tpu.memory_space<vmem>>, vector<16384xf32>
    %reshape3A = vector.shape_cast %get3A_0 : vector<16384xf32> to vector<64x256xf32>
    %get3A_1 = arith.constant 0 : index
    %get3A_2 = vector.load %arg2[%get3A_1] : memref<16384xf32, #tpu.memory_space<vmem>>, vector<16384xf32>
    %reshape3A_3 = vector.shape_cast %get3A_2 : vector<16384xf32> to vector<64x256xf32>
    %get3A_4 = arith.constant 0 : index
    %get3A_5 = arith.constant 0 : index
    %get3A_6 = vector.load %arg0[%get3A_4, %get3A_5] : memref<64x128xf32, #tpu.memory_space<vmem>>, vector<64x128xf32>
    %concatenate3A = tpu.concatenate %get3A_6, %reshape3A, %reshape3A_3 in 1 : vector<64x128xf32>, vector<64x256xf32>, vector<64x256xf32> -> vector<64x640xf32>
    %get3A_7 = arith.constant 0 : index
    %get3A_8 = arith.constant 0 : index
    %get3A_9 = vector.load %arg3[%get3A_7, %get3A_8] : memref<640x256xf32, #tpu.memory_space<vmem>>, vector<640x256xf32>
    %dot_general3A = arith.constant dense<0.000000e+00> : vector<64x256xf32>
    %dot_general3A_10 = tpu.matmul %concatenate3A, %get3A_9, %dot_general3A {dimension_numbers = #tpu.dot_dimension_numbers<[1], [0], [0], [1], [0, 0, 1, 1], [], []>, precision = #tpu.contract_precision<fp32>, transpose_lhs_hint = false} : vector<64x640xf32>, vector<640x256xf32>, vector<64x256xf32> -> vector<64x256xf32>
    %get3A_11 = arith.constant 0 : index
    %get3A_12 = arith.constant 0 : index
    %get3A_13 = vector.load %arg4[%get3A_11, %get3A_12] : memref<1x256xf32, #tpu.memory_space<vmem>>, vector<1x256xf32>
    %add3A = vector.broadcast %get3A_13 : vector<1x256xf32> to vector<64x256xf32>
    %add3A_14 = arith.addf %dot_general3A_10, %add3A : vector<64x256xf32>
    %max3A = arith.constant 0.000000e+00 : f32
    %max3A_15 = vector.broadcast %max3A : f32 to vector<64x256xf32>
    %max3A_16 = arith.maximumf %add3A_14, %max3A_15 : vector<64x256xf32>
    %get3A_17 = arith.constant 0 : index
    %get3A_18 = arith.constant 0 : index
    %get3A_19 = vector.load %arg5[%get3A_17, %get3A_18] : memref<256x256xf32, #tpu.memory_space<vmem>>, vector<256x256xf32>
    %dot_general3A_20 = arith.constant dense<0.000000e+00> : vector<64x256xf32>
    %dot_general3A_21 = tpu.matmul %max3A_16, %get3A_19, %dot_general3A_20 {dimension_numbers = #tpu.dot_dimension_numbers<[1], [0], [0], [1], [0, 0, 1, 1], [], []>, precision = #tpu.contract_precision<fp32>, transpose_lhs_hint = false} : vector<64x256xf32>, vector<256x256xf32>, vector<64x256xf32> -> vector<64x256xf32>
    %get3A_22 = arith.constant 0 : index
    %get3A_23 = arith.constant 0 : index
    %get3A_24 = vector.load %arg6[%get3A_22, %get3A_23] : memref<1x256xf32, #tpu.memory_space<vmem>>, vector<1x256xf32>
    %add3A_25 = vector.broadcast %get3A_24 : vector<1x256xf32> to vector<64x256xf32>
    %add3A_26 = arith.addf %dot_general3A_21, %add3A_25 : vector<64x256xf32>
    %max3A_27 = arith.constant 0.000000e+00 : f32
    %max3A_28 = vector.broadcast %max3A_27 : f32 to vector<64x256xf32>
    %max3A_29 = arith.maximumf %add3A_26, %max3A_28 : vector<64x256xf32>
    %get3A_30 = arith.constant 0 : index
    %get3A_31 = arith.constant 0 : index
    %get3A_32 = vector.load %arg7[%get3A_30, %get3A_31] : memref<256x128xf32, #tpu.memory_space<vmem>>, vector<256x128xf32>
    %dot_general3A_33 = arith.constant dense<0.000000e+00> : vector<64x128xf32>
    %dot_general3A_34 = tpu.matmul %max3A_29, %get3A_32, %dot_general3A_33 {dimension_numbers = #tpu.dot_dimension_numbers<[1], [0], [0], [1], [0, 0, 1, 1], [], []>, precision = #tpu.contract_precision<fp32>, transpose_lhs_hint = false} : vector<64x256xf32>, vector<256x128xf32>, vector<64x128xf32> -> vector<64x128xf32>
    %get3A_35 = arith.constant 0 : index
    %get3A_36 = arith.constant 0 : index
    %get3A_37 = vector.load %arg8[%get3A_35, %get3A_36] : memref<1x128xf32, #tpu.memory_space<vmem>>, vector<1x128xf32>
    %add3A_38 = vector.broadcast %get3A_37 : vector<1x128xf32> to vector<64x128xf32>
    %add3A_39 = arith.addf %dot_general3A_34, %add3A_38 : vector<64x128xf32>
    %swap3A = arith.constant 0 : index
    %swap3A_40 = arith.constant 0 : index
    %swap3A_41 = vector.load %arg9[%swap3A, %swap3A_40] : memref<64x128xf32, #tpu.memory_space<vmem>>, vector<64x128xf32>
    tpu.vector_store %arg9[%swap3A, %swap3A_40], %add3A_39 {strides = array<i32>} : memref<64x128xf32, #tpu.memory_space<vmem>>, vector<64x128xf32>,
    return
  }
}

</mosaic_0001>

<sc_bundles>
// kernel: kernel.4.cloned.1.call-start
scs
__scs_entry_jumppad:
0x0: {  	(pc) =	sbr.rel $0x88, $3  }
0x1: {  	(tag) =	ssettag $0x0;
	lr =	simm.s32 $0x1  }
0x2: {  	[smem:$0x3F98] =	sst lr;
	_ =	strace $0xD0000000  }
0x3: {  	_ = 	snop  }
0x4: {  	_ = 	snop  }
0x5: {  	_ = 	snop  }
0x6: {  	_ = 	snop  }
0x7: {  	_ = 	snop  }
__scs_overlays_trampoline_lowered:
0x8: {  	[smem:$0x3FA7] =	sst s0  }
0x9: {  	[smem:$0x3FA8] =	sst s1  }
0xa: {  	[smem:$0x3FA9] =	sst s2  }
0xb: {  	[smem:$0x3FAA] =	sst s3  }
0xc: {  	[smem:$0x3FAB] =	sst s4  }
0xd: {  	[smem:$0x3FAC] =	sst s5  }
0xe: {  	[smem:$0x3FAD] =	sst s6  }
0xf: {  	[smem:$0x3FAE] =	sst s7  }
0x10: {  	[smem:$0x3FAF] =	sst s8  }
0x11: {  	[smem:$0x3FB0] =	sst s9;
	s0 =	simm.s32 @!p0 $0x0  }
0x12: {  	s1 =	sld [smem:$0x3F96];
	s0 =	simm.s32 @p0 $0x1  }
0x13: {  	[smem:$0x3FB1] =	sst s0;
	s0 =	simm.s32 @!p1 $0x0  }
0x14: {  	s2 =	sld [smem:$0x3F95];
	s0 =	simm.s32 @p1 $0x1  }
0x15: {  	[smem:$0x3FB2] =	sst s0;
	s0 =	simm.s32 @!p2 $0x0  }
0x16: {  	s3 =	sld [smem:$0x3FDB];
	s0 =	simm.s32 @p2 $0x1  }
0x17: {  	s4 =	simm.s32 $0x1BF5;
	[smem:$0x3FB4] =	sst s0  }
0x18: {  	s0 =	sld [smem:$0x3F97];
	_ =	swait.ge [sflag:s4], $0x0  }
0x19: {  	s7 =	sld [smem:$0x3F98]  }
0x1a: {  	s8 =	sadd.s32 $0xFFFFE003, lr  }
0x1b: {  	s9 =	sadd.s32 $0xFFFFFEF7, lr;
	s5 =	simm.s32 $0xFFFFFFFF;
	p2 =	slt.u32 s8, $0xFFFFF086  }
0x1c: {  	p1 =	slt.u32 s9, $0xF7A;
	s5 =	simm.s32 @!p2 $0x0  }
0x1d: {  	s5 =	simm.s32 @p1 $0x1;
	p0 =	seq.s32 s7, s2  }
0x1e: {  	s7 =	smul.u32 @!p0 $0xF7A, s2;
	p2 =	seq.s32 @!p0 s5, $0x0  }
0x1f: {  	s9 =	smul.u32 $0xF7A, s1;
	s8 =	simm.s32 @!p0 $0x1BF5;
	p2 =	por !p2, p0  }
0x20: {  	[sflag:s8] =	ssyncset.s32 @!p0 $0xFFFFF086;
	s6 =	sadd.s32 @!p0 s3, s7;
	s7 =	simm.s32 @!p0 $0x108  }
0x21: {  	s3 =	sadd.s32 s3, s9;
	s6 =	sadd.s32 @!p0 $0x88, s6;
	s7 =	simm.s32 @p2 $0x1082  }
0x22: {  	[simem:s7], [sflag:s8] =	dma.local @!p0 [hbm:s6], $0xF7A  }
0x23: {  	s9 =	sor.u32 $0xD0000000, s2;
	s6 =	simm.s32 $0x108;
	_ =	swait.ge @!p0 [sflag:s8], $0x0  }
0x24: {  	s3 =	sadd.s32 $0x88, s3;
	s6 =	simm.s32 @!p1 $0x1082;
	[sflag:s4] =	ssyncset.s32 $0xFFFFF086  }
0x25: {  	[simem:s6], [sflag:s4] =	dma.local [hbm:s3], $0xF7A  }
0x26: {  	[smem:$0x3F98] =	sst s1;
	(tag) =	ssettag s2;
	_ =	strace s9  }
0x27: {  	s1 =	sld [smem:$0x3FA8]  }
0x28: {  	s2 =	sld [smem:$0x3FA9]  }
0x29: {  	s4 =	sld [smem:$0x3FAB]  }
0x2a: {  	p0 =	seq.s32 s5, $0x0;
	s5 =	sld [smem:$0x3FAC]  }
0x2b: {  	s6 =	sld [smem:$0x3FAD]  }
0x2c: {  	s7 =	sld [smem:$0x3FAE]  }
0x2d: {  	s3 =	simm.s32 $0x108;
	s8 =	sld [smem:$0x3FAF]  }
0x2e: {  	s3 =	simm.s32 @!p0 $0x1082;
	s9 =	sld [smem:$0x3FB0]  }
0x2f: {  	lr =	sadd.s32 s0, s3;
	s0 =	sld [smem:$0x3FA7]  }
0x30: {  	s3 =	sld [smem:$0x3FAA]  }
0x31: {  	[smem:$0x3FB3] =	sst s10  }
0x32: {  	s10 =	sld [smem:$0x3FB1];
	_ =	sdelay $0x3  }
0x33: {  	p0 =	seq.s32 s10, $0x1;
	s10 =	sld [smem:$0x3FB3];
	_ =	sdelay $0x3  }
0x34: {  	[smem:$0x3FB3] =	sst s10  }
0x35: {  	s10 =	sld [smem:$0x3FB2];
	_ =	sdelay $0x3  }
0x36: {  	p1 =	seq.s32 s10, $0x1;
	s10 =	sld [smem:$0x3FB3];
	_ =	sdelay $0x3  }
0x37: {  	[smem:$0x3FB3] =	sst s10  }
0x38: {  	s10 =	sld [smem:$0x3FB4]  }
0x39: {  	_ = 	snop;
	(pc) =	sbr.ind lr, $3  }
0x3a: {  	_ = 	snop  }
0x3b: {  	_ = 	snop  }
0x3c: {  	p2 =	seq.s32 s10, $0x1;
	s10 =	sld [smem:$0x3FB3]  }
0x3d: {  	_ =	shalt  }
0x3e: {  	_ =	shalt  }
0x3f: {  	_ =	shalt  }
0x40: {  	_ =	shalt  }
0x41: {  	_ =	shalt  }
0x42: {  	_ =	shalt  }
0x43: {  	_ =	shalt  }
0x44: {  	_ =	shalt  }
0x45: {  	_ =	shalt  }
0x46: {  	_ =	shalt  }
0x47: {  	_ =	shalt  }
0x48: {  	_ =	shalt  }
0x49: {  	_ =	shalt  }
0x4a: {  	_ =	shalt  }
0x4b: {  	_ =	shalt  }
0x4c: {  	_ =	shalt  }
0x4d: {  	_ =	shalt  }
0x4e: {  	_ =	shalt  }
0x4f: {  	_ =	shalt  }
0x50: {  	_ =	shalt  }
0x51: {  	_ =	shalt  }
0x52: {  	_ =	shalt  }
0x53: {  	_ =	shalt  }
0x54: {  	_ =	shalt  }
0x55: {  	_ =	shalt  }
0x56: {  	_ =	shalt  }
0x57: {  	_ =	shalt  }
0x58: {  	_ =	shalt  }
0x59: {  	_ =	shalt  }
0x5a: {  	_ =	shalt  }
0x5b: {  	_ =	shalt  }
0x5c: {  	_ =	shalt  }
0x5d: {  	_ =	shalt  }
0x5e: {  	_ =	shalt  }
0x5f: {  	_ =	shalt  }
0x60: {  	_ =	shalt  }
0x61: {  	_ =	shalt  }
0x62: {  	_ =	shalt  }
0x63: {  	_ =	shalt  }
0x64: {  	_ =	shalt  }
0x65: {  	_ =	shalt  }
0x66: {  	_ =	shalt  }
0x67: {  	_ =	shalt  }
0x68: {  	_ =	shalt  }
0x69: {  	_ =	shalt  }
0x6a: {  	_ =	shalt  }
0x6b: {  	_ =	shalt  }
0x6c: {  	_ =	shalt  }
0x6d: {  	_ =	shalt  }
0x6e: {  	_ =	shalt  }
0x6f: {  	_ =	shalt  }
0x70: {  	_ =	shalt  }
0x71: {  	_ =	shalt  }
0x72: {  	_ =	shalt  }
0x73: {  	_ =	shalt  }
0x74: {  	_ =	shalt  }
0x75: {  	_ =	shalt  }
0x76: {  	_ =	shalt  }
0x77: {  	_ =	shalt  }
0x78: {  	_ =	shalt  }
0x79: {  	_ =	shalt  }
0x7a: {  	_ =	shalt  }
0x7b: {  	_ =	shalt  }
0x7c: {  	_ =	shalt  }
0x7d: {  	_ =	shalt  }
0x7e: {  	_ =	shalt  }
0x7f: {  	_ =	shalt  }
0x80: {  	_ =	shalt  }
0x81: {  	_ =	shalt  }
0x82: {  	_ =	shalt  }
0x83: {  	_ =	shalt  }
0x84: {  	_ =	shalt  }
0x85: {  	_ =	shalt  }
0x86: {  	_ =	shalt  }
0x87: {  	_ =	shalt  }
.Lfunc_end0:
.L_simem_size_0:
called_computation_lowered:
.L_overlay_start_0:
0x88: {  	s2 =	sld [smem:$0x3FD9]  }
0x89: {  	s3 =	sld [smem:$0x3FFE];
	_ =	sdelay $0x1  }
0x8a: {  	s1 =	srdreg.scid  }
0x8b: {  	s0 =	sand.u32 $0x1, s1  }
0x8c: {  	s17 =	sshll.u32 s0, $0xA;
	s2 =	sadd.s32 s3, s2  }
0x8d: {  	s2 =	sadd.s32 s2, s17  }
0x8e: {  	[smem:$0x3FBF] =	sst s2  }
0x8f: {  	_ = 	snop  }
0x90: {  	s2 =	sld [smem:$0x3FC9]  }
0x91: {  	s18 =	sld [smem:$0x3FC7];
	(tm) =	ssettm $0x1  }
0x92: {  	s4 =	sld [smem:$0x3FFB];
	_ =	sdelay $0x3  }
0x93: {  	_ =	strace s4  }
0x94: {  	s4 =	sld [smem:$0x3FFC];
	_ =	sdelay $0x3  }
0x95: {  	_ =	strace s4  }
0x96: {  	s4 =	sld [smem:$0x3FFD];
	_ =	sdelay $0x3  }
0x97: {  	_ =	strace s4  }
0x98: {  	_ =	strace $0x8FFFFFFF  }
0x99: {  	s19 =	sld [smem:$0x3FDB];
	_ =	sdelay $0x1  }
0x9a: {  	s5 =	simm.s32 $_scs_section_size  }
0x9b: {  	s6 =	simm.s32 $_size__tile_overlayer_lowered;
	s7 =	simm.s32 $_tile_overlayer_lowered  }
0x9c: {  	s22 =	simm.s32 $0x1BFF;
	s21 =	sshll.u32 s7, $0x1;
	s4 =	sadd.s32 s5, s19  }
0x9d: {  	s8 =	simm.s32 $0x0;
	s20 =	sshll.u32 s6, $0x1;
	s6 =	sadd.s32 s21, s4  }
0x9e: {  	[timem:s8], [sflag:s22] =	dma.local [hbm:s6], s20  }
0x9f: {  	_ =	swait.ge [sflag:s22], s20  }
0xa0: {  	s5 =	ssub.s32 $0x0, s20;
	[sflag:s22] =	ssyncset.done $0x0  }
0xa1: {  	[sflag:s22] =	ssyncadd.s32 s5;
	_ =	sdelay $0x1  }
0xa2: {  	s23 =	simm.s32 $0x1B8B  }
0xa3: {  	_ =	swait.ge [sflag:s23], $0x1  }
0xa4: {  	[sflag:s23] =	ssyncset.done $0x0  }
0xa5: {  	s25 =	simm.s32 $0x1B8E;
	s24 =	sld [smem:$0x3FFE];
	[sflag:s23] =	ssyncadd.s32 $0xFFFFFFFF  }
0xa6: {  	s26 =	simm.s32 $execute0_lowered;
	[smem:$0x3FD2] =	sst s25  }
0xa7: {  	s6 =	sshll.u32 s26, $0x1;
	_ =	strace $0x80000046;
	[dreg:$0x1] =	wrdreg $0xFFFFFFFF  }
0xa8: {  	s28 =	simm.s32 $_size_execute0_lowered;
	s4 =	sadd.s32 s4, s6;
	[dreg:$0x0] =	wrdreg $0x0  }
0xa9: {  	s6 =	sshll.u32 s28, $0x1;
	[dreg:$0x2] =	wrdreg s4  }
0xaa: {  	[dreg:$0x3] =	wrdreg s6  }
0xab: {  	[dreg:$0x4] =	wrdreg $0xC0  }
0xac: {  	_ =	task [dreg:s8], $0x5FFFF  }
0xad: {  	[dreg:$0x1] =	wrdreg $0xFFFFFFFF  }
0xae: {  	[dreg:$0x0] =	wrdreg $0x60  }
0xaf: {  	[dreg:$0x2] =	wrdreg s2  }
0xb0: {  	[dreg:$0x3] =	wrdreg s18  }
0xb1: {  	[dreg:$0x4] =	wrdreg s24  }
0xb2: {  	[dreg:$0x5] =	wrdreg $0x9  }
0xb3: {  	_ =	task.clear_ibuf [dreg:s8], $0x6FFFF;
	_ =	strace $0x90000046  }
0xb4: {  	s29 =	simm.s32 $0x9;
	_ =	strace $0x80000048  }
0xb5: {  	_ =	swait.ge [sflag:s29], $0x1  }
0xb6: {  	[sflag:s29] =	ssyncadd.s32 $0xFFFFFFFF  }
0xb7: {  	_ =	strace $0x90000048  }
0xb8: {  	_ =	sfence  }
0xb9: {  	s30 =	sld [smem:$0x0];
	_ =	sdelay $0x2  }
0xba: {  	s31 =	sshll.u32 s1, $0xD;
	s1 =	sshrl.u32 s1, $0x2  }
0xbb: {  	s3 =	sand.u32 $0x4000, s31;
	s1 =	sadd.s32 s1, s30  }
0xbc: {  	s0 =	sor.u32 s3, s0;
	s1 =	sshll.u32 s1, $0x11  }
0xbd: {  	s0 =	sor.u32 s1, s0  }
0xbe: {  	s0 =	sadd.s32 $0x8F2B, s0  }
0xbf: {  	[sflag:s0] =	ssyncadd.remote.s32 $0x1  }
0xc0: {  	_ =	sfence.sel $0xFFFF  }
0xc1: {  	[dreg:$0x0] =	wrdreg $0xFFFFFFFF;
	(pc) =	sbr.abs _section_cstart, $3  }
0xc2: {  	[dreg:$0x1] =	wrdreg $0xFFFFFFFF  }
0xc3: {  	_ =	task.clear_ibuf [dreg:s8], $0x2FFFF;
	_ =	strace $0x9FFFFFFF  }
0xc4: {  	(tm) =	ssettm $0x7FFFFFFF  }
0xc5: {  	_ =	shalt  }
tec
execute0_lowered:
.L_overlay_start_1:
0x0: {  	(tag) =	ssettag $0x1  }
0x1: {  	s1 =	rddreg [dreg:$0x0]  }
0x2: {  	s0 =	rddreg [dreg:$0x2]  }
0x3: {  	s3 =	simm.s32 $0x0;
	s4 =	srdreg.scid;
	s2 =	stileid.u32  }
0x4: {  	s11 =	simm.s32 $0x1;
	s12 =	simm.s32 $0xC380;
	s13 =	simm.s32 $0x16380  }
0x5: {  	s14 =	simm.s32 $0x3;
	s15 =	simm.s32 $0x16480;
	s16 =	simm.s32 $0x0  }
.Ltmp0:
0x6: {  	[smem:$0x7FF] =	sst s3;
	s6 =	sand.u32 $0x1, s4;
	(pc) =	sbr.rel .LBB2_1-.Ltmp0, $4  }
0x7: {  	s5 =	sadd.s32 $0x1A00, s0;
	s9 =	sshll.u32 s2, $0x2;
	s7 =	ssub.s32 $0x2, s6  }
0x8: {  	_ =	strace $0x80000047;
	s10 =	sshll.u32 s6, $0x1;
	s8 =	sshrl.u32 s7, $0x1  }
0x9: {  	s6 =	sadd.s32 $0x2200, s0;
	s31 =	ssub.s32 s7, s8;
	s7 =	sor.u32 s10, s9  }
0xa: {  	s10 =	simm.s32 $0x2;
	s8 =	sadd.s32 $0x2, s7;
	s9 =	smax.u32 s31, $0x1  }
.LBB2_19:
0xb: {  	s16 =	sadd.s32 $0x1, s16  }
0xc: {  	p0 =	sne.s32 s16, s9  }
.Ltmp1:
0xd: {  	_ = 	snop;
	(pc) =	sbr.rel @!p0 .LBB2_20-.Ltmp1, $1  }
0xe: {  	_ =	sdelay $0x3  }
.LBB2_1:
0xf: {  	s0 =	simm.s32 $0xC350  }
0x10: {  	s0 =	sand.u32 $0x1, s0  }
0x11: {  	p0 =	por $0x0, $0x0;
	p1 =	seq.s32 s0, $0x1  }
0x12: {  	p0 =	por !p0, !p1  }
0x13: {  	s0 =	simm.s32 $0x1;
	p0 =	por !p0, !p0  }
0x14: {  	s0 =	simm.s32 @!p0 $0x0  }
0x15: {  	s17 =	ssub.s32 $0x61A8, s0  }
0x16: {  	s30 =	rddreg [dreg:$0x1];
	v0 =	vmov s17  }
0x17: {  	[tilespmem:s3], [sflag:$0x2] =	stream.linear.gather [hbm4b:s30+s3], $0xC380, $0x38;
	[tilespmem:$0x16580] =	vst v63  }
0x18: {  	_ =	swait.ge [sflag:s10], $0xC380  }
0x19: {  	[sflag:s10] =	ssyncset.done $0x0  }
0x1a: {  	[sflag:s10] =	ssyncadd.s32 $0xFFFF3C80  }
0x1b: {  	v0 =	vld.idx.msk [tilespmem:v0+s3+$0x0], $0xffff;
	_ =	sdelay $0x4  }
0x1c: {  	v0 =	vxor.u32 $0x80000000, v0  }
0x1d: {  	(xrf0) =	vmin.scan.msk.u32 $0xffff, v0;
	_ =	sdelay $0x5  }
0x1e: {  	v0, _, _ =	vpop (xrf0)  }
0x1f: {  	(v2sf) =	vpush v0, $0xF;
	_ =	sdelay $0xd  }
0x20: {  	s20 =	simm.s32 $0xC350;
	s21 =	simm.s32 $0x10;
	s19 =	simm.s32 $0xF  }
0x21: {  	s23 =	simm.s32 $0xC350;
	s22 =	simm.s32 $0xC350;
	s31 =	spop (v2sf)  }
0x22: {  	p1 =	por $0x1, $0x1;
	s18 =	sadd.s32 $0x1, s17;
	s0 =	sxor.u32 $0x80000000, s31  }
0x23: {  	p0 =	slt.s32 s0, s7;
	p2 =	sge.s32 s0, s7;
	s0 =	simm.s32 $0x0  }
0x24: {  	s0 =	smov.u32 @p0 s18;
	s23 =	smov.u32 @p2 s17;
	s17 =	simm.s32 $0x0  }
.LBB2_2:
0x25: {  	p0 =	sne.s32 s19, $0x1;
	s17 =	smov.u32 @p1 s0;
	s22 =	smov.u32 @p1 s23  }
0x26: {  	s19 =	sadd.s32 $0xFFFFFFFF, s19;
	s0 =	sadd.s32 s17, s22  }
0x27: {  	s18 =	sshrl.u32 s0, $0x1F;
	s23 =	sand.u32 $0x1, s0  }
0x28: {  	p1 =	slt.s32 s0, $0x1;
	s18 =	sadd.s32 s18, s0;
	p2 =	seq.s32 s23, $0x1  }
0x29: {  	p1 =	por !p1, !p2  }
0x2a: {  	s0 =	sshra.s32 s18, $0x1;
	s18 =	simm.s32 $0x1;
	p1 =	por !p1, !p1  }
0x2b: {  	s18 =	simm.s32 @!p1 $0x0  }
0x2c: {  	s24 =	ssub.s32 s0, s18  }
0x2d: {  	v0 =	vmov s24;
	_ =	sdelay $0x3  }
0x2e: {  	s18 =	simm.s32 $0x0  }
0x2f: {  	v0 =	vld.idx.msk [tilespmem:v0+s18+$0x0], $0xffff;
	_ =	sdelay $0x5  }
0x30: {  	v0 =	vxor.u32 $0x80000000, v0  }
0x31: {  	(xrf0) =	vmin.scan.msk.u32 $0xffff, v0;
	_ =	sdelay $0x5  }
0x32: {  	v0, _, _ =	vpop (xrf0)  }
0x33: {  	(v2sf) =	vpush v0, $0xF;
	_ =	sdelay $0xe  }
.Ltmp2:
0x34: {  	s0 =	spop (v2sf);
	(pc) =	sbr.rel @p0 .LBB2_2-.Ltmp2, $4  }
0x35: {  	s23 =	sadd.s32 $0x1, s24;
	s0 =	sxor.u32 $0x80000000, s0  }
0x36: {  	p2 =	slt.s32 s0, s7;
	p3 =	sge.s32 s0, s7;
	s0 =	smov.u32 s17  }
0x37: {  	s0 =	smov.u32 @p2 s23;
	s23 =	smov.u32 s22  }
0x38: {  	p1 =	slt.s32 s17, s22;
	s23 =	smov.u32 @p3 s24  }
0x39: {  	s17 =	smov.u32 @p1 s0;
	s19 =	simm.s32 $0x0  }
.LBB2_4:
0x3a: {  	s0 =	sadd.s32 s19, s20  }
0x3b: {  	s22 =	sand.u32 $0x1, s0  }
0x3c: {  	p0 =	slt.s32 s0, $0x1;
	p1 =	seq.s32 s22, $0x1  }
0x3d: {  	s30 =	sshrl.u32 s0, $0x1F;
	p0 =	por !p0, !p1  }
0x3e: {  	s0 =	sadd.s32 s30, s0;
	s22 =	simm.s32 $0x1;
	p0 =	por !p0, !p0  }
0x3f: {  	s0 =	sshra.s32 s0, $0x1;
	s22 =	simm.s32 @!p0 $0x0  }
0x40: {  	s0 =	ssub.s32 s0, s22  }
0x41: {  	v0 =	vmov s0;
	_ =	sdelay $0x4  }
0x42: {  	v0 =	vld.idx.msk [tilespmem:v0+s18+$0x0], $0xffff;
	_ =	sdelay $0x4  }
0x43: {  	v0 =	vxor.u32 $0x80000000, v0  }
0x44: {  	(xrf0) =	vmin.scan.msk.u32 $0xffff, v0;
	_ =	sdelay $0x5  }
0x45: {  	v0, _, _ =	vpop (xrf0)  }
0x46: {  	(v2sf) =	vpush v0, $0xF;
	_ =	sdelay $0xe  }
0x47: {  	s31 =	spop (v2sf)  }
0x48: {  	s22 =	sxor.u32 $0x80000000, s31  }
0x49: {  	s24 =	smov.u32 s19;
	s23 =	sadd.s32 $0x1, s0;
	p0 =	sle.s32 s22, s7  }
0x4a: {  	s24 =	smov.u32 @p0 s23;
	p0 =	sgt.s32 s22, s7;
	s22 =	smov.u32 s20  }
0x4b: {  	s22 =	smov.u32 @p0 s0;
	p0 =	sne.s32 s21, $0x1  }
.Ltmp3:
0x4c: {  	_ = 	snop;
	(pc) =	sbr.rel @p0 .LBB2_4-.Ltmp3, $3  }
0x4d: {  	_ =	sdelay $0x1  }
0x4e: {  	p1 =	slt.s32 s19, s20  }
0x4f: {  	s19 =	smov.u32 @p1 s24;
	s21 =	sadd.s32 $0xFFFFFFFF, s21;
	s20 =	smov.u32 @p1 s22  }
0x50: {  	s0 =	simm.s32 $0xC350;
	s21 =	simm.s32 $0x10  }
.LBB2_6:
0x51: {  	s20 =	sadd.s32 s18, s0  }
0x52: {  	s22 =	sand.u32 $0x1, s20  }
0x53: {  	p0 =	slt.s32 s20, $0x1;
	p1 =	seq.s32 s22, $0x1  }
0x54: {  	s31 =	sshrl.u32 s20, $0x1F;
	p0 =	por !p0, !p1  }
0x55: {  	s20 =	sadd.s32 s31, s20;
	s22 =	simm.s32 $0x1;
	p0 =	por !p0, !p0  }
0x56: {  	s20 =	sshra.s32 s20, $0x1;
	s22 =	simm.s32 @!p0 $0x0  }
0x57: {  	s22 =	ssub.s32 s20, s22  }
0x58: {  	v0 =	vmov s22;
	_ =	sdelay $0x3  }
0x59: {  	s20 =	simm.s32 $0x0  }
0x5a: {  	v0 =	vld.idx.msk [tilespmem:v0+s20+$0x0], $0xffff;
	_ =	sdelay $0x4  }
0x5b: {  	v0 =	vxor.u32 $0x80000000, v0  }
0x5c: {  	(xrf0) =	vmin.scan.msk.u32 $0xffff, v0;
	_ =	sdelay $0x5  }
0x5d: {  	v0, _, _ =	vpop (xrf0)  }
0x5e: {  	(v2sf) =	vpush v0, $0xF;
	_ =	sdelay $0xe  }
0x5f: {  	s23 =	spop (v2sf)  }
0x60: {  	s23 =	sxor.u32 $0x80000000, s23  }
0x61: {  	s25 =	smov.u32 s18;
	s24 =	sadd.s32 $0x1, s22;
	p0 =	slt.s32 s23, s8  }
0x62: {  	s25 =	smov.u32 @p0 s24;
	p0 =	sge.s32 s23, s8;
	s23 =	smov.u32 s0  }
0x63: {  	s23 =	smov.u32 @p0 s22;
	p0 =	sne.s32 s21, $0x1  }
.Ltmp4:
0x64: {  	_ = 	snop;
	(pc) =	sbr.rel @p0 .LBB2_6-.Ltmp4, $3  }
0x65: {  	_ =	sdelay $0x1  }
0x66: {  	p1 =	slt.s32 s18, s0  }
0x67: {  	s18 =	smov.u32 @p1 s25;
	s21 =	sadd.s32 $0xFFFFFFFF, s21;
	s0 =	smov.u32 @p1 s23  }
.Ltmp5:
0x68: {  	(pc) =	sbr.rel .LBB2_8-.Ltmp5, $2  }
0x69: {  	_ =	sdelay $0x2  }
0x6a: {  	p0 =	por $0x1, $0x1  }
.LBB2_9:
0x6b: {  	v0 =	vimm.f32 $0.0e+00  }
0x6c: {  	[tilespmem:$0x16380] =	vst v0  }
0x6d: {  	[tilespmem:$0x16480] =	vst v0  }
0x6e: {  	[tilespmem:$0x16390] =	vst v0  }
0x6f: {  	[tilespmem:$0x16490] =	vst v0  }
0x70: {  	[tilespmem:$0x163A0] =	vst v0  }
0x71: {  	[tilespmem:$0x164A0] =	vst v0  }
0x72: {  	[tilespmem:$0x163B0] =	vst v0  }
0x73: {  	[tilespmem:$0x164B0] =	vst v0  }
0x74: {  	[tilespmem:$0x163C0] =	vst v0  }
0x75: {  	[tilespmem:$0x164C0] =	vst v0  }
0x76: {  	[tilespmem:$0x163D0] =	vst v0  }
0x77: {  	[tilespmem:$0x164D0] =	vst v0  }
0x78: {  	[tilespmem:$0x163E0] =	vst v0  }
0x79: {  	[tilespmem:$0x164E0] =	vst v0  }
0x7a: {  	[tilespmem:$0x163F0] =	vst v0  }
0x7b: {  	[tilespmem:$0x164F0] =	vst v0  }
0x7c: {  	[tilespmem:$0x16400] =	vst v0  }
0x7d: {  	[tilespmem:$0x16500] =	vst v0  }
0x7e: {  	[tilespmem:$0x16410] =	vst v0  }
0x7f: {  	[tilespmem:$0x16510] =	vst v0  }
0x80: {  	[tilespmem:$0x16420] =	vst v0  }
0x81: {  	[tilespmem:$0x16520] =	vst v0  }
0x82: {  	[tilespmem:$0x16430] =	vst v0  }
0x83: {  	[tilespmem:$0x16530] =	vst v0  }
0x84: {  	[tilespmem:$0x16440] =	vst v0  }
0x85: {  	[tilespmem:$0x16540] =	vst v0  }
0x86: {  	[tilespmem:$0x16450] =	vst v0  }
0x87: {  	[tilespmem:$0x16550] =	vst v0  }
0x88: {  	[tilespmem:$0x16460] =	vst v0  }
0x89: {  	[tilespmem:$0x16560] =	vst v0  }
0x8a: {  	[tilespmem:$0x16470] =	vst v0  }
0x8b: {  	s0 =	simm.s32 $0x3;
	[tilespmem:$0x16570] =	vst v0  }
.LBB2_18:
0x8c: {  	s2 =	sor.u32 s7, s20  }
0x8d: {  	s2 =	sshll.u32 s2, $0x5  }
0x8e: {  	s4 =	sadd.s32 s5, s2  }
0x8f: {  	[hbm4b:s4+s3] =	stream.linear.scatter [tilespmem:s13], [sflag:$0x3], $0x100, $0x38;
	[tilespmem:$0x16580] =	vst v63  }
0x90: {  	_ =	swait.ge [sflag:s14], $0x100  }
0x91: {  	[sflag:s14] =	ssyncset.done $0x0  }
.Ltmp6:
0x92: {  	s2 =	sadd.s32 s6, s2;
	[sflag:s14] =	ssyncadd.s32 $0xFFFFFF00;
	(pc) =	sbr.rel @!p1 .LBB2_19-.Ltmp6, $4  }
0x93: {  	[hbm4b:s2+s3] =	stream.linear.scatter [tilespmem:s15], [sflag:s0], $0x100, $0x38;
	[tilespmem:$0x16580] =	vst v63  }
0x94: {  	_ =	swait.ge [sflag:s0], $0x100  }
0x95: {  	[sflag:s0] =	ssyncset.done $0x0  }
0x96: {  	s20 =	simm.s32 $0x1;
	p0 =	por $0x0, $0x0;
	[sflag:s0] =	ssyncadd.s32 $0xFFFFFF00  }
.LBB2_8:
0x97: {  	s21 =	smov.u32 s19;
	s22 =	smov.u32 s18  }
0x98: {  	s21 =	smov.u32 @p0 s17;
	s22 =	smov.u32 @p0 s19  }
0x99: {  	p1 =	por p0, p0;
	p0 =	sgt.s32 s22, s21  }
.Ltmp7:
0x9a: {  	_ = 	snop;
	(pc) =	sbr.rel @!p0 .LBB2_9-.Ltmp7, $1  }
0x9b: {  	_ =	sdelay $0x3  }
0x9c: {  	s4 =	smulhi.u32 $0x66666667, s21;
	s23 =	sshra.s32 s21, $0x1F  }
0x9d: {  	s0 =	simm.s32 @!p1 $0x0;
	s24 =	sadd.s32 $0x4F, s22;
	s23 =	smul.u32 $0x66666667, s23  }
0x9e: {  	s0 =	simm.s32 @p1 $0x1;
	s25 =	smulhi.u32 $0x66666667, s24;
	s24 =	sshra.s32 s24, $0x1F  }
0x9f: {  	[smem:$0x7FD] =	sst s0;
	s24 =	smul.u32 $0x66666667, s24;
	s0 =	sadd.s32 s23, s4  }
0xa0: {  	s23 =	sshrl.u32 s0, $0x1F;
	s0 =	sshra.s32 s0, $0x5  }
0xa1: {  	s0 =	sadd.s32 s23, s0;
	s23 =	sadd.s32 s24, s25  }
0xa2: {  	s28 =	smul.u32 $0xFFFFFFB0, s0;
	s29 =	sshrl.u32 s23, $0x1F;
	s23 =	sshra.s32 s23, $0x5  }
0xa3: {  	s26 =	ssub.s32 $0x0, s21;
	s24 =	sadd.s32 s29, s23  }
0xa4: {  	p0 =	slt.s32 s21, $0x1;
	p4 =	sne.s32 s28, s26;
	s30 =	smul.u32 $0xFFFFFFB0, s24  }
0xa5: {  	s31 =	ssub.s32 $0xFFFFFFB1, s22;
	p5 =	slt.s32 s22, $0xFFFFFFB2;
	p0 =	por !p0, !p4  }
0xa6: {  	v7 =	vimm.f32 $0.0e+00;
	v2 =	vimm.f32 $-Inf;
	s23 =	simm.s32 $0x1;
	p0 =	por !p0, !p0;
	p6 =	sne.s32 s30, s31  }
0xa7: {  	v10 =	vimm.f32 $-Inf;
	v25 =	vimm.f32 $-Inf;
	v0 =	vimm.f32 $-Inf;
	s23 =	simm.s32 @!p0 $0x0;
	p0 =	por !p5, !p6  }
0xa8: {  	v47 =	vimm.f32 $-Inf;
	v49 =	vimm.f32 $-Inf;
	[tilespmem:$0x1FF80] =	vst v0;
	v0 =	vimm.f32 $-Inf;
	s25 =	simm.s32 $0x1;
	p0 =	por !p0, !p0  }
0xa9: {  	v31 =	vimm.f32 $-Inf;
	v61 =	vimm.f32 $-Inf;
	[tilespmem:$0x1FF90] =	vst v0;
	v0 =	vimm.f32 $-Inf;
	s25 =	simm.s32 @!p0 $0x0  }
0xaa: {  	v62 =	vimm.f32 $-Inf;
	v6 =	vimm.f32 $0.0e+00;
	[tilespmem:$0x1FFA0] =	vst v0;
	v0 =	vimm.f32 $-Inf;
	s23 =	ssub.s32 s0, s23;
	s24 =	ssub.s32 s24, s25  }
0xab: {  	v5 =	vimm.f32 $0.0e+00;
	v4 =	vimm.f32 $0.0e+00;
	[tilespmem:$0x1FFB0] =	vst v0;
	v0 =	vimm.f32 $-Inf;
	s0 =	smul.u32 $0x5000, s23;
	p0 =	slt.s32 s23, s24  }
.Ltmp8:
0xac: {  	v8 =	vimm.f32 $0.0e+00;
	v9 =	vimm.f32 $0.0e+00;
	[tilespmem:$0x1FFC0] =	vst v0;
	v0 =	vimm.f32 $-Inf;
	(pc) =	sbr.rel @p0 .LBB2_11-.Ltmp8, $4  }
0xad: {  	v11 =	vimm.f32 $0.0e+00;
	v12 =	vimm.f32 $0.0e+00;
	[tilespmem:$0x1FFD0] =	vst v0;
	v0 =	vimm.f32 $-Inf  }
0xae: {  	v13 =	vimm.f32 $0.0e+00;
	v14 =	vimm.f32 $0.0e+00;
	[tilespmem:$0x1FFE0] =	vst v0;
	v0 =	vimm.f32 $-Inf;
	s0 =	sshrl.u32 s0, $0x3  }
0xaf: {  	v15 =	vimm.f32 $0.0e+00;
	v16 =	vimm.f32 $0.0e+00;
	v17 =	vimm.f32 $0.0e+00;
	[tilespmem:$0x1FFF0] =	vst v0;
	s25 =	smov.u32 s23;
	s0 =	sadd.s32 s1, s0  }
0xb0: {  	v18 =	vimm.f32 $0.0e+00;
	v3 =	vimm.f32 $0.0e+00;
	v1 =	vimm.f32 $0.0e+00;
	[tilespmem:s12], [sflag:$0x1] =	stream.linear.gather [hbm4b:s0+s3], $0x5000, $0x38;
	[tilespmem:$0x16580] =	vst v63  }
.LBB2_17:
0xb1: {  	s0 =	ssub.s32 s22, s21;
	[tilespmem:$0x16500] =	vst v62  }
0xb2: {  	[tilespmem:$0x16510] =	vst v61;
	s0 =	scvt.s32.f32 s0  }
0xb3: {  	[tilespmem:$0x16520] =	vst v31  }
0xb4: {  	v41 =	vld [tilespmem:$0x1FFF0];
	[tilespmem:$0x16530] =	vst v49;
	v0 =	vmov s0  }
0xb5: {  	v43 =	vld [tilespmem:$0x1FFE0];
	[tilespmem:$0x16540] =	vst v47;
	(erf) = vrcp.f32 v0  }
0xb6: {  	v45 =	vld [tilespmem:$0x1FFD0];
	[tilespmem:$0x16550] =	vst v25  }
0xb7: {  	v48 =	vld [tilespmem:$0x1FFC0];
	[tilespmem:$0x16560] =	vst v10  }
0xb8: {  	v51 =	vld [tilespmem:$0x1FFB0];
	[tilespmem:$0x16570] =	vst v2  }
0xb9: {  	v53 =	vld [tilespmem:$0x1FFA0];
	[tilespmem:$0x16480] =	vst v41  }
0xba: {  	v55 =	vld [tilespmem:$0x1FF90];
	[tilespmem:$0x16490] =	vst v43  }
0xbb: {  	v57 =	vld [tilespmem:$0x1FF80];
	[tilespmem:$0x164A0] =	vst v45  }
0xbc: {  	[tilespmem:$0x164B0] =	vst v48  }
0xbd: {  	[tilespmem:$0x164C0] =	vst v51  }
0xbe: {  	[tilespmem:$0x164D0] =	vst v53;
	v0 =	vpop (erf)  }
0xbf: {  	[tilespmem:$0x164E0] =	vst v55;
	v1 =	vmul.f32 v1, v0  }
0xc0: {  	[tilespmem:$0x164F0] =	vst v57;
	v40 =	vmul.f32 v3, v0  }
0xc1: {  	v42 =	vmul.f32 v18, v0;
	[tilespmem:$0x16380] =	vst v1  }
0xc2: {  	v44 =	vmul.f32 v17, v0;
	[tilespmem:$0x16390] =	vst v40  }
0xc3: {  	v46 =	vmul.f32 v16, v0;
	[tilespmem:$0x163A0] =	vst v42  }
0xc4: {  	v50 =	vmul.f32 v15, v0;
	[tilespmem:$0x163B0] =	vst v44  }
0xc5: {  	v52 =	vmul.f32 v14, v0;
	[tilespmem:$0x163C0] =	vst v46  }
0xc6: {  	v54 =	vmul.f32 v13, v0;
	[tilespmem:$0x163D0] =	vst v50  }
0xc7: {  	v56 =	vmul.f32 v12, v0;
	[tilespmem:$0x163E0] =	vst v52  }
0xc8: {  	v58 =	vmul.f32 v11, v0;
	[tilespmem:$0x163F0] =	vst v54  }
0xc9: {  	v59 =	vmul.f32 v9, v0;
	[tilespmem:$0x16400] =	vst v56  }
0xca: {  	v60 =	vmul.f32 v8, v0;
	[tilespmem:$0x16410] =	vst v58  }
0xcb: {  	v61 =	vmul.f32 v4, v0;
	[tilespmem:$0x16420] =	vst v59  }
.Ltmp9:
0xcc: {  	v62 =	vmul.f32 v5, v0;
	[tilespmem:$0x16430] =	vst v60;
	(pc) =	sbr.rel .LBB2_18-.Ltmp9, $4  }
0xcd: {  	s2 =	sld [smem:$0x7FD];
	v63 =	vmul.f32 v6, v0;
	[tilespmem:$0x16440] =	vst v61  }
0xce: {  	v0 =	vmul.f32 v7, v0;
	[tilespmem:$0x16450] =	vst v62  }
0xcf: {  	[tilespmem:$0x16460] =	vst v63  }
0xd0: {  	s0 =	simm.s32 $0x2;
	p1 =	seq.s32 s2, $0x1;
	[tilespmem:$0x16470] =	vst v0  }
.LBB2_10:
0xd1: {  	s0 =	sld [smem:$0x7FC];
	_ =	sdelay $0x2  }
0xd2: {  	p0 =	seq.s32 s0, $0x1  }
.Ltmp10:
0xd3: {  	_ = 	snop;
	(pc) =	sbr.rel @p0 .LBB2_17-.Ltmp10, $1  }
0xd4: {  	_ =	sdelay $0x3  }
.LBB2_11:
0xd5: {  	s0 =	smov.u32 s25;
	s25 =	sadd.s32 $0x1, s25  }
0xd6: {  	_ =	swait.ge [sflag:s11], $0x5000;
	p1 =	sge.s32 s25, s24;
	s26 =	ssub.s32 s0, s23  }
0xd7: {  	[sflag:s11] =	ssyncset.done $0x0;
	s0 =	smul.u32 $0x50, s0;
	s28 =	ssub.s32 @!p1 s25, s23  }
0xd8: {  	s26 =	sand.u32 $0x1, s26;
	s29 =	smul.u32 @!p1 $0x5000, s25;
	s28 =	sand.u32 @!p1 $0x1, s28  }
0xd9: {  	[sflag:s11] =	ssyncadd.s32 $0xFFFFB000;
	s30 =	simm.s32 @!p1 $0x0;
	p0 =	seq.s32 @!p1 s28, $0x1  }
0xda: {  	s28 =	simm.s32 @!p1 $0x11380;
	s29 =	sshrl.u32 @!p1 s29, $0x3;
	p0 =	por !p0, p1  }
0xdb: {  	s2 =	simm.s32 @!p1 $0x0;
	s29 =	sadd.s32 @!p1 s1, s29;
	s28 =	simm.s32 @p0 $0xC380  }
0xdc: {  	[tilespmem:s28], [sflag:$0x1] =	stream.linear.gather @!p1 [hbm4b:s29+s30], $0x5000, $0x38;
	[tilespmem:$0x16580] =	vst v63  }
.Ltmp11:
0xdd: {  	p0 =	seq.s32 s26, $0x1;
	s26 =	simm.s32 $0x50;
	(pc) =	sbr.rel .LBB2_12-.Ltmp11, $4  }
0xde: {  	s2 =	simm.s32 @p1 $0x1;
	s29 =	sadd.s32 $0x50, s0;
	s26 =	simm.s32 @!p0 $0x0  }
0xdf: {  	p0 =	sgt.s32 s21, s0;
	s28 =	smov.u32 s0;
	p1 =	slt.s32 s22, s29  }
0xe0: {  	[smem:$0x7FC] =	sst s2;
	s28 =	smov.u32 @p0 s21;
	s29 =	smov.u32 @p1 s22  }
0xe1: {  	s30 =	simm.s32 $0x0;
	s28 =	ssub.s32 s28, s0;
	s29 =	ssub.s32 s29, s0  }
.LBB2_14:
0xe2: {  	p0 =	sge.s32 s0, s28;
	p1 =	slt.s32 s0, s29  }
0xe3: {  	p0 =	por !p0, !p1  }
0xe4: {  	s4 =	sor.u32 $0x1, s0;
	s2 =	simm.s32 @!p0 $0x0  }
0xe5: {  	p2 =	slt.s32 s4, s29;
	s2 =	simm.s32 @p0 $0x1;
	p0 =	sge.s32 s4, s28  }
0xe6: {  	s4 =	sor.u32 $0x2, s0;
	p0 =	por !p0, !p2  }
0xe7: {  	[smem:$0x7F0] =	sst s2;
	p1 =	sge.s32 s4, s28;
	s2 =	simm.s32 @!p0 $0x0  }
0xe8: {  	p3 =	slt.s32 s4, s29;
	s4 =	sor.u32 $0x4, s0;
	s2 =	simm.s32 @p0 $0x1  }
0xe9: {  	p0 =	por !p1, !p3;
	[smem:$0x7F1] =	sst s2;
	s2 =	sor.u32 $0x3, s0  }
0xea: {  	p4 =	sge.s32 s2, s28;
	p5 =	slt.s32 s2, s29;
	s2 =	simm.s32 @!p0 $0x0  }
0xeb: {  	v0 =	vld [tilespmem:s31+$0xC380];
	p2 =	sge.s32 s4, s28;
	s2 =	simm.s32 @p0 $0x1;
	p0 =	por !p4, !p5  }
0xec: {  	v1 =	vld [tilespmem:s31+$0xC400];
	p3 =	slt.s32 s4, s29;
	[smem:$0x7F2] =	sst s2;
	s2 =	simm.s32 @!p0 $0x0  }
0xed: {  	v2 =	vld [tilespmem:s31+$0xC480];
	s2 =	simm.s32 @p0 $0x1;
	p0 =	por !p2, !p3  }
0xee: {  	v3 =	vld [tilespmem:s31+$0xC500];
	[smem:$0x7F3] =	sst s2;
	s2 =	sor.u32 $0x5, s0;
	s4 =	simm.s32 @!p0 $0x0  }
0xef: {  	v5 =	vld [tilespmem:s31+$0xC580];
	s4 =	simm.s32 @p0 $0x1;
	p4 =	sge.s32 s2, s28;
	p6 =	slt.s32 s2, s29  }
0xf0: {  	v6 =	vld [tilespmem:s31+$0xC600];
	s2 =	sor.u32 $0x7, s0;
	[smem:$0x7F4] =	sst s4;
	s4 =	sor.u32 $0x6, s0  }
0xf1: {  	v7 =	vld [tilespmem:s31+$0xC680];
	p1 =	sge.s32 s2, s28;
	p0 =	slt.s32 s2, s29;
	p4 =	por !p4, !p6  }
0xf2: {  	v8 =	vld [tilespmem:s31+$0xC700];
	s2 =	sld [smem:$0x7F0];
	p3 =	sge.s32 s4, s28;
	s0 =	simm.s32 @!p4 $0x0  }
0xf3: {  	v9 =	vld [tilespmem:s31+$0xC390];
	p2 =	slt.s32 s4, s29;
	s4 =	sld [smem:$0x7F1];
	s0 =	simm.s32 @p4 $0x1  }
0xf4: {  	v4 =	vld [tilespmem:s31+$0xC410];
	p0 =	por !p1, !p0;
	p2 =	por !p3, !p2;
	[smem:$0x7F5] =	sst s0  }
0xf5: {  	v34 =	vld [tilespmem:s31+$0xC490];
	s0 =	simm.s32 @!p2 $0x0;
	p1 =	seq.s32 s2, $0x1;
	s2 =	sld [smem:$0x7F2]  }
0xf6: {  	v49 =	vld [tilespmem:s31+$0xC510];
	s0 =	simm.s32 @p2 $0x1;
	p2 =	seq.s32 s4, $0x1;
	s4 =	sld [smem:$0x7F3]  }
0xf7: {  	v60 =	vld [tilespmem:s31+$0xC810];
	[smem:$0x7F6] =	sst s0;
	s0 =	simm.s32 @!p0 $0x0;
	p6 =	por !p2, !p2  }
0xf8: {  	v10 =	vld [tilespmem:s31+$0xC3A0];
	s0 =	simm.s32 @p0 $0x1;
	p3 =	seq.s32 s2, $0x1;
	s2 =	sld [smem:$0x7F4]  }
0xf9: {  	v35 =	vld [tilespmem:s31+$0xC420];
	p0 =	por !p1, !p1;
	[smem:$0x7F7] =	sst s0;
	p1 =	por !p3, !p3  }
0xfa: {  	v11 =	vld [tilespmem:s31+$0xC3B0];
	p4 =	seq.s32 s4, $0x1;
	s4 =	sld [smem:$0x7F5];
	s0 =	simm.s32 @!p1 $0x0  }
0xfb: {  	v15 =	vld [tilespmem:s31+$0xC3C0];
	s0 =	simm.s32 @p1 $0x1;
	p5 =	seq.s32 s2, $0x1;
	s2 =	sld [smem:$0x7F6]  }
0xfc: {  	v36 =	vld [tilespmem:s31+$0xC430];
	v13 =	vpsel !p6, $0x0, v1;
	v1 =	vpsel !p6, $0xFF800000, v1;
	v32 =	vpsel !p6, $0xFF800000, v60;
	p4 =	por !p4, !p4;
	[smem:$0x7F8] =	sst s0;
	p5 =	por !p5, !p5  }
0xfd: {  	v38 =	vld [tilespmem:s31+$0xC440];
	v12 =	vpsel !p0, $0x0, v0;
	v0 =	vmax.f32 v0, v1;
	v14 =	vpsel !p1, $0x0, v2;
	p3 =	seq.s32 s4, $0x1;
	s4 =	sld [smem:$0x7F7];
	s0 =	simm.s32 @!p5 $0x0  }
0xfe: {  	v21 =	vld [tilespmem:s31+$0xC3D0];
	v12 =	vadd.f32 v13, v12;
	v16 =	vpsel !p4, $0x0, v3;
	v3 =	vpsel !p4, $0xFF800000, v3;
	s0 =	simm.s32 @p5 $0x1;
	p2 =	seq.s32 s2, $0x1;
	s2 =	sld [smem:$0x7F8]  }
0xff: {  	v0 =	vpsel p0, v0, v1;
	v62 =	vadd.f32 v16, v14;
	v1 =	vmax.f32 v2, v3;
	v2 =	vld [tilespmem:s31+$0xC3F0];
	p3 =	por !p3, !p3;
	[smem:$0x7F9] =	sst s0  }
0x100: {  	v37 =	vld [tilespmem:s31+$0xC450];
	v46 =	vpsel !p0, $0x0, v15;
	v17 =	vpsel !p5, $0x0, v5;
	v18 =	vpsel !p3, $0x0, v6;
	p1 =	seq.s32 s4, $0x1;
	s4 =	sld [smem:$0x7F9]  }
0x101: {  	v23 =	vld [tilespmem:s31+$0xC3E0];
	v6 =	vpsel !p3, $0xFF800000, v6;
	v12 =	vadd.f32 v62, v12;
	p2 =	por !p2, !p2;
	v63 =	vadd.f32 v18, v17;
	p1 =	por !p1, !p1  }
0x102: {  	v44 =	vld [tilespmem:s31+$0xC460];
	s0 =	simm.s32 @!p3 $0x0;
	v18 =	vpsel !p0, $0x0, v10;
	v19 =	vpsel !p2, $0x0, v7;
	v20 =	vpsel !p1, $0x0, v8;
	p5 =	seq.s32 s2, $0x1  }
0x103: {  	v56 =	vld [tilespmem:s31+$0xC470];
	s0 =	simm.s32 @p3 $0x1;
	v8 =	vpsel !p1, $0xFF800000, v8;
	v1 =	vpsel p5, v1, v3;
	v3 =	vmax.f32 v5, v6;
	p3 =	seq.s32 s4, $0x1  }
0x104: {  	v53 =	vld [tilespmem:s31+$0xC800];
	v39 =	vpsel !p0, $0x0, v2;
	v3 =	vpsel p3, v3, v6;
	v6 =	vpsel !p6, $0xFF800000, v4  }
0x105: {  	v57 =	vld [tilespmem:s31+$0xC820];
	v5 =	vmax.f32 v7, v8;
	v1 =	vmax.f32 v0, v1;
	v0 =	vmax.f32 v9, v6  }
0x106: {  	v54 =	vld [tilespmem:s31+$0xC830];
	v5 =	vpsel p2, v5, v8;
	v14 =	vpsel p0, v0, v6;
	v0 =	vpsel !p6, $0xFF800000, v35  }
0x107: {  	v47 =	vld [tilespmem:s31+$0xC840];
	v8 =	vmax.f32 v3, v5;
	v3 =	vmax.f32 v10, v0;
	v10 =	vpsel !p6, $0xFF800000, v36  }
0x108: {  	v50 =	vld [tilespmem:s31+$0xC850];
	v5 =	vpsel p0, v3, v0;
	v0 =	vmax.f32 v11, v10;
	v3 =	vpsel !p6, $0xFF800000, v38  }
0x109: {  	v22 =	vadd.f32 v20, v19;
	v7 =	vld [tilespmem:s31+$0xC780];
	v48 =	vpsel p0, v0, v10;
	v0 =	vmax.f32 v15, v3  }
0x10a: {  	v16 =	vld [tilespmem:s31+$0xC790];
	v6 =	vpsel !p0, $0x0, v11;
	v43 =	vpsel p0, v0, v3;
	v0 =	vpsel !p6, $0xFF800000, v37  }
0x10b: {  	v19 =	vld [tilespmem:s31+$0xC7A0];
	v1 =	vmax.f32 v1, v8;
	v11 =	vpsel !p6, $0xFF800000, v44;
	v3 =	vmax.f32 v21, v0  }
0x10c: {  	v8 =	vld [tilespmem:$0x1FFF0];
	v41 =	vpsel p0, v3, v0;
	v0 =	vmax.f32 v23, v11;
	v3 =	vpsel !p6, $0xFF800000, v56  }
0x10d: {  	v10 =	vld [tilespmem:s31+$0xC7B0];
	v40 =	vpsel p0, v0, v11;
	v0 =	vmax.f32 v2, v3;
	v2 =	vpsel !p6, $0xFF800000, v53  }
0x10e: {  	v33 =	vld [tilespmem:s31+$0xC7E0];
	v0 =	vpsel p0, v0, v3;
	v3 =	vpsel !p0, $0x0, v7;
	v7 =	vmax.f32 v7, v2  }
0x10f: {  	v15 =	vld [tilespmem:s31+$0xC7C0];
	v62 =	vpsel p0, v7, v2;
	v2 =	vmax.f32 v16, v32;
	v7 =	vpsel !p6, $0xFF800000, v57  }
0x110: {  	v51 =	vld [tilespmem:s31+$0xC860];
	v45 =	vpsel !p0, $0x0, v21;
	v61 =	vpsel p0, v2, v32;
	v2 =	vmax.f32 v19, v7  }
0x111: {  	v9 =	vpsel !p0, $0x0, v9;
	v11 =	vld [tilespmem:s31+$0xC7D0];
	v55 =	vpsel p0, v2, v7;
	v2 =	vpsel !p6, $0xFF800000, v54  }
0x112: {  	v52 =	vld [tilespmem:s31+$0xC870];
	v8 =	vmax.f32 v8, v1;
	v1 =	vpsel !p6, $0x0, v4;
	v7 =	vmax.f32 v10, v2  }
0x113: {  	v17 =	vld [tilespmem:s31+$0xC590];
	v58 =	vpsel !p0, $0x0, v10;
	v10 =	vpsel !p6, $0xFF800000, v47;
	v2 =	vpsel p0, v7, v2  }
0x114: {  	v42 =	vpsel !p0, $0x0, v23;
	v1 =	vadd.f32 v1, v9;
	v9 =	vld [tilespmem:s31+$0xC6A0];
	[tilespmem:$0x1FD70] =	vst v2;
	v2 =	vmax.f32 v15, v10  }
0x115: {  	v13 =	vadd.f32 v22, v63;
	v22 =	vld [tilespmem:s31+$0xC7F0];
	[tilespmem:$0x1FFF0] =	vst v8;
	v7 =	vpsel !p6, $0xFF800000, v50;
	v2 =	vpsel p0, v2, v10  }
0x116: {  	[smem:$0x7FA] =	sst s0;
	v59 =	vpsel !p0, $0x0, v19;
	v19 =	vld [tilespmem:s31+$0xC610];
	[tilespmem:$0x1FD90] =	vst v2;
	v2 =	vmax.f32 v11, v7;
	v11 =	vpsel !p0, $0x0, v11  }
0x117: {  	s2 =	sld [smem:$0x7FA];
	v63 =	vpsel !p0, $0x0, v16;
	v4 =	vpsel !p5, $0x0, v34;
	[tilespmem:$0x1FD80] =	vst v11;
	v2 =	vpsel p0, v2, v7  }
0x118: {  	s0 =	simm.s32 @!p1 $0x0;
	v23 =	vpsel !p6, $0xFF800000, v52;
	v11 =	vpsel !p0, $0x0, v33;
	[tilespmem:$0x1FDB0] =	vst v2;
	v2 =	vpsel !p6, $0xFF800000, v51  }
0x119: {  	s0 =	simm.s32 @p1 $0x1;
	v24 =	vpsel !p2, $0x0, v9;
	v15 =	vpsel !p0, $0x0, v15;
	v10 =	vld [tilespmem:s31+$0xC690];
	[tilespmem:$0x1FDA0] =	vst v11;
	v11 =	vmax.f32 v33, v2  }
0x11a: {  	[smem:$0x7FB] =	sst s0;
	p1 =	seq.s32 s2, $0x1;
	[tilespmem:$0x1FD60] =	vst v15;
	v7 =	vld [tilespmem:s31+$0xC710];
	v33 =	vadd.f32 v13, v12;
	v12 =	vpsel !p3, $0x0, v17;
	v2 =	vpsel p0, v11, v2  }
0x11b: {  	s4 =	sld [smem:$0x7FB];
	v8 =	vld [tilespmem:s31+$0xC520];
	v13 =	vpsel !p1, $0x0, v19;
	v11 =	vpsel !p4, $0x0, v49;
	[tilespmem:$0x1FDD0] =	vst v2;
	v2 =	vpsel !p0, $0x0, v22  }
0x11c: {  	v15 =	vld [tilespmem:s31+$0xC5A0];
	v19 =	vpsel !p1, $0xFF800000, v19;
	v4 =	vadd.f32 v11, v4;
	[tilespmem:$0x1FDC0] =	vst v2;
	v2 =	vmax.f32 v22, v23  }
0x11d: {  	v49 =	vpsel !p4, $0xFF800000, v49;
	v11 =	vadd.f32 v13, v12;
	v13 =	vld [tilespmem:s31+$0xC720];
	v2 =	vpsel p0, v2, v23  }
0x11e: {  	v16 =	vpsel !p2, $0x0, v10;
	p0 =	seq.s32 s4, $0x1;
	v1 =	vadd.f32 v4, v1;
	v4 =	vmax.f32 v34, v49;
	[tilespmem:$0x1FDE0] =	vst v2;
	v2 =	vld [tilespmem:s31+$0xC4A0]  }
0x11f: {  	v22 =	vld [tilespmem:s31+$0xC620];
	v34 =	vpsel !p6, $0x0, v35;
	v32 =	vpsel !p0, $0x0, v7;
	v7 =	vpsel !p0, $0xFF800000, v7  }
0x120: {  	v4 =	vpsel p5, v4, v49;
	v49 =	vpsel !p4, $0x0, v8;
	v12 =	vadd.f32 v32, v16  }
0x121: {  	v32 =	vmax.f32 v17, v19;
	v10 =	vmax.f32 v10, v7;
	v17 =	vadd.f32 v34, v18  }
0x122: {  	v4 =	vmax.f32 v14, v4;
	v16 =	vpsel p3, v32, v19;
	v32 =	vpsel !p3, $0x0, v15  }
0x123: {  	v25 =	vpsel !p0, $0x0, v13;
	v7 =	vpsel p2, v10, v7;
	v35 =	vpsel !p5, $0x0, v2  }
0x124: {  	v23 =	vpsel !p1, $0x0, v22;
	v11 =	vadd.f32 v12, v11;
	v34 =	vadd.f32 v49, v35  }
0x125: {  	v14 =	vld [tilespmem:s31+$0xC630];
	v7 =	vmax.f32 v16, v7;
	v10 =	vadd.f32 v23, v32;
	v35 =	vadd.f32 v25, v24  }
0x126: {  	v12 =	vld [tilespmem:s31+$0xC5B0];
	v4 =	vmax.f32 v4, v7;
	v7 =	vadd.f32 v34, v17  }
0x127: {  	v10 =	vadd.f32 v35, v10;
	v34 =	vadd.f32 v11, v1;
	v1 =	vld [tilespmem:$0x1FFE0];
	_ =	sdelay $0x1  }
0x128: {  	v35 =	vadd.f32 v10, v7;
	v7 =	vld [tilespmem:s31+$0xC730]  }
0x129: {  	v21 =	vld [tilespmem:s31+$0xC530]  }
0x12a: {  	v19 =	vld [tilespmem:s31+$0xC4B0];
	v20 =	vpsel !p1, $0x0, v14  }
0x12b: {  	v11 =	vpsel !p0, $0xFF800000, v13;
	v49 =	vpsel !p3, $0x0, v12;
	v1 =	vmax.f32 v1, v4;
	v4 =	vld [tilespmem:s31+$0xC6B0]  }
0x12c: {  	v9 =	vmax.f32 v9, v11;
	[tilespmem:$0x1FFE0] =	vst v1;
	v1 =	vpsel !p4, $0xFF800000, v8;
	v8 =	vpsel !p1, $0xFF800000, v22  }
0x12d: {  	v2 =	vmax.f32 v2, v1;
	v10 =	vmax.f32 v15, v8;
	v23 =	vpsel !p0, $0x0, v7  }
0x12e: {  	v1 =	vpsel p5, v2, v1;
	v2 =	vpsel p3, v10, v8;
	v8 =	vpsel p2, v9, v11  }
0x12f: {  	v9 =	vpsel !p6, $0x0, v36;
	v10 =	vpsel !p5, $0x0, v19;
	v11 =	vpsel !p4, $0x0, v21  }
0x130: {  	v6 =	vadd.f32 v9, v6;
	v9 =	vadd.f32 v11, v10;
	v22 =	vpsel !p2, $0x0, v4  }
0x131: {  	v1 =	vmax.f32 v5, v1;
	v5 =	vadd.f32 v20, v49;
	v11 =	vadd.f32 v23, v22  }
0x132: {  	v2 =	vmax.f32 v2, v8;
	v8 =	vpsel !p4, $0xFF800000, v21  }
0x133: {  	v5 =	vadd.f32 v11, v5;
	v11 =	vmax.f32 v19, v8  }
0x134: {  	v32 =	vld [tilespmem:s31+$0xC540];
	v8 =	vpsel p5, v11, v8  }
0x135: {  	v1 =	vmax.f32 v1, v2;
	v2 =	vmax.f32 v48, v8;
	v8 =	vld [tilespmem:$0x1FFD0]  }
0x136: {  	v14 =	vpsel !p1, $0xFF800000, v14;
	v7 =	vpsel !p0, $0xFF800000, v7;
	v49 =	vld [tilespmem:s31+$0xC5C0]  }
0x137: {  	v12 =	vmax.f32 v12, v14;
	v21 =	vld [tilespmem:s31+$0xC6C0];
	v4 =	vmax.f32 v4, v7  }
0x138: {  	v6 =	vadd.f32 v9, v6;
	v9 =	vld [tilespmem:s31+$0xC640];
	v4 =	vpsel p2, v4, v7;
	v11 =	vpsel p3, v12, v14  }
0x139: {  	v7 =	vld [tilespmem:s31+$0xC740];
	v4 =	vmax.f32 v11, v4  }
0x13a: {  	v8 =	vmax.f32 v8, v1;
	v1 =	vmax.f32 v2, v4;
	v4 =	vld [tilespmem:$0x1FFC0]  }
0x13b: {  	v10 =	vld [tilespmem:s31+$0xC4C0];
	_ =	sdelay $0x1  }
0x13c: {  	v13 =	vpsel !p4, $0xFF800000, v32;
	v22 =	vpsel !p2, $0x0, v21;
	v36 =	vadd.f32 v5, v6;
	v2 =	vld [tilespmem:s31+$0xC4D0]  }
0x13d: {  	v12 =	vld [tilespmem:s31+$0xC5D0];
	v6 =	vpsel !p4, $0x0, v32;
	v11 =	vpsel !p1, $0x0, v9;
	[tilespmem:$0x1FFD0] =	vst v8;
	v8 =	vpsel !p3, $0x0, v49  }
0x13e: {  	v18 =	vld [tilespmem:s31+$0xC650];
	v23 =	vpsel !p0, $0x0, v7;
	v8 =	vadd.f32 v11, v8;
	v4 =	vmax.f32 v4, v1  }
0x13f: {  	v5 =	vld [tilespmem:s31+$0xC550];
	v11 =	vadd.f32 v23, v22;
	v1 =	vpsel !p6, $0x0, v38;
	[tilespmem:$0x1FFC0] =	vst v4;
	v4 =	vpsel !p5, $0x0, v10  }
0x140: {  	v9 =	vpsel !p1, $0xFF800000, v9;
	v1 =	vadd.f32 v1, v46;
	v4 =	vadd.f32 v6, v4  }
0x141: {  	v14 =	vld [tilespmem:s31+$0xC750];
	v7 =	vpsel !p0, $0xFF800000, v7;
	v8 =	vadd.f32 v11, v8;
	v32 =	vpsel !p5, $0x0, v2  }
0x142: {  	v38 =	vpsel !p3, $0x0, v12;
	v6 =	vld [tilespmem:s31+$0xC6D0];
	v1 =	vadd.f32 v4, v1;
	v4 =	vmax.f32 v10, v13  }
0x143: {  	v46 =	vpsel !p1, $0x0, v18;
	v10 =	vmax.f32 v49, v9;
	v4 =	vpsel p5, v4, v13  }
0x144: {  	v9 =	vpsel p3, v10, v9;
	v13 =	vpsel !p6, $0x0, v37;
	v37 =	vpsel !p4, $0x0, v5  }
0x145: {  	v10 =	vmax.f32 v21, v7;
	v15 =	vadd.f32 v37, v32;
	v37 =	vadd.f32 v8, v1;
	v1 =	vld [tilespmem:$0x1FFB0]  }
0x146: {  	v11 =	vld [tilespmem:s31+$0xC660];
	v49 =	vpsel !p0, $0x0, v14;
	v13 =	vadd.f32 v13, v45;
	v7 =	vpsel p2, v10, v7  }
0x147: {  	v10 =	vadd.f32 v46, v38;
	v4 =	vmax.f32 v43, v4;
	v48 =	vpsel !p2, $0x0, v6  }
0x148: {  	v32 =	vld [tilespmem:s31+$0xC4E0];
	v8 =	vpsel !p0, $0xFF800000, v14;
	v7 =	vmax.f32 v9, v7;
	v38 =	vadd.f32 v49, v48  }
0x149: {  	v45 =	vld [tilespmem:s31+$0xC560];
	v6 =	vmax.f32 v6, v8;
	v4 =	vmax.f32 v4, v7  }
0x14a: {  	v9 =	vld [tilespmem:s31+$0xC5E0];
	v7 =	vadd.f32 v15, v13;
	v10 =	vadd.f32 v38, v10;
	v1 =	vmax.f32 v1, v4  }
0x14b: {  	v48 =	vpsel !p1, $0x0, v11;
	[tilespmem:$0x1FFB0] =	vst v1;
	v1 =	vpsel !p4, $0xFF800000, v5;
	v5 =	vpsel !p1, $0xFF800000, v18  }
0x14c: {  	v38 =	vadd.f32 v10, v7;
	v2 =	vmax.f32 v2, v1;
	v10 =	vmax.f32 v12, v5  }
0x14d: {  	v7 =	vld [tilespmem:s31+$0xC760];
	v1 =	vpsel p5, v2, v1;
	v2 =	vpsel p3, v10, v5;
	v5 =	vpsel p2, v6, v8  }
0x14e: {  	v11 =	vpsel !p1, $0xFF800000, v11;
	v4 =	vld [tilespmem:s31+$0xC6E0];
	v2 =	vmax.f32 v2, v5;
	v5 =	vpsel !p4, $0xFF800000, v45  }
0x14f: {  	v22 =	vld [tilespmem:s31+$0xC5F0];
	v46 =	vpsel !p3, $0x0, v9;
	v8 =	vpsel !p5, $0x0, v32;
	v32 =	vmax.f32 v32, v5  }
0x150: {  	v23 =	vld [tilespmem:s31+$0xC670];
	v9 =	vmax.f32 v9, v11;
	v1 =	vmax.f32 v41, v1;
	v5 =	vpsel p5, v32, v5  }
0x151: {  	v12 =	vadd.f32 v48, v46;
	v1 =	vmax.f32 v1, v2;
	v2 =	vmax.f32 v40, v5;
	v5 =	vld [tilespmem:$0x1FFA0]  }
0x152: {  	v21 =	vld [tilespmem:s31+$0xC570];
	v9 =	vpsel p3, v9, v11;
	v18 =	vpsel !p0, $0x0, v7;
	v7 =	vpsel !p0, $0xFF800000, v7  }
0x153: {  	v6 =	vpsel !p6, $0x0, v44;
	v41 =	vld [tilespmem:s31+$0xC6F0];
	v49 =	vpsel !p2, $0x0, v4;
	v4 =	vmax.f32 v4, v7  }
0x154: {  	v10 =	vpsel !p4, $0x0, v45;
	v20 =	vadd.f32 v18, v49;
	v18 =	vld [tilespmem:s31+$0xCA00];
	v4 =	vpsel p2, v4, v7  }
0x155: {  	v6 =	vadd.f32 v6, v42;
	v8 =	vadd.f32 v10, v8;
	v7 =	vld [tilespmem:s31+$0xC770];
	v4 =	vmax.f32 v9, v4  }
0x156: {  	v47 =	vpsel !p6, $0x0, v47;
	v5 =	vmax.f32 v5, v1;
	v1 =	vmax.f32 v2, v4;
	v4 =	vld [tilespmem:$0x1FF90]  }
0x157: {  	v10 =	vld [tilespmem:s31+$0xC4F0];
	v6 =	vadd.f32 v8, v6;
	v32 =	vpsel !p6, $0x0, v53;
	v8 =	vadd.f32 v20, v12  }
0x158: {  	v14 =	vpsel !p4, $0xFF800000, v21;
	v11 =	vld [tilespmem:s31+$0xC980];
	v3 =	vadd.f32 v32, v3;
	v9 =	vpsel !p1, $0x0, v23  }
0x159: {  	v48 =	vpsel !p2, $0x0, v41;
	v44 =	vadd.f32 v8, v6;
	v8 =	vpsel !p3, $0x0, v22;
	v2 =	vld [tilespmem:s31+$0xC880]  }
0x15a: {  	v12 =	vpsel !p1, $0xFF800000, v23;
	v6 =	vpsel !p4, $0x0, v21;
	v8 =	vadd.f32 v9, v8;
	[tilespmem:$0x1FFA0] =	vst v5;
	v5 =	vld [tilespmem:s31+$0xC900]  }
0x15b: {  	v42 =	vpsel !p1, $0x0, v18;
	v49 =	vpsel !p0, $0x0, v7;
	v4 =	vmax.f32 v4, v1  }
0x15c: {  	v9 =	vadd.f32 v49, v48;
	v1 =	vpsel !p6, $0x0, v56;
	[tilespmem:$0x1FF90] =	vst v4;
	v4 =	vpsel !p5, $0x0, v10  }
0x15d: {  	v13 =	vld [tilespmem:s31+$0xCB00];
	v7 =	vpsel !p0, $0xFF800000, v7;
	v1 =	vadd.f32 v1, v39;
	v4 =	vadd.f32 v6, v4  }
0x15e: {  	v8 =	vadd.f32 v9, v8;
	v56 =	vmax.f32 v41, v7;
	v41 =	vpsel !p3, $0x0, v11;
	v6 =	vld [tilespmem:s31+$0xCA80]  }
0x15f: {  	v23 =	vld [tilespmem:s31+$0xC990];
	v39 =	vpsel !p5, $0x0, v2;
	v40 =	vpsel !p4, $0x0, v5;
	v1 =	vadd.f32 v4, v1  }
0x160: {  	v9 =	vld [tilespmem:s31+$0xCA90];
	v7 =	vpsel p2, v56, v7;
	v4 =	vmax.f32 v10, v14;
	v10 =	vmax.f32 v22, v12  }
0x161: {  	v4 =	vpsel p5, v4, v14;
	v10 =	vpsel p3, v10, v12;
	v53 =	vadd.f32 v8, v1;
	v1 =	vld [tilespmem:$0x1FF80]  }
0x162: {  	v48 =	vadd.f32 v40, v39;
	v0 =	vmax.f32 v0, v4;
	v4 =	vmax.f32 v10, v7;
	v7 =	vld [tilespmem:s31+$0xCA10]  }
0x163: {  	v46 =	vpsel !p0, $0x0, v13;
	v56 =	vadd.f32 v42, v41;
	v43 =	vpsel !p2, $0x0, v6  }
0x164: {  	v49 =	vld [tilespmem:s31+$0xC910];
	v32 =	vpsel !p3, $0x0, v23;
	v3 =	vadd.f32 v48, v3;
	v22 =	vadd.f32 v46, v43  }
0x165: {  	v41 =	vld [tilespmem:s31+$0xCAA0];
	v40 =	vpsel !p2, $0x0, v9;
	v8 =	vpsel !p0, $0xFF800000, v13;
	v0 =	vmax.f32 v0, v4  }
0x166: {  	v45 =	vld [tilespmem:s31+$0xC890];
	v6 =	vmax.f32 v6, v8;
	v4 =	vadd.f32 v22, v56;
	v1 =	vmax.f32 v1, v0  }
0x167: {  	v46 =	vld [tilespmem:s31+$0xCA30];
	v0 =	vpsel !p4, $0xFF800000, v5;
	v5 =	vpsel !p1, $0xFF800000, v18;
	v39 =	vpsel !p1, $0x0, v7  }
0x168: {  	v7 =	vpsel !p1, $0xFF800000, v7;
	v56 =	vadd.f32 v4, v3;
	v2 =	vmax.f32 v2, v0  }
0x169: {  	v12 =	vld [tilespmem:s31+$0xCA20];
	v4 =	vmax.f32 v11, v5;
	v11 =	vpsel !p4, $0x0, v49;
	v13 =	vadd.f32 v39, v32  }
0x16a: {  	v16 =	vld [tilespmem:s31+$0xC8B0];
	v17 =	vmax.f32 v23, v7;
	v32 =	vpsel !p2, $0x0, v41;
	v0 =	vpsel p5, v2, v0  }
0x16b: {  	v48 =	vld [tilespmem:$0x1FF00];
	v2 =	vpsel p3, v4, v5;
	v4 =	vpsel p2, v6, v8;
	v6 =	vpsel !p6, $0x0, v60  }
0x16c: {  	v22 =	vld [tilespmem:s31+$0xCA40];
	v8 =	vpsel !p5, $0x0, v45;
	v7 =	vpsel p3, v17, v7;
	v26 =	vpsel !p1, $0x0, v46  }
0x16d: {  	[tilespmem:$0x1FF80] =	vst v1;
	v1 =	vld [tilespmem:s31+$0xCB10];
	v6 =	vadd.f32 v6, v63;
	v8 =	vadd.f32 v11, v8;
	v0 =	vmax.f32 v62, v0  }
0x16e: {  	v15 =	vld [tilespmem:s31+$0xC930];
	v2 =	vmax.f32 v2, v4;
	v4 =	vpsel !p4, $0xFF800000, v49;
	v63 =	vpsel !p1, $0x0, v12  }
0x16f: {  	v11 =	vld [tilespmem:s31+$0xCB20];
	v12 =	vpsel !p1, $0xFF800000, v12;
	v45 =	vmax.f32 v45, v4;
	v0 =	vmax.f32 v0, v2  }
0x170: {  	v10 =	vld [tilespmem:s31+$0xC920];
	v6 =	vadd.f32 v8, v6;
	v4 =	vpsel p5, v45, v4;
	v62 =	vmax.f32 v48, v0  }
0x171: {  	v3 =	vld [tilespmem:s31+$0xC8A0];
	v45 =	vpsel !p1, $0xFF800000, v46;
	v48 =	vpsel !p1, $0xFF800000, v22;
	v22 =	vpsel !p1, $0x0, v22  }
0x172: {  	v5 =	vld [tilespmem:s31+$0xC9A0];
	v42 =	vpsel !p0, $0x0, v1;
	v1 =	vpsel !p0, $0xFF800000, v1;
	v2 =	vmax.f32 v61, v4  }
0x173: {  	v49 =	vld [tilespmem:$0x1FF10];
	v43 =	vadd.f32 v42, v40;
	v9 =	vmax.f32 v9, v1;
	v42 =	vpsel !p5, $0x0, v16  }
0x174: {  	v4 =	vld [tilespmem:s31+$0xCB30];
	v1 =	vpsel p2, v9, v1;
	v39 =	vpsel !p0, $0x0, v11;
	v11 =	vpsel !p0, $0xFF800000, v11  }
0x175: {  	v20 =	vld [tilespmem:s31+$0xCB40];
	v8 =	vadd.f32 v43, v13;
	v1 =	vmax.f32 v7, v1;
	v7 =	vpsel !p4, $0x0, v10  }
0x176: {  	v9 =	vld [tilespmem:s31+$0xCAB0];
	v10 =	vpsel !p4, $0xFF800000, v10;
	v40 =	vadd.f32 v39, v32;
	v43 =	vpsel !p4, $0x0, v15  }
0x177: {  	v0 =	vmax.f32 v2, v1;
	v2 =	vpsel !p5, $0x0, v3;
	v21 =	vadd.f32 v43, v42  }
0x178: {  	v13 =	vld [tilespmem:s31+$0xC9B0];
	v60 =	vadd.f32 v8, v6;
	v61 =	vmax.f32 v49, v0;
	v0 =	vpsel !p6, $0x0, v57  }
0x179: {  	v14 =	vld [tilespmem:s31+$0xC960];
	v8 =	vpsel !p3, $0x0, v5;
	v2 =	vadd.f32 v7, v2;
	v29 =	vpsel !p0, $0x0, v4  }
0x17a: {  	v28 =	vld [tilespmem:s31+$0xCA50];
	v4 =	vpsel !p0, $0xFF800000, v4;
	v49 =	vpsel !p0, $0xFF800000, v20;
	v0 =	vadd.f32 v0, v59  }
0x17b: {  	v30 =	vld [tilespmem:s31+$0xC970];
	v20 =	vpsel !p0, $0x0, v20;
	v8 =	vadd.f32 v63, v8;
	v27 =	vpsel !p2, $0x0, v9  }
0x17c: {  	v17 =	vld [tilespmem:s31+$0xC9C0];
	v9 =	vmax.f32 v9, v4;
	v0 =	vadd.f32 v2, v0;
	v2 =	vmax.f32 v3, v10  }
0x17d: {  	v6 =	vld [tilespmem:s31+$0xC940];
	v3 =	vmax.f32 v5, v12;
	v25 =	vpsel !p3, $0x0, v13;
	v8 =	vadd.f32 v40, v8  }
0x17e: {  	v7 =	vld [tilespmem:s31+$0xCAC0];
	v13 =	vmax.f32 v13, v45;
	v4 =	vpsel p2, v9, v4;
	v40 =	vpsel !p4, $0xFF800000, v14  }
0x17f: {  	v24 =	vld [tilespmem:s31+$0xC9D0];
	v2 =	vpsel p5, v2, v10;
	v3 =	vpsel p3, v3, v12;
	v10 =	vmax.f32 v41, v11  }
0x180: {  	v23 =	vld [tilespmem:s31+$0xCAD0];
	v41 =	vpsel !p6, $0x0, v54;
	v13 =	vpsel p3, v13, v45;
	v45 =	vpsel !p4, $0xFF800000, v30  }
0x181: {  	v32 =	vld [tilespmem:s31+$0xCA70];
	v18 =	vadd.f32 v41, v58;
	v10 =	vpsel p2, v10, v11;
	v11 =	vadd.f32 v26, v25  }
0x182: {  	v39 =	vld [tilespmem:s31+$0xCAF0];
	v25 =	vadd.f32 v29, v27;
	v2 =	vmax.f32 v55, v2;
	v0 =	vadd.f32 v8, v0  }
0x183: {  	v1 =	vld [tilespmem:s31+$0xC8C0];
	v46 =	vpsel !p4, $0xFF800000, v6;
	v27 =	vmax.f32 v17, v48;
	v29 =	vmax.f32 v7, v49  }
0x184: {  	v9 =	vld [tilespmem:s31+$0xCB60];
	v6 =	vpsel !p4, $0x0, v6;
	v17 =	vpsel !p3, $0x0, v17;
	v7 =	vpsel !p2, $0x0, v7  }
0x185: {  	v26 =	vld [tilespmem:s31+$0xCB50];
	v4 =	vmax.f32 v13, v4;
	v3 =	vmax.f32 v3, v10;
	v19 =	vpsel p2, v29, v49  }
0x186: {  	v42 =	vld [tilespmem:s31+$0xCB70];
	v29 =	vpsel !p1, $0xFF800000, v28;
	v28 =	vpsel !p1, $0x0, v28;
	v7 =	vadd.f32 v20, v7  }
0x187: {  	v2 =	vmax.f32 v2, v3;
	v3 =	vadd.f32 v21, v18;
	v11 =	vadd.f32 v25, v11;
	v18 =	vld [tilespmem:s31+$0xCAE0]  }
0x188: {  	v5 =	vld [tilespmem:s31+$0xC8D0];
	v25 =	vmax.f32 v1, v46;
	v1 =	vpsel !p5, $0x0, v1;
	v57 =	vmax.f32 v31, v2  }
0x189: {  	v12 =	vld [tilespmem:s31+$0xC950];
	v2 =	vpsel !p4, $0xFF800000, v15;
	v15 =	vpsel p5, v25, v46;
	v63 =	vpsel !p0, $0xFF800000, v9  }
0x18a: {  	v25 =	vld [tilespmem:s31+$0xC9F0];
	v1 =	vadd.f32 v6, v1;
	v16 =	vmax.f32 v16, v2;
	v31 =	vpsel !p0, $0xFF800000, v26  }
0x18b: {  	v8 =	vld [tilespmem:s31+$0xC9E0];
	v2 =	vpsel p5, v16, v2;
	v16 =	vpsel p3, v27, v48;
	v58 =	vmax.f32 v23, v31  }
0x18c: {  	v6 =	vld [tilespmem:$0x1FD70];
	v48 =	vpsel !p0, $0xFF800000, v42;
	v31 =	vpsel p2, v58, v31;
	v58 =	vmax.f32 v18, v63  }
0x18d: {  	v10 =	vld [tilespmem:s31+$0xC8E0];
	v55 =	vmax.f32 v24, v29;
	v43 =	vpsel p2, v58, v63;
	v58 =	vmax.f32 v39, v48  }
0x18e: {  	v24 =	vpsel !p3, $0x0, v24;
	v46 =	vpsel !p1, $0xFF800000, v32;
	v48 =	vpsel p2, v58, v48;
	v58 =	vld [tilespmem:$0x1FF20]  }
0x18f: {  	v29 =	vpsel p3, v55, v29;
	v3 =	vadd.f32 v11, v3;
	v11 =	vld [tilespmem:s31+$0xCA60];
	v63 =	vmax.f32 v25, v46  }
0x190: {  	v27 =	vpsel !p4, $0xFF800000, v12;
	v12 =	vpsel !p4, $0x0, v12;
	v46 =	vpsel p3, v63, v46;
	v63 =	vld [tilespmem:$0x1FD60]  }
0x191: {  	v21 =	vld [tilespmem:s31+$0xC8F0];
	v54 =	vmax.f32 v5, v27;
	v2 =	vmax.f32 v6, v2;
	v6 =	vadd.f32 v22, v17  }
0x192: {  	v26 =	vpsel !p0, $0x0, v26;
	v27 =	vpsel p5, v54, v27;
	v2 =	vmax.f32 v2, v4  }
0x193: {  	v54 =	vmax.f32 v10, v40;
	v49 =	vmax.f32 v58, v2;
	v2 =	vadd.f32 v7, v6;
	v6 =	vld [tilespmem:$0x1FD90]  }
0x194: {  	v23 =	vpsel !p2, $0x0, v23;
	v40 =	vpsel p5, v54, v40;
	v59 =	vpsel !p1, $0xFF800000, v11  }
0x195: {  	v54 =	vld [tilespmem:$0x1FD80];
	v4 =	vadd.f32 v28, v24;
	v55 =	vmax.f32 v8, v59;
	v47 =	vadd.f32 v47, v63  }
0x196: {  	v41 =	vpsel p3, v55, v59;
	v59 =	vmax.f32 v21, v45;
	v55 =	vadd.f32 v26, v23  }
0x197: {  	v5 =	vpsel !p5, $0x0, v5;
	v45 =	vpsel p5, v59, v45;
	v1 =	vadd.f32 v1, v47  }
0x198: {  	v7 =	vadd.f32 v55, v4;
	v4 =	vmax.f32 v16, v19;
	v6 =	vmax.f32 v6, v15  }
0x199: {  	v59 =	vpsel !p6, $0x0, v50;
	v6 =	vmax.f32 v6, v4;
	v4 =	vadd.f32 v2, v1;
	v1 =	vld [tilespmem:$0x1FDB0]  }
0x19a: {  	v5 =	vadd.f32 v12, v5;
	v13 =	vadd.f32 v59, v54;
	_ =	sdelay $0x1  }
0x19b: {  	v5 =	vadd.f32 v5, v13  }
0x19c: {  	v32 =	vpsel !p1, $0x0, v32;
	v25 =	vpsel !p3, $0x0, v25  }
0x19d: {  	v5 =	vadd.f32 v7, v5;
	v7 =	vmax.f32 v29, v31;
	v1 =	vmax.f32 v1, v27  }
0x19e: {  	v1 =	vmax.f32 v1, v7;
	v7 =	vadd.f32 v32, v25;
	v25 =	vld [tilespmem:$0x1FF40]  }
0x19f: {  	v59 =	vld [tilespmem:$0x1FDA0]  }
0x1a0: {  	v14 =	vpsel !p4, $0x0, v14  }
0x1a1: {  	v9 =	vpsel !p0, $0x0, v9;
	v10 =	vpsel !p5, $0x0, v10;
	v18 =	vpsel !p2, $0x0, v18;
	v63 =	vld [tilespmem:$0x1FF30]  }
0x1a2: {  	v10 =	vadd.f32 v14, v10;
	v9 =	vadd.f32 v9, v18;
	v11 =	vpsel !p1, $0x0, v11  }
0x1a3: {  	v8 =	vpsel !p3, $0x0, v8;
	v50 =	vpsel !p6, $0x0, v51;
	v25 =	vmax.f32 v25, v1;
	v1 =	vld [tilespmem:$0x1FDD0]  }
0x1a4: {  	v8 =	vadd.f32 v11, v8;
	v12 =	vadd.f32 v50, v59  }
0x1a5: {  	v42 =	vpsel !p0, $0x0, v42;
	v39 =	vpsel !p2, $0x0, v39  }
0x1a6: {  	v2 =	vadd.f32 v10, v12;
	v47 =	vmax.f32 v63, v6;
	v6 =	vadd.f32 v9, v8;
	v8 =	vld [tilespmem:$0x1FDC0]  }
0x1a7: {  	v10 =	vadd.f32 v42, v39  }
0x1a8: {  	v6 =	vadd.f32 v6, v2;
	v2 =	vmax.f32 v41, v43;
	v1 =	vmax.f32 v1, v40  }
0x1a9: {  	v30 =	vpsel !p4, $0x0, v30;
	v1 =	vmax.f32 v1, v2;
	v2 =	vld [tilespmem:$0x1FDE0]  }
0x1aa: {  	v21 =	vpsel !p5, $0x0, v21;
	v51 =	vpsel !p6, $0x0, v52;
	v7 =	vadd.f32 v10, v7;
	v10 =	vld [tilespmem:$0x1FF50]  }
0x1ab: {  	v9 =	vadd.f32 v30, v21;
	v8 =	vadd.f32 v51, v8;
	_ =	sdelay $0x1  }
0x1ac: {  	v8 =	vadd.f32 v9, v8  }
0x1ad: {  	v9 =	vmax.f32 v46, v48;
	v2 =	vmax.f32 v2, v45  }
0x1ae: {  	v31 =	vmovc v57;
	v40 =	vadd.f32 v7, v8;
	v10 =	vmax.f32 v10, v1;
	v39 =	vmax.f32 v2, v9  }
.LBB2_15:
0x1af: {  	v7 =	vld [tilespmem:$0x1FF60]  }
0x1b0: {  	v1 =	vld [tilespmem:$0x1FEF0]  }
0x1b1: {  	v8 =	vld [tilespmem:$0x1FEC0]  }
0x1b2: {  	v9 =	vld [tilespmem:$0x1FEB0]  }
0x1b3: {  	v11 =	vld [tilespmem:$0x1FEA0]  }
0x1b4: {  	v12 =	vld [tilespmem:$0x1FE90]  }
0x1b5: {  	v6 =	vadd.f32 v6, v1;
	v1 =	vld [tilespmem:$0x1FEE0]  }
0x1b6: {  	v13 =	vld [tilespmem:$0x1FE80]  }
0x1b7: {  	v14 =	vld [tilespmem:$0x1FE70]  }
0x1b8: {  	v15 =	vld [tilespmem:$0x1FE60]  }
0x1b9: {  	v16 =	vld [tilespmem:$0x1FE50]  }
0x1ba: {  	v5 =	vadd.f32 v5, v1;
	v1 =	vld [tilespmem:$0x1FED0]  }
0x1bb: {  	v17 =	vld [tilespmem:$0x1FE40]  }
0x1bc: {  	v18 =	vld [tilespmem:$0x1FE30]  }
0x1bd: {  	v2 =	vld [tilespmem:$0x1FF70]  }
0x1be: {  	s30 =	sadd.s32 $0x1, s30;
	v7 =	vadd.f32 v40, v7;
	v8 =	vadd.f32 v3, v8;
	v3 =	vld [tilespmem:$0x1FE20]  }
0x1bf: {  	p0 =	seq.s32 s30, $0xA;
	v9 =	vadd.f32 v0, v9;
	v4 =	vadd.f32 v4, v1;
	v1 =	vld [tilespmem:$0x1FE10]  }
.Ltmp12:
0x1c0: {  	v11 =	vadd.f32 v60, v11;
	v12 =	vadd.f32 v56, v12;
	(pc) =	sbr.rel @p0 .LBB2_10-.Ltmp12, $4  }
0x1c1: {  	v13 =	vadd.f32 v53, v13;
	v14 =	vadd.f32 v44, v14  }
0x1c2: {  	v15 =	vadd.f32 v38, v15;
	v16 =	vadd.f32 v37, v16  }
0x1c3: {  	v17 =	vadd.f32 v36, v17;
	v18 =	vadd.f32 v35, v18  }
0x1c4: {  	v2 =	vmax.f32 v2, v39;
	v3 =	vadd.f32 v34, v3;
	v1 =	vadd.f32 v33, v1  }
.LBB2_12:
0x1c5: {  	[tilespmem:$0x1FE30] =	vst v18  }
0x1c6: {  	[tilespmem:$0x1FE40] =	vst v17  }
0x1c7: {  	[tilespmem:$0x1FE50] =	vst v16  }
0x1c8: {  	[tilespmem:$0x1FE60] =	vst v15  }
0x1c9: {  	[tilespmem:$0x1FE70] =	vst v14  }
0x1ca: {  	[tilespmem:$0x1FE80] =	vst v13  }
0x1cb: {  	[tilespmem:$0x1FE90] =	vst v12  }
0x1cc: {  	[tilespmem:$0x1FEA0] =	vst v11  }
0x1cd: {  	[tilespmem:$0x1FEB0] =	vst v9  }
0x1ce: {  	[tilespmem:$0x1FEC0] =	vst v8  }
0x1cf: {  	[tilespmem:$0x1FED0] =	vst v4  }
0x1d0: {  	[tilespmem:$0x1FEE0] =	vst v5  }
0x1d1: {  	[tilespmem:$0x1FEF0] =	vst v6  }
0x1d2: {  	[tilespmem:$0x1FF00] =	vst v62  }
0x1d3: {  	[tilespmem:$0x1FF10] =	vst v61;
	s0 =	sshll.u32 s30, $0x3  }
0x1d4: {  	[tilespmem:$0x1FF20] =	vst v49;
	p0 =	slt.s32 s0, s28;
	s31 =	sadd.s32 $0x8, s0  }
0x1d5: {  	[tilespmem:$0x1FF30] =	vst v47;
	p1 =	sgt.s32 @!p0 s31, s29  }
0x1d6: {  	[tilespmem:$0x1FF40] =	vst v25;
	p0 =	por p0, p1  }
.Ltmp13:
0x1d7: {  	[tilespmem:$0x1FF50] =	vst v10;
	(pc) =	sbr.rel @p0 .LBB2_14-.Ltmp13, $4  }
0x1d8: {  	[tilespmem:$0x1FF60] =	vst v7  }
0x1d9: {  	[tilespmem:$0x1FF70] =	vst v2;
	s31 =	sadd.s32 s26, s0  }
0x1da: {  	[tilespmem:$0x1FE10] =	vst v1;
	s31 =	sshll.u32 s31, $0x8  }
0x1db: {  	[tilespmem:$0x1FE20] =	vst v3;
	s31 =	sand.u32 $0x3FFFFF00, s31  }
0x1dc: {  	v53 =	vld [tilespmem:s31+$0xC380]  }
0x1dd: {  	v34 =	vld [tilespmem:s31+$0xC400]  }
0x1de: {  	v35 =	vld [tilespmem:s31+$0xC480]  }
0x1df: {  	v36 =	vld [tilespmem:s31+$0xC500]  }
0x1e0: {  	v37 =	vld [tilespmem:s31+$0xC580]  }
0x1e1: {  	v38 =	vld [tilespmem:s31+$0xC600]  }
0x1e2: {  	v39 =	vld [tilespmem:s31+$0xC680]  }
0x1e3: {  	v42 =	vld [tilespmem:s31+$0xC700]  }
0x1e4: {  	v50 =	vld [tilespmem:s31+$0xC390]  }
0x1e5: {  	v52 =	vld [tilespmem:s31+$0xC410]  }
0x1e6: {  	v54 =	vld [tilespmem:s31+$0xC490]  }
0x1e7: {  	v55 =	vld [tilespmem:s31+$0xC510]  }
0x1e8: {  	v56 =	vld [tilespmem:s31+$0xC590]  }
0x1e9: {  	v57 =	vld [tilespmem:s31+$0xC610]  }
0x1ea: {  	v58 =	vld [tilespmem:s31+$0xC690]  }
0x1eb: {  	v59 =	vld [tilespmem:s31+$0xC710]  }
0x1ec: {  	v60 =	vld [tilespmem:s31+$0xC3A0]  }
0x1ed: {  	v61 =	vld [tilespmem:s31+$0xC420]  }
0x1ee: {  	v62 =	vld [tilespmem:s31+$0xC4A0]  }
0x1ef: {  	v63 =	vld [tilespmem:s31+$0xC520]  }
0x1f0: {  	v7 =	vld [tilespmem:s31+$0xC5A0]  }
0x1f1: {  	v8 =	vld [tilespmem:s31+$0xC620]  }
0x1f2: {  	v9 =	vld [tilespmem:s31+$0xC6A0]  }
0x1f3: {  	v11 =	vld [tilespmem:s31+$0xC720]  }
0x1f4: {  	v13 =	vld [tilespmem:s31+$0xC3B0]  }
0x1f5: {  	v15 =	vld [tilespmem:s31+$0xC430]  }
0x1f6: {  	v17 =	vld [tilespmem:s31+$0xC4B0]  }
0x1f7: {  	v19 =	vld [tilespmem:s31+$0xC530]  }
0x1f8: {  	v22 =	vld [tilespmem:s31+$0xC5B0]  }
0x1f9: {  	v24 =	vld [tilespmem:s31+$0xC630]  }
0x1fa: {  	v26 =	vld [tilespmem:s31+$0xC6B0]  }
0x1fb: {  	v1 =	vld [tilespmem:s31+$0xC730]  }
0x1fc: {  	v2 =	vld [tilespmem:s31+$0xC3C0]  }
0x1fd: {  	v10 =	vld [tilespmem:s31+$0xC440]  }
0x1fe: {  	v12 =	vld [tilespmem:s31+$0xC4C0]  }
0x1ff: {  	v14 =	vld [tilespmem:s31+$0xC540]  }
0x200: {  	v16 =	vld [tilespmem:s31+$0xC5C0]  }
0x201: {  	v18 =	vld [tilespmem:s31+$0xC640]  }
0x202: {  	v20 =	vld [tilespmem:s31+$0xC6C0]  }
0x203: {  	v21 =	vld [tilespmem:s31+$0xC740]  }
0x204: {  	v23 =	vld [tilespmem:s31+$0xC3D0]  }
0x205: {  	v25 =	vld [tilespmem:s31+$0xC450]  }
0x206: {  	v27 =	vld [tilespmem:s31+$0xC4D0]  }
0x207: {  	v28 =	vld [tilespmem:s31+$0xC550]  }
0x208: {  	v29 =	vld [tilespmem:s31+$0xC5D0]  }
0x209: {  	v30 =	vld [tilespmem:s31+$0xC650]  }
0x20a: {  	[tilespmem:$0x1FE00] =	vst v31;
	v31 =	vld [tilespmem:s31+$0xC6D0]  }
0x20b: {  	v0 =	vld [tilespmem:s31+$0xC3F0]  }
0x20c: {  	v32 =	vld [tilespmem:s31+$0xC750]  }
0x20d: {  	v41 =	vld [tilespmem:s31+$0xC3E0];
	v5 =	vadd.f32 v34, v53;
	v40 =	vadd.f32 v36, v35  }
0x20e: {  	v43 =	vld [tilespmem:s31+$0xC460];
	v46 =	vadd.f32 v38, v37;
	v51 =	vadd.f32 v42, v39  }
0x20f: {  	v44 =	vld [tilespmem:s31+$0xC4E0]  }
0x210: {  	v6 =	vld [tilespmem:s31+$0xC560];
	[tilespmem:$0x1FDF0] =	vst v0;
	v0 =	vadd.f32 v40, v5;
	v33 =	vadd.f32 v51, v46  }
0x211: {  	v45 =	vld [tilespmem:s31+$0xC5E0]  }
0x212: {  	v33 =	vadd.f32 v33, v0;
	v0 =	vld [tilespmem:$0x1FFF0]  }
0x213: {  	v47 =	vld [tilespmem:s31+$0xC660];
	v34 =	vmax.f32 v53, v34;
	v35 =	vmax.f32 v35, v36  }
0x214: {  	v48 =	vld [tilespmem:s31+$0xC6E0];
	v53 =	vmax.f32 v39, v42;
	v36 =	vadd.f32 v52, v50;
	v51 =	vmax.f32 v37, v38  }
0x215: {  	v49 =	vld [tilespmem:s31+$0xC760];
	v34 =	vmax.f32 v34, v35;
	v35 =	vadd.f32 v57, v56;
	v42 =	vmax.f32 v51, v53  }
0x216: {  	v3 =	vld [tilespmem:s31+$0xC470];
	v37 =	vadd.f32 v55, v54;
	v34 =	vmax.f32 v34, v42;
	v42 =	vadd.f32 v59, v58  }
0x217: {  	v4 =	vld [tilespmem:s31+$0xC4F0];
	v0 =	vmax.f32 v0, v34  }
0x218: {  	v39 =	vld [tilespmem:s31+$0xC780];
	v34 =	vadd.f32 v42, v35;
	[tilespmem:$0x1FFF0] =	vst v0;
	v0 =	vadd.f32 v37, v36  }
0x219: {  	v52 =	vmax.f32 v50, v52;
	v50 =	vld [tilespmem:s31+$0xC880]  }
0x21a: {  	v34 =	vadd.f32 v34, v0;
	v0 =	vld [tilespmem:$0x1FFE0]  }
0x21b: {  	v5 =	vld [tilespmem:s31+$0xC570];
	v54 =	vmax.f32 v54, v55;
	v55 =	vmax.f32 v56, v57;
	v56 =	vmax.f32 v58, v59  }
0x21c: {  	v40 =	vld [tilespmem:s31+$0xC5F0];
	v57 =	vmax.f32 v55, v56  }
0x21d: {  	v46 =	vld [tilespmem:s31+$0xC670];
	v58 =	vadd.f32 v61, v60;
	v59 =	vadd.f32 v63, v62;
	v35 =	vmax.f32 v52, v54  }
0x21e: {  	v51 =	vld [tilespmem:s31+$0xC6F0];
	v54 =	vadd.f32 v11, v9;
	v35 =	vmax.f32 v35, v57;
	v36 =	vadd.f32 v8, v7  }
0x21f: {  	v53 =	vld [tilespmem:s31+$0xC770];
	v0 =	vmax.f32 v0, v35  }
0x220: {  	v55 =	vld [tilespmem:s31+$0xC980];
	v35 =	vadd.f32 v54, v36;
	[tilespmem:$0x1FFE0] =	vst v0;
	v0 =	vadd.f32 v59, v58  }
0x221: {  	v56 =	vld [tilespmem:s31+$0xCA00]  }
0x222: {  	v60 =	vmax.f32 v60, v61;
	v35 =	vadd.f32 v35, v0;
	v0 =	vld [tilespmem:$0x1FFD0]  }
0x223: {  	v61 =	vmax.f32 v62, v63;
	v63 =	vadd.f32 v1, v26;
	v1 =	vmax.f32 v26, v1;
	v26 =	vld [tilespmem:s31+$0xCA90]  }
0x224: {  	v42 =	vld [tilespmem:s31+$0xC800];
	v7 =	vmax.f32 v7, v8;
	v8 =	vmax.f32 v9, v11  }
0x225: {  	v62 =	vadd.f32 v19, v17;
	v52 =	vld [tilespmem:s31+$0xC900];
	v9 =	vmax.f32 v60, v61;
	v7 =	vmax.f32 v7, v8  }
0x226: {  	v57 =	vld [tilespmem:s31+$0xCA80];
	v8 =	vadd.f32 v15, v13;
	v7 =	vmax.f32 v9, v7;
	v9 =	vadd.f32 v24, v22  }
0x227: {  	v11 =	vld [tilespmem:s31+$0xCB00];
	v0 =	vmax.f32 v0, v7  }
0x228: {  	v37 =	vmax.f32 v17, v19;
	v17 =	vld [tilespmem:s31+$0xC8A0];
	[tilespmem:$0x1FFD0] =	vst v0;
	v0 =	vadd.f32 v62, v8;
	v8 =	vadd.f32 v63, v9  }
0x229: {  	v19 =	vld [tilespmem:s31+$0xC920]  }
0x22a: {  	v36 =	vadd.f32 v8, v0;
	v0 =	vld [tilespmem:$0x1FFC0]  }
0x22b: {  	v38 =	vmax.f32 v22, v24;
	v22 =	vld [tilespmem:s31+$0xCA10]  }
0x22c: {  	v1 =	vmax.f32 v38, v1;
	v60 =	vadd.f32 v14, v12;
	v54 =	vld [tilespmem:s31+$0xC790];
	v9 =	vmax.f32 v13, v15  }
0x22d: {  	v24 =	vadd.f32 v21, v20;
	v58 =	vld [tilespmem:s31+$0xC810];
	v59 =	vadd.f32 v10, v2;
	v9 =	vmax.f32 v9, v37  }
0x22e: {  	v2 =	vmax.f32 v2, v10;
	v10 =	vld [tilespmem:s31+$0xC7A0];
	v1 =	vmax.f32 v9, v1;
	v9 =	vadd.f32 v18, v16  }
0x22f: {  	v7 =	vld [tilespmem:s31+$0xC890];
	v0 =	vmax.f32 v0, v1  }
0x230: {  	v15 =	vld [tilespmem:s31+$0xC910];
	v8 =	vadd.f32 v24, v9;
	[tilespmem:$0x1FFC0] =	vst v0;
	v0 =	vadd.f32 v60, v59  }
0x231: {  	v13 =	vld [tilespmem:s31+$0xC990]  }
0x232: {  	v37 =	vadd.f32 v8, v0;
	v0 =	vld [tilespmem:$0x1FFB0]  }
0x233: {  	v61 =	vmax.f32 v16, v18;
	v62 =	vmax.f32 v20, v21;
	v20 =	vld [tilespmem:s31+$0xC8B0]  }
0x234: {  	v63 =	vadd.f32 v25, v23;
	v21 =	vadd.f32 v28, v27;
	v16 =	vld [tilespmem:s31+$0xCA20];
	v9 =	vmax.f32 v12, v14  }
0x235: {  	v12 =	vmax.f32 v61, v62;
	v61 =	vmax.f32 v23, v25;
	v14 =	vld [tilespmem:s31+$0xCAA0];
	v2 =	vmax.f32 v2, v9  }
0x236: {  	v23 =	vld [tilespmem:s31+$0xCB20];
	v2 =	vmax.f32 v2, v12;
	v59 =	vadd.f32 v30, v29;
	v60 =	vadd.f32 v32, v31  }
0x237: {  	v38 =	vmax.f32 v31, v32;
	v25 =	vld [tilespmem:s31+$0xC7B0];
	v0 =	vmax.f32 v0, v2  }
0x238: {  	v62 =	vmax.f32 v27, v28;
	v28 =	vld [tilespmem:s31+$0xC9B0];
	v8 =	vadd.f32 v60, v59;
	[tilespmem:$0x1FFB0] =	vst v0;
	v0 =	vadd.f32 v21, v63  }
0x239: {  	v27 =	vadd.f32 v5, v4;
	v4 =	vmax.f32 v4, v5;
	v5 =	vld [tilespmem:s31+$0xCB30];
	v63 =	vmax.f32 v29, v30  }
0x23a: {  	v18 =	vmax.f32 v63, v38;
	v38 =	vadd.f32 v8, v0;
	v0 =	vld [tilespmem:$0x1FFA0]  }
0x23b: {  	v24 =	vadd.f32 v49, v48;
	v12 =	vmax.f32 v61, v62;
	v61 =	vadd.f32 v47, v45;
	v31 =	vld [tilespmem:$0x1FDF0]  }
0x23c: {  	v9 =	vld [tilespmem:s31+$0xC820]  }
0x23d: {  	v1 =	vld [tilespmem:s31+$0xCB10];
	v62 =	vadd.f32 v24, v61;
	v32 =	vmax.f32 v45, v47;
	v24 =	vmax.f32 v48, v49  }
0x23e: {  	v59 =	vadd.f32 v43, v41;
	v60 =	vadd.f32 v6, v44;
	v2 =	vld [tilespmem:s31+$0xC9A0];
	v12 =	vmax.f32 v12, v18  }
0x23f: {  	v21 =	vmax.f32 v32, v24;
	v30 =	vld [tilespmem:s31+$0xCA30];
	v0 =	vmax.f32 v0, v12  }
0x240: {  	v24 =	vadd.f32 v3, v31;
	v3 =	vmax.f32 v31, v3;
	v32 =	vld [tilespmem:s31+$0xC8C0];
	[tilespmem:$0x1FFA0] =	vst v0;
	v0 =	vadd.f32 v60, v59  }
0x241: {  	v3 =	vmax.f32 v3, v4;
	v4 =	vld [tilespmem:s31+$0xC7C0]  }
0x242: {  	v6 =	vmax.f32 v44, v6;
	v44 =	vadd.f32 v62, v0;
	v0 =	vld [tilespmem:$0x1FF90]  }
0x243: {  	v47 =	vmax.f32 v40, v46;
	v63 =	vmax.f32 v41, v43;
	v41 =	vadd.f32 v46, v40;
	v40 =	vld [tilespmem:s31+$0xCAC0]  }
0x244: {  	v8 =	vld [tilespmem:s31+$0xC830]  }
0x245: {  	v29 =	vadd.f32 v53, v51;
	v6 =	vmax.f32 v63, v6;
	v18 =	vld [tilespmem:s31+$0xC930]  }
0x246: {  	v63 =	vld [tilespmem:s31+$0xC7F0];
	v6 =	vmax.f32 v6, v21  }
0x247: {  	v45 =	vadd.f32 v29, v41;
	v29 =	vld [tilespmem:s31+$0xC840];
	v0 =	vmax.f32 v0, v6  }
0x248: {  	v41 =	vld [tilespmem:s31+$0xC870];
	[tilespmem:$0x1FF90] =	vst v0;
	v0 =	vadd.f32 v27, v24;
	v24 =	vmax.f32 v51, v53  }
0x249: {  	v49 =	vmax.f32 v39, v42;
	v21 =	vmax.f32 v47, v24;
	v24 =	vadd.f32 v42, v39;
	v42 =	vld [tilespmem:s31+$0xCB40]  }
0x24a: {  	v53 =	vadd.f32 v45, v0;
	v0 =	vld [tilespmem:$0x1FF80]  }
0x24b: {  	v48 =	vadd.f32 v56, v55;
	v31 =	vadd.f32 v11, v57;
	v12 =	vld [tilespmem:s31+$0xC940]  }
0x24c: {  	v11 =	vmax.f32 v57, v11;
	v43 =	vmax.f32 v54, v58;
	v46 =	vadd.f32 v19, v17;
	v59 =	vld [tilespmem:$0x1FF00]  }
0x24d: {  	v6 =	vld [tilespmem:s31+$0xCAB0];
	v27 =	vadd.f32 v52, v50;
	v51 =	vadd.f32 v22, v13;
	v13 =	vmax.f32 v13, v22  }
0x24e: {  	v39 =	vld [tilespmem:s31+$0xC9D0];
	v3 =	vmax.f32 v3, v21;
	v45 =	vadd.f32 v9, v10;
	v57 =	vadd.f32 v42, v40  }
0x24f: {  	v47 =	vld [tilespmem:$0x1FF10];
	v40 =	vmax.f32 v40, v42;
	v0 =	vmax.f32 v0, v3;
	v3 =	vadd.f32 v31, v48  }
0x250: {  	v31 =	vmax.f32 v55, v56;
	v48 =	vmax.f32 v14, v23;
	v55 =	vld [tilespmem:s31+$0xCA60];
	[tilespmem:$0x1FF80] =	vst v0;
	v0 =	vadd.f32 v27, v24  }
0x251: {  	v24 =	vmax.f32 v50, v52;
	v27 =	vld [tilespmem:s31+$0xC9C0];
	v11 =	vmax.f32 v31, v11;
	v31 =	vadd.f32 v58, v54  }
0x252: {  	v50 =	vadd.f32 v15, v7;
	v52 =	vadd.f32 v1, v26;
	v7 =	vmax.f32 v7, v15;
	v15 =	vld [tilespmem:s31+$0xC850]  }
0x253: {  	v1 =	vmax.f32 v26, v1;
	v26 =	vld [tilespmem:s31+$0xC950];
	v54 =	vadd.f32 v12, v32;
	v21 =	vmax.f32 v49, v24  }
0x254: {  	v58 =	vld [tilespmem:s31+$0xCAE0];
	v7 =	vmax.f32 v43, v7;
	v1 =	vmax.f32 v13, v1;
	v49 =	vadd.f32 v8, v25  }
0x255: {  	v24 =	vld [tilespmem:s31+$0xCA40];
	v11 =	vmax.f32 v21, v11;
	v56 =	vadd.f32 v3, v0;
	v0 =	vadd.f32 v50, v31  }
0x256: {  	v13 =	vld [tilespmem:s31+$0xC8E0];
	v3 =	vadd.f32 v52, v51;
	v1 =	vmax.f32 v7, v1;
	v7 =	vadd.f32 v16, v2  }
0x257: {  	v21 =	vld [tilespmem:s31+$0xC8D0];
	v31 =	vadd.f32 v23, v14;
	v2 =	vmax.f32 v2, v16;
	v50 =	vadd.f32 v18, v20  }
0x258: {  	v62 =	vmax.f32 v59, v11;
	v11 =	vld [tilespmem:s31+$0xC7D0];
	v61 =	vmax.f32 v47, v1;
	v60 =	vadd.f32 v3, v0  }
0x259: {  	v1 =	vld [tilespmem:s31+$0xCA50];
	v3 =	vadd.f32 v31, v7;
	v7 =	vmax.f32 v10, v9;
	v9 =	vmax.f32 v17, v19  }
0x25a: {  	v2 =	vmax.f32 v2, v48;
	v0 =	vadd.f32 v46, v45;
	v31 =	vld [tilespmem:$0x1FE00];
	v7 =	vmax.f32 v7, v9  }
0x25b: {  	v16 =	vld [tilespmem:s31+$0xC7E0];
	v51 =	vadd.f32 v5, v6;
	v2 =	vmax.f32 v7, v2;
	v7 =	vadd.f32 v30, v28  }
0x25c: {  	v14 =	vld [tilespmem:s31+$0xC960];
	v52 =	vmax.f32 v28, v30;
	v5 =	vmax.f32 v6, v5;
	v0 =	vadd.f32 v3, v0  }
0x25d: {  	v5 =	vmax.f32 v52, v5;
	v59 =	vld [tilespmem:$0x1FF20];
	v43 =	vadd.f32 v26, v21;
	v3 =	vadd.f32 v51, v7  }
0x25e: {  	v10 =	vld [tilespmem:s31+$0xCAD0];
	v7 =	vmax.f32 v25, v8;
	v8 =	vmax.f32 v20, v18;
	v42 =	vadd.f32 v15, v11  }
0x25f: {  	v9 =	vld [tilespmem:s31+$0xCB50];
	v25 =	vadd.f32 v1, v39;
	v1 =	vmax.f32 v39, v1;
	v31 =	vmax.f32 v31, v2  }
0x260: {  	v48 =	vld [tilespmem:$0x1FF30];
	v2 =	vadd.f32 v50, v49;
	v6 =	vmax.f32 v7, v8;
	v8 =	vadd.f32 v29, v4  }
0x261: {  	v52 =	vld [tilespmem:s31+$0xCB70];
	v4 =	vmax.f32 v4, v29;
	v5 =	vmax.f32 v6, v5;
	v6 =	vadd.f32 v24, v27  }
0x262: {  	v19 =	vld [tilespmem:s31+$0xC860];
	v3 =	vadd.f32 v3, v2;
	v49 =	vmax.f32 v59, v5;
	v2 =	vadd.f32 v54, v8  }
0x263: {  	v28 =	vld [tilespmem:s31+$0xC970];
	v5 =	vadd.f32 v57, v6;
	v6 =	vmax.f32 v32, v12;
	v32 =	vmax.f32 v27, v24  }
0x264: {  	v8 =	vld [tilespmem:s31+$0xCB60];
	v27 =	vadd.f32 v9, v10;
	v4 =	vmax.f32 v4, v6;
	v6 =	vmax.f32 v32, v40  }
0x265: {  	v7 =	vld [tilespmem:s31+$0xC9E0];
	v9 =	vmax.f32 v10, v9;
	v6 =	vmax.f32 v4, v6;
	v4 =	vadd.f32 v5, v2  }
0x266: {  	v10 =	vld [tilespmem:s31+$0xCAF0];
	v1 =	vmax.f32 v1, v9;
	v2 =	vadd.f32 v43, v42;
	v5 =	vadd.f32 v27, v25  }
0x267: {  	v25 =	vld [tilespmem:$0x1FF40];
	v47 =	vmax.f32 v48, v6;
	v6 =	vmax.f32 v11, v15;
	v11 =	vmax.f32 v21, v26  }
0x268: {  	v51 =	vld [tilespmem:s31+$0xCA70];
	v9 =	vadd.f32 v19, v16;
	v6 =	vmax.f32 v6, v11;
	v11 =	vadd.f32 v14, v13  }
0x269: {  	v50 =	vld [tilespmem:s31+$0xC9F0];
	v54 =	vadd.f32 v8, v58;
	v5 =	vadd.f32 v5, v2  }
0x26a: {  	v24 =	vld [tilespmem:s31+$0xC8F0];
	v8 =	vmax.f32 v58, v8;
	v1 =	vmax.f32 v6, v1;
	v6 =	vadd.f32 v55, v7  }
0x26b: {  	v7 =	vmax.f32 v7, v55;
	v55 =	vadd.f32 v41, v63;
	v59 =	vadd.f32 v52, v10  }
0x26c: {  	v25 =	vmax.f32 v25, v1;
	v1 =	vadd.f32 v11, v9;
	v2 =	vadd.f32 v54, v6  }
0x26d: {  	v10 =	vmax.f32 v10, v52;
	v9 =	vmax.f32 v16, v19;
	v11 =	vmax.f32 v13, v14  }
0x26e: {  	v6 =	vadd.f32 v2, v1;
	v1 =	vmax.f32 v9, v11;
	v2 =	vmax.f32 v7, v8  }
0x26f: {  	v9 =	vmax.f32 v63, v41;
	v11 =	vmax.f32 v24, v28;
	v63 =	vmax.f32 v50, v51  }
0x270: {  	v1 =	vmax.f32 v1, v2;
	v2 =	vmax.f32 v9, v11;
	v9 =	vmax.f32 v63, v10;
	v10 =	vld [tilespmem:$0x1FF50]  }
.Ltmp14:
0x271: {  	v58 =	vadd.f32 v51, v50;
	v57 =	vadd.f32 v28, v24;
	(pc) =	sbr.rel .LBB2_15-.Ltmp14, $3  }
0x272: {  	_ = 	snop  }
0x273: {  	v7 =	vadd.f32 v57, v55;
	v8 =	vadd.f32 v59, v58;
	_ =	sdelay $0x1  }
0x274: {  	v40 =	vadd.f32 v8, v7;
	v39 =	vmax.f32 v2, v9;
	v10 =	vmax.f32 v10, v1  }
.LBB2_20:
0x275: {  	_ =	sfence.sel $0x180000  }
0x276: {  	[bflag:$0x0] =	sbarrier.arrive $0xFFFF  }
0x277: {  	_ =	strace $0x90000047  }
0x278: {  	s0 =	stileid.u32;
	[bflag:$0x2] =	sbarrier.arrive $0xFFFF  }
0x279: {  	p0 =	sne.s32 s0, $0x0;
	s0 =	rddreg [dreg:$0x3]  }
0x27a: {  	s0 =	sadd.s32 @!p0 $0x100000, s0  }
0x27b: {  	[sflag:s0] =	ssyncadd.tile.s32 @!p0 $0x1;
	_ =	shalt  }
.Lfunc_end2:
_tile_overlayer_lowered:
.L_overlay_start_2:
0x27c: {  	(tag) =	ssettag $0x2  }
0x27d: {  	s0 =	rddreg [dreg:$0x0];
	s2 =	stileid.u32  }
0x27e: {  	s1 =	rddreg [dreg:$0x1];
	p0 =	sne.s32 s2, $0x0  }
0x27f: {  	s3 =	rddreg [dreg:$0x2];
	[bflag:$0x3] =	sbarrier.arrive $0xFFFF;
	s2 =	simm.s32 @!p0 $0x1C02  }
0x280: {  	[timem:s3], [sflag:s2] =	dma.local @!p0 [hbm:s0], s1  }
0x281: {  	s0 =	simm.s32 @!p0 $0x2  }
0x282: {  	_ =	swait.ge @!p0 [sflag:s0], s1  }
0x283: {  	s1 =	ssub.s32 @!p0 $0x0, s1;
	[sflag:s0] =	ssyncset.done @!p0 $0x0  }
0x284: {  	[sflag:s0] =	ssyncadd.s32 @!p0 s1  }
0x285: {  	[bflag:$0x3] =	sbarrier.arrive $0xFFFF  }
0x286: {  	_ =	shalt  }

</sc_bundles>
